<compile_context>
chip_gen: v7x
topology: tpu7x:2x2x1
jax: 0.10.2.dev20260603
libtpu: 0.0.44.dev20260713+nightly
codegen_flags: <defaults>
</compile_context>

<pallas_src>
import functools

import jax
import jax.numpy as jnp
from jax import lax
from jax.experimental import pallas as pl
from jax.experimental.pallas import tpu as pltpu
from jax.experimental.pallas import tpu_sc as plsc

B, N, C, D, S, K = 8, 8192, 3, 128, 1024, 32
R = 128
SB = S // R
BS = B * S
BSK = BS * K
NW = 32
AW = BS // NW
A = 2
CK = A * K
NCHUNK = AW // A


NCH = 64
CL = N // NCH


def _tc_body(xyz_ref, fps_ref, nx_ref, idx_ref):
    b = pl.program_id(0)
    x = xyz_ref[0]
    fps = fps_ref[0, 0]
    oh = (lax.broadcasted_iota(jnp.int32, (N, R), 0) == fps[None, :]).astype(
        jnp.float32)
    a3 = lax.dot_general(x, oh, (((0,), (0,)), ((), ())),
                         preferred_element_type=jnp.float32)
    nx_ref[0] = a3
    dots2 = lax.dot_general(x, -2.0 * a3, (((1,), (0,)), ((), ())),
                            preferred_element_type=jnp.float32)
    a_sq = jnp.sum(a3 * a3, axis=0, keepdims=True)
    xsq = jnp.sum(x * x, axis=1, keepdims=True)
    d = (dots2 + a_sq) + xsq
    d4 = d.reshape(NCH, CL, R)
    M = jnp.min(d4, axis=1)
    i64 = lax.broadcasted_iota(jnp.int32, (NCH, R), 0)
    i128 = lax.broadcasted_iota(jnp.int32, (CL, R), 0)
    ci3 = lax.broadcasted_iota(jnp.int32, (NCH, 1, 1), 0)
    base = b * N
    inf = jnp.float32(jnp.inf)
    lastv = jnp.full((NCH, R), -jnp.inf, jnp.float32)
    lastl = jnp.full((NCH, R), -1, jnp.int32)
    for k in range(K):
        m = jnp.min(M, axis=0, keepdims=True)
        cmask = M == m
        cm = jnp.min(jnp.where(cmask, i64, NCH), axis=0,
                     keepdims=True)
        cmask = i64 == cm
        sel = jnp.min(jnp.where(ci3 == cm[:, None, :], d4, inf),
                      axis=0)
        lv = jnp.min(jnp.where(cmask, lastv, inf), axis=0,
                     keepdims=True)
        ll = jnp.max(jnp.where(cmask, lastl, -1), axis=0,
                     keepdims=True)
        sel = jnp.where((sel < lv) | ((sel == lv) & (i128 <= ll)), inf, sel)
        lm = jnp.min(jnp.where(sel == m, i128, CL), axis=0,
                     keepdims=True)
        idx_ref[0, pl.ds(k, 1), :] = cm * CL + lm + base
        newmin = jnp.min(jnp.where(i128 == lm, inf, sel), axis=0,
                         keepdims=True)
        M = jnp.where(cmask, newmin, M)
        lastv = jnp.where(cmask, m, lastv)
        lastl = jnp.where(cmask, lm, lastl)


def _tc_topk(xyz, fps3):
    grid = (B, SB)
    return pl.pallas_call(
        _tc_body,
        grid=grid,
        in_specs=[
            pl.BlockSpec((1, N, C), lambda b, s: (b, 0, 0)),
            pl.BlockSpec((1, 1, R), lambda b, s: (b * SB + s, 0, 0)),
        ],
        out_specs=[
            pl.BlockSpec((1, C, R), lambda b, s: (b * SB + s, 0, 0)),
            pl.BlockSpec((1, K, R), lambda b, s: (b * SB + s, 0, 0)),
        ],
        out_shape=[
            jax.ShapeDtypeStruct((B * SB, C, R), jnp.float32),
            jax.ShapeDtypeStruct((B * SB, K, R), jnp.int32),
        ],
    )(xyz, fps3)


def _sc_body(points_hbm, fps2_hbm, nidx2_hbm, out_hbm,
             fpsv, ctr, idxv0, idxv1, nbr0, nbr1, outv0, outv1,
             sem, gs0, gs1, ws0, ws1):
    wid = lax.axis_index("s") * 2 + lax.axis_index("c")
    idxvs, nbrs, outvs = (idxv0, idxv1), (nbr0, nbr1), (outv0, outv1)
    gss, wss = (gs0, gs1), (ws0, ws1)
    pltpu.sync_copy(fps2_hbm.at[pl.ds(wid * 2, 2)], fpsv)
    pltpu.async_copy(points_hbm.at[fpsv.at[0]], ctr.at[pl.ds(0, 128)],
                     sem).wait()
    pltpu.async_copy(points_hbm.at[fpsv.at[1]], ctr.at[pl.ds(128, 128)],
                     sem).wait()
    pltpu.sync_copy(nidx2_hbm.at[pl.ds(wid * NCHUNK, 1)], idxv0)
    pltpu.async_copy(points_hbm.at[idxv0.at[0]], nbr0, gs0)

    def outer(g, carry):
        for p in range(2):
            c = g * 2 + p
            q = 1 - p

            @pl.when(c + 1 < NCHUNK)
            def _():
                pltpu.sync_copy(nidx2_hbm.at[pl.ds(wid * NCHUNK + c + 1, 1)],
                                idxvs[q])
                pltpu.async_copy(points_hbm.at[idxvs[q].at[0]], nbrs[q],
                                 gss[q])

            pltpu.make_async_copy(points_hbm.at[idxvs[p].at[0]], nbrs[p],
                                  gss[p]).wait()

            @pl.when(c >= 2)
            def _():
                pltpu.make_async_copy(outvs[p], out_hbm.at[pl.ds(0, CK)],
                                      wss[p]).wait()

            @plsc.parallel_loop(0, CK, step=1, unroll=2)
            def _(r):
                crow = c * A + r // K
                for j in range(8):
                    cv = ctr[crow, pl.ds(j * 16, 16)]
                    nv = nbrs[p][r, pl.ds(j * 16, 16)]
                    outvs[p][r, pl.ds(j * 16, 16)] = nv - cv
                    outvs[p][r, pl.ds(D + j * 16, 16)] = cv
            pltpu.async_copy(outvs[p],
                             out_hbm.at[pl.ds((wid * NCHUNK + c) * CK, CK)],
                             wss[p])
        return carry

    lax.fori_loop(0, NCHUNK // 2, outer, 0)
    pltpu.make_async_copy(outv0, out_hbm.at[pl.ds(0, CK)], ws0).wait()
    pltpu.make_async_copy(outv1, out_hbm.at[pl.ds(0, CK)], ws1).wait()


def _sc_group(points_flat, fps2, nidx2):
    mesh = plsc.VectorSubcoreMesh(core_axis_name="c", subcore_axis_name="s")
    return pl.kernel(
        _sc_body,
        out_type=jax.ShapeDtypeStruct((BSK, 2 * D), jnp.float32),
        mesh=mesh,
        scratch_types=[
            pltpu.VMEM((2, 128), jnp.int32),
            pltpu.VMEM((AW, D), jnp.float32),
            pltpu.VMEM((1, CK), jnp.int32),
            pltpu.VMEM((1, CK), jnp.int32),
            pltpu.VMEM((CK, D), jnp.float32),
            pltpu.VMEM((CK, D), jnp.float32),
            pltpu.VMEM((CK, 2 * D), jnp.float32),
            pltpu.VMEM((CK, 2 * D), jnp.float32),
            pltpu.SemaphoreType.DMA,
            pltpu.SemaphoreType.DMA,
            pltpu.SemaphoreType.DMA,
            pltpu.SemaphoreType.DMA,
            pltpu.SemaphoreType.DMA,
        ],
    )(points_flat, fps2, nidx2)


@jax.jit
def kernel(xyz, points, fps_idx):
    fps3 = fps_idx.reshape(B * SB, 1, R)
    nx3, idxg = _tc_topk(xyz, fps3)
    new_xyz = jnp.swapaxes(nx3, 1, 2).reshape(B, S, C)
    idxg = jnp.swapaxes(idxg, 1, 2)
    points_flat = points.reshape(B * N, D)
    fps2 = (fps_idx + (jnp.arange(B, dtype=jnp.int32) * N)[:, None]).reshape(
        BS // 128, 128)
    nidx2 = idxg.reshape(BSK // CK, CK)
    out_flat = _sc_group(points_flat, fps2, nidx2)
    new_feats = out_flat.reshape(B, S, K, 2 * D)
    return new_xyz, new_feats

# --- scband reference (transcript-rebuilt; emitter-appended) ---
"""Pipeline reference for scband-point-mlp1-76209899700318 (READ-ONLY COPY).

The authoritative reference and input builder live on the scoring server;
editing this copy changes nothing except your own understanding.
"""

import jax, jax.numpy as jnp
import numpy as np

B, N, C, D, S, K = 8, 8192, 3, 128, 1024, 32

def square_distance(src, dst):
    # dist = sum(src^2) + sum(dst^2) - 2 src.dst  -> [B, N_src, N_dst]
    dist = -2.0 * jnp.einsum('bnc,bmc->bnm', src, dst)
    dist = dist + jnp.sum(src ** 2, axis=-1)[:, :, None]
    dist = dist + jnp.sum(dst ** 2, axis=-1)[:, None, :]
    return dist

def setup_inputs(seed: int = 0) -> dict:
    key = jax.random.key(seed)
    k1, k2, k3 = jax.random.split(key, 3)
    xyz = jax.random.normal(k1, (B, N, C), dtype=jnp.float32)
    points = jax.random.normal(k2, (B, N, D), dtype=jnp.float32)
    # torch.multinomial without replacement is stochastic; we materialize the
    # sampled anchor indices as an explicit input so the reference is deterministic.
    fps_idx = jax.random.randint(k3, (B, S), 0, N, dtype=jnp.int32)
    return {"xyz": xyz, "points": points, "fps_idx": fps_idx}

def reference(xyz, points, fps_idx):
    bidx = jnp.arange(B)[:, None]                      # [B,1]
    new_xyz = xyz[bidx, fps_idx]                       # [B,S,3]   index_points
    new_points = points[bidx, fps_idx]                 # [B,S,D]
    # knn_point: squared distances from anchors to all points, take k smallest
    sqrdists = square_distance(new_xyz, xyz)           # [B,S,N]
    neg_vals, idx = jax.lax.top_k(-sqrdists, K)        # smallest-k -> [B,S,K]
    # grouped feature gather: points[b, idx[b,s,k], :]
    grouped_points = points[jnp.arange(B)[:, None, None], idx]   # [B,S,K,D]
    grouped_points_norm = grouped_points - new_points[:, :, None, :]
    center_rep = jnp.broadcast_to(new_points[:, :, None, :], (B, S, K, D))
    new_feats = jnp.concatenate([grouped_points_norm, center_rep], axis=-1)  # [B,S,K,2D]
    return new_xyz, new_feats

if __name__ == "__main__":
    import jax
    _d = setup_inputs()
    print(jax.jit(kernel)(*tuple(_d.values())))

</pallas_src>

<mosaic_0001>
#map = affine_map<(d0, d1) -> (0, 0)>
module attributes {stable_mosaic.version = 14 : i64} {
  func.func @_sc_body(%arg0: i32, %arg1: i32, %arg2: memref<65536x128xf32, #tpu.memory_space<hbm>>, %arg3: memref<64x128xi32, #tpu.memory_space<hbm>>, %arg4: memref<4096x64xi32, #tpu.memory_space<hbm>>, %arg5: memref<262144x256xf32, #tpu.memory_space<hbm>>, %arg6: memref<2x128xi32, #tpu.memory_space<vmem>>, %arg7: memref<256x128xf32, #tpu.memory_space<vmem>>, %arg8: memref<1x64xi32, #tpu.memory_space<vmem>>, %arg9: memref<1x64xi32, #tpu.memory_space<vmem>>, %arg10: memref<64x128xf32, #tpu.memory_space<vmem>>, %arg11: memref<64x128xf32, #tpu.memory_space<vmem>>, %arg12: memref<64x256xf32, #tpu.memory_space<vmem>>, %arg13: memref<64x256xf32, #tpu.memory_space<vmem>>, %arg14: memref<!tpu.dma_semaphore, #tpu.memory_space<semaphore_mem>>, %arg15: memref<!tpu.dma_semaphore, #tpu.memory_space<semaphore_mem>>, %arg16: memref<!tpu.dma_semaphore, #tpu.memory_space<semaphore_mem>>, %arg17: memref<!tpu.dma_semaphore, #tpu.memory_space<semaphore_mem>>, %arg18: memref<!tpu.dma_semaphore, #tpu.memory_space<semaphore_mem>>) attributes {dimension_semantics = [#tpu.dimension_semantics<core_parallel>, #tpu.dimension_semantics<subcore_parallel>], iteration_bounds = array<i64: 2, 16>, scalar_prefetch = 0 : i64, scratch_operands = 13 : i64, tpu.core_type = #tpu.core_type<sc_vector_subcore>, window_params = [{transform_indices = #map}, {transform_indices = #map}, {transform_indices = #map}, {transform_indices = #map}]} {
    %mul3A = arith.constant 2 : i32
    %mul3A_0 = arith.muli %arg1, %mul3A : i32
    %add3A = arith.addi %mul3A_0, %arg0 : i32
    %mul3A_1 = arith.constant 2 : i32
    %mul3A_2 = arith.muli %add3A, %mul3A_1 : i32
    "tpu.region"() ({
      %run_scoped3A = tpu.sem_alloc : memref<!tpu.dma_semaphore, #tpu.memory_space<semaphore_mem>>
      %dma_start3A_67 = arith.constant 0 : i32
      %dma_start3A_68 = tpu.memref_slice %arg3[%mul3A_2, %dma_start3A_67] : memref<64x128xi32, #tpu.memory_space<hbm>> -> memref<2x128xi32, #tpu.memory_space<hbm>>
      %dma_start3A_69 = arith.constant 0 : i32
      %dma_start3A_70 = tpu.memref_slice %arg3[%mul3A_2, %dma_start3A_69] : memref<64x128xi32, #tpu.memory_space<hbm>> -> memref<2x128xi32, #tpu.memory_space<hbm>>
      tpu.enqueue_dma source(%dma_start3A_70 : memref<2x128xi32, #tpu.memory_space<hbm>>) target(%arg6 : memref<2x128xi32, #tpu.memory_space<vmem>>) target_semaphore(%run_scoped3A : memref<!tpu.dma_semaphore, #tpu.memory_space<semaphore_mem>>)
      %dma_wait3A_71 = arith.constant 0 : i32
      %dma_wait3A_72 = tpu.memref_slice %arg3[%mul3A_2, %dma_wait3A_71] : memref<64x128xi32, #tpu.memory_space<hbm>> -> memref<2x128xi32, #tpu.memory_space<hbm>>
      %dma_wait3A_73 = arith.constant 0 : i32
      %dma_wait3A_74 = tpu.memref_slice %arg3[%mul3A_2, %dma_wait3A_73] : memref<64x128xi32, #tpu.memory_space<hbm>> -> memref<2x128xi32, #tpu.memory_space<hbm>>
      tpu.wait_dma2 semaphore(%run_scoped3A : memref<!tpu.dma_semaphore, #tpu.memory_space<semaphore_mem>>) src(%dma_wait3A_74 : memref<2x128xi32, #tpu.memory_space<hbm>>) dst(%arg6 : memref<2x128xi32, #tpu.memory_space<vmem>>)
      tpu.yield
    }) : () -> ()
    %dma_start3A = arith.constant 0 : i32
    %dma_start3A_3 = arith.constant 0 : i32
    %dma_start3A_4 = arith.constant 0 : i32
    %dma_start3A_5 = tpu.memref_slice %arg7[%dma_start3A_3, %dma_start3A_4] : memref<256x128xf32, #tpu.memory_space<vmem>> -> memref<128x128xf32, #tpu.memory_space<vmem>>
    %dma_start3A_6 = arith.constant 0 : i32
    %dma_start3A_7 = tpu.memref_slice %arg6[%dma_start3A, %dma_start3A_6] : memref<2x128xi32, #tpu.memory_space<vmem>> -> memref<1x128xi32, #tpu.memory_space<vmem>>
    %dma_start3A_8 = tpu.memref_squeeze %dma_start3A_7 : memref<1x128xi32, #tpu.memory_space<vmem>> -> memref<128xi32, #tpu.memory_space<vmem>>
    %dma_start3A_9 = arith.constant 0 : i32
    %dma_start3A_10 = arith.constant 0 : i32
    %dma_start3A_11 = tpu.memref_slice %arg2[%dma_start3A_9, %dma_start3A_10] : memref<65536x128xf32, #tpu.memory_space<hbm>> -> memref<65536x128xf32, #tpu.memory_space<hbm>>
    tpu.enqueue_indirect_dma source(%dma_start3A_11 : memref<65536x128xf32, #tpu.memory_space<hbm>>) target(%dma_start3A_5 : memref<128x128xf32, #tpu.memory_space<vmem>>) offsets(%dma_start3A_8 : memref<128xi32, #tpu.memory_space<vmem>>) semaphore(%arg14 : memref<!tpu.dma_semaphore, #tpu.memory_space<semaphore_mem>>)
    %dma_wait3A = arith.constant 0 : i32
    %dma_wait3A_12 = arith.constant 0 : i32
    %dma_wait3A_13 = arith.constant 0 : i32
    %dma_wait3A_14 = tpu.memref_slice %arg7[%dma_wait3A_12, %dma_wait3A_13] : memref<256x128xf32, #tpu.memory_space<vmem>> -> memref<128x128xf32, #tpu.memory_space<vmem>>
    %dma_wait3A_15 = arith.constant 0 : i32
    %dma_wait3A_16 = tpu.memref_slice %arg6[%dma_wait3A, %dma_wait3A_15] : memref<2x128xi32, #tpu.memory_space<vmem>> -> memref<1x128xi32, #tpu.memory_space<vmem>>
    %dma_wait3A_17 = tpu.memref_squeeze %dma_wait3A_16 : memref<1x128xi32, #tpu.memory_space<vmem>> -> memref<128xi32, #tpu.memory_space<vmem>>
    %dma_wait3A_18 = arith.constant 0 : i32
    %dma_wait3A_19 = arith.constant 0 : i32
    %dma_wait3A_20 = tpu.memref_slice %arg2[%dma_wait3A_18, %dma_wait3A_19] : memref<65536x128xf32, #tpu.memory_space<hbm>> -> memref<65536x128xf32, #tpu.memory_space<hbm>>
    tpu.wait_indirect_dma semaphore(%arg14 : memref<!tpu.dma_semaphore, #tpu.memory_space<semaphore_mem>>) src(%dma_wait3A_20 : memref<65536x128xf32, #tpu.memory_space<hbm>>) dst(%dma_wait3A_14 : memref<128x128xf32, #tpu.memory_space<vmem>>)
    %dma_start3A_21 = arith.constant 1 : i32
    %dma_start3A_22 = arith.constant 128 : i32
    %dma_start3A_23 = arith.constant 0 : i32
    %dma_start3A_24 = tpu.memref_slice %arg7[%dma_start3A_22, %dma_start3A_23] : memref<256x128xf32, #tpu.memory_space<vmem>> -> memref<128x128xf32, #tpu.memory_space<vmem>>
    %dma_start3A_25 = arith.constant 0 : i32
    %dma_start3A_26 = tpu.memref_slice %arg6[%dma_start3A_21, %dma_start3A_25] : memref<2x128xi32, #tpu.memory_space<vmem>> -> memref<1x128xi32, #tpu.memory_space<vmem>>
    %dma_start3A_27 = tpu.memref_squeeze %dma_start3A_26 : memref<1x128xi32, #tpu.memory_space<vmem>> -> memref<128xi32, #tpu.memory_space<vmem>>
    %dma_start3A_28 = arith.constant 0 : i32
    %dma_start3A_29 = arith.constant 0 : i32
    %dma_start3A_30 = tpu.memref_slice %arg2[%dma_start3A_28, %dma_start3A_29] : memref<65536x128xf32, #tpu.memory_space<hbm>> -> memref<65536x128xf32, #tpu.memory_space<hbm>>
    tpu.enqueue_indirect_dma source(%dma_start3A_30 : memref<65536x128xf32, #tpu.memory_space<hbm>>) target(%dma_start3A_24 : memref<128x128xf32, #tpu.memory_space<vmem>>) offsets(%dma_start3A_27 : memref<128xi32, #tpu.memory_space<vmem>>) semaphore(%arg14 : memref<!tpu.dma_semaphore, #tpu.memory_space<semaphore_mem>>)
    %dma_wait3A_31 = arith.constant 1 : i32
    %dma_wait3A_32 = arith.constant 128 : i32
    %dma_wait3A_33 = arith.constant 0 : i32
    %dma_wait3A_34 = tpu.memref_slice %arg7[%dma_wait3A_32, %dma_wait3A_33] : memref<256x128xf32, #tpu.memory_space<vmem>> -> memref<128x128xf32, #tpu.memory_space<vmem>>
    %dma_wait3A_35 = arith.constant 0 : i32
    %dma_wait3A_36 = tpu.memref_slice %arg6[%dma_wait3A_31, %dma_wait3A_35] : memref<2x128xi32, #tpu.memory_space<vmem>> -> memref<1x128xi32, #tpu.memory_space<vmem>>
    %dma_wait3A_37 = tpu.memref_squeeze %dma_wait3A_36 : memref<1x128xi32, #tpu.memory_space<vmem>> -> memref<128xi32, #tpu.memory_space<vmem>>
    %dma_wait3A_38 = arith.constant 0 : i32
    %dma_wait3A_39 = arith.constant 0 : i32
    %dma_wait3A_40 = tpu.memref_slice %arg2[%dma_wait3A_38, %dma_wait3A_39] : memref<65536x128xf32, #tpu.memory_space<hbm>> -> memref<65536x128xf32, #tpu.memory_space<hbm>>
    tpu.wait_indirect_dma semaphore(%arg14 : memref<!tpu.dma_semaphore, #tpu.memory_space<semaphore_mem>>) src(%dma_wait3A_40 : memref<65536x128xf32, #tpu.memory_space<hbm>>) dst(%dma_wait3A_34 : memref<128x128xf32, #tpu.memory_space<vmem>>)
    %mul3A_41 = arith.constant 128 : i32
    %mul3A_42 = arith.muli %add3A, %mul3A_41 : i32
    "tpu.region"() ({
      %run_scoped3A = tpu.sem_alloc : memref<!tpu.dma_semaphore, #tpu.memory_space<semaphore_mem>>
      %dma_start3A_67 = arith.constant 0 : i32
      %dma_start3A_68 = tpu.memref_slice %arg4[%mul3A_42, %dma_start3A_67] : memref<4096x64xi32, #tpu.memory_space<hbm>> -> memref<1x64xi32, #tpu.memory_space<hbm>>
      %dma_start3A_69 = arith.constant 0 : i32
      %dma_start3A_70 = tpu.memref_slice %arg4[%mul3A_42, %dma_start3A_69] : memref<4096x64xi32, #tpu.memory_space<hbm>> -> memref<1x64xi32, #tpu.memory_space<hbm>>
      tpu.enqueue_dma source(%dma_start3A_70 : memref<1x64xi32, #tpu.memory_space<hbm>>) target(%arg8 : memref<1x64xi32, #tpu.memory_space<vmem>>) target_semaphore(%run_scoped3A : memref<!tpu.dma_semaphore, #tpu.memory_space<semaphore_mem>>)
      %dma_wait3A_71 = arith.constant 0 : i32
      %dma_wait3A_72 = tpu.memref_slice %arg4[%mul3A_42, %dma_wait3A_71] : memref<4096x64xi32, #tpu.memory_space<hbm>> -> memref<1x64xi32, #tpu.memory_space<hbm>>
      %dma_wait3A_73 = arith.constant 0 : i32
      %dma_wait3A_74 = tpu.memref_slice %arg4[%mul3A_42, %dma_wait3A_73] : memref<4096x64xi32, #tpu.memory_space<hbm>> -> memref<1x64xi32, #tpu.memory_space<hbm>>
      tpu.wait_dma2 semaphore(%run_scoped3A : memref<!tpu.dma_semaphore, #tpu.memory_space<semaphore_mem>>) src(%dma_wait3A_74 : memref<1x64xi32, #tpu.memory_space<hbm>>) dst(%arg8 : memref<1x64xi32, #tpu.memory_space<vmem>>)
      tpu.yield
    }) : () -> ()
    %dma_start3A_43 = arith.constant 0 : i32
    %dma_start3A_44 = arith.constant 0 : i32
    %dma_start3A_45 = tpu.memref_slice %arg8[%dma_start3A_43, %dma_start3A_44] : memref<1x64xi32, #tpu.memory_space<vmem>> -> memref<1x64xi32, #tpu.memory_space<vmem>>
    %dma_start3A_46 = tpu.memref_squeeze %dma_start3A_45 : memref<1x64xi32, #tpu.memory_space<vmem>> -> memref<64xi32, #tpu.memory_space<vmem>>
    %dma_start3A_47 = arith.constant 0 : i32
    %dma_start3A_48 = arith.constant 0 : i32
    %dma_start3A_49 = tpu.memref_slice %arg2[%dma_start3A_47, %dma_start3A_48] : memref<65536x128xf32, #tpu.memory_space<hbm>> -> memref<65536x128xf32, #tpu.memory_space<hbm>>
    tpu.enqueue_indirect_dma source(%dma_start3A_49 : memref<65536x128xf32, #tpu.memory_space<hbm>>) target(%arg10 : memref<64x128xf32, #tpu.memory_space<vmem>>) offsets(%dma_start3A_46 : memref<64xi32, #tpu.memory_space<vmem>>) semaphore(%arg15 : memref<!tpu.dma_semaphore, #tpu.memory_space<semaphore_mem>>)
    %scan3A = arith.constant 0 : i32
    %scan3A_50 = arith.constant 0 : i32
    %scan3A_51 = arith.constant 64 : i32
    %scan3A_52 = arith.addi %scan3A_50, %scan3A_51 : i32
    %scan3A_53 = arith.constant 1 : i32
    scf.for %scan3A_67 = %scan3A_50 to %scan3A_52 step %scan3A_53  : i32 {
      %mul3A_68 = arith.constant 2 : i32
      %mul3A_69 = arith.muli %scan3A_67, %mul3A_68 : i32
      %add3A_70 = arith.constant 0 : i32
      %add3A_71 = arith.addi %mul3A_69, %add3A_70 : i32
      %add3A_72 = arith.constant 1 : i32
      %add3A_73 = arith.addi %add3A_71, %add3A_72 : i32
      %lt3A = arith.constant 128 : i32
      %lt3A_74 = arith.cmpi slt, %add3A_73, %lt3A : i32
      %convert_element_type3A = arith.extui %lt3A_74 : i1 to i32
      %cond3A = arith.constant 0 : i32
      %cond3A_75 = arith.cmpi ne, %convert_element_type3A, %cond3A : i32
      scf.if %cond3A_75 {
        %mul3A_133 = arith.constant 128 : i32
        %mul3A_134 = arith.muli %add3A, %mul3A_133 : i32
        %add3A_135 = arith.addi %mul3A_134, %add3A_71 : i32
        %add3A_136 = arith.constant 1 : i32
        %add3A_137 = arith.addi %add3A_135, %add3A_136 : i32
        "tpu.region"() ({
          %run_scoped3A = tpu.sem_alloc : memref<!tpu.dma_semaphore, #tpu.memory_space<semaphore_mem>>
          %dma_start3A_145 = arith.constant 0 : i32
          %dma_start3A_146 = tpu.memref_slice %arg4[%add3A_137, %dma_start3A_145] : memref<4096x64xi32, #tpu.memory_space<hbm>> -> memref<1x64xi32, #tpu.memory_space<hbm>>
          %dma_start3A_147 = arith.constant 0 : i32
          %dma_start3A_148 = tpu.memref_slice %arg4[%add3A_137, %dma_start3A_147] : memref<4096x64xi32, #tpu.memory_space<hbm>> -> memref<1x64xi32, #tpu.memory_space<hbm>>
          tpu.enqueue_dma source(%dma_start3A_148 : memref<1x64xi32, #tpu.memory_space<hbm>>) target(%arg9 : memref<1x64xi32, #tpu.memory_space<vmem>>) target_semaphore(%run_scoped3A : memref<!tpu.dma_semaphore, #tpu.memory_space<semaphore_mem>>)
          %dma_wait3A_149 = arith.constant 0 : i32
          %dma_wait3A_150 = tpu.memref_slice %arg4[%add3A_137, %dma_wait3A_149] : memref<4096x64xi32, #tpu.memory_space<hbm>> -> memref<1x64xi32, #tpu.memory_space<hbm>>
          %dma_wait3A_151 = arith.constant 0 : i32
          %dma_wait3A_152 = tpu.memref_slice %arg4[%add3A_137, %dma_wait3A_151] : memref<4096x64xi32, #tpu.memory_space<hbm>> -> memref<1x64xi32, #tpu.memory_space<hbm>>
          tpu.wait_dma2 semaphore(%run_scoped3A : memref<!tpu.dma_semaphore, #tpu.memory_space<semaphore_mem>>) src(%dma_wait3A_152 : memref<1x64xi32, #tpu.memory_space<hbm>>) dst(%arg9 : memref<1x64xi32, #tpu.memory_space<vmem>>)
          tpu.yield
        }) : () -> ()
        %dma_start3A_138 = arith.constant 0 : i32
        %dma_start3A_139 = arith.constant 0 : i32
        %dma_start3A_140 = tpu.memref_slice %arg9[%dma_start3A_138, %dma_start3A_139] : memref<1x64xi32, #tpu.memory_space<vmem>> -> memref<1x64xi32, #tpu.memory_space<vmem>>
        %dma_start3A_141 = tpu.memref_squeeze %dma_start3A_140 : memref<1x64xi32, #tpu.memory_space<vmem>> -> memref<64xi32, #tpu.memory_space<vmem>>
        %dma_start3A_142 = arith.constant 0 : i32
        %dma_start3A_143 = arith.constant 0 : i32
        %dma_start3A_144 = tpu.memref_slice %arg2[%dma_start3A_142, %dma_start3A_143] : memref<65536x128xf32, #tpu.memory_space<hbm>> -> memref<65536x128xf32, #tpu.memory_space<hbm>>
        tpu.enqueue_indirect_dma source(%dma_start3A_144 : memref<65536x128xf32, #tpu.memory_space<hbm>>) target(%arg11 : memref<64x128xf32, #tpu.memory_space<vmem>>) offsets(%dma_start3A_141 : memref<64xi32, #tpu.memory_space<vmem>>) semaphore(%arg16 : memref<!tpu.dma_semaphore, #tpu.memory_space<semaphore_mem>>)
      } else {
      }
      %dma_wait3A_76 = arith.constant 0 : i32
      %dma_wait3A_77 = arith.constant 0 : i32
      %dma_wait3A_78 = tpu.memref_slice %arg8[%dma_wait3A_76, %dma_wait3A_77] : memref<1x64xi32, #tpu.memory_space<vmem>> -> memref<1x64xi32, #tpu.memory_space<vmem>>
      %dma_wait3A_79 = tpu.memref_squeeze %dma_wait3A_78 : memref<1x64xi32, #tpu.memory_space<vmem>> -> memref<64xi32, #tpu.memory_space<vmem>>
      %dma_wait3A_80 = arith.constant 0 : i32
      %dma_wait3A_81 = arith.constant 0 : i32
      %dma_wait3A_82 = tpu.memref_slice %arg2[%dma_wait3A_80, %dma_wait3A_81] : memref<65536x128xf32, #tpu.memory_space<hbm>> -> memref<65536x128xf32, #tpu.memory_space<hbm>>
      tpu.wait_indirect_dma semaphore(%arg15 : memref<!tpu.dma_semaphore, #tpu.memory_space<semaphore_mem>>) src(%dma_wait3A_82 : memref<65536x128xf32, #tpu.memory_space<hbm>>) dst(%arg10 : memref<64x128xf32, #tpu.memory_space<vmem>>)
      %ge3A = arith.constant 2 : i32
      %ge3A_83 = arith.cmpi sge, %add3A_71, %ge3A : i32
      %convert_element_type3A_84 = arith.extui %ge3A_83 : i1 to i32
      %cond3A_85 = arith.constant 0 : i32
      %cond3A_86 = arith.cmpi ne, %convert_element_type3A_84, %cond3A_85 : i32
      scf.if %cond3A_86 {
        %dma_wait3A_133 = arith.constant 0 : i32
        %dma_wait3A_134 = arith.constant 0 : i32
        %dma_wait3A_135 = tpu.memref_slice %arg5[%dma_wait3A_133, %dma_wait3A_134] : memref<262144x256xf32, #tpu.memory_space<hbm>> -> memref<64x256xf32, #tpu.memory_space<hbm>>
        %dma_wait3A_136 = arith.constant 0 : i32
        %dma_wait3A_137 = arith.constant 0 : i32
        %dma_wait3A_138 = tpu.memref_slice %arg5[%dma_wait3A_136, %dma_wait3A_137] : memref<262144x256xf32, #tpu.memory_space<hbm>> -> memref<64x256xf32, #tpu.memory_space<hbm>>
        tpu.wait_dma2 semaphore(%arg17 : memref<!tpu.dma_semaphore, #tpu.memory_space<semaphore_mem>>) src(%arg12 : memref<64x256xf32, #tpu.memory_space<vmem>>) dst(%dma_wait3A_138 : memref<64x256xf32, #tpu.memory_space<hbm>>)
      } else {
      }
      %parallel_loop3A = arith.constant 0 : i32
      %parallel_loop3A_87 = arith.constant 64 : i32
      %parallel_loop3A_88 = arith.constant 1 : i32
      scf.for %parallel_loop3A_133 = %parallel_loop3A to %parallel_loop3A_87 step %parallel_loop3A_88  : i32 {
        %parallel_loop3A_134 = arith.constant 2 : i32
        %parallel_loop3A_135 = arith.muli %add3A_71, %parallel_loop3A_134 : i32
        %parallel_loop3A_136 = arith.constant 32 : i32
        %parallel_loop3A_137 = arith.divsi %parallel_loop3A_133, %parallel_loop3A_136 : i32
        %parallel_loop3A_138 = arith.constant 0 : i32
        %parallel_loop3A_139 = arith.cmpi sgt, %parallel_loop3A_133, %parallel_loop3A_138 : i32
        %parallel_loop3A_140 = arith.extui %parallel_loop3A_139 : i1 to i32
        %parallel_loop3A_141 = arith.constant 0 : i32
        %parallel_loop3A_142 = arith.cmpi slt, %parallel_loop3A_133, %parallel_loop3A_141 : i32
        %parallel_loop3A_143 = arith.extui %parallel_loop3A_142 : i1 to i32
        %parallel_loop3A_144 = arith.subi %parallel_loop3A_140, %parallel_loop3A_143 : i32
        %parallel_loop3A_145 = arith.constant 0 : i32
        %parallel_loop3A_146 = arith.cmpi sgt, %parallel_loop3A_136, %parallel_loop3A_145 : i32
        %parallel_loop3A_147 = arith.extui %parallel_loop3A_146 : i1 to i32
        %parallel_loop3A_148 = arith.constant 0 : i32
        %parallel_loop3A_149 = arith.cmpi slt, %parallel_loop3A_136, %parallel_loop3A_148 : i32
        %parallel_loop3A_150 = arith.extui %parallel_loop3A_149 : i1 to i32
        %parallel_loop3A_151 = arith.subi %parallel_loop3A_147, %parallel_loop3A_150 : i32
        %parallel_loop3A_152 = arith.cmpi ne, %parallel_loop3A_144, %parallel_loop3A_151 : i32
        %parallel_loop3A_153 = arith.remsi %parallel_loop3A_133, %parallel_loop3A_136 : i32
        %parallel_loop3A_154 = arith.constant 0 : i32
        %parallel_loop3A_155 = arith.cmpi ne, %parallel_loop3A_153, %parallel_loop3A_154 : i32
        %parallel_loop3A_156 = arith.andi %parallel_loop3A_152, %parallel_loop3A_155 : i1
        %parallel_loop3A_157 = arith.constant 1 : i32
        %parallel_loop3A_158 = arith.subi %parallel_loop3A_137, %parallel_loop3A_157 : i32
        %parallel_loop3A_159 = arith.select %parallel_loop3A_156, %parallel_loop3A_158, %parallel_loop3A_137 : i32
        %parallel_loop3A_160 = arith.addi %parallel_loop3A_135, %parallel_loop3A_159 : i32
        %parallel_loop3A_161 = arith.index_cast %parallel_loop3A_160 : i32 to index
        %parallel_loop3A_162 = arith.constant 0 : index
        %parallel_loop3A_163 = tpu.vector_load %arg7[%parallel_loop3A_161, %parallel_loop3A_162] {strides = array<i32>} : memref<256x128xf32, #tpu.memory_space<vmem>>, vector<1x16xf32>,
        %parallel_loop3A_164 = vector.shape_cast %parallel_loop3A_163 : vector<1x16xf32> to vector<16xf32>
        %parallel_loop3A_165 = arith.index_cast %parallel_loop3A_133 : i32 to index
        %parallel_loop3A_166 = arith.constant 0 : index
        %parallel_loop3A_167 = tpu.vector_load %arg10[%parallel_loop3A_165, %parallel_loop3A_166] {strides = array<i32>} : memref<64x128xf32, #tpu.memory_space<vmem>>, vector<1x16xf32>,
        %parallel_loop3A_168 = vector.shape_cast %parallel_loop3A_167 : vector<1x16xf32> to vector<16xf32>
        %parallel_loop3A_169 = arith.subf %parallel_loop3A_168, %parallel_loop3A_164 : vector<16xf32>
        %parallel_loop3A_170 = arith.index_cast %parallel_loop3A_133 : i32 to index
        %parallel_loop3A_171 = arith.constant 0 : index
        %parallel_loop3A_172 = tpu.vector_load %arg12[%parallel_loop3A_170, %parallel_loop3A_171] {strides = array<i32>} : memref<64x256xf32, #tpu.memory_space<vmem>>, vector<1x16xf32>,
        %parallel_loop3A_173 = vector.shape_cast %parallel_loop3A_172 : vector<1x16xf32> to vector<16xf32>
        %parallel_loop3A_174 = vector.shape_cast %parallel_loop3A_169 : vector<16xf32> to vector<1x16xf32>
        tpu.vector_store %arg12[%parallel_loop3A_170, %parallel_loop3A_171], %parallel_loop3A_174 {strides = array<i32>} : memref<64x256xf32, #tpu.memory_space<vmem>>, vector<1x16xf32>,
        %parallel_loop3A_175 = arith.index_cast %parallel_loop3A_133 : i32 to index
        %parallel_loop3A_176 = arith.constant 128 : index
        %parallel_loop3A_177 = tpu.vector_load %arg12[%parallel_loop3A_175, %parallel_loop3A_176] {strides = array<i32>} : memref<64x256xf32, #tpu.memory_space<vmem>>, vector<1x16xf32>,
        %parallel_loop3A_178 = vector.shape_cast %parallel_loop3A_177 : vector<1x16xf32> to vector<16xf32>
        %parallel_loop3A_179 = vector.shape_cast %parallel_loop3A_164 : vector<16xf32> to vector<1x16xf32>
        tpu.vector_store %arg12[%parallel_loop3A_175, %parallel_loop3A_176], %parallel_loop3A_179 {strides = array<i32>} : memref<64x256xf32, #tpu.memory_space<vmem>>, vector<1x16xf32>,
        %parallel_loop3A_180 = arith.index_cast %parallel_loop3A_160 : i32 to index
        %parallel_loop3A_181 = arith.constant 16 : index
        %parallel_loop3A_182 = tpu.vector_load %arg7[%parallel_loop3A_180, %parallel_loop3A_181] {strides = array<i32>} : memref<256x128xf32, #tpu.memory_space<vmem>>, vector<1x16xf32>,
        %parallel_loop3A_183 = vector.shape_cast %parallel_loop3A_182 : vector<1x16xf32> to vector<16xf32>
        %parallel_loop3A_184 = arith.index_cast %parallel_loop3A_133 : i32 to index
        %parallel_loop3A_185 = arith.constant 16 : index
        %parallel_loop3A_186 = tpu.vector_load %arg10[%parallel_loop3A_184, %parallel_loop3A_185] {strides = array<i32>} : memref<64x128xf32, #tpu.memory_space<vmem>>, vector<1x16xf32>,
        %parallel_loop3A_187 = vector.shape_cast %parallel_loop3A_186 : vector<1x16xf32> to vector<16xf32>
        %parallel_loop3A_188 = arith.subf %parallel_loop3A_187, %parallel_loop3A_183 : vector<16xf32>
        %parallel_loop3A_189 = arith.index_cast %parallel_loop3A_133 : i32 to index
        %parallel_loop3A_190 = arith.constant 16 : index
        %parallel_loop3A_191 = tpu.vector_load %arg12[%parallel_loop3A_189, %parallel_loop3A_190] {strides = array<i32>} : memref<64x256xf32, #tpu.memory_space<vmem>>, vector<1x16xf32>,
        %parallel_loop3A_192 = vector.shape_cast %parallel_loop3A_191 : vector<1x16xf32> to vector<16xf32>
        %parallel_loop3A_193 = vector.shape_cast %parallel_loop3A_188 : vector<16xf32> to vector<1x16xf32>
        tpu.vector_store %arg12[%parallel_loop3A_189, %parallel_loop3A_190], %parallel_loop3A_193 {strides = array<i32>} : memref<64x256xf32, #tpu.memory_space<vmem>>, vector<1x16xf32>,
        %parallel_loop3A_194 = arith.index_cast %parallel_loop3A_133 : i32 to index
        %parallel_loop3A_195 = arith.constant 144 : index
        %parallel_loop3A_196 = tpu.vector_load %arg12[%parallel_loop3A_194, %parallel_loop3A_195] {strides = array<i32>} : memref<64x256xf32, #tpu.memory_space<vmem>>, vector<1x16xf32>,
        %parallel_loop3A_197 = vector.shape_cast %parallel_loop3A_196 : vector<1x16xf32> to vector<16xf32>
        %parallel_loop3A_198 = vector.shape_cast %parallel_loop3A_183 : vector<16xf32> to vector<1x16xf32>
        tpu.vector_store %arg12[%parallel_loop3A_194, %parallel_loop3A_195], %parallel_loop3A_198 {strides = array<i32>} : memref<64x256xf32, #tpu.memory_space<vmem>>, vector<1x16xf32>,
        %parallel_loop3A_199 = arith.index_cast %parallel_loop3A_160 : i32 to index
        %parallel_loop3A_200 = arith.constant 32 : index
        %parallel_loop3A_201 = tpu.vector_load %arg7[%parallel_loop3A_199, %parallel_loop3A_200] {strides = array<i32>} : memref<256x128xf32, #tpu.memory_space<vmem>>, vector<1x16xf32>,
        %parallel_loop3A_202 = vector.shape_cast %parallel_loop3A_201 : vector<1x16xf32> to vector<16xf32>
        %parallel_loop3A_203 = arith.index_cast %parallel_loop3A_133 : i32 to index
        %parallel_loop3A_204 = arith.constant 32 : index
        %parallel_loop3A_205 = tpu.vector_load %arg10[%parallel_loop3A_203, %parallel_loop3A_204] {strides = array<i32>} : memref<64x128xf32, #tpu.memory_space<vmem>>, vector<1x16xf32>,
        %parallel_loop3A_206 = vector.shape_cast %parallel_loop3A_205 : vector<1x16xf32> to vector<16xf32>
        %parallel_loop3A_207 = arith.subf %parallel_loop3A_206, %parallel_loop3A_202 : vector<16xf32>
        %parallel_loop3A_208 = arith.index_cast %parallel_loop3A_133 : i32 to index
        %parallel_loop3A_209 = arith.constant 32 : index
        %parallel_loop3A_210 = tpu.vector_load %arg12[%parallel_loop3A_208, %parallel_loop3A_209] {strides = array<i32>} : memref<64x256xf32, #tpu.memory_space<vmem>>, vector<1x16xf32>,
        %parallel_loop3A_211 = vector.shape_cast %parallel_loop3A_210 : vector<1x16xf32> to vector<16xf32>
        %parallel_loop3A_212 = vector.shape_cast %parallel_loop3A_207 : vector<16xf32> to vector<1x16xf32>
        tpu.vector_store %arg12[%parallel_loop3A_208, %parallel_loop3A_209], %parallel_loop3A_212 {strides = array<i32>} : memref<64x256xf32, #tpu.memory_space<vmem>>, vector<1x16xf32>,
        %parallel_loop3A_213 = arith.index_cast %parallel_loop3A_133 : i32 to index
        %parallel_loop3A_214 = arith.constant 160 : index
        %parallel_loop3A_215 = tpu.vector_load %arg12[%parallel_loop3A_213, %parallel_loop3A_214] {strides = array<i32>} : memref<64x256xf32, #tpu.memory_space<vmem>>, vector<1x16xf32>,
        %parallel_loop3A_216 = vector.shape_cast %parallel_loop3A_215 : vector<1x16xf32> to vector<16xf32>
        %parallel_loop3A_217 = vector.shape_cast %parallel_loop3A_202 : vector<16xf32> to vector<1x16xf32>
        tpu.vector_store %arg12[%parallel_loop3A_213, %parallel_loop3A_214], %parallel_loop3A_217 {strides = array<i32>} : memref<64x256xf32, #tpu.memory_space<vmem>>, vector<1x16xf32>,
        %parallel_loop3A_218 = arith.index_cast %parallel_loop3A_160 : i32 to index
        %parallel_loop3A_219 = arith.constant 48 : index
        %parallel_loop3A_220 = tpu.vector_load %arg7[%parallel_loop3A_218, %parallel_loop3A_219] {strides = array<i32>} : memref<256x128xf32, #tpu.memory_space<vmem>>, vector<1x16xf32>,
        %parallel_loop3A_221 = vector.shape_cast %parallel_loop3A_220 : vector<1x16xf32> to vector<16xf32>
        %parallel_loop3A_222 = arith.index_cast %parallel_loop3A_133 : i32 to index
        %parallel_loop3A_223 = arith.constant 48 : index
        %parallel_loop3A_224 = tpu.vector_load %arg10[%parallel_loop3A_222, %parallel_loop3A_223] {strides = array<i32>} : memref<64x128xf32, #tpu.memory_space<vmem>>, vector<1x16xf32>,
        %parallel_loop3A_225 = vector.shape_cast %parallel_loop3A_224 : vector<1x16xf32> to vector<16xf32>
        %parallel_loop3A_226 = arith.subf %parallel_loop3A_225, %parallel_loop3A_221 : vector<16xf32>
        %parallel_loop3A_227 = arith.index_cast %parallel_loop3A_133 : i32 to index
        %parallel_loop3A_228 = arith.constant 48 : index
        %parallel_loop3A_229 = tpu.vector_load %arg12[%parallel_loop3A_227, %parallel_loop3A_228] {strides = array<i32>} : memref<64x256xf32, #tpu.memory_space<vmem>>, vector<1x16xf32>,
        %parallel_loop3A_230 = vector.shape_cast %parallel_loop3A_229 : vector<1x16xf32> to vector<16xf32>
        %parallel_loop3A_231 = vector.shape_cast %parallel_loop3A_226 : vector<16xf32> to vector<1x16xf32>
        tpu.vector_store %arg12[%parallel_loop3A_227, %parallel_loop3A_228], %parallel_loop3A_231 {strides = array<i32>} : memref<64x256xf32, #tpu.memory_space<vmem>>, vector<1x16xf32>,
        %parallel_loop3A_232 = arith.index_cast %parallel_loop3A_133 : i32 to index
        %parallel_loop3A_233 = arith.constant 176 : index
        %parallel_loop3A_234 = tpu.vector_load %arg12[%parallel_loop3A_232, %parallel_loop3A_233] {strides = array<i32>} : memref<64x256xf32, #tpu.memory_space<vmem>>, vector<1x16xf32>,
        %parallel_loop3A_235 = vector.shape_cast %parallel_loop3A_234 : vector<1x16xf32> to vector<16xf32>
        %parallel_loop3A_236 = vector.shape_cast %parallel_loop3A_221 : vector<16xf32> to vector<1x16xf32>
        tpu.vector_store %arg12[%parallel_loop3A_232, %parallel_loop3A_233], %parallel_loop3A_236 {strides = array<i32>} : memref<64x256xf32, #tpu.memory_space<vmem>>, vector<1x16xf32>,
        %parallel_loop3A_237 = arith.index_cast %parallel_loop3A_160 : i32 to index
        %parallel_loop3A_238 = arith.constant 64 : index
        %parallel_loop3A_239 = tpu.vector_load %arg7[%parallel_loop3A_237, %parallel_loop3A_238] {strides = array<i32>} : memref<256x128xf32, #tpu.memory_space<vmem>>, vector<1x16xf32>,
        %parallel_loop3A_240 = vector.shape_cast %parallel_loop3A_239 : vector<1x16xf32> to vector<16xf32>
        %parallel_loop3A_241 = arith.index_cast %parallel_loop3A_133 : i32 to index
        %parallel_loop3A_242 = arith.constant 64 : index
        %parallel_loop3A_243 = tpu.vector_load %arg10[%parallel_loop3A_241, %parallel_loop3A_242] {strides = array<i32>} : memref<64x128xf32, #tpu.memory_space<vmem>>, vector<1x16xf32>,
        %parallel_loop3A_244 = vector.shape_cast %parallel_loop3A_243 : vector<1x16xf32> to vector<16xf32>
        %parallel_loop3A_245 = arith.subf %parallel_loop3A_244, %parallel_loop3A_240 : vector<16xf32>
        %parallel_loop3A_246 = arith.index_cast %parallel_loop3A_133 : i32 to index
        %parallel_loop3A_247 = arith.constant 64 : index
        %parallel_loop3A_248 = tpu.vector_load %arg12[%parallel_loop3A_246, %parallel_loop3A_247] {strides = array<i32>} : memref<64x256xf32, #tpu.memory_space<vmem>>, vector<1x16xf32>,
        %parallel_loop3A_249 = vector.shape_cast %parallel_loop3A_248 : vector<1x16xf32> to vector<16xf32>
        %parallel_loop3A_250 = vector.shape_cast %parallel_loop3A_245 : vector<16xf32> to vector<1x16xf32>
        tpu.vector_store %arg12[%parallel_loop3A_246, %parallel_loop3A_247], %parallel_loop3A_250 {strides = array<i32>} : memref<64x256xf32, #tpu.memory_space<vmem>>, vector<1x16xf32>,
        %parallel_loop3A_251 = arith.index_cast %parallel_loop3A_133 : i32 to index
        %parallel_loop3A_252 = arith.constant 192 : index
        %parallel_loop3A_253 = tpu.vector_load %arg12[%parallel_loop3A_251, %parallel_loop3A_252] {strides = array<i32>} : memref<64x256xf32, #tpu.memory_space<vmem>>, vector<1x16xf32>,
        %parallel_loop3A_254 = vector.shape_cast %parallel_loop3A_253 : vector<1x16xf32> to vector<16xf32>
        %parallel_loop3A_255 = vector.shape_cast %parallel_loop3A_240 : vector<16xf32> to vector<1x16xf32>
        tpu.vector_store %arg12[%parallel_loop3A_251, %parallel_loop3A_252], %parallel_loop3A_255 {strides = array<i32>} : memref<64x256xf32, #tpu.memory_space<vmem>>, vector<1x16xf32>,
        %parallel_loop3A_256 = arith.index_cast %parallel_loop3A_160 : i32 to index
        %parallel_loop3A_257 = arith.constant 80 : index
        %parallel_loop3A_258 = tpu.vector_load %arg7[%parallel_loop3A_256, %parallel_loop3A_257] {strides = array<i32>} : memref<256x128xf32, #tpu.memory_space<vmem>>, vector<1x16xf32>,
        %parallel_loop3A_259 = vector.shape_cast %parallel_loop3A_258 : vector<1x16xf32> to vector<16xf32>
        %parallel_loop3A_260 = arith.index_cast %parallel_loop3A_133 : i32 to index
        %parallel_loop3A_261 = arith.constant 80 : index
        %parallel_loop3A_262 = tpu.vector_load %arg10[%parallel_loop3A_260, %parallel_loop3A_261] {strides = array<i32>} : memref<64x128xf32, #tpu.memory_space<vmem>>, vector<1x16xf32>,
        %parallel_loop3A_263 = vector.shape_cast %parallel_loop3A_262 : vector<1x16xf32> to vector<16xf32>
        %parallel_loop3A_264 = arith.subf %parallel_loop3A_263, %parallel_loop3A_259 : vector<16xf32>
        %parallel_loop3A_265 = arith.index_cast %parallel_loop3A_133 : i32 to index
        %parallel_loop3A_266 = arith.constant 80 : index
        %parallel_loop3A_267 = tpu.vector_load %arg12[%parallel_loop3A_265, %parallel_loop3A_266] {strides = array<i32>} : memref<64x256xf32, #tpu.memory_space<vmem>>, vector<1x16xf32>,
        %parallel_loop3A_268 = vector.shape_cast %parallel_loop3A_267 : vector<1x16xf32> to vector<16xf32>
        %parallel_loop3A_269 = vector.shape_cast %parallel_loop3A_264 : vector<16xf32> to vector<1x16xf32>
        tpu.vector_store %arg12[%parallel_loop3A_265, %parallel_loop3A_266], %parallel_loop3A_269 {strides = array<i32>} : memref<64x256xf32, #tpu.memory_space<vmem>>, vector<1x16xf32>,
        %parallel_loop3A_270 = arith.index_cast %parallel_loop3A_133 : i32 to index
        %parallel_loop3A_271 = arith.constant 208 : index
        %parallel_loop3A_272 = tpu.vector_load %arg12[%parallel_loop3A_270, %parallel_loop3A_271] {strides = array<i32>} : memref<64x256xf32, #tpu.memory_space<vmem>>, vector<1x16xf32>,
        %parallel_loop3A_273 = vector.shape_cast %parallel_loop3A_272 : vector<1x16xf32> to vector<16xf32>
        %parallel_loop3A_274 = vector.shape_cast %parallel_loop3A_259 : vector<16xf32> to vector<1x16xf32>
        tpu.vector_store %arg12[%parallel_loop3A_270, %parallel_loop3A_271], %parallel_loop3A_274 {strides = array<i32>} : memref<64x256xf32, #tpu.memory_space<vmem>>, vector<1x16xf32>,
        %parallel_loop3A_275 = arith.index_cast %parallel_loop3A_160 : i32 to index
        %parallel_loop3A_276 = arith.constant 96 : index
        %parallel_loop3A_277 = tpu.vector_load %arg7[%parallel_loop3A_275, %parallel_loop3A_276] {strides = array<i32>} : memref<256x128xf32, #tpu.memory_space<vmem>>, vector<1x16xf32>,
        %parallel_loop3A_278 = vector.shape_cast %parallel_loop3A_277 : vector<1x16xf32> to vector<16xf32>
        %parallel_loop3A_279 = arith.index_cast %parallel_loop3A_133 : i32 to index
        %parallel_loop3A_280 = arith.constant 96 : index
        %parallel_loop3A_281 = tpu.vector_load %arg10[%parallel_loop3A_279, %parallel_loop3A_280] {strides = array<i32>} : memref<64x128xf32, #tpu.memory_space<vmem>>, vector<1x16xf32>,
        %parallel_loop3A_282 = vector.shape_cast %parallel_loop3A_281 : vector<1x16xf32> to vector<16xf32>
        %parallel_loop3A_283 = arith.subf %parallel_loop3A_282, %parallel_loop3A_278 : vector<16xf32>
        %parallel_loop3A_284 = arith.index_cast %parallel_loop3A_133 : i32 to index
        %parallel_loop3A_285 = arith.constant 96 : index
        %parallel_loop3A_286 = tpu.vector_load %arg12[%parallel_loop3A_284, %parallel_loop3A_285] {strides = array<i32>} : memref<64x256xf32, #tpu.memory_space<vmem>>, vector<1x16xf32>,
        %parallel_loop3A_287 = vector.shape_cast %parallel_loop3A_286 : vector<1x16xf32> to vector<16xf32>
        %parallel_loop3A_288 = vector.shape_cast %parallel_loop3A_283 : vector<16xf32> to vector<1x16xf32>
        tpu.vector_store %arg12[%parallel_loop3A_284, %parallel_loop3A_285], %parallel_loop3A_288 {strides = array<i32>} : memref<64x256xf32, #tpu.memory_space<vmem>>, vector<1x16xf32>,
        %parallel_loop3A_289 = arith.index_cast %parallel_loop3A_133 : i32 to index
        %parallel_loop3A_290 = arith.constant 224 : index
        %parallel_loop3A_291 = tpu.vector_load %arg12[%parallel_loop3A_289, %parallel_loop3A_290] {strides = array<i32>} : memref<64x256xf32, #tpu.memory_space<vmem>>, vector<1x16xf32>,
        %parallel_loop3A_292 = vector.shape_cast %parallel_loop3A_291 : vector<1x16xf32> to vector<16xf32>
        %parallel_loop3A_293 = vector.shape_cast %parallel_loop3A_278 : vector<16xf32> to vector<1x16xf32>
        tpu.vector_store %arg12[%parallel_loop3A_289, %parallel_loop3A_290], %parallel_loop3A_293 {strides = array<i32>} : memref<64x256xf32, #tpu.memory_space<vmem>>, vector<1x16xf32>,
        %parallel_loop3A_294 = arith.index_cast %parallel_loop3A_160 : i32 to index
        %parallel_loop3A_295 = arith.constant 112 : index
        %parallel_loop3A_296 = tpu.vector_load %arg7[%parallel_loop3A_294, %parallel_loop3A_295] {strides = array<i32>} : memref<256x128xf32, #tpu.memory_space<vmem>>, vector<1x16xf32>,
        %parallel_loop3A_297 = vector.shape_cast %parallel_loop3A_296 : vector<1x16xf32> to vector<16xf32>
        %parallel_loop3A_298 = arith.index_cast %parallel_loop3A_133 : i32 to index
        %parallel_loop3A_299 = arith.constant 112 : index
        %parallel_loop3A_300 = tpu.vector_load %arg10[%parallel_loop3A_298, %parallel_loop3A_299] {strides = array<i32>} : memref<64x128xf32, #tpu.memory_space<vmem>>, vector<1x16xf32>,
        %parallel_loop3A_301 = vector.shape_cast %parallel_loop3A_300 : vector<1x16xf32> to vector<16xf32>
        %parallel_loop3A_302 = arith.subf %parallel_loop3A_301, %parallel_loop3A_297 : vector<16xf32>
        %parallel_loop3A_303 = arith.index_cast %parallel_loop3A_133 : i32 to index
        %parallel_loop3A_304 = arith.constant 112 : index
        %parallel_loop3A_305 = tpu.vector_load %arg12[%parallel_loop3A_303, %parallel_loop3A_304] {strides = array<i32>} : memref<64x256xf32, #tpu.memory_space<vmem>>, vector<1x16xf32>,
        %parallel_loop3A_306 = vector.shape_cast %parallel_loop3A_305 : vector<1x16xf32> to vector<16xf32>
        %parallel_loop3A_307 = vector.shape_cast %parallel_loop3A_302 : vector<16xf32> to vector<1x16xf32>
        tpu.vector_store %arg12[%parallel_loop3A_303, %parallel_loop3A_304], %parallel_loop3A_307 {strides = array<i32>} : memref<64x256xf32, #tpu.memory_space<vmem>>, vector<1x16xf32>,
        %parallel_loop3A_308 = arith.index_cast %parallel_loop3A_133 : i32 to index
        %parallel_loop3A_309 = arith.constant 240 : index
        %parallel_loop3A_310 = tpu.vector_load %arg12[%parallel_loop3A_308, %parallel_loop3A_309] {strides = array<i32>} : memref<64x256xf32, #tpu.memory_space<vmem>>, vector<1x16xf32>,
        %parallel_loop3A_311 = vector.shape_cast %parallel_loop3A_310 : vector<1x16xf32> to vector<16xf32>
        %parallel_loop3A_312 = vector.shape_cast %parallel_loop3A_297 : vector<16xf32> to vector<1x16xf32>
        tpu.vector_store %arg12[%parallel_loop3A_308, %parallel_loop3A_309], %parallel_loop3A_312 {strides = array<i32>} : memref<64x256xf32, #tpu.memory_space<vmem>>, vector<1x16xf32>,
      } {sc.loop_unroll_factor = 2 : i64, sc.parallel_access}
      %mul3A_89 = arith.constant 128 : i32
      %mul3A_90 = arith.muli %add3A, %mul3A_89 : i32
      %add3A_91 = arith.addi %mul3A_90, %add3A_71 : i32
      %mul3A_92 = arith.constant 64 : i32
      %mul3A_93 = arith.muli %add3A_91, %mul3A_92 : i32
      %dma_start3A_94 = arith.constant 0 : i32
      %dma_start3A_95 = tpu.memref_slice %arg5[%mul3A_93, %dma_start3A_94] : memref<262144x256xf32, #tpu.memory_space<hbm>> -> memref<64x256xf32, #tpu.memory_space<hbm>>
      %dma_start3A_96 = arith.constant 0 : i32
      %dma_start3A_97 = tpu.memref_slice %arg5[%mul3A_93, %dma_start3A_96] : memref<262144x256xf32, #tpu.memory_space<hbm>> -> memref<64x256xf32, #tpu.memory_space<hbm>>
      tpu.enqueue_dma source(%arg12 : memref<64x256xf32, #tpu.memory_space<vmem>>) target(%dma_start3A_97 : memref<64x256xf32, #tpu.memory_space<hbm>>) target_semaphore(%arg17 : memref<!tpu.dma_semaphore, #tpu.memory_space<semaphore_mem>>)
      %mul3A_98 = arith.constant 2 : i32
      %mul3A_99 = arith.muli %scan3A_67, %mul3A_98 : i32
      %add3A_100 = arith.constant 1 : i32
      %add3A_101 = arith.addi %mul3A_99, %add3A_100 : i32
      %add3A_102 = arith.constant 1 : i32
      %add3A_103 = arith.addi %add3A_101, %add3A_102 : i32
      %lt3A_104 = arith.constant 128 : i32
      %lt3A_105 = arith.cmpi slt, %add3A_103, %lt3A_104 : i32
      %convert_element_type3A_106 = arith.extui %lt3A_105 : i1 to i32
      %cond3A_107 = arith.constant 0 : i32
      %cond3A_108 = arith.cmpi ne, %convert_element_type3A_106, %cond3A_107 : i32
      scf.if %cond3A_108 {
        %mul3A_133 = arith.constant 128 : i32
        %mul3A_134 = arith.muli %add3A, %mul3A_133 : i32
        %add3A_135 = arith.addi %mul3A_134, %add3A_101 : i32
        %add3A_136 = arith.constant 1 : i32
        %add3A_137 = arith.addi %add3A_135, %add3A_136 : i32
        "tpu.region"() ({
          %run_scoped3A = tpu.sem_alloc : memref<!tpu.dma_semaphore, #tpu.memory_space<semaphore_mem>>
          %dma_start3A_145 = arith.constant 0 : i32
          %dma_start3A_146 = tpu.memref_slice %arg4[%add3A_137, %dma_start3A_145] : memref<4096x64xi32, #tpu.memory_space<hbm>> -> memref<1x64xi32, #tpu.memory_space<hbm>>
          %dma_start3A_147 = arith.constant 0 : i32
          %dma_start3A_148 = tpu.memref_slice %arg4[%add3A_137, %dma_start3A_147] : memref<4096x64xi32, #tpu.memory_space<hbm>> -> memref<1x64xi32, #tpu.memory_space<hbm>>
          tpu.enqueue_dma source(%dma_start3A_148 : memref<1x64xi32, #tpu.memory_space<hbm>>) target(%arg8 : memref<1x64xi32, #tpu.memory_space<vmem>>) target_semaphore(%run_scoped3A : memref<!tpu.dma_semaphore, #tpu.memory_space<semaphore_mem>>)
          %dma_wait3A_149 = arith.constant 0 : i32
          %dma_wait3A_150 = tpu.memref_slice %arg4[%add3A_137, %dma_wait3A_149] : memref<4096x64xi32, #tpu.memory_space<hbm>> -> memref<1x64xi32, #tpu.memory_space<hbm>>
          %dma_wait3A_151 = arith.constant 0 : i32
          %dma_wait3A_152 = tpu.memref_slice %arg4[%add3A_137, %dma_wait3A_151] : memref<4096x64xi32, #tpu.memory_space<hbm>> -> memref<1x64xi32, #tpu.memory_space<hbm>>
          tpu.wait_dma2 semaphore(%run_scoped3A : memref<!tpu.dma_semaphore, #tpu.memory_space<semaphore_mem>>) src(%dma_wait3A_152 : memref<1x64xi32, #tpu.memory_space<hbm>>) dst(%arg8 : memref<1x64xi32, #tpu.memory_space<vmem>>)
          tpu.yield
        }) : () -> ()
        %dma_start3A_138 = arith.constant 0 : i32
        %dma_start3A_139 = arith.constant 0 : i32
        %dma_start3A_140 = tpu.memref_slice %arg8[%dma_start3A_138, %dma_start3A_139] : memref<1x64xi32, #tpu.memory_space<vmem>> -> memref<1x64xi32, #tpu.memory_space<vmem>>
        %dma_start3A_141 = tpu.memref_squeeze %dma_start3A_140 : memref<1x64xi32, #tpu.memory_space<vmem>> -> memref<64xi32, #tpu.memory_space<vmem>>
        %dma_start3A_142 = arith.constant 0 : i32
        %dma_start3A_143 = arith.constant 0 : i32
        %dma_start3A_144 = tpu.memref_slice %arg2[%dma_start3A_142, %dma_start3A_143] : memref<65536x128xf32, #tpu.memory_space<hbm>> -> memref<65536x128xf32, #tpu.memory_space<hbm>>
        tpu.enqueue_indirect_dma source(%dma_start3A_144 : memref<65536x128xf32, #tpu.memory_space<hbm>>) target(%arg10 : memref<64x128xf32, #tpu.memory_space<vmem>>) offsets(%dma_start3A_141 : memref<64xi32, #tpu.memory_space<vmem>>) semaphore(%arg15 : memref<!tpu.dma_semaphore, #tpu.memory_space<semaphore_mem>>)
      } else {
      }
      %dma_wait3A_109 = arith.constant 0 : i32
      %dma_wait3A_110 = arith.constant 0 : i32
      %dma_wait3A_111 = tpu.memref_slice %arg9[%dma_wait3A_109, %dma_wait3A_110] : memref<1x64xi32, #tpu.memory_space<vmem>> -> memref<1x64xi32, #tpu.memory_space<vmem>>
      %dma_wait3A_112 = tpu.memref_squeeze %dma_wait3A_111 : memref<1x64xi32, #tpu.memory_space<vmem>> -> memref<64xi32, #tpu.memory_space<vmem>>
      %dma_wait3A_113 = arith.constant 0 : i32
      %dma_wait3A_114 = arith.constant 0 : i32
      %dma_wait3A_115 = tpu.memref_slice %arg2[%dma_wait3A_113, %dma_wait3A_114] : memref<65536x128xf32, #tpu.memory_space<hbm>> -> memref<65536x128xf32, #tpu.memory_space<hbm>>
      tpu.wait_indirect_dma semaphore(%arg16 : memref<!tpu.dma_semaphore, #tpu.memory_space<semaphore_mem>>) src(%dma_wait3A_115 : memref<65536x128xf32, #tpu.memory_space<hbm>>) dst(%arg11 : memref<64x128xf32, #tpu.memory_space<vmem>>)
      %ge3A_116 = arith.constant 2 : i32
      %ge3A_117 = arith.cmpi sge, %add3A_101, %ge3A_116 : i32
      %convert_element_type3A_118 = arith.extui %ge3A_117 : i1 to i32
      %cond3A_119 = arith.constant 0 : i32
      %cond3A_120 = arith.cmpi ne, %convert_element_type3A_118, %cond3A_119 : i32
      scf.if %cond3A_120 {
        %dma_wait3A_133 = arith.constant 0 : i32
        %dma_wait3A_134 = arith.constant 0 : i32
        %dma_wait3A_135 = tpu.memref_slice %arg5[%dma_wait3A_133, %dma_wait3A_134] : memref<262144x256xf32, #tpu.memory_space<hbm>> -> memref<64x256xf32, #tpu.memory_space<hbm>>
        %dma_wait3A_136 = arith.constant 0 : i32
        %dma_wait3A_137 = arith.constant 0 : i32
        %dma_wait3A_138 = tpu.memref_slice %arg5[%dma_wait3A_136, %dma_wait3A_137] : memref<262144x256xf32, #tpu.memory_space<hbm>> -> memref<64x256xf32, #tpu.memory_space<hbm>>
        tpu.wait_dma2 semaphore(%arg18 : memref<!tpu.dma_semaphore, #tpu.memory_space<semaphore_mem>>) src(%arg13 : memref<64x256xf32, #tpu.memory_space<vmem>>) dst(%dma_wait3A_138 : memref<64x256xf32, #tpu.memory_space<hbm>>)
      } else {
      }
      %parallel_loop3A_121 = arith.constant 0 : i32
      %parallel_loop3A_122 = arith.constant 64 : i32
      %parallel_loop3A_123 = arith.constant 1 : i32
      scf.for %parallel_loop3A_133 = %parallel_loop3A_121 to %parallel_loop3A_122 step %parallel_loop3A_123  : i32 {
        %parallel_loop3A_134 = arith.constant 2 : i32
        %parallel_loop3A_135 = arith.muli %add3A_101, %parallel_loop3A_134 : i32
        %parallel_loop3A_136 = arith.constant 32 : i32
        %parallel_loop3A_137 = arith.divsi %parallel_loop3A_133, %parallel_loop3A_136 : i32
        %parallel_loop3A_138 = arith.constant 0 : i32
        %parallel_loop3A_139 = arith.cmpi sgt, %parallel_loop3A_133, %parallel_loop3A_138 : i32
        %parallel_loop3A_140 = arith.extui %parallel_loop3A_139 : i1 to i32
        %parallel_loop3A_141 = arith.constant 0 : i32
        %parallel_loop3A_142 = arith.cmpi slt, %parallel_loop3A_133, %parallel_loop3A_141 : i32
        %parallel_loop3A_143 = arith.extui %parallel_loop3A_142 : i1 to i32
        %parallel_loop3A_144 = arith.subi %parallel_loop3A_140, %parallel_loop3A_143 : i32
        %parallel_loop3A_145 = arith.constant 0 : i32
        %parallel_loop3A_146 = arith.cmpi sgt, %parallel_loop3A_136, %parallel_loop3A_145 : i32
        %parallel_loop3A_147 = arith.extui %parallel_loop3A_146 : i1 to i32
        %parallel_loop3A_148 = arith.constant 0 : i32
        %parallel_loop3A_149 = arith.cmpi slt, %parallel_loop3A_136, %parallel_loop3A_148 : i32
        %parallel_loop3A_150 = arith.extui %parallel_loop3A_149 : i1 to i32
        %parallel_loop3A_151 = arith.subi %parallel_loop3A_147, %parallel_loop3A_150 : i32
        %parallel_loop3A_152 = arith.cmpi ne, %parallel_loop3A_144, %parallel_loop3A_151 : i32
        %parallel_loop3A_153 = arith.remsi %parallel_loop3A_133, %parallel_loop3A_136 : i32
        %parallel_loop3A_154 = arith.constant 0 : i32
        %parallel_loop3A_155 = arith.cmpi ne, %parallel_loop3A_153, %parallel_loop3A_154 : i32
        %parallel_loop3A_156 = arith.andi %parallel_loop3A_152, %parallel_loop3A_155 : i1
        %parallel_loop3A_157 = arith.constant 1 : i32
        %parallel_loop3A_158 = arith.subi %parallel_loop3A_137, %parallel_loop3A_157 : i32
        %parallel_loop3A_159 = arith.select %parallel_loop3A_156, %parallel_loop3A_158, %parallel_loop3A_137 : i32
        %parallel_loop3A_160 = arith.addi %parallel_loop3A_135, %parallel_loop3A_159 : i32
        %parallel_loop3A_161 = arith.index_cast %parallel_loop3A_160 : i32 to index
        %parallel_loop3A_162 = arith.constant 0 : index
        %parallel_loop3A_163 = tpu.vector_load %arg7[%parallel_loop3A_161, %parallel_loop3A_162] {strides = array<i32>} : memref<256x128xf32, #tpu.memory_space<vmem>>, vector<1x16xf32>,
        %parallel_loop3A_164 = vector.shape_cast %parallel_loop3A_163 : vector<1x16xf32> to vector<16xf32>
        %parallel_loop3A_165 = arith.index_cast %parallel_loop3A_133 : i32 to index
        %parallel_loop3A_166 = arith.constant 0 : index
        %parallel_loop3A_167 = tpu.vector_load %arg11[%parallel_loop3A_165, %parallel_loop3A_166] {strides = array<i32>} : memref<64x128xf32, #tpu.memory_space<vmem>>, vector<1x16xf32>,
        %parallel_loop3A_168 = vector.shape_cast %parallel_loop3A_167 : vector<1x16xf32> to vector<16xf32>
        %parallel_loop3A_169 = arith.subf %parallel_loop3A_168, %parallel_loop3A_164 : vector<16xf32>
        %parallel_loop3A_170 = arith.index_cast %parallel_loop3A_133 : i32 to index
        %parallel_loop3A_171 = arith.constant 0 : index
        %parallel_loop3A_172 = tpu.vector_load %arg13[%parallel_loop3A_170, %parallel_loop3A_171] {strides = array<i32>} : memref<64x256xf32, #tpu.memory_space<vmem>>, vector<1x16xf32>,
        %parallel_loop3A_173 = vector.shape_cast %parallel_loop3A_172 : vector<1x16xf32> to vector<16xf32>
        %parallel_loop3A_174 = vector.shape_cast %parallel_loop3A_169 : vector<16xf32> to vector<1x16xf32>
        tpu.vector_store %arg13[%parallel_loop3A_170, %parallel_loop3A_171], %parallel_loop3A_174 {strides = array<i32>} : memref<64x256xf32, #tpu.memory_space<vmem>>, vector<1x16xf32>,
        %parallel_loop3A_175 = arith.index_cast %parallel_loop3A_133 : i32 to index
        %parallel_loop3A_176 = arith.constant 128 : index
        %parallel_loop3A_177 = tpu.vector_load %arg13[%parallel_loop3A_175, %parallel_loop3A_176] {strides = array<i32>} : memref<64x256xf32, #tpu.memory_space<vmem>>, vector<1x16xf32>,
        %parallel_loop3A_178 = vector.shape_cast %parallel_loop3A_177 : vector<1x16xf32> to vector<16xf32>
        %parallel_loop3A_179 = vector.shape_cast %parallel_loop3A_164 : vector<16xf32> to vector<1x16xf32>
        tpu.vector_store %arg13[%parallel_loop3A_175, %parallel_loop3A_176], %parallel_loop3A_179 {strides = array<i32>} : memref<64x256xf32, #tpu.memory_space<vmem>>, vector<1x16xf32>,
        %parallel_loop3A_180 = arith.index_cast %parallel_loop3A_160 : i32 to index
        %parallel_loop3A_181 = arith.constant 16 : index
        %parallel_loop3A_182 = tpu.vector_load %arg7[%parallel_loop3A_180, %parallel_loop3A_181] {strides = array<i32>} : memref<256x128xf32, #tpu.memory_space<vmem>>, vector<1x16xf32>,
        %parallel_loop3A_183 = vector.shape_cast %parallel_loop3A_182 : vector<1x16xf32> to vector<16xf32>
        %parallel_loop3A_184 = arith.index_cast %parallel_loop3A_133 : i32 to index
        %parallel_loop3A_185 = arith.constant 16 : index
        %parallel_loop3A_186 = tpu.vector_load %arg11[%parallel_loop3A_184, %parallel_loop3A_185] {strides = array<i32>} : memref<64x128xf32, #tpu.memory_space<vmem>>, vector<1x16xf32>,
        %parallel_loop3A_187 = vector.shape_cast %parallel_loop3A_186 : vector<1x16xf32> to vector<16xf32>
        %parallel_loop3A_188 = arith.subf %parallel_loop3A_187, %parallel_loop3A_183 : vector<16xf32>
        %parallel_loop3A_189 = arith.index_cast %parallel_loop3A_133 : i32 to index
        %parallel_loop3A_190 = arith.constant 16 : index
        %parallel_loop3A_191 = tpu.vector_load %arg13[%parallel_loop3A_189, %parallel_loop3A_190] {strides = array<i32>} : memref<64x256xf32, #tpu.memory_space<vmem>>, vector<1x16xf32>,
        %parallel_loop3A_192 = vector.shape_cast %parallel_loop3A_191 : vector<1x16xf32> to vector<16xf32>
        %parallel_loop3A_193 = vector.shape_cast %parallel_loop3A_188 : vector<16xf32> to vector<1x16xf32>
        tpu.vector_store %arg13[%parallel_loop3A_189, %parallel_loop3A_190], %parallel_loop3A_193 {strides = array<i32>} : memref<64x256xf32, #tpu.memory_space<vmem>>, vector<1x16xf32>,
        %parallel_loop3A_194 = arith.index_cast %parallel_loop3A_133 : i32 to index
        %parallel_loop3A_195 = arith.constant 144 : index
        %parallel_loop3A_196 = tpu.vector_load %arg13[%parallel_loop3A_194, %parallel_loop3A_195] {strides = array<i32>} : memref<64x256xf32, #tpu.memory_space<vmem>>, vector<1x16xf32>,
        %parallel_loop3A_197 = vector.shape_cast %parallel_loop3A_196 : vector<1x16xf32> to vector<16xf32>
        %parallel_loop3A_198 = vector.shape_cast %parallel_loop3A_183 : vector<16xf32> to vector<1x16xf32>
        tpu.vector_store %arg13[%parallel_loop3A_194, %parallel_loop3A_195], %parallel_loop3A_198 {strides = array<i32>} : memref<64x256xf32, #tpu.memory_space<vmem>>, vector<1x16xf32>,
        %parallel_loop3A_199 = arith.index_cast %parallel_loop3A_160 : i32 to index
        %parallel_loop3A_200 = arith.constant 32 : index
        %parallel_loop3A_201 = tpu.vector_load %arg7[%parallel_loop3A_199, %parallel_loop3A_200] {strides = array<i32>} : memref<256x128xf32, #tpu.memory_space<vmem>>, vector<1x16xf32>,
        %parallel_loop3A_202 = vector.shape_cast %parallel_loop3A_201 : vector<1x16xf32> to vector<16xf32>
        %parallel_loop3A_203 = arith.index_cast %parallel_loop3A_133 : i32 to index
        %parallel_loop3A_204 = arith.constant 32 : index
        %parallel_loop3A_205 = tpu.vector_load %arg11[%parallel_loop3A_203, %parallel_loop3A_204] {strides = array<i32>} : memref<64x128xf32, #tpu.memory_space<vmem>>, vector<1x16xf32>,
        %parallel_loop3A_206 = vector.shape_cast %parallel_loop3A_205 : vector<1x16xf32> to vector<16xf32>
        %parallel_loop3A_207 = arith.subf %parallel_loop3A_206, %parallel_loop3A_202 : vector<16xf32>
        %parallel_loop3A_208 = arith.index_cast %parallel_loop3A_133 : i32 to index
        %parallel_loop3A_209 = arith.constant 32 : index
        %parallel_loop3A_210 = tpu.vector_load %arg13[%parallel_loop3A_208, %parallel_loop3A_209] {strides = array<i32>} : memref<64x256xf32, #tpu.memory_space<vmem>>, vector<1x16xf32>,
        %parallel_loop3A_211 = vector.shape_cast %parallel_loop3A_210 : vector<1x16xf32> to vector<16xf32>
        %parallel_loop3A_212 = vector.shape_cast %parallel_loop3A_207 : vector<16xf32> to vector<1x16xf32>
        tpu.vector_store %arg13[%parallel_loop3A_208, %parallel_loop3A_209], %parallel_loop3A_212 {strides = array<i32>} : memref<64x256xf32, #tpu.memory_space<vmem>>, vector<1x16xf32>,
        %parallel_loop3A_213 = arith.index_cast %parallel_loop3A_133 : i32 to index
        %parallel_loop3A_214 = arith.constant 160 : index
        %parallel_loop3A_215 = tpu.vector_load %arg13[%parallel_loop3A_213, %parallel_loop3A_214] {strides = array<i32>} : memref<64x256xf32, #tpu.memory_space<vmem>>, vector<1x16xf32>,
        %parallel_loop3A_216 = vector.shape_cast %parallel_loop3A_215 : vector<1x16xf32> to vector<16xf32>
        %parallel_loop3A_217 = vector.shape_cast %parallel_loop3A_202 : vector<16xf32> to vector<1x16xf32>
        tpu.vector_store %arg13[%parallel_loop3A_213, %parallel_loop3A_214], %parallel_loop3A_217 {strides = array<i32>} : memref<64x256xf32, #tpu.memory_space<vmem>>, vector<1x16xf32>,
        %parallel_loop3A_218 = arith.index_cast %parallel_loop3A_160 : i32 to index
        %parallel_loop3A_219 = arith.constant 48 : index
        %parallel_loop3A_220 = tpu.vector_load %arg7[%parallel_loop3A_218, %parallel_loop3A_219] {strides = array<i32>} : memref<256x128xf32, #tpu.memory_space<vmem>>, vector<1x16xf32>,
        %parallel_loop3A_221 = vector.shape_cast %parallel_loop3A_220 : vector<1x16xf32> to vector<16xf32>
        %parallel_loop3A_222 = arith.index_cast %parallel_loop3A_133 : i32 to index
        %parallel_loop3A_223 = arith.constant 48 : index
        %parallel_loop3A_224 = tpu.vector_load %arg11[%parallel_loop3A_222, %parallel_loop3A_223] {strides = array<i32>} : memref<64x128xf32, #tpu.memory_space<vmem>>, vector<1x16xf32>,
        %parallel_loop3A_225 = vector.shape_cast %parallel_loop3A_224 : vector<1x16xf32> to vector<16xf32>
        %parallel_loop3A_226 = arith.subf %parallel_loop3A_225, %parallel_loop3A_221 : vector<16xf32>
        %parallel_loop3A_227 = arith.index_cast %parallel_loop3A_133 : i32 to index
        %parallel_loop3A_228 = arith.constant 48 : index
        %parallel_loop3A_229 = tpu.vector_load %arg13[%parallel_loop3A_227, %parallel_loop3A_228] {strides = array<i32>} : memref<64x256xf32, #tpu.memory_space<vmem>>, vector<1x16xf32>,
        %parallel_loop3A_230 = vector.shape_cast %parallel_loop3A_229 : vector<1x16xf32> to vector<16xf32>
        %parallel_loop3A_231 = vector.shape_cast %parallel_loop3A_226 : vector<16xf32> to vector<1x16xf32>
        tpu.vector_store %arg13[%parallel_loop3A_227, %parallel_loop3A_228], %parallel_loop3A_231 {strides = array<i32>} : memref<64x256xf32, #tpu.memory_space<vmem>>, vector<1x16xf32>,
        %parallel_loop3A_232 = arith.index_cast %parallel_loop3A_133 : i32 to index
        %parallel_loop3A_233 = arith.constant 176 : index
        %parallel_loop3A_234 = tpu.vector_load %arg13[%parallel_loop3A_232, %parallel_loop3A_233] {strides = array<i32>} : memref<64x256xf32, #tpu.memory_space<vmem>>, vector<1x16xf32>,
        %parallel_loop3A_235 = vector.shape_cast %parallel_loop3A_234 : vector<1x16xf32> to vector<16xf32>
        %parallel_loop3A_236 = vector.shape_cast %parallel_loop3A_221 : vector<16xf32> to vector<1x16xf32>
        tpu.vector_store %arg13[%parallel_loop3A_232, %parallel_loop3A_233], %parallel_loop3A_236 {strides = array<i32>} : memref<64x256xf32, #tpu.memory_space<vmem>>, vector<1x16xf32>,
        %parallel_loop3A_237 = arith.index_cast %parallel_loop3A_160 : i32 to index
        %parallel_loop3A_238 = arith.constant 64 : index
        %parallel_loop3A_239 = tpu.vector_load %arg7[%parallel_loop3A_237, %parallel_loop3A_238] {strides = array<i32>} : memref<256x128xf32, #tpu.memory_space<vmem>>, vector<1x16xf32>,
        %parallel_loop3A_240 = vector.shape_cast %parallel_loop3A_239 : vector<1x16xf32> to vector<16xf32>
        %parallel_loop3A_241 = arith.index_cast %parallel_loop3A_133 : i32 to index
        %parallel_loop3A_242 = arith.constant 64 : index
        %parallel_loop3A_243 = tpu.vector_load %arg11[%parallel_loop3A_241, %parallel_loop3A_242] {strides = array<i32>} : memref<64x128xf32, #tpu.memory_space<vmem>>, vector<1x16xf32>,
        %parallel_loop3A_244 = vector.shape_cast %parallel_loop3A_243 : vector<1x16xf32> to vector<16xf32>
        %parallel_loop3A_245 = arith.subf %parallel_loop3A_244, %parallel_loop3A_240 : vector<16xf32>
        %parallel_loop3A_246 = arith.index_cast %parallel_loop3A_133 : i32 to index
        %parallel_loop3A_247 = arith.constant 64 : index
        %parallel_loop3A_248 = tpu.vector_load %arg13[%parallel_loop3A_246, %parallel_loop3A_247] {strides = array<i32>} : memref<64x256xf32, #tpu.memory_space<vmem>>, vector<1x16xf32>,
        %parallel_loop3A_249 = vector.shape_cast %parallel_loop3A_248 : vector<1x16xf32> to vector<16xf32>
        %parallel_loop3A_250 = vector.shape_cast %parallel_loop3A_245 : vector<16xf32> to vector<1x16xf32>
        tpu.vector_store %arg13[%parallel_loop3A_246, %parallel_loop3A_247], %parallel_loop3A_250 {strides = array<i32>} : memref<64x256xf32, #tpu.memory_space<vmem>>, vector<1x16xf32>,
        %parallel_loop3A_251 = arith.index_cast %parallel_loop3A_133 : i32 to index
        %parallel_loop3A_252 = arith.constant 192 : index
        %parallel_loop3A_253 = tpu.vector_load %arg13[%parallel_loop3A_251, %parallel_loop3A_252] {strides = array<i32>} : memref<64x256xf32, #tpu.memory_space<vmem>>, vector<1x16xf32>,
        %parallel_loop3A_254 = vector.shape_cast %parallel_loop3A_253 : vector<1x16xf32> to vector<16xf32>
        %parallel_loop3A_255 = vector.shape_cast %parallel_loop3A_240 : vector<16xf32> to vector<1x16xf32>
        tpu.vector_store %arg13[%parallel_loop3A_251, %parallel_loop3A_252], %parallel_loop3A_255 {strides = array<i32>} : memref<64x256xf32, #tpu.memory_space<vmem>>, vector<1x16xf32>,
        %parallel_loop3A_256 = arith.index_cast %parallel_loop3A_160 : i32 to index
        %parallel_loop3A_257 = arith.constant 80 : index
        %parallel_loop3A_258 = tpu.vector_load %arg7[%parallel_loop3A_256, %parallel_loop3A_257] {strides = array<i32>} : memref<256x128xf32, #tpu.memory_space<vmem>>, vector<1x16xf32>,
        %parallel_loop3A_259 = vector.shape_cast %parallel_loop3A_258 : vector<1x16xf32> to vector<16xf32>
        %parallel_loop3A_260 = arith.index_cast %parallel_loop3A_133 : i32 to index
        %parallel_loop3A_261 = arith.constant 80 : index
        %parallel_loop3A_262 = tpu.vector_load %arg11[%parallel_loop3A_260, %parallel_loop3A_261] {strides = array<i32>} : memref<64x128xf32, #tpu.memory_space<vmem>>, vector<1x16xf32>,
        %parallel_loop3A_263 = vector.shape_cast %parallel_loop3A_262 : vector<1x16xf32> to vector<16xf32>
        %parallel_loop3A_264 = arith.subf %parallel_loop3A_263, %parallel_loop3A_259 : vector<16xf32>
        %parallel_loop3A_265 = arith.index_cast %parallel_loop3A_133 : i32 to index
        %parallel_loop3A_266 = arith.constant 80 : index
        %parallel_loop3A_267 = tpu.vector_load %arg13[%parallel_loop3A_265, %parallel_loop3A_266] {strides = array<i32>} : memref<64x256xf32, #tpu.memory_space<vmem>>, vector<1x16xf32>,
        %parallel_loop3A_268 = vector.shape_cast %parallel_loop3A_267 : vector<1x16xf32> to vector<16xf32>
        %parallel_loop3A_269 = vector.shape_cast %parallel_loop3A_264 : vector<16xf32> to vector<1x16xf32>
        tpu.vector_store %arg13[%parallel_loop3A_265, %parallel_loop3A_266], %parallel_loop3A_269 {strides = array<i32>} : memref<64x256xf32, #tpu.memory_space<vmem>>, vector<1x16xf32>,
        %parallel_loop3A_270 = arith.index_cast %parallel_loop3A_133 : i32 to index
        %parallel_loop3A_271 = arith.constant 208 : index
        %parallel_loop3A_272 = tpu.vector_load %arg13[%parallel_loop3A_270, %parallel_loop3A_271] {strides = array<i32>} : memref<64x256xf32, #tpu.memory_space<vmem>>, vector<1x16xf32>,
        %parallel_loop3A_273 = vector.shape_cast %parallel_loop3A_272 : vector<1x16xf32> to vector<16xf32>
        %parallel_loop3A_274 = vector.shape_cast %parallel_loop3A_259 : vector<16xf32> to vector<1x16xf32>
        tpu.vector_store %arg13[%parallel_loop3A_270, %parallel_loop3A_271], %parallel_loop3A_274 {strides = array<i32>} : memref<64x256xf32, #tpu.memory_space<vmem>>, vector<1x16xf32>,
        %parallel_loop3A_275 = arith.index_cast %parallel_loop3A_160 : i32 to index
        %parallel_loop3A_276 = arith.constant 96 : index
        %parallel_loop3A_277 = tpu.vector_load %arg7[%parallel_loop3A_275, %parallel_loop3A_276] {strides = array<i32>} : memref<256x128xf32, #tpu.memory_space<vmem>>, vector<1x16xf32>,
        %parallel_loop3A_278 = vector.shape_cast %parallel_loop3A_277 : vector<1x16xf32> to vector<16xf32>
        %parallel_loop3A_279 = arith.index_cast %parallel_loop3A_133 : i32 to index
        %parallel_loop3A_280 = arith.constant 96 : index
        %parallel_loop3A_281 = tpu.vector_load %arg11[%parallel_loop3A_279, %parallel_loop3A_280] {strides = array<i32>} : memref<64x128xf32, #tpu.memory_space<vmem>>, vector<1x16xf32>,
        %parallel_loop3A_282 = vector.shape_cast %parallel_loop3A_281 : vector<1x16xf32> to vector<16xf32>
        %parallel_loop3A_283 = arith.subf %parallel_loop3A_282, %parallel_loop3A_278 : vector<16xf32>
        %parallel_loop3A_284 = arith.index_cast %parallel_loop3A_133 : i32 to index
        %parallel_loop3A_285 = arith.constant 96 : index
        %parallel_loop3A_286 = tpu.vector_load %arg13[%parallel_loop3A_284, %parallel_loop3A_285] {strides = array<i32>} : memref<64x256xf32, #tpu.memory_space<vmem>>, vector<1x16xf32>,
        %parallel_loop3A_287 = vector.shape_cast %parallel_loop3A_286 : vector<1x16xf32> to vector<16xf32>
        %parallel_loop3A_288 = vector.shape_cast %parallel_loop3A_283 : vector<16xf32> to vector<1x16xf32>
        tpu.vector_store %arg13[%parallel_loop3A_284, %parallel_loop3A_285], %parallel_loop3A_288 {strides = array<i32>} : memref<64x256xf32, #tpu.memory_space<vmem>>, vector<1x16xf32>,
        %parallel_loop3A_289 = arith.index_cast %parallel_loop3A_133 : i32 to index
        %parallel_loop3A_290 = arith.constant 224 : index
        %parallel_loop3A_291 = tpu.vector_load %arg13[%parallel_loop3A_289, %parallel_loop3A_290] {strides = array<i32>} : memref<64x256xf32, #tpu.memory_space<vmem>>, vector<1x16xf32>,
        %parallel_loop3A_292 = vector.shape_cast %parallel_loop3A_291 : vector<1x16xf32> to vector<16xf32>
        %parallel_loop3A_293 = vector.shape_cast %parallel_loop3A_278 : vector<16xf32> to vector<1x16xf32>
        tpu.vector_store %arg13[%parallel_loop3A_289, %parallel_loop3A_290], %parallel_loop3A_293 {strides = array<i32>} : memref<64x256xf32, #tpu.memory_space<vmem>>, vector<1x16xf32>,
        %parallel_loop3A_294 = arith.index_cast %parallel_loop3A_160 : i32 to index
        %parallel_loop3A_295 = arith.constant 112 : index
        %parallel_loop3A_296 = tpu.vector_load %arg7[%parallel_loop3A_294, %parallel_loop3A_295] {strides = array<i32>} : memref<256x128xf32, #tpu.memory_space<vmem>>, vector<1x16xf32>,
        %parallel_loop3A_297 = vector.shape_cast %parallel_loop3A_296 : vector<1x16xf32> to vector<16xf32>
        %parallel_loop3A_298 = arith.index_cast %parallel_loop3A_133 : i32 to index
        %parallel_loop3A_299 = arith.constant 112 : index
        %parallel_loop3A_300 = tpu.vector_load %arg11[%parallel_loop3A_298, %parallel_loop3A_299] {strides = array<i32>} : memref<64x128xf32, #tpu.memory_space<vmem>>, vector<1x16xf32>,
        %parallel_loop3A_301 = vector.shape_cast %parallel_loop3A_300 : vector<1x16xf32> to vector<16xf32>
        %parallel_loop3A_302 = arith.subf %parallel_loop3A_301, %parallel_loop3A_297 : vector<16xf32>
        %parallel_loop3A_303 = arith.index_cast %parallel_loop3A_133 : i32 to index
        %parallel_loop3A_304 = arith.constant 112 : index
        %parallel_loop3A_305 = tpu.vector_load %arg13[%parallel_loop3A_303, %parallel_loop3A_304] {strides = array<i32>} : memref<64x256xf32, #tpu.memory_space<vmem>>, vector<1x16xf32>,
        %parallel_loop3A_306 = vector.shape_cast %parallel_loop3A_305 : vector<1x16xf32> to vector<16xf32>
        %parallel_loop3A_307 = vector.shape_cast %parallel_loop3A_302 : vector<16xf32> to vector<1x16xf32>
        tpu.vector_store %arg13[%parallel_loop3A_303, %parallel_loop3A_304], %parallel_loop3A_307 {strides = array<i32>} : memref<64x256xf32, #tpu.memory_space<vmem>>, vector<1x16xf32>,
        %parallel_loop3A_308 = arith.index_cast %parallel_loop3A_133 : i32 to index
        %parallel_loop3A_309 = arith.constant 240 : index
        %parallel_loop3A_310 = tpu.vector_load %arg13[%parallel_loop3A_308, %parallel_loop3A_309] {strides = array<i32>} : memref<64x256xf32, #tpu.memory_space<vmem>>, vector<1x16xf32>,
        %parallel_loop3A_311 = vector.shape_cast %parallel_loop3A_310 : vector<1x16xf32> to vector<16xf32>
        %parallel_loop3A_312 = vector.shape_cast %parallel_loop3A_297 : vector<16xf32> to vector<1x16xf32>
        tpu.vector_store %arg13[%parallel_loop3A_308, %parallel_loop3A_309], %parallel_loop3A_312 {strides = array<i32>} : memref<64x256xf32, #tpu.memory_space<vmem>>, vector<1x16xf32>,
      } {sc.loop_unroll_factor = 2 : i64, sc.parallel_access}
      %mul3A_124 = arith.constant 128 : i32
      %mul3A_125 = arith.muli %add3A, %mul3A_124 : i32
      %add3A_126 = arith.addi %mul3A_125, %add3A_101 : i32
      %mul3A_127 = arith.constant 64 : i32
      %mul3A_128 = arith.muli %add3A_126, %mul3A_127 : i32
      %dma_start3A_129 = arith.constant 0 : i32
      %dma_start3A_130 = tpu.memref_slice %arg5[%mul3A_128, %dma_start3A_129] : memref<262144x256xf32, #tpu.memory_space<hbm>> -> memref<64x256xf32, #tpu.memory_space<hbm>>
      %dma_start3A_131 = arith.constant 0 : i32
      %dma_start3A_132 = tpu.memref_slice %arg5[%mul3A_128, %dma_start3A_131] : memref<262144x256xf32, #tpu.memory_space<hbm>> -> memref<64x256xf32, #tpu.memory_space<hbm>>
      tpu.enqueue_dma source(%arg13 : memref<64x256xf32, #tpu.memory_space<vmem>>) target(%dma_start3A_132 : memref<64x256xf32, #tpu.memory_space<hbm>>) target_semaphore(%arg18 : memref<!tpu.dma_semaphore, #tpu.memory_space<semaphore_mem>>)
    }
    %scan3A_54 = arith.constant 64 : i32
    %dma_wait3A_55 = arith.constant 0 : i32
    %dma_wait3A_56 = arith.constant 0 : i32
    %dma_wait3A_57 = tpu.memref_slice %arg5[%dma_wait3A_55, %dma_wait3A_56] : memref<262144x256xf32, #tpu.memory_space<hbm>> -> memref<64x256xf32, #tpu.memory_space<hbm>>
    %dma_wait3A_58 = arith.constant 0 : i32
    %dma_wait3A_59 = arith.constant 0 : i32
    %dma_wait3A_60 = tpu.memref_slice %arg5[%dma_wait3A_58, %dma_wait3A_59] : memref<262144x256xf32, #tpu.memory_space<hbm>> -> memref<64x256xf32, #tpu.memory_space<hbm>>
    tpu.wait_dma2 semaphore(%arg17 : memref<!tpu.dma_semaphore, #tpu.memory_space<semaphore_mem>>) src(%arg12 : memref<64x256xf32, #tpu.memory_space<vmem>>) dst(%dma_wait3A_60 : memref<64x256xf32, #tpu.memory_space<hbm>>)
    %dma_wait3A_61 = arith.constant 0 : i32
    %dma_wait3A_62 = arith.constant 0 : i32
    %dma_wait3A_63 = tpu.memref_slice %arg5[%dma_wait3A_61, %dma_wait3A_62] : memref<262144x256xf32, #tpu.memory_space<hbm>> -> memref<64x256xf32, #tpu.memory_space<hbm>>
    %dma_wait3A_64 = arith.constant 0 : i32
    %dma_wait3A_65 = arith.constant 0 : i32
    %dma_wait3A_66 = tpu.memref_slice %arg5[%dma_wait3A_64, %dma_wait3A_65] : memref<262144x256xf32, #tpu.memory_space<hbm>> -> memref<64x256xf32, #tpu.memory_space<hbm>>
    tpu.wait_dma2 semaphore(%arg18 : memref<!tpu.dma_semaphore, #tpu.memory_space<semaphore_mem>>) src(%arg13 : memref<64x256xf32, #tpu.memory_space<vmem>>) dst(%dma_wait3A_66 : memref<64x256xf32, #tpu.memory_space<hbm>>)
    return
  }
}

module attributes {stable_mosaic.version = 14 : i64} {
  func.func @_tc_body(%arg0: i32, %arg1: i32, %arg2: memref<1x8192x3xf32, #tpu.memory_space<vmem>>, %arg3: memref<1x1x128xi32, #tpu.memory_space<vmem>>, %arg4: memref<1x3x128xf32, #tpu.memory_space<vmem>>, %arg5: memref<1x32x128xi32, #tpu.memory_space<vmem>>) attributes {dimension_semantics = [#tpu.dimension_semantics<arbitrary>, #tpu.dimension_semantics<arbitrary>], iteration_bounds = array<i64: 8, 8>, scalar_prefetch = 0 : i64, scratch_operands = 0 : i64, tpu.core_type = #tpu.core_type<tc>, window_params = [{transform_indices = @transform_0, window_bounds = array<i64: 1, 8192, 3>}, {transform_indices = @transform_1, window_bounds = array<i64: 1, 1, 128>}, {transform_indices = @transform_2, window_bounds = array<i64: 1, 3, 128>}, {transform_indices = @transform_3, window_bounds = array<i64: 1, 32, 128>}]} {
    %get3A = arith.constant 0 : index
    %get3A_0 = arith.constant 0 : index
    %get3A_1 = arith.constant 0 : index
    %get3A_2 = vector.load %arg2[%get3A, %get3A_0, %get3A_1] : memref<1x8192x3xf32, #tpu.memory_space<vmem>>, vector<1x8192x3xf32>
    %get3A_3 = vector.shape_cast %get3A_2 : vector<1x8192x3xf32> to vector<8192x3xf32>
    %get3A_4 = arith.constant 0 : index
    %get3A_5 = arith.constant 0 : index
    %get3A_6 = arith.constant 0 : index
    %get3A_7 = vector.load %arg3[%get3A_4, %get3A_5, %get3A_6] : memref<1x1x128xi32, #tpu.memory_space<vmem>>, vector<1x1x128xi32>
    %get3A_8 = vector.shape_cast %get3A_7 : vector<1x1x128xi32> to vector<128xi32>
    %iota3A = tpu.iota {dimensions = array<i32: 0>} : vector<8192x128xi32>
    %broadcast_in_dim3A = vector.shape_cast %get3A_8 : vector<128xi32> to vector<1x128xi32>
    %eq3A = vector.broadcast %broadcast_in_dim3A : vector<1x128xi32> to vector<8192x128xi32>
    %eq3A_9 = arith.cmpi eq, %iota3A, %eq3A : vector<8192x128xi32>
    %convert_element_type3A = arith.extui %eq3A_9 : vector<8192x128xi1> to vector<8192x128xi32>
    %convert_element_type3A_10 = arith.sitofp %convert_element_type3A : vector<8192x128xi32> to vector<8192x128xf32>
    %dot_general3A = arith.constant dense<0.000000e+00> : vector<3x128xf32>
    %dot_general3A_11 = tpu.matmul %get3A_3, %convert_element_type3A_10, %dot_general3A {dimension_numbers = #tpu.dot_dimension_numbers<[0], [0], [1], [1], [0, 1, 1, 1], [], []>, transpose_lhs_hint = false} : vector<8192x3xf32>, vector<8192x128xf32>, vector<3x128xf32> -> vector<3x128xf32>
    %swap3A = arith.constant 0 : index
    %swap3A_12 = arith.constant 0 : index
    %swap3A_13 = arith.constant 0 : index
    %swap3A_14 = vector.load %arg4[%swap3A, %swap3A_12, %swap3A_13] : memref<1x3x128xf32, #tpu.memory_space<vmem>>, vector<1x3x128xf32>
    %swap3A_15 = vector.shape_cast %swap3A_14 : vector<1x3x128xf32> to vector<3x128xf32>
    %swap3A_16 = vector.shape_cast %dot_general3A_11 : vector<3x128xf32> to vector<1x3x128xf32>
    tpu.vector_store %arg4[%swap3A, %swap3A_12, %swap3A_13], %swap3A_16 {strides = array<i32>} : memref<1x3x128xf32, #tpu.memory_space<vmem>>, vector<1x3x128xf32>,
    %mul3A = arith.constant -2.000000e+00 : f32
    %mul3A_17 = vector.broadcast %mul3A : f32 to vector<3x128xf32>
    %mul3A_18 = arith.mulf %mul3A_17, %dot_general3A_11 : vector<3x128xf32>
    %dot_general3A_19 = arith.constant dense<0.000000e+00> : vector<8192x128xf32>
    %dot_general3A_20 = tpu.matmul %get3A_3, %mul3A_18, %dot_general3A_19 {dimension_numbers = #tpu.dot_dimension_numbers<[1], [0], [0], [1], [0, 0, 1, 1], [], []>, transpose_lhs_hint = false} : vector<8192x3xf32>, vector<3x128xf32>, vector<8192x128xf32> -> vector<8192x128xf32>
    %mul3A_21 = arith.mulf %dot_general3A_11, %dot_general3A_11 : vector<3x128xf32>
    %reduce_sum3A = arith.constant dense<0.000000e+00> : vector<128xf32>
    %reduce_sum3A_22 = vector.multi_reduction <add>, %mul3A_21, %reduce_sum3A [0] : vector<3x128xf32> to vector<128xf32>
    %broadcast_in_dim3A_23 = vector.shape_cast %reduce_sum3A_22 : vector<128xf32> to vector<1x128xf32>
    %mul3A_24 = arith.mulf %get3A_3, %get3A_3 : vector<8192x3xf32>
    %reduce_sum3A_25 = arith.constant dense<0.000000e+00> : vector<8192xf32>
    %reduce_sum3A_26 = vector.multi_reduction <add>, %mul3A_24, %reduce_sum3A_25 [1] : vector<8192x3xf32> to vector<8192xf32>
    %broadcast_in_dim3A_27 = vector.shape_cast %reduce_sum3A_26 : vector<8192xf32> to vector<8192x1xf32>
    %add3A = vector.broadcast %broadcast_in_dim3A_23 : vector<1x128xf32> to vector<8192x128xf32>
    %add3A_28 = arith.addf %dot_general3A_20, %add3A : vector<8192x128xf32>
    %add3A_29 = vector.broadcast %broadcast_in_dim3A_27 : vector<8192x1xf32> to vector<8192x128xf32>
    %add3A_30 = arith.addf %add3A_28, %add3A_29 : vector<8192x128xf32>
    %reshape3A = vector.shape_cast %add3A_30 : vector<8192x128xf32> to vector<64x128x128xf32>
    %reduce_min3A = arith.constant dense<0x7F800000> : vector<64x128xf32>
    %reduce_min3A_31 = vector.multi_reduction <minimumf>, %reshape3A, %reduce_min3A [1] : vector<64x128x128xf32> to vector<64x128xf32>
    %iota3A_32 = tpu.iota {dimensions = array<i32: 0>} : vector<64x128xi32>
    %iota3A_33 = tpu.iota {dimensions = array<i32: 0>} : vector<128x128xi32>
    %iota3A_34 = tpu.iota {dimensions = array<i32: 0>} : vector<64x1x1xi32>
    %mul3A_35 = arith.constant 8192 : i32
    %mul3A_36 = arith.muli %arg0, %mul3A_35 : i32
    %broadcast_in_dim3A_37 = arith.constant 0xFF800000 : f32
    %broadcast_in_dim3A_38 = vector.broadcast %broadcast_in_dim3A_37 : f32 to vector<64x128xf32>
    %broadcast_in_dim3A_39 = arith.constant -1 : i32
    %broadcast_in_dim3A_40 = vector.broadcast %broadcast_in_dim3A_39 : i32 to vector<64x128xi32>
    %reduce_min3A_41 = arith.constant dense<0x7F800000> : vector<128xf32>
    %reduce_min3A_42 = vector.multi_reduction <minimumf>, %reduce_min3A_31, %reduce_min3A_41 [0] : vector<64x128xf32> to vector<128xf32>
    %broadcast_in_dim3A_43 = vector.shape_cast %reduce_min3A_42 : vector<128xf32> to vector<1x128xf32>
    %eq3A_44 = vector.broadcast %broadcast_in_dim3A_43 : vector<1x128xf32> to vector<64x128xf32>
    %eq3A_45 = arith.cmpf oeq, %reduce_min3A_31, %eq3A_44 : vector<64x128xf32>
    %jit3A = arith.constant 64 : i32
    %broadcast_in_dim3A_46 = vector.broadcast %jit3A : i32 to vector<64x128xi32>
    %select_n3A = arith.select %eq3A_45, %iota3A_32, %broadcast_in_dim3A_46 : vector<64x128xi1>, vector<64x128xi32>
    %reduce_min3A_47 = arith.constant dense<2147483647> : vector<128xi32>
    %reduce_min3A_48 = vector.multi_reduction <minsi>, %select_n3A, %reduce_min3A_47 [0] : vector<64x128xi32> to vector<128xi32>
    %broadcast_in_dim3A_49 = vector.shape_cast %reduce_min3A_48 : vector<128xi32> to vector<1x128xi32>
    %eq3A_50 = vector.broadcast %broadcast_in_dim3A_49 : vector<1x128xi32> to vector<64x128xi32>
    %eq3A_51 = arith.cmpi eq, %iota3A_32, %eq3A_50 : vector<64x128xi32>
    %broadcast_in_dim3A_52 = vector.shape_cast %broadcast_in_dim3A_49 : vector<1x128xi32> to vector<1x1x128xi32>
    %eq3A_53 = vector.broadcast %iota3A_34 : vector<64x1x1xi32> to vector<64x1x128xi32>
    %eq3A_54 = vector.broadcast %broadcast_in_dim3A_52 : vector<1x1x128xi32> to vector<64x1x128xi32>
    %eq3A_55 = arith.cmpi eq, %eq3A_53, %eq3A_54 : vector<64x1x128xi32>
    %jit3A_56 = arith.constant 0x7F800000 : f32
    %broadcast_in_dim3A_57 = vector.shape_cast %eq3A_55 : vector<64x1x128xi1> to vector<64x1x128xi1>
    %broadcast_in_dim3A_58 = vector.broadcast %broadcast_in_dim3A_57 : vector<64x1x128xi1> to vector<64x128x128xi1>
    %broadcast_in_dim3A_59 = vector.broadcast %jit3A_56 : f32 to vector<64x128x128xf32>
    %select_n3A_60 = arith.select %broadcast_in_dim3A_58, %reshape3A, %broadcast_in_dim3A_59 : vector<64x128x128xi1>, vector<64x128x128xf32>
    %reduce_min3A_61 = arith.constant dense<0x7F800000> : vector<128x128xf32>
    %reduce_min3A_62 = vector.multi_reduction <minimumf>, %select_n3A_60, %reduce_min3A_61 [0] : vector<64x128x128xf32> to vector<128x128xf32>
    %jit3A_63 = arith.constant 0x7F800000 : f32
    %broadcast_in_dim3A_64 = vector.broadcast %jit3A_63 : f32 to vector<64x128xf32>
    %select_n3A_65 = arith.select %eq3A_51, %broadcast_in_dim3A_38, %broadcast_in_dim3A_64 : vector<64x128xi1>, vector<64x128xf32>
    %reduce_min3A_66 = arith.constant dense<0x7F800000> : vector<128xf32>
    %reduce_min3A_67 = vector.multi_reduction <minimumf>, %select_n3A_65, %reduce_min3A_66 [0] : vector<64x128xf32> to vector<128xf32>
    %broadcast_in_dim3A_68 = vector.shape_cast %reduce_min3A_67 : vector<128xf32> to vector<1x128xf32>
    %jit3A_69 = arith.constant -1 : i32
    %broadcast_in_dim3A_70 = vector.broadcast %jit3A_69 : i32 to vector<64x128xi32>
    %select_n3A_71 = arith.select %eq3A_51, %broadcast_in_dim3A_40, %broadcast_in_dim3A_70 : vector<64x128xi1>, vector<64x128xi32>
    %reduce_max3A = arith.constant dense<-2147483648> : vector<128xi32>
    %reduce_max3A_72 = vector.multi_reduction <maxsi>, %select_n3A_71, %reduce_max3A [0] : vector<64x128xi32> to vector<128xi32>
    %broadcast_in_dim3A_73 = vector.shape_cast %reduce_max3A_72 : vector<128xi32> to vector<1x128xi32>
    %lt3A = vector.broadcast %broadcast_in_dim3A_68 : vector<1x128xf32> to vector<128x128xf32>
    %lt3A_74 = arith.cmpf olt, %reduce_min3A_62, %lt3A : vector<128x128xf32>
    %eq3A_75 = vector.broadcast %broadcast_in_dim3A_68 : vector<1x128xf32> to vector<128x128xf32>
    %eq3A_76 = arith.cmpf oeq, %reduce_min3A_62, %eq3A_75 : vector<128x128xf32>
    %le3A = vector.broadcast %broadcast_in_dim3A_73 : vector<1x128xi32> to vector<128x128xi32>
    %le3A_77 = arith.cmpi sle, %iota3A_33, %le3A : vector<128x128xi32>
    %and3A = arith.andi %eq3A_76, %le3A_77 : vector<128x128xi1>
    %or3A = arith.ori %lt3A_74, %and3A : vector<128x128xi1>
    %jit3A_78 = arith.constant 0x7F800000 : f32
    %broadcast_in_dim3A_79 = vector.broadcast %jit3A_78 : f32 to vector<128x128xf32>
    %select_n3A_80 = arith.select %or3A, %broadcast_in_dim3A_79, %reduce_min3A_62 : vector<128x128xi1>, vector<128x128xf32>
    %eq3A_81 = vector.broadcast %broadcast_in_dim3A_43 : vector<1x128xf32> to vector<128x128xf32>
    %eq3A_82 = arith.cmpf oeq, %select_n3A_80, %eq3A_81 : vector<128x128xf32>
    %jit3A_83 = arith.constant 128 : i32
    %broadcast_in_dim3A_84 = vector.broadcast %jit3A_83 : i32 to vector<128x128xi32>
    %select_n3A_85 = arith.select %eq3A_82, %iota3A_33, %broadcast_in_dim3A_84 : vector<128x128xi1>, vector<128x128xi32>
    %reduce_min3A_86 = arith.constant dense<2147483647> : vector<128xi32>
    %reduce_min3A_87 = vector.multi_reduction <minsi>, %select_n3A_85, %reduce_min3A_86 [0] : vector<128x128xi32> to vector<128xi32>
    %broadcast_in_dim3A_88 = vector.shape_cast %reduce_min3A_87 : vector<128xi32> to vector<1x128xi32>
    %mul3A_89 = arith.constant 128 : i32
    %mul3A_90 = vector.broadcast %mul3A_89 : i32 to vector<1x128xi32>
    %mul3A_91 = arith.muli %broadcast_in_dim3A_49, %mul3A_90 : vector<1x128xi32>
    %add3A_92 = arith.addi %mul3A_91, %broadcast_in_dim3A_88 : vector<1x128xi32>
    %add3A_93 = vector.broadcast %mul3A_36 : i32 to vector<1x128xi32>
    %add3A_94 = arith.addi %add3A_92, %add3A_93 : vector<1x128xi32>
    %swap3A_95 = arith.constant 0 : index
    %swap3A_96 = arith.constant 0 : index
    %swap3A_97 = arith.constant 0 : index
    %swap3A_98 = vector.load %arg5[%swap3A_95, %swap3A_96, %swap3A_97] : memref<1x32x128xi32, #tpu.memory_space<vmem>>, vector<1x1x128xi32>
    %swap3A_99 = vector.shape_cast %swap3A_98 : vector<1x1x128xi32> to vector<1x128xi32>
    %swap3A_100 = vector.shape_cast %add3A_94 : vector<1x128xi32> to vector<1x1x128xi32>
    tpu.vector_store %arg5[%swap3A_95, %swap3A_96, %swap3A_97], %swap3A_100 {strides = array<i32>} : memref<1x32x128xi32, #tpu.memory_space<vmem>>, vector<1x1x128xi32>,
    %eq3A_101 = vector.broadcast %broadcast_in_dim3A_88 : vector<1x128xi32> to vector<128x128xi32>
    %eq3A_102 = arith.cmpi eq, %iota3A_33, %eq3A_101 : vector<128x128xi32>
    %jit3A_103 = arith.constant 0x7F800000 : f32
    %broadcast_in_dim3A_104 = vector.broadcast %jit3A_103 : f32 to vector<128x128xf32>
    %select_n3A_105 = arith.select %eq3A_102, %broadcast_in_dim3A_104, %select_n3A_80 : vector<128x128xi1>, vector<128x128xf32>
    %reduce_min3A_106 = arith.constant dense<0x7F800000> : vector<128xf32>
    %reduce_min3A_107 = vector.multi_reduction <minimumf>, %select_n3A_105, %reduce_min3A_106 [0] : vector<128x128xf32> to vector<128xf32>
    %broadcast_in_dim3A_108 = vector.shape_cast %reduce_min3A_107 : vector<128xf32> to vector<1x128xf32>
    %broadcast_in_dim3A_109 = vector.shape_cast %broadcast_in_dim3A_108 : vector<1x128xf32> to vector<1x128xf32>
    %broadcast_in_dim3A_110 = vector.broadcast %broadcast_in_dim3A_109 : vector<1x128xf32> to vector<64x128xf32>
    %select_n3A_111 = arith.select %eq3A_51, %broadcast_in_dim3A_110, %reduce_min3A_31 : vector<64x128xi1>, vector<64x128xf32>
    %broadcast_in_dim3A_112 = vector.shape_cast %broadcast_in_dim3A_43 : vector<1x128xf32> to vector<1x128xf32>
    %broadcast_in_dim3A_113 = vector.broadcast %broadcast_in_dim3A_112 : vector<1x128xf32> to vector<64x128xf32>
    %select_n3A_114 = arith.select %eq3A_51, %broadcast_in_dim3A_113, %broadcast_in_dim3A_38 : vector<64x128xi1>, vector<64x128xf32>
    %broadcast_in_dim3A_115 = vector.shape_cast %broadcast_in_dim3A_88 : vector<1x128xi32> to vector<1x128xi32>
    %broadcast_in_dim3A_116 = vector.broadcast %broadcast_in_dim3A_115 : vector<1x128xi32> to vector<64x128xi32>
    %select_n3A_117 = arith.select %eq3A_51, %broadcast_in_dim3A_116, %broadcast_in_dim3A_40 : vector<64x128xi1>, vector<64x128xi32>
    %reduce_min3A_118 = arith.constant dense<0x7F800000> : vector<128xf32>
    %reduce_min3A_119 = vector.multi_reduction <minimumf>, %select_n3A_111, %reduce_min3A_118 [0] : vector<64x128xf32> to vector<128xf32>
    %broadcast_in_dim3A_120 = vector.shape_cast %reduce_min3A_119 : vector<128xf32> to vector<1x128xf32>
    %eq3A_121 = vector.broadcast %broadcast_in_dim3A_120 : vector<1x128xf32> to vector<64x128xf32>
    %eq3A_122 = arith.cmpf oeq, %select_n3A_111, %eq3A_121 : vector<64x128xf32>
    %jit3A_123 = arith.constant 64 : i32
    %broadcast_in_dim3A_124 = vector.broadcast %jit3A_123 : i32 to vector<64x128xi32>
    %select_n3A_125 = arith.select %eq3A_122, %iota3A_32, %broadcast_in_dim3A_124 : vector<64x128xi1>, vector<64x128xi32>
    %reduce_min3A_126 = arith.constant dense<2147483647> : vector<128xi32>
    %reduce_min3A_127 = vector.multi_reduction <minsi>, %select_n3A_125, %reduce_min3A_126 [0] : vector<64x128xi32> to vector<128xi32>
    %broadcast_in_dim3A_128 = vector.shape_cast %reduce_min3A_127 : vector<128xi32> to vector<1x128xi32>
    %eq3A_129 = vector.broadcast %broadcast_in_dim3A_128 : vector<1x128xi32> to vector<64x128xi32>
    %eq3A_130 = arith.cmpi eq, %iota3A_32, %eq3A_129 : vector<64x128xi32>
    %broadcast_in_dim3A_131 = vector.shape_cast %broadcast_in_dim3A_128 : vector<1x128xi32> to vector<1x1x128xi32>
    %eq3A_132 = vector.broadcast %iota3A_34 : vector<64x1x1xi32> to vector<64x1x128xi32>
    %eq3A_133 = vector.broadcast %broadcast_in_dim3A_131 : vector<1x1x128xi32> to vector<64x1x128xi32>
    %eq3A_134 = arith.cmpi eq, %eq3A_132, %eq3A_133 : vector<64x1x128xi32>
    %jit3A_135 = arith.constant 0x7F800000 : f32
    %broadcast_in_dim3A_136 = vector.shape_cast %eq3A_134 : vector<64x1x128xi1> to vector<64x1x128xi1>
    %broadcast_in_dim3A_137 = vector.broadcast %broadcast_in_dim3A_136 : vector<64x1x128xi1> to vector<64x128x128xi1>
    %broadcast_in_dim3A_138 = vector.broadcast %jit3A_135 : f32 to vector<64x128x128xf32>
    %select_n3A_139 = arith.select %broadcast_in_dim3A_137, %reshape3A, %broadcast_in_dim3A_138 : vector<64x128x128xi1>, vector<64x128x128xf32>
    %reduce_min3A_140 = arith.constant dense<0x7F800000> : vector<128x128xf32>
    %reduce_min3A_141 = vector.multi_reduction <minimumf>, %select_n3A_139, %reduce_min3A_140 [0] : vector<64x128x128xf32> to vector<128x128xf32>
    %jit3A_142 = arith.constant 0x7F800000 : f32
    %broadcast_in_dim3A_143 = vector.broadcast %jit3A_142 : f32 to vector<64x128xf32>
    %select_n3A_144 = arith.select %eq3A_130, %select_n3A_114, %broadcast_in_dim3A_143 : vector<64x128xi1>, vector<64x128xf32>
    %reduce_min3A_145 = arith.constant dense<0x7F800000> : vector<128xf32>
    %reduce_min3A_146 = vector.multi_reduction <minimumf>, %select_n3A_144, %reduce_min3A_145 [0] : vector<64x128xf32> to vector<128xf32>
    %broadcast_in_dim3A_147 = vector.shape_cast %reduce_min3A_146 : vector<128xf32> to vector<1x128xf32>
    %jit3A_148 = arith.constant -1 : i32
    %broadcast_in_dim3A_149 = vector.broadcast %jit3A_148 : i32 to vector<64x128xi32>
    %select_n3A_150 = arith.select %eq3A_130, %select_n3A_117, %broadcast_in_dim3A_149 : vector<64x128xi1>, vector<64x128xi32>
    %reduce_max3A_151 = arith.constant dense<-2147483648> : vector<128xi32>
    %reduce_max3A_152 = vector.multi_reduction <maxsi>, %select_n3A_150, %reduce_max3A_151 [0] : vector<64x128xi32> to vector<128xi32>
    %broadcast_in_dim3A_153 = vector.shape_cast %reduce_max3A_152 : vector<128xi32> to vector<1x128xi32>
    %lt3A_154 = vector.broadcast %broadcast_in_dim3A_147 : vector<1x128xf32> to vector<128x128xf32>
    %lt3A_155 = arith.cmpf olt, %reduce_min3A_141, %lt3A_154 : vector<128x128xf32>
    %eq3A_156 = vector.broadcast %broadcast_in_dim3A_147 : vector<1x128xf32> to vector<128x128xf32>
    %eq3A_157 = arith.cmpf oeq, %reduce_min3A_141, %eq3A_156 : vector<128x128xf32>
    %le3A_158 = vector.broadcast %broadcast_in_dim3A_153 : vector<1x128xi32> to vector<128x128xi32>
    %le3A_159 = arith.cmpi sle, %iota3A_33, %le3A_158 : vector<128x128xi32>
    %and3A_160 = arith.andi %eq3A_157, %le3A_159 : vector<128x128xi1>
    %or3A_161 = arith.ori %lt3A_155, %and3A_160 : vector<128x128xi1>
    %jit3A_162 = arith.constant 0x7F800000 : f32
    %broadcast_in_dim3A_163 = vector.broadcast %jit3A_162 : f32 to vector<128x128xf32>
    %select_n3A_164 = arith.select %or3A_161, %broadcast_in_dim3A_163, %reduce_min3A_141 : vector<128x128xi1>, vector<128x128xf32>
    %eq3A_165 = vector.broadcast %broadcast_in_dim3A_120 : vector<1x128xf32> to vector<128x128xf32>
    %eq3A_166 = arith.cmpf oeq, %select_n3A_164, %eq3A_165 : vector<128x128xf32>
    %jit3A_167 = arith.constant 128 : i32
    %broadcast_in_dim3A_168 = vector.broadcast %jit3A_167 : i32 to vector<128x128xi32>
    %select_n3A_169 = arith.select %eq3A_166, %iota3A_33, %broadcast_in_dim3A_168 : vector<128x128xi1>, vector<128x128xi32>
    %reduce_min3A_170 = arith.constant dense<2147483647> : vector<128xi32>
    %reduce_min3A_171 = vector.multi_reduction <minsi>, %select_n3A_169, %reduce_min3A_170 [0] : vector<128x128xi32> to vector<128xi32>
    %broadcast_in_dim3A_172 = vector.shape_cast %reduce_min3A_171 : vector<128xi32> to vector<1x128xi32>
    %mul3A_173 = arith.constant 128 : i32
    %mul3A_174 = vector.broadcast %mul3A_173 : i32 to vector<1x128xi32>
    %mul3A_175 = arith.muli %broadcast_in_dim3A_128, %mul3A_174 : vector<1x128xi32>
    %add3A_176 = arith.addi %mul3A_175, %broadcast_in_dim3A_172 : vector<1x128xi32>
    %add3A_177 = vector.broadcast %mul3A_36 : i32 to vector<1x128xi32>
    %add3A_178 = arith.addi %add3A_176, %add3A_177 : vector<1x128xi32>
    %swap3A_179 = arith.constant 0 : index
    %swap3A_180 = arith.constant 1 : index
    %swap3A_181 = arith.constant 0 : index
    %swap3A_182 = vector.load %arg5[%swap3A_179, %swap3A_180, %swap3A_181] : memref<1x32x128xi32, #tpu.memory_space<vmem>>, vector<1x1x128xi32>
    %swap3A_183 = vector.shape_cast %swap3A_182 : vector<1x1x128xi32> to vector<1x128xi32>
    %swap3A_184 = vector.shape_cast %add3A_178 : vector<1x128xi32> to vector<1x1x128xi32>
    tpu.vector_store %arg5[%swap3A_179, %swap3A_180, %swap3A_181], %swap3A_184 {strides = array<i32>} : memref<1x32x128xi32, #tpu.memory_space<vmem>>, vector<1x1x128xi32>,
    %eq3A_185 = vector.broadcast %broadcast_in_dim3A_172 : vector<1x128xi32> to vector<128x128xi32>
    %eq3A_186 = arith.cmpi eq, %iota3A_33, %eq3A_185 : vector<128x128xi32>
    %jit3A_187 = arith.constant 0x7F800000 : f32
    %broadcast_in_dim3A_188 = vector.broadcast %jit3A_187 : f32 to vector<128x128xf32>
    %select_n3A_189 = arith.select %eq3A_186, %broadcast_in_dim3A_188, %select_n3A_164 : vector<128x128xi1>, vector<128x128xf32>
    %reduce_min3A_190 = arith.constant dense<0x7F800000> : vector<128xf32>
    %reduce_min3A_191 = vector.multi_reduction <minimumf>, %select_n3A_189, %reduce_min3A_190 [0] : vector<128x128xf32> to vector<128xf32>
    %broadcast_in_dim3A_192 = vector.shape_cast %reduce_min3A_191 : vector<128xf32> to vector<1x128xf32>
    %broadcast_in_dim3A_193 = vector.shape_cast %broadcast_in_dim3A_192 : vector<1x128xf32> to vector<1x128xf32>
    %broadcast_in_dim3A_194 = vector.broadcast %broadcast_in_dim3A_193 : vector<1x128xf32> to vector<64x128xf32>
    %select_n3A_195 = arith.select %eq3A_130, %broadcast_in_dim3A_194, %select_n3A_111 : vector<64x128xi1>, vector<64x128xf32>
    %broadcast_in_dim3A_196 = vector.shape_cast %broadcast_in_dim3A_120 : vector<1x128xf32> to vector<1x128xf32>
    %broadcast_in_dim3A_197 = vector.broadcast %broadcast_in_dim3A_196 : vector<1x128xf32> to vector<64x128xf32>
    %select_n3A_198 = arith.select %eq3A_130, %broadcast_in_dim3A_197, %select_n3A_114 : vector<64x128xi1>, vector<64x128xf32>
    %broadcast_in_dim3A_199 = vector.shape_cast %broadcast_in_dim3A_172 : vector<1x128xi32> to vector<1x128xi32>
    %broadcast_in_dim3A_200 = vector.broadcast %broadcast_in_dim3A_199 : vector<1x128xi32> to vector<64x128xi32>
    %select_n3A_201 = arith.select %eq3A_130, %broadcast_in_dim3A_200, %select_n3A_117 : vector<64x128xi1>, vector<64x128xi32>
    %reduce_min3A_202 = arith.constant dense<0x7F800000> : vector<128xf32>
    %reduce_min3A_203 = vector.multi_reduction <minimumf>, %select_n3A_195, %reduce_min3A_202 [0] : vector<64x128xf32> to vector<128xf32>
    %broadcast_in_dim3A_204 = vector.shape_cast %reduce_min3A_203 : vector<128xf32> to vector<1x128xf32>
    %eq3A_205 = vector.broadcast %broadcast_in_dim3A_204 : vector<1x128xf32> to vector<64x128xf32>
    %eq3A_206 = arith.cmpf oeq, %select_n3A_195, %eq3A_205 : vector<64x128xf32>
    %jit3A_207 = arith.constant 64 : i32
    %broadcast_in_dim3A_208 = vector.broadcast %jit3A_207 : i32 to vector<64x128xi32>
    %select_n3A_209 = arith.select %eq3A_206, %iota3A_32, %broadcast_in_dim3A_208 : vector<64x128xi1>, vector<64x128xi32>
    %reduce_min3A_210 = arith.constant dense<2147483647> : vector<128xi32>
    %reduce_min3A_211 = vector.multi_reduction <minsi>, %select_n3A_209, %reduce_min3A_210 [0] : vector<64x128xi32> to vector<128xi32>
    %broadcast_in_dim3A_212 = vector.shape_cast %reduce_min3A_211 : vector<128xi32> to vector<1x128xi32>
    %eq3A_213 = vector.broadcast %broadcast_in_dim3A_212 : vector<1x128xi32> to vector<64x128xi32>
    %eq3A_214 = arith.cmpi eq, %iota3A_32, %eq3A_213 : vector<64x128xi32>
    %broadcast_in_dim3A_215 = vector.shape_cast %broadcast_in_dim3A_212 : vector<1x128xi32> to vector<1x1x128xi32>
    %eq3A_216 = vector.broadcast %iota3A_34 : vector<64x1x1xi32> to vector<64x1x128xi32>
    %eq3A_217 = vector.broadcast %broadcast_in_dim3A_215 : vector<1x1x128xi32> to vector<64x1x128xi32>
    %eq3A_218 = arith.cmpi eq, %eq3A_216, %eq3A_217 : vector<64x1x128xi32>
    %jit3A_219 = arith.constant 0x7F800000 : f32
    %broadcast_in_dim3A_220 = vector.shape_cast %eq3A_218 : vector<64x1x128xi1> to vector<64x1x128xi1>
    %broadcast_in_dim3A_221 = vector.broadcast %broadcast_in_dim3A_220 : vector<64x1x128xi1> to vector<64x128x128xi1>
    %broadcast_in_dim3A_222 = vector.broadcast %jit3A_219 : f32 to vector<64x128x128xf32>
    %select_n3A_223 = arith.select %broadcast_in_dim3A_221, %reshape3A, %broadcast_in_dim3A_222 : vector<64x128x128xi1>, vector<64x128x128xf32>
    %reduce_min3A_224 = arith.constant dense<0x7F800000> : vector<128x128xf32>
    %reduce_min3A_225 = vector.multi_reduction <minimumf>, %select_n3A_223, %reduce_min3A_224 [0] : vector<64x128x128xf32> to vector<128x128xf32>
    %jit3A_226 = arith.constant 0x7F800000 : f32
    %broadcast_in_dim3A_227 = vector.broadcast %jit3A_226 : f32 to vector<64x128xf32>
    %select_n3A_228 = arith.select %eq3A_214, %select_n3A_198, %broadcast_in_dim3A_227 : vector<64x128xi1>, vector<64x128xf32>
    %reduce_min3A_229 = arith.constant dense<0x7F800000> : vector<128xf32>
    %reduce_min3A_230 = vector.multi_reduction <minimumf>, %select_n3A_228, %reduce_min3A_229 [0] : vector<64x128xf32> to vector<128xf32>
    %broadcast_in_dim3A_231 = vector.shape_cast %reduce_min3A_230 : vector<128xf32> to vector<1x128xf32>
    %jit3A_232 = arith.constant -1 : i32
    %broadcast_in_dim3A_233 = vector.broadcast %jit3A_232 : i32 to vector<64x128xi32>
    %select_n3A_234 = arith.select %eq3A_214, %select_n3A_201, %broadcast_in_dim3A_233 : vector<64x128xi1>, vector<64x128xi32>
    %reduce_max3A_235 = arith.constant dense<-2147483648> : vector<128xi32>
    %reduce_max3A_236 = vector.multi_reduction <maxsi>, %select_n3A_234, %reduce_max3A_235 [0] : vector<64x128xi32> to vector<128xi32>
    %broadcast_in_dim3A_237 = vector.shape_cast %reduce_max3A_236 : vector<128xi32> to vector<1x128xi32>
    %lt3A_238 = vector.broadcast %broadcast_in_dim3A_231 : vector<1x128xf32> to vector<128x128xf32>
    %lt3A_239 = arith.cmpf olt, %reduce_min3A_225, %lt3A_238 : vector<128x128xf32>
    %eq3A_240 = vector.broadcast %broadcast_in_dim3A_231 : vector<1x128xf32> to vector<128x128xf32>
    %eq3A_241 = arith.cmpf oeq, %reduce_min3A_225, %eq3A_240 : vector<128x128xf32>
    %le3A_242 = vector.broadcast %broadcast_in_dim3A_237 : vector<1x128xi32> to vector<128x128xi32>
    %le3A_243 = arith.cmpi sle, %iota3A_33, %le3A_242 : vector<128x128xi32>
    %and3A_244 = arith.andi %eq3A_241, %le3A_243 : vector<128x128xi1>
    %or3A_245 = arith.ori %lt3A_239, %and3A_244 : vector<128x128xi1>
    %jit3A_246 = arith.constant 0x7F800000 : f32
    %broadcast_in_dim3A_247 = vector.broadcast %jit3A_246 : f32 to vector<128x128xf32>
    %select_n3A_248 = arith.select %or3A_245, %broadcast_in_dim3A_247, %reduce_min3A_225 : vector<128x128xi1>, vector<128x128xf32>
    %eq3A_249 = vector.broadcast %broadcast_in_dim3A_204 : vector<1x128xf32> to vector<128x128xf32>
    %eq3A_250 = arith.cmpf oeq, %select_n3A_248, %eq3A_249 : vector<128x128xf32>
    %jit3A_251 = arith.constant 128 : i32
    %broadcast_in_dim3A_252 = vector.broadcast %jit3A_251 : i32 to vector<128x128xi32>
    %select_n3A_253 = arith.select %eq3A_250, %iota3A_33, %broadcast_in_dim3A_252 : vector<128x128xi1>, vector<128x128xi32>
    %reduce_min3A_254 = arith.constant dense<2147483647> : vector<128xi32>
    %reduce_min3A_255 = vector.multi_reduction <minsi>, %select_n3A_253, %reduce_min3A_254 [0] : vector<128x128xi32> to vector<128xi32>
    %broadcast_in_dim3A_256 = vector.shape_cast %reduce_min3A_255 : vector<128xi32> to vector<1x128xi32>
    %mul3A_257 = arith.constant 128 : i32
    %mul3A_258 = vector.broadcast %mul3A_257 : i32 to vector<1x128xi32>
    %mul3A_259 = arith.muli %broadcast_in_dim3A_212, %mul3A_258 : vector<1x128xi32>
    %add3A_260 = arith.addi %mul3A_259, %broadcast_in_dim3A_256 : vector<1x128xi32>
    %add3A_261 = vector.broadcast %mul3A_36 : i32 to vector<1x128xi32>
    %add3A_262 = arith.addi %add3A_260, %add3A_261 : vector<1x128xi32>
    %swap3A_263 = arith.constant 0 : index
    %swap3A_264 = arith.constant 2 : index
    %swap3A_265 = arith.constant 0 : index
    %swap3A_266 = vector.load %arg5[%swap3A_263, %swap3A_264, %swap3A_265] : memref<1x32x128xi32, #tpu.memory_space<vmem>>, vector<1x1x128xi32>
    %swap3A_267 = vector.shape_cast %swap3A_266 : vector<1x1x128xi32> to vector<1x128xi32>
    %swap3A_268 = vector.shape_cast %add3A_262 : vector<1x128xi32> to vector<1x1x128xi32>
    tpu.vector_store %arg5[%swap3A_263, %swap3A_264, %swap3A_265], %swap3A_268 {strides = array<i32>} : memref<1x32x128xi32, #tpu.memory_space<vmem>>, vector<1x1x128xi32>,
    %eq3A_269 = vector.broadcast %broadcast_in_dim3A_256 : vector<1x128xi32> to vector<128x128xi32>
    %eq3A_270 = arith.cmpi eq, %iota3A_33, %eq3A_269 : vector<128x128xi32>
    %jit3A_271 = arith.constant 0x7F800000 : f32
    %broadcast_in_dim3A_272 = vector.broadcast %jit3A_271 : f32 to vector<128x128xf32>
    %select_n3A_273 = arith.select %eq3A_270, %broadcast_in_dim3A_272, %select_n3A_248 : vector<128x128xi1>, vector<128x128xf32>
    %reduce_min3A_274 = arith.constant dense<0x7F800000> : vector<128xf32>
    %reduce_min3A_275 = vector.multi_reduction <minimumf>, %select_n3A_273, %reduce_min3A_274 [0] : vector<128x128xf32> to vector<128xf32>
    %broadcast_in_dim3A_276 = vector.shape_cast %reduce_min3A_275 : vector<128xf32> to vector<1x128xf32>
    %broadcast_in_dim3A_277 = vector.shape_cast %broadcast_in_dim3A_276 : vector<1x128xf32> to vector<1x128xf32>
    %broadcast_in_dim3A_278 = vector.broadcast %broadcast_in_dim3A_277 : vector<1x128xf32> to vector<64x128xf32>
    %select_n3A_279 = arith.select %eq3A_214, %broadcast_in_dim3A_278, %select_n3A_195 : vector<64x128xi1>, vector<64x128xf32>
    %broadcast_in_dim3A_280 = vector.shape_cast %broadcast_in_dim3A_204 : vector<1x128xf32> to vector<1x128xf32>
    %broadcast_in_dim3A_281 = vector.broadcast %broadcast_in_dim3A_280 : vector<1x128xf32> to vector<64x128xf32>
    %select_n3A_282 = arith.select %eq3A_214, %broadcast_in_dim3A_281, %select_n3A_198 : vector<64x128xi1>, vector<64x128xf32>
    %broadcast_in_dim3A_283 = vector.shape_cast %broadcast_in_dim3A_256 : vector<1x128xi32> to vector<1x128xi32>
    %broadcast_in_dim3A_284 = vector.broadcast %broadcast_in_dim3A_283 : vector<1x128xi32> to vector<64x128xi32>
    %select_n3A_285 = arith.select %eq3A_214, %broadcast_in_dim3A_284, %select_n3A_201 : vector<64x128xi1>, vector<64x128xi32>
    %reduce_min3A_286 = arith.constant dense<0x7F800000> : vector<128xf32>
    %reduce_min3A_287 = vector.multi_reduction <minimumf>, %select_n3A_279, %reduce_min3A_286 [0] : vector<64x128xf32> to vector<128xf32>
    %broadcast_in_dim3A_288 = vector.shape_cast %reduce_min3A_287 : vector<128xf32> to vector<1x128xf32>
    %eq3A_289 = vector.broadcast %broadcast_in_dim3A_288 : vector<1x128xf32> to vector<64x128xf32>
    %eq3A_290 = arith.cmpf oeq, %select_n3A_279, %eq3A_289 : vector<64x128xf32>
    %jit3A_291 = arith.constant 64 : i32
    %broadcast_in_dim3A_292 = vector.broadcast %jit3A_291 : i32 to vector<64x128xi32>
    %select_n3A_293 = arith.select %eq3A_290, %iota3A_32, %broadcast_in_dim3A_292 : vector<64x128xi1>, vector<64x128xi32>
    %reduce_min3A_294 = arith.constant dense<2147483647> : vector<128xi32>
    %reduce_min3A_295 = vector.multi_reduction <minsi>, %select_n3A_293, %reduce_min3A_294 [0] : vector<64x128xi32> to vector<128xi32>
    %broadcast_in_dim3A_296 = vector.shape_cast %reduce_min3A_295 : vector<128xi32> to vector<1x128xi32>
    %eq3A_297 = vector.broadcast %broadcast_in_dim3A_296 : vector<1x128xi32> to vector<64x128xi32>
    %eq3A_298 = arith.cmpi eq, %iota3A_32, %eq3A_297 : vector<64x128xi32>
    %broadcast_in_dim3A_299 = vector.shape_cast %broadcast_in_dim3A_296 : vector<1x128xi32> to vector<1x1x128xi32>
    %eq3A_300 = vector.broadcast %iota3A_34 : vector<64x1x1xi32> to vector<64x1x128xi32>
    %eq3A_301 = vector.broadcast %broadcast_in_dim3A_299 : vector<1x1x128xi32> to vector<64x1x128xi32>
    %eq3A_302 = arith.cmpi eq, %eq3A_300, %eq3A_301 : vector<64x1x128xi32>
    %jit3A_303 = arith.constant 0x7F800000 : f32
    %broadcast_in_dim3A_304 = vector.shape_cast %eq3A_302 : vector<64x1x128xi1> to vector<64x1x128xi1>
    %broadcast_in_dim3A_305 = vector.broadcast %broadcast_in_dim3A_304 : vector<64x1x128xi1> to vector<64x128x128xi1>
    %broadcast_in_dim3A_306 = vector.broadcast %jit3A_303 : f32 to vector<64x128x128xf32>
    %select_n3A_307 = arith.select %broadcast_in_dim3A_305, %reshape3A, %broadcast_in_dim3A_306 : vector<64x128x128xi1>, vector<64x128x128xf32>
    %reduce_min3A_308 = arith.constant dense<0x7F800000> : vector<128x128xf32>
    %reduce_min3A_309 = vector.multi_reduction <minimumf>, %select_n3A_307, %reduce_min3A_308 [0] : vector<64x128x128xf32> to vector<128x128xf32>
    %jit3A_310 = arith.constant 0x7F800000 : f32
    %broadcast_in_dim3A_311 = vector.broadcast %jit3A_310 : f32 to vector<64x128xf32>
    %select_n3A_312 = arith.select %eq3A_298, %select_n3A_282, %broadcast_in_dim3A_311 : vector<64x128xi1>, vector<64x128xf32>
    %reduce_min3A_313 = arith.constant dense<0x7F800000> : vector<128xf32>
    %reduce_min3A_314 = vector.multi_reduction <minimumf>, %select_n3A_312, %reduce_min3A_313 [0] : vector<64x128xf32> to vector<128xf32>
    %broadcast_in_dim3A_315 = vector.shape_cast %reduce_min3A_314 : vector<128xf32> to vector<1x128xf32>
    %jit3A_316 = arith.constant -1 : i32
    %broadcast_in_dim3A_317 = vector.broadcast %jit3A_316 : i32 to vector<64x128xi32>
    %select_n3A_318 = arith.select %eq3A_298, %select_n3A_285, %broadcast_in_dim3A_317 : vector<64x128xi1>, vector<64x128xi32>
    %reduce_max3A_319 = arith.constant dense<-2147483648> : vector<128xi32>
    %reduce_max3A_320 = vector.multi_reduction <maxsi>, %select_n3A_318, %reduce_max3A_319 [0] : vector<64x128xi32> to vector<128xi32>
    %broadcast_in_dim3A_321 = vector.shape_cast %reduce_max3A_320 : vector<128xi32> to vector<1x128xi32>
    %lt3A_322 = vector.broadcast %broadcast_in_dim3A_315 : vector<1x128xf32> to vector<128x128xf32>
    %lt3A_323 = arith.cmpf olt, %reduce_min3A_309, %lt3A_322 : vector<128x128xf32>
    %eq3A_324 = vector.broadcast %broadcast_in_dim3A_315 : vector<1x128xf32> to vector<128x128xf32>
    %eq3A_325 = arith.cmpf oeq, %reduce_min3A_309, %eq3A_324 : vector<128x128xf32>
    %le3A_326 = vector.broadcast %broadcast_in_dim3A_321 : vector<1x128xi32> to vector<128x128xi32>
    %le3A_327 = arith.cmpi sle, %iota3A_33, %le3A_326 : vector<128x128xi32>
    %and3A_328 = arith.andi %eq3A_325, %le3A_327 : vector<128x128xi1>
    %or3A_329 = arith.ori %lt3A_323, %and3A_328 : vector<128x128xi1>
    %jit3A_330 = arith.constant 0x7F800000 : f32
    %broadcast_in_dim3A_331 = vector.broadcast %jit3A_330 : f32 to vector<128x128xf32>
    %select_n3A_332 = arith.select %or3A_329, %broadcast_in_dim3A_331, %reduce_min3A_309 : vector<128x128xi1>, vector<128x128xf32>
    %eq3A_333 = vector.broadcast %broadcast_in_dim3A_288 : vector<1x128xf32> to vector<128x128xf32>
    %eq3A_334 = arith.cmpf oeq, %select_n3A_332, %eq3A_333 : vector<128x128xf32>
    %jit3A_335 = arith.constant 128 : i32
    %broadcast_in_dim3A_336 = vector.broadcast %jit3A_335 : i32 to vector<128x128xi32>
    %select_n3A_337 = arith.select %eq3A_334, %iota3A_33, %broadcast_in_dim3A_336 : vector<128x128xi1>, vector<128x128xi32>
    %reduce_min3A_338 = arith.constant dense<2147483647> : vector<128xi32>
    %reduce_min3A_339 = vector.multi_reduction <minsi>, %select_n3A_337, %reduce_min3A_338 [0] : vector<128x128xi32> to vector<128xi32>
    %broadcast_in_dim3A_340 = vector.shape_cast %reduce_min3A_339 : vector<128xi32> to vector<1x128xi32>
    %mul3A_341 = arith.constant 128 : i32
    %mul3A_342 = vector.broadcast %mul3A_341 : i32 to vector<1x128xi32>
    %mul3A_343 = arith.muli %broadcast_in_dim3A_296, %mul3A_342 : vector<1x128xi32>
    %add3A_344 = arith.addi %mul3A_343, %broadcast_in_dim3A_340 : vector<1x128xi32>
    %add3A_345 = vector.broadcast %mul3A_36 : i32 to vector<1x128xi32>
    %add3A_346 = arith.addi %add3A_344, %add3A_345 : vector<1x128xi32>
    %swap3A_347 = arith.constant 0 : index
    %swap3A_348 = arith.constant 3 : index
    %swap3A_349 = arith.constant 0 : index
    %swap3A_350 = vector.load %arg5[%swap3A_347, %swap3A_348, %swap3A_349] : memref<1x32x128xi32, #tpu.memory_space<vmem>>, vector<1x1x128xi32>
    %swap3A_351 = vector.shape_cast %swap3A_350 : vector<1x1x128xi32> to vector<1x128xi32>
    %swap3A_352 = vector.shape_cast %add3A_346 : vector<1x128xi32> to vector<1x1x128xi32>
    tpu.vector_store %arg5[%swap3A_347, %swap3A_348, %swap3A_349], %swap3A_352 {strides = array<i32>} : memref<1x32x128xi32, #tpu.memory_space<vmem>>, vector<1x1x128xi32>,
    %eq3A_353 = vector.broadcast %broadcast_in_dim3A_340 : vector<1x128xi32> to vector<128x128xi32>
    %eq3A_354 = arith.cmpi eq, %iota3A_33, %eq3A_353 : vector<128x128xi32>
    %jit3A_355 = arith.constant 0x7F800000 : f32
    %broadcast_in_dim3A_356 = vector.broadcast %jit3A_355 : f32 to vector<128x128xf32>
    %select_n3A_357 = arith.select %eq3A_354, %broadcast_in_dim3A_356, %select_n3A_332 : vector<128x128xi1>, vector<128x128xf32>
    %reduce_min3A_358 = arith.constant dense<0x7F800000> : vector<128xf32>
    %reduce_min3A_359 = vector.multi_reduction <minimumf>, %select_n3A_357, %reduce_min3A_358 [0] : vector<128x128xf32> to vector<128xf32>
    %broadcast_in_dim3A_360 = vector.shape_cast %reduce_min3A_359 : vector<128xf32> to vector<1x128xf32>
    %broadcast_in_dim3A_361 = vector.shape_cast %broadcast_in_dim3A_360 : vector<1x128xf32> to vector<1x128xf32>
    %broadcast_in_dim3A_362 = vector.broadcast %broadcast_in_dim3A_361 : vector<1x128xf32> to vector<64x128xf32>
    %select_n3A_363 = arith.select %eq3A_298, %broadcast_in_dim3A_362, %select_n3A_279 : vector<64x128xi1>, vector<64x128xf32>
    %broadcast_in_dim3A_364 = vector.shape_cast %broadcast_in_dim3A_288 : vector<1x128xf32> to vector<1x128xf32>
    %broadcast_in_dim3A_365 = vector.broadcast %broadcast_in_dim3A_364 : vector<1x128xf32> to vector<64x128xf32>
    %select_n3A_366 = arith.select %eq3A_298, %broadcast_in_dim3A_365, %select_n3A_282 : vector<64x128xi1>, vector<64x128xf32>
    %broadcast_in_dim3A_367 = vector.shape_cast %broadcast_in_dim3A_340 : vector<1x128xi32> to vector<1x128xi32>
    %broadcast_in_dim3A_368 = vector.broadcast %broadcast_in_dim3A_367 : vector<1x128xi32> to vector<64x128xi32>
    %select_n3A_369 = arith.select %eq3A_298, %broadcast_in_dim3A_368, %select_n3A_285 : vector<64x128xi1>, vector<64x128xi32>
    %reduce_min3A_370 = arith.constant dense<0x7F800000> : vector<128xf32>
    %reduce_min3A_371 = vector.multi_reduction <minimumf>, %select_n3A_363, %reduce_min3A_370 [0] : vector<64x128xf32> to vector<128xf32>
    %broadcast_in_dim3A_372 = vector.shape_cast %reduce_min3A_371 : vector<128xf32> to vector<1x128xf32>
    %eq3A_373 = vector.broadcast %broadcast_in_dim3A_372 : vector<1x128xf32> to vector<64x128xf32>
    %eq3A_374 = arith.cmpf oeq, %select_n3A_363, %eq3A_373 : vector<64x128xf32>
    %jit3A_375 = arith.constant 64 : i32
    %broadcast_in_dim3A_376 = vector.broadcast %jit3A_375 : i32 to vector<64x128xi32>
    %select_n3A_377 = arith.select %eq3A_374, %iota3A_32, %broadcast_in_dim3A_376 : vector<64x128xi1>, vector<64x128xi32>
    %reduce_min3A_378 = arith.constant dense<2147483647> : vector<128xi32>
    %reduce_min3A_379 = vector.multi_reduction <minsi>, %select_n3A_377, %reduce_min3A_378 [0] : vector<64x128xi32> to vector<128xi32>
    %broadcast_in_dim3A_380 = vector.shape_cast %reduce_min3A_379 : vector<128xi32> to vector<1x128xi32>
    %eq3A_381 = vector.broadcast %broadcast_in_dim3A_380 : vector<1x128xi32> to vector<64x128xi32>
    %eq3A_382 = arith.cmpi eq, %iota3A_32, %eq3A_381 : vector<64x128xi32>
    %broadcast_in_dim3A_383 = vector.shape_cast %broadcast_in_dim3A_380 : vector<1x128xi32> to vector<1x1x128xi32>
    %eq3A_384 = vector.broadcast %iota3A_34 : vector<64x1x1xi32> to vector<64x1x128xi32>
    %eq3A_385 = vector.broadcast %broadcast_in_dim3A_383 : vector<1x1x128xi32> to vector<64x1x128xi32>
    %eq3A_386 = arith.cmpi eq, %eq3A_384, %eq3A_385 : vector<64x1x128xi32>
    %jit3A_387 = arith.constant 0x7F800000 : f32
    %broadcast_in_dim3A_388 = vector.shape_cast %eq3A_386 : vector<64x1x128xi1> to vector<64x1x128xi1>
    %broadcast_in_dim3A_389 = vector.broadcast %broadcast_in_dim3A_388 : vector<64x1x128xi1> to vector<64x128x128xi1>
    %broadcast_in_dim3A_390 = vector.broadcast %jit3A_387 : f32 to vector<64x128x128xf32>
    %select_n3A_391 = arith.select %broadcast_in_dim3A_389, %reshape3A, %broadcast_in_dim3A_390 : vector<64x128x128xi1>, vector<64x128x128xf32>
    %reduce_min3A_392 = arith.constant dense<0x7F800000> : vector<128x128xf32>
    %reduce_min3A_393 = vector.multi_reduction <minimumf>, %select_n3A_391, %reduce_min3A_392 [0] : vector<64x128x128xf32> to vector<128x128xf32>
    %jit3A_394 = arith.constant 0x7F800000 : f32
    %broadcast_in_dim3A_395 = vector.broadcast %jit3A_394 : f32 to vector<64x128xf32>
    %select_n3A_396 = arith.select %eq3A_382, %select_n3A_366, %broadcast_in_dim3A_395 : vector<64x128xi1>, vector<64x128xf32>
    %reduce_min3A_397 = arith.constant dense<0x7F800000> : vector<128xf32>
    %reduce_min3A_398 = vector.multi_reduction <minimumf>, %select_n3A_396, %reduce_min3A_397 [0] : vector<64x128xf32> to vector<128xf32>
    %broadcast_in_dim3A_399 = vector.shape_cast %reduce_min3A_398 : vector<128xf32> to vector<1x128xf32>
    %jit3A_400 = arith.constant -1 : i32
    %broadcast_in_dim3A_401 = vector.broadcast %jit3A_400 : i32 to vector<64x128xi32>
    %select_n3A_402 = arith.select %eq3A_382, %select_n3A_369, %broadcast_in_dim3A_401 : vector<64x128xi1>, vector<64x128xi32>
    %reduce_max3A_403 = arith.constant dense<-2147483648> : vector<128xi32>
    %reduce_max3A_404 = vector.multi_reduction <maxsi>, %select_n3A_402, %reduce_max3A_403 [0] : vector<64x128xi32> to vector<128xi32>
    %broadcast_in_dim3A_405 = vector.shape_cast %reduce_max3A_404 : vector<128xi32> to vector<1x128xi32>
    %lt3A_406 = vector.broadcast %broadcast_in_dim3A_399 : vector<1x128xf32> to vector<128x128xf32>
    %lt3A_407 = arith.cmpf olt, %reduce_min3A_393, %lt3A_406 : vector<128x128xf32>
    %eq3A_408 = vector.broadcast %broadcast_in_dim3A_399 : vector<1x128xf32> to vector<128x128xf32>
    %eq3A_409 = arith.cmpf oeq, %reduce_min3A_393, %eq3A_408 : vector<128x128xf32>
    %le3A_410 = vector.broadcast %broadcast_in_dim3A_405 : vector<1x128xi32> to vector<128x128xi32>
    %le3A_411 = arith.cmpi sle, %iota3A_33, %le3A_410 : vector<128x128xi32>
    %and3A_412 = arith.andi %eq3A_409, %le3A_411 : vector<128x128xi1>
    %or3A_413 = arith.ori %lt3A_407, %and3A_412 : vector<128x128xi1>
    %jit3A_414 = arith.constant 0x7F800000 : f32
    %broadcast_in_dim3A_415 = vector.broadcast %jit3A_414 : f32 to vector<128x128xf32>
    %select_n3A_416 = arith.select %or3A_413, %broadcast_in_dim3A_415, %reduce_min3A_393 : vector<128x128xi1>, vector<128x128xf32>
    %eq3A_417 = vector.broadcast %broadcast_in_dim3A_372 : vector<1x128xf32> to vector<128x128xf32>
    %eq3A_418 = arith.cmpf oeq, %select_n3A_416, %eq3A_417 : vector<128x128xf32>
    %jit3A_419 = arith.constant 128 : i32
    %broadcast_in_dim3A_420 = vector.broadcast %jit3A_419 : i32 to vector<128x128xi32>
    %select_n3A_421 = arith.select %eq3A_418, %iota3A_33, %broadcast_in_dim3A_420 : vector<128x128xi1>, vector<128x128xi32>
    %reduce_min3A_422 = arith.constant dense<2147483647> : vector<128xi32>
    %reduce_min3A_423 = vector.multi_reduction <minsi>, %select_n3A_421, %reduce_min3A_422 [0] : vector<128x128xi32> to vector<128xi32>
    %broadcast_in_dim3A_424 = vector.shape_cast %reduce_min3A_423 : vector<128xi32> to vector<1x128xi32>
    %mul3A_425 = arith.constant 128 : i32
    %mul3A_426 = vector.broadcast %mul3A_425 : i32 to vector<1x128xi32>
    %mul3A_427 = arith.muli %broadcast_in_dim3A_380, %mul3A_426 : vector<1x128xi32>
    %add3A_428 = arith.addi %mul3A_427, %broadcast_in_dim3A_424 : vector<1x128xi32>
    %add3A_429 = vector.broadcast %mul3A_36 : i32 to vector<1x128xi32>
    %add3A_430 = arith.addi %add3A_428, %add3A_429 : vector<1x128xi32>
    %swap3A_431 = arith.constant 0 : index
    %swap3A_432 = arith.constant 4 : index
    %swap3A_433 = arith.constant 0 : index
    %swap3A_434 = vector.load %arg5[%swap3A_431, %swap3A_432, %swap3A_433] : memref<1x32x128xi32, #tpu.memory_space<vmem>>, vector<1x1x128xi32>
    %swap3A_435 = vector.shape_cast %swap3A_434 : vector<1x1x128xi32> to vector<1x128xi32>
    %swap3A_436 = vector.shape_cast %add3A_430 : vector<1x128xi32> to vector<1x1x128xi32>
    tpu.vector_store %arg5[%swap3A_431, %swap3A_432, %swap3A_433], %swap3A_436 {strides = array<i32>} : memref<1x32x128xi32, #tpu.memory_space<vmem>>, vector<1x1x128xi32>,
    %eq3A_437 = vector.broadcast %broadcast_in_dim3A_424 : vector<1x128xi32> to vector<128x128xi32>
    %eq3A_438 = arith.cmpi eq, %iota3A_33, %eq3A_437 : vector<128x128xi32>
    %jit3A_439 = arith.constant 0x7F800000 : f32
    %broadcast_in_dim3A_440 = vector.broadcast %jit3A_439 : f32 to vector<128x128xf32>
    %select_n3A_441 = arith.select %eq3A_438, %broadcast_in_dim3A_440, %select_n3A_416 : vector<128x128xi1>, vector<128x128xf32>
    %reduce_min3A_442 = arith.constant dense<0x7F800000> : vector<128xf32>
    %reduce_min3A_443 = vector.multi_reduction <minimumf>, %select_n3A_441, %reduce_min3A_442 [0] : vector<128x128xf32> to vector<128xf32>
    %broadcast_in_dim3A_444 = vector.shape_cast %reduce_min3A_443 : vector<128xf32> to vector<1x128xf32>
    %broadcast_in_dim3A_445 = vector.shape_cast %broadcast_in_dim3A_444 : vector<1x128xf32> to vector<1x128xf32>
    %broadcast_in_dim3A_446 = vector.broadcast %broadcast_in_dim3A_445 : vector<1x128xf32> to vector<64x128xf32>
    %select_n3A_447 = arith.select %eq3A_382, %broadcast_in_dim3A_446, %select_n3A_363 : vector<64x128xi1>, vector<64x128xf32>
    %broadcast_in_dim3A_448 = vector.shape_cast %broadcast_in_dim3A_372 : vector<1x128xf32> to vector<1x128xf32>
    %broadcast_in_dim3A_449 = vector.broadcast %broadcast_in_dim3A_448 : vector<1x128xf32> to vector<64x128xf32>
    %select_n3A_450 = arith.select %eq3A_382, %broadcast_in_dim3A_449, %select_n3A_366 : vector<64x128xi1>, vector<64x128xf32>
    %broadcast_in_dim3A_451 = vector.shape_cast %broadcast_in_dim3A_424 : vector<1x128xi32> to vector<1x128xi32>
    %broadcast_in_dim3A_452 = vector.broadcast %broadcast_in_dim3A_451 : vector<1x128xi32> to vector<64x128xi32>
    %select_n3A_453 = arith.select %eq3A_382, %broadcast_in_dim3A_452, %select_n3A_369 : vector<64x128xi1>, vector<64x128xi32>
    %reduce_min3A_454 = arith.constant dense<0x7F800000> : vector<128xf32>
    %reduce_min3A_455 = vector.multi_reduction <minimumf>, %select_n3A_447, %reduce_min3A_454 [0] : vector<64x128xf32> to vector<128xf32>
    %broadcast_in_dim3A_456 = vector.shape_cast %reduce_min3A_455 : vector<128xf32> to vector<1x128xf32>
    %eq3A_457 = vector.broadcast %broadcast_in_dim3A_456 : vector<1x128xf32> to vector<64x128xf32>
    %eq3A_458 = arith.cmpf oeq, %select_n3A_447, %eq3A_457 : vector<64x128xf32>
    %jit3A_459 = arith.constant 64 : i32
    %broadcast_in_dim3A_460 = vector.broadcast %jit3A_459 : i32 to vector<64x128xi32>
    %select_n3A_461 = arith.select %eq3A_458, %iota3A_32, %broadcast_in_dim3A_460 : vector<64x128xi1>, vector<64x128xi32>
    %reduce_min3A_462 = arith.constant dense<2147483647> : vector<128xi32>
    %reduce_min3A_463 = vector.multi_reduction <minsi>, %select_n3A_461, %reduce_min3A_462 [0] : vector<64x128xi32> to vector<128xi32>
    %broadcast_in_dim3A_464 = vector.shape_cast %reduce_min3A_463 : vector<128xi32> to vector<1x128xi32>
    %eq3A_465 = vector.broadcast %broadcast_in_dim3A_464 : vector<1x128xi32> to vector<64x128xi32>
    %eq3A_466 = arith.cmpi eq, %iota3A_32, %eq3A_465 : vector<64x128xi32>
    %broadcast_in_dim3A_467 = vector.shape_cast %broadcast_in_dim3A_464 : vector<1x128xi32> to vector<1x1x128xi32>
    %eq3A_468 = vector.broadcast %iota3A_34 : vector<64x1x1xi32> to vector<64x1x128xi32>
    %eq3A_469 = vector.broadcast %broadcast_in_dim3A_467 : vector<1x1x128xi32> to vector<64x1x128xi32>
    %eq3A_470 = arith.cmpi eq, %eq3A_468, %eq3A_469 : vector<64x1x128xi32>
    %jit3A_471 = arith.constant 0x7F800000 : f32
    %broadcast_in_dim3A_472 = vector.shape_cast %eq3A_470 : vector<64x1x128xi1> to vector<64x1x128xi1>
    %broadcast_in_dim3A_473 = vector.broadcast %broadcast_in_dim3A_472 : vector<64x1x128xi1> to vector<64x128x128xi1>
    %broadcast_in_dim3A_474 = vector.broadcast %jit3A_471 : f32 to vector<64x128x128xf32>
    %select_n3A_475 = arith.select %broadcast_in_dim3A_473, %reshape3A, %broadcast_in_dim3A_474 : vector<64x128x128xi1>, vector<64x128x128xf32>
    %reduce_min3A_476 = arith.constant dense<0x7F800000> : vector<128x128xf32>
    %reduce_min3A_477 = vector.multi_reduction <minimumf>, %select_n3A_475, %reduce_min3A_476 [0] : vector<64x128x128xf32> to vector<128x128xf32>
    %jit3A_478 = arith.constant 0x7F800000 : f32
    %broadcast_in_dim3A_479 = vector.broadcast %jit3A_478 : f32 to vector<64x128xf32>
    %select_n3A_480 = arith.select %eq3A_466, %select_n3A_450, %broadcast_in_dim3A_479 : vector<64x128xi1>, vector<64x128xf32>
    %reduce_min3A_481 = arith.constant dense<0x7F800000> : vector<128xf32>
    %reduce_min3A_482 = vector.multi_reduction <minimumf>, %select_n3A_480, %reduce_min3A_481 [0] : vector<64x128xf32> to vector<128xf32>
    %broadcast_in_dim3A_483 = vector.shape_cast %reduce_min3A_482 : vector<128xf32> to vector<1x128xf32>
    %jit3A_484 = arith.constant -1 : i32
    %broadcast_in_dim3A_485 = vector.broadcast %jit3A_484 : i32 to vector<64x128xi32>
    %select_n3A_486 = arith.select %eq3A_466, %select_n3A_453, %broadcast_in_dim3A_485 : vector<64x128xi1>, vector<64x128xi32>
    %reduce_max3A_487 = arith.constant dense<-2147483648> : vector<128xi32>
    %reduce_max3A_488 = vector.multi_reduction <maxsi>, %select_n3A_486, %reduce_max3A_487 [0] : vector<64x128xi32> to vector<128xi32>
    %broadcast_in_dim3A_489 = vector.shape_cast %reduce_max3A_488 : vector<128xi32> to vector<1x128xi32>
    %lt3A_490 = vector.broadcast %broadcast_in_dim3A_483 : vector<1x128xf32> to vector<128x128xf32>
    %lt3A_491 = arith.cmpf olt, %reduce_min3A_477, %lt3A_490 : vector<128x128xf32>
    %eq3A_492 = vector.broadcast %broadcast_in_dim3A_483 : vector<1x128xf32> to vector<128x128xf32>
    %eq3A_493 = arith.cmpf oeq, %reduce_min3A_477, %eq3A_492 : vector<128x128xf32>
    %le3A_494 = vector.broadcast %broadcast_in_dim3A_489 : vector<1x128xi32> to vector<128x128xi32>
    %le3A_495 = arith.cmpi sle, %iota3A_33, %le3A_494 : vector<128x128xi32>
    %and3A_496 = arith.andi %eq3A_493, %le3A_495 : vector<128x128xi1>
    %or3A_497 = arith.ori %lt3A_491, %and3A_496 : vector<128x128xi1>
    %jit3A_498 = arith.constant 0x7F800000 : f32
    %broadcast_in_dim3A_499 = vector.broadcast %jit3A_498 : f32 to vector<128x128xf32>
    %select_n3A_500 = arith.select %or3A_497, %broadcast_in_dim3A_499, %reduce_min3A_477 : vector<128x128xi1>, vector<128x128xf32>
    %eq3A_501 = vector.broadcast %broadcast_in_dim3A_456 : vector<1x128xf32> to vector<128x128xf32>
    %eq3A_502 = arith.cmpf oeq, %select_n3A_500, %eq3A_501 : vector<128x128xf32>
    %jit3A_503 = arith.constant 128 : i32
    %broadcast_in_dim3A_504 = vector.broadcast %jit3A_503 : i32 to vector<128x128xi32>
    %select_n3A_505 = arith.select %eq3A_502, %iota3A_33, %broadcast_in_dim3A_504 : vector<128x128xi1>, vector<128x128xi32>
    %reduce_min3A_506 = arith.constant dense<2147483647> : vector<128xi32>
    %reduce_min3A_507 = vector.multi_reduction <minsi>, %select_n3A_505, %reduce_min3A_506 [0] : vector<128x128xi32> to vector<128xi32>
    %broadcast_in_dim3A_508 = vector.shape_cast %reduce_min3A_507 : vector<128xi32> to vector<1x128xi32>
    %mul3A_509 = arith.constant 128 : i32
    %mul3A_510 = vector.broadcast %mul3A_509 : i32 to vector<1x128xi32>
    %mul3A_511 = arith.muli %broadcast_in_dim3A_464, %mul3A_510 : vector<1x128xi32>
    %add3A_512 = arith.addi %mul3A_511, %broadcast_in_dim3A_508 : vector<1x128xi32>
    %add3A_513 = vector.broadcast %mul3A_36 : i32 to vector<1x128xi32>
    %add3A_514 = arith.addi %add3A_512, %add3A_513 : vector<1x128xi32>
    %swap3A_515 = arith.constant 0 : index
    %swap3A_516 = arith.constant 5 : index
    %swap3A_517 = arith.constant 0 : index
    %swap3A_518 = vector.load %arg5[%swap3A_515, %swap3A_516, %swap3A_517] : memref<1x32x128xi32, #tpu.memory_space<vmem>>, vector<1x1x128xi32>
    %swap3A_519 = vector.shape_cast %swap3A_518 : vector<1x1x128xi32> to vector<1x128xi32>
    %swap3A_520 = vector.shape_cast %add3A_514 : vector<1x128xi32> to vector<1x1x128xi32>
    tpu.vector_store %arg5[%swap3A_515, %swap3A_516, %swap3A_517], %swap3A_520 {strides = array<i32>} : memref<1x32x128xi32, #tpu.memory_space<vmem>>, vector<1x1x128xi32>,
    %eq3A_521 = vector.broadcast %broadcast_in_dim3A_508 : vector<1x128xi32> to vector<128x128xi32>
    %eq3A_522 = arith.cmpi eq, %iota3A_33, %eq3A_521 : vector<128x128xi32>
    %jit3A_523 = arith.constant 0x7F800000 : f32
    %broadcast_in_dim3A_524 = vector.broadcast %jit3A_523 : f32 to vector<128x128xf32>
    %select_n3A_525 = arith.select %eq3A_522, %broadcast_in_dim3A_524, %select_n3A_500 : vector<128x128xi1>, vector<128x128xf32>
    %reduce_min3A_526 = arith.constant dense<0x7F800000> : vector<128xf32>
    %reduce_min3A_527 = vector.multi_reduction <minimumf>, %select_n3A_525, %reduce_min3A_526 [0] : vector<128x128xf32> to vector<128xf32>
    %broadcast_in_dim3A_528 = vector.shape_cast %reduce_min3A_527 : vector<128xf32> to vector<1x128xf32>
    %broadcast_in_dim3A_529 = vector.shape_cast %broadcast_in_dim3A_528 : vector<1x128xf32> to vector<1x128xf32>
    %broadcast_in_dim3A_530 = vector.broadcast %broadcast_in_dim3A_529 : vector<1x128xf32> to vector<64x128xf32>
    %select_n3A_531 = arith.select %eq3A_466, %broadcast_in_dim3A_530, %select_n3A_447 : vector<64x128xi1>, vector<64x128xf32>
    %broadcast_in_dim3A_532 = vector.shape_cast %broadcast_in_dim3A_456 : vector<1x128xf32> to vector<1x128xf32>
    %broadcast_in_dim3A_533 = vector.broadcast %broadcast_in_dim3A_532 : vector<1x128xf32> to vector<64x128xf32>
    %select_n3A_534 = arith.select %eq3A_466, %broadcast_in_dim3A_533, %select_n3A_450 : vector<64x128xi1>, vector<64x128xf32>
    %broadcast_in_dim3A_535 = vector.shape_cast %broadcast_in_dim3A_508 : vector<1x128xi32> to vector<1x128xi32>
    %broadcast_in_dim3A_536 = vector.broadcast %broadcast_in_dim3A_535 : vector<1x128xi32> to vector<64x128xi32>
    %select_n3A_537 = arith.select %eq3A_466, %broadcast_in_dim3A_536, %select_n3A_453 : vector<64x128xi1>, vector<64x128xi32>
    %reduce_min3A_538 = arith.constant dense<0x7F800000> : vector<128xf32>
    %reduce_min3A_539 = vector.multi_reduction <minimumf>, %select_n3A_531, %reduce_min3A_538 [0] : vector<64x128xf32> to vector<128xf32>
    %broadcast_in_dim3A_540 = vector.shape_cast %reduce_min3A_539 : vector<128xf32> to vector<1x128xf32>
    %eq3A_541 = vector.broadcast %broadcast_in_dim3A_540 : vector<1x128xf32> to vector<64x128xf32>
    %eq3A_542 = arith.cmpf oeq, %select_n3A_531, %eq3A_541 : vector<64x128xf32>
    %jit3A_543 = arith.constant 64 : i32
    %broadcast_in_dim3A_544 = vector.broadcast %jit3A_543 : i32 to vector<64x128xi32>
    %select_n3A_545 = arith.select %eq3A_542, %iota3A_32, %broadcast_in_dim3A_544 : vector<64x128xi1>, vector<64x128xi32>
    %reduce_min3A_546 = arith.constant dense<2147483647> : vector<128xi32>
    %reduce_min3A_547 = vector.multi_reduction <minsi>, %select_n3A_545, %reduce_min3A_546 [0] : vector<64x128xi32> to vector<128xi32>
    %broadcast_in_dim3A_548 = vector.shape_cast %reduce_min3A_547 : vector<128xi32> to vector<1x128xi32>
    %eq3A_549 = vector.broadcast %broadcast_in_dim3A_548 : vector<1x128xi32> to vector<64x128xi32>
    %eq3A_550 = arith.cmpi eq, %iota3A_32, %eq3A_549 : vector<64x128xi32>
    %broadcast_in_dim3A_551 = vector.shape_cast %broadcast_in_dim3A_548 : vector<1x128xi32> to vector<1x1x128xi32>
    %eq3A_552 = vector.broadcast %iota3A_34 : vector<64x1x1xi32> to vector<64x1x128xi32>
    %eq3A_553 = vector.broadcast %broadcast_in_dim3A_551 : vector<1x1x128xi32> to vector<64x1x128xi32>
    %eq3A_554 = arith.cmpi eq, %eq3A_552, %eq3A_553 : vector<64x1x128xi32>
    %jit3A_555 = arith.constant 0x7F800000 : f32
    %broadcast_in_dim3A_556 = vector.shape_cast %eq3A_554 : vector<64x1x128xi1> to vector<64x1x128xi1>
    %broadcast_in_dim3A_557 = vector.broadcast %broadcast_in_dim3A_556 : vector<64x1x128xi1> to vector<64x128x128xi1>
    %broadcast_in_dim3A_558 = vector.broadcast %jit3A_555 : f32 to vector<64x128x128xf32>
    %select_n3A_559 = arith.select %broadcast_in_dim3A_557, %reshape3A, %broadcast_in_dim3A_558 : vector<64x128x128xi1>, vector<64x128x128xf32>
    %reduce_min3A_560 = arith.constant dense<0x7F800000> : vector<128x128xf32>
    %reduce_min3A_561 = vector.multi_reduction <minimumf>, %select_n3A_559, %reduce_min3A_560 [0] : vector<64x128x128xf32> to vector<128x128xf32>
    %jit3A_562 = arith.constant 0x7F800000 : f32
    %broadcast_in_dim3A_563 = vector.broadcast %jit3A_562 : f32 to vector<64x128xf32>
    %select_n3A_564 = arith.select %eq3A_550, %select_n3A_534, %broadcast_in_dim3A_563 : vector<64x128xi1>, vector<64x128xf32>
    %reduce_min3A_565 = arith.constant dense<0x7F800000> : vector<128xf32>
    %reduce_min3A_566 = vector.multi_reduction <minimumf>, %select_n3A_564, %reduce_min3A_565 [0] : vector<64x128xf32> to vector<128xf32>
    %broadcast_in_dim3A_567 = vector.shape_cast %reduce_min3A_566 : vector<128xf32> to vector<1x128xf32>
    %jit3A_568 = arith.constant -1 : i32
    %broadcast_in_dim3A_569 = vector.broadcast %jit3A_568 : i32 to vector<64x128xi32>
    %select_n3A_570 = arith.select %eq3A_550, %select_n3A_537, %broadcast_in_dim3A_569 : vector<64x128xi1>, vector<64x128xi32>
    %reduce_max3A_571 = arith.constant dense<-2147483648> : vector<128xi32>
    %reduce_max3A_572 = vector.multi_reduction <maxsi>, %select_n3A_570, %reduce_max3A_571 [0] : vector<64x128xi32> to vector<128xi32>
    %broadcast_in_dim3A_573 = vector.shape_cast %reduce_max3A_572 : vector<128xi32> to vector<1x128xi32>
    %lt3A_574 = vector.broadcast %broadcast_in_dim3A_567 : vector<1x128xf32> to vector<128x128xf32>
    %lt3A_575 = arith.cmpf olt, %reduce_min3A_561, %lt3A_574 : vector<128x128xf32>
    %eq3A_576 = vector.broadcast %broadcast_in_dim3A_567 : vector<1x128xf32> to vector<128x128xf32>
    %eq3A_577 = arith.cmpf oeq, %reduce_min3A_561, %eq3A_576 : vector<128x128xf32>
    %le3A_578 = vector.broadcast %broadcast_in_dim3A_573 : vector<1x128xi32> to vector<128x128xi32>
    %le3A_579 = arith.cmpi sle, %iota3A_33, %le3A_578 : vector<128x128xi32>
    %and3A_580 = arith.andi %eq3A_577, %le3A_579 : vector<128x128xi1>
    %or3A_581 = arith.ori %lt3A_575, %and3A_580 : vector<128x128xi1>
    %jit3A_582 = arith.constant 0x7F800000 : f32
    %broadcast_in_dim3A_583 = vector.broadcast %jit3A_582 : f32 to vector<128x128xf32>
    %select_n3A_584 = arith.select %or3A_581, %broadcast_in_dim3A_583, %reduce_min3A_561 : vector<128x128xi1>, vector<128x128xf32>
    %eq3A_585 = vector.broadcast %broadcast_in_dim3A_540 : vector<1x128xf32> to vector<128x128xf32>
    %eq3A_586 = arith.cmpf oeq, %select_n3A_584, %eq3A_585 : vector<128x128xf32>
    %jit3A_587 = arith.constant 128 : i32
    %broadcast_in_dim3A_588 = vector.broadcast %jit3A_587 : i32 to vector<128x128xi32>
    %select_n3A_589 = arith.select %eq3A_586, %iota3A_33, %broadcast_in_dim3A_588 : vector<128x128xi1>, vector<128x128xi32>
    %reduce_min3A_590 = arith.constant dense<2147483647> : vector<128xi32>
    %reduce_min3A_591 = vector.multi_reduction <minsi>, %select_n3A_589, %reduce_min3A_590 [0] : vector<128x128xi32> to vector<128xi32>
    %broadcast_in_dim3A_592 = vector.shape_cast %reduce_min3A_591 : vector<128xi32> to vector<1x128xi32>
    %mul3A_593 = arith.constant 128 : i32
    %mul3A_594 = vector.broadcast %mul3A_593 : i32 to vector<1x128xi32>
    %mul3A_595 = arith.muli %broadcast_in_dim3A_548, %mul3A_594 : vector<1x128xi32>
    %add3A_596 = arith.addi %mul3A_595, %broadcast_in_dim3A_592 : vector<1x128xi32>
    %add3A_597 = vector.broadcast %mul3A_36 : i32 to vector<1x128xi32>
    %add3A_598 = arith.addi %add3A_596, %add3A_597 : vector<1x128xi32>
    %swap3A_599 = arith.constant 0 : index
    %swap3A_600 = arith.constant 6 : index
    %swap3A_601 = arith.constant 0 : index
    %swap3A_602 = vector.load %arg5[%swap3A_599, %swap3A_600, %swap3A_601] : memref<1x32x128xi32, #tpu.memory_space<vmem>>, vector<1x1x128xi32>
    %swap3A_603 = vector.shape_cast %swap3A_602 : vector<1x1x128xi32> to vector<1x128xi32>
    %swap3A_604 = vector.shape_cast %add3A_598 : vector<1x128xi32> to vector<1x1x128xi32>
    tpu.vector_store %arg5[%swap3A_599, %swap3A_600, %swap3A_601], %swap3A_604 {strides = array<i32>} : memref<1x32x128xi32, #tpu.memory_space<vmem>>, vector<1x1x128xi32>,
    %eq3A_605 = vector.broadcast %broadcast_in_dim3A_592 : vector<1x128xi32> to vector<128x128xi32>
    %eq3A_606 = arith.cmpi eq, %iota3A_33, %eq3A_605 : vector<128x128xi32>
    %jit3A_607 = arith.constant 0x7F800000 : f32
    %broadcast_in_dim3A_608 = vector.broadcast %jit3A_607 : f32 to vector<128x128xf32>
    %select_n3A_609 = arith.select %eq3A_606, %broadcast_in_dim3A_608, %select_n3A_584 : vector<128x128xi1>, vector<128x128xf32>
    %reduce_min3A_610 = arith.constant dense<0x7F800000> : vector<128xf32>
    %reduce_min3A_611 = vector.multi_reduction <minimumf>, %select_n3A_609, %reduce_min3A_610 [0] : vector<128x128xf32> to vector<128xf32>
    %broadcast_in_dim3A_612 = vector.shape_cast %reduce_min3A_611 : vector<128xf32> to vector<1x128xf32>
    %broadcast_in_dim3A_613 = vector.shape_cast %broadcast_in_dim3A_612 : vector<1x128xf32> to vector<1x128xf32>
    %broadcast_in_dim3A_614 = vector.broadcast %broadcast_in_dim3A_613 : vector<1x128xf32> to vector<64x128xf32>
    %select_n3A_615 = arith.select %eq3A_550, %broadcast_in_dim3A_614, %select_n3A_531 : vector<64x128xi1>, vector<64x128xf32>
    %broadcast_in_dim3A_616 = vector.shape_cast %broadcast_in_dim3A_540 : vector<1x128xf32> to vector<1x128xf32>
    %broadcast_in_dim3A_617 = vector.broadcast %broadcast_in_dim3A_616 : vector<1x128xf32> to vector<64x128xf32>
    %select_n3A_618 = arith.select %eq3A_550, %broadcast_in_dim3A_617, %select_n3A_534 : vector<64x128xi1>, vector<64x128xf32>
    %broadcast_in_dim3A_619 = vector.shape_cast %broadcast_in_dim3A_592 : vector<1x128xi32> to vector<1x128xi32>
    %broadcast_in_dim3A_620 = vector.broadcast %broadcast_in_dim3A_619 : vector<1x128xi32> to vector<64x128xi32>
    %select_n3A_621 = arith.select %eq3A_550, %broadcast_in_dim3A_620, %select_n3A_537 : vector<64x128xi1>, vector<64x128xi32>
    %reduce_min3A_622 = arith.constant dense<0x7F800000> : vector<128xf32>
    %reduce_min3A_623 = vector.multi_reduction <minimumf>, %select_n3A_615, %reduce_min3A_622 [0] : vector<64x128xf32> to vector<128xf32>
    %broadcast_in_dim3A_624 = vector.shape_cast %reduce_min3A_623 : vector<128xf32> to vector<1x128xf32>
    %eq3A_625 = vector.broadcast %broadcast_in_dim3A_624 : vector<1x128xf32> to vector<64x128xf32>
    %eq3A_626 = arith.cmpf oeq, %select_n3A_615, %eq3A_625 : vector<64x128xf32>
    %jit3A_627 = arith.constant 64 : i32
    %broadcast_in_dim3A_628 = vector.broadcast %jit3A_627 : i32 to vector<64x128xi32>
    %select_n3A_629 = arith.select %eq3A_626, %iota3A_32, %broadcast_in_dim3A_628 : vector<64x128xi1>, vector<64x128xi32>
    %reduce_min3A_630 = arith.constant dense<2147483647> : vector<128xi32>
    %reduce_min3A_631 = vector.multi_reduction <minsi>, %select_n3A_629, %reduce_min3A_630 [0] : vector<64x128xi32> to vector<128xi32>
    %broadcast_in_dim3A_632 = vector.shape_cast %reduce_min3A_631 : vector<128xi32> to vector<1x128xi32>
    %eq3A_633 = vector.broadcast %broadcast_in_dim3A_632 : vector<1x128xi32> to vector<64x128xi32>
    %eq3A_634 = arith.cmpi eq, %iota3A_32, %eq3A_633 : vector<64x128xi32>
    %broadcast_in_dim3A_635 = vector.shape_cast %broadcast_in_dim3A_632 : vector<1x128xi32> to vector<1x1x128xi32>
    %eq3A_636 = vector.broadcast %iota3A_34 : vector<64x1x1xi32> to vector<64x1x128xi32>
    %eq3A_637 = vector.broadcast %broadcast_in_dim3A_635 : vector<1x1x128xi32> to vector<64x1x128xi32>
    %eq3A_638 = arith.cmpi eq, %eq3A_636, %eq3A_637 : vector<64x1x128xi32>
    %jit3A_639 = arith.constant 0x7F800000 : f32
    %broadcast_in_dim3A_640 = vector.shape_cast %eq3A_638 : vector<64x1x128xi1> to vector<64x1x128xi1>
    %broadcast_in_dim3A_641 = vector.broadcast %broadcast_in_dim3A_640 : vector<64x1x128xi1> to vector<64x128x128xi1>
    %broadcast_in_dim3A_642 = vector.broadcast %jit3A_639 : f32 to vector<64x128x128xf32>
    %select_n3A_643 = arith.select %broadcast_in_dim3A_641, %reshape3A, %broadcast_in_dim3A_642 : vector<64x128x128xi1>, vector<64x128x128xf32>
    %reduce_min3A_644 = arith.constant dense<0x7F800000> : vector<128x128xf32>
    %reduce_min3A_645 = vector.multi_reduction <minimumf>, %select_n3A_643, %reduce_min3A_644 [0] : vector<64x128x128xf32> to vector<128x128xf32>
    %jit3A_646 = arith.constant 0x7F800000 : f32
    %broadcast_in_dim3A_647 = vector.broadcast %jit3A_646 : f32 to vector<64x128xf32>
    %select_n3A_648 = arith.select %eq3A_634, %select_n3A_618, %broadcast_in_dim3A_647 : vector<64x128xi1>, vector<64x128xf32>
    %reduce_min3A_649 = arith.constant dense<0x7F800000> : vector<128xf32>
    %reduce_min3A_650 = vector.multi_reduction <minimumf>, %select_n3A_648, %reduce_min3A_649 [0] : vector<64x128xf32> to vector<128xf32>
    %broadcast_in_dim3A_651 = vector.shape_cast %reduce_min3A_650 : vector<128xf32> to vector<1x128xf32>
    %jit3A_652 = arith.constant -1 : i32
    %broadcast_in_dim3A_653 = vector.broadcast %jit3A_652 : i32 to vector<64x128xi32>
    %select_n3A_654 = arith.select %eq3A_634, %select_n3A_621, %broadcast_in_dim3A_653 : vector<64x128xi1>, vector<64x128xi32>
    %reduce_max3A_655 = arith.constant dense<-2147483648> : vector<128xi32>
    %reduce_max3A_656 = vector.multi_reduction <maxsi>, %select_n3A_654, %reduce_max3A_655 [0] : vector<64x128xi32> to vector<128xi32>
    %broadcast_in_dim3A_657 = vector.shape_cast %reduce_max3A_656 : vector<128xi32> to vector<1x128xi32>
    %lt3A_658 = vector.broadcast %broadcast_in_dim3A_651 : vector<1x128xf32> to vector<128x128xf32>
    %lt3A_659 = arith.cmpf olt, %reduce_min3A_645, %lt3A_658 : vector<128x128xf32>
    %eq3A_660 = vector.broadcast %broadcast_in_dim3A_651 : vector<1x128xf32> to vector<128x128xf32>
    %eq3A_661 = arith.cmpf oeq, %reduce_min3A_645, %eq3A_660 : vector<128x128xf32>
    %le3A_662 = vector.broadcast %broadcast_in_dim3A_657 : vector<1x128xi32> to vector<128x128xi32>
    %le3A_663 = arith.cmpi sle, %iota3A_33, %le3A_662 : vector<128x128xi32>
    %and3A_664 = arith.andi %eq3A_661, %le3A_663 : vector<128x128xi1>
    %or3A_665 = arith.ori %lt3A_659, %and3A_664 : vector<128x128xi1>
    %jit3A_666 = arith.constant 0x7F800000 : f32
    %broadcast_in_dim3A_667 = vector.broadcast %jit3A_666 : f32 to vector<128x128xf32>
    %select_n3A_668 = arith.select %or3A_665, %broadcast_in_dim3A_667, %reduce_min3A_645 : vector<128x128xi1>, vector<128x128xf32>
    %eq3A_669 = vector.broadcast %broadcast_in_dim3A_624 : vector<1x128xf32> to vector<128x128xf32>
    %eq3A_670 = arith.cmpf oeq, %select_n3A_668, %eq3A_669 : vector<128x128xf32>
    %jit3A_671 = arith.constant 128 : i32
    %broadcast_in_dim3A_672 = vector.broadcast %jit3A_671 : i32 to vector<128x128xi32>
    %select_n3A_673 = arith.select %eq3A_670, %iota3A_33, %broadcast_in_dim3A_672 : vector<128x128xi1>, vector<128x128xi32>
    %reduce_min3A_674 = arith.constant dense<2147483647> : vector<128xi32>
    %reduce_min3A_675 = vector.multi_reduction <minsi>, %select_n3A_673, %reduce_min3A_674 [0] : vector<128x128xi32> to vector<128xi32>
    %broadcast_in_dim3A_676 = vector.shape_cast %reduce_min3A_675 : vector<128xi32> to vector<1x128xi32>
    %mul3A_677 = arith.constant 128 : i32
    %mul3A_678 = vector.broadcast %mul3A_677 : i32 to vector<1x128xi32>
    %mul3A_679 = arith.muli %broadcast_in_dim3A_632, %mul3A_678 : vector<1x128xi32>
    %add3A_680 = arith.addi %mul3A_679, %broadcast_in_dim3A_676 : vector<1x128xi32>
    %add3A_681 = vector.broadcast %mul3A_36 : i32 to vector<1x128xi32>
    %add3A_682 = arith.addi %add3A_680, %add3A_681 : vector<1x128xi32>
    %swap3A_683 = arith.constant 0 : index
    %swap3A_684 = arith.constant 7 : index
    %swap3A_685 = arith.constant 0 : index
    %swap3A_686 = vector.load %arg5[%swap3A_683, %swap3A_684, %swap3A_685] : memref<1x32x128xi32, #tpu.memory_space<vmem>>, vector<1x1x128xi32>
    %swap3A_687 = vector.shape_cast %swap3A_686 : vector<1x1x128xi32> to vector<1x128xi32>
    %swap3A_688 = vector.shape_cast %add3A_682 : vector<1x128xi32> to vector<1x1x128xi32>
    tpu.vector_store %arg5[%swap3A_683, %swap3A_684, %swap3A_685], %swap3A_688 {strides = array<i32>} : memref<1x32x128xi32, #tpu.memory_space<vmem>>, vector<1x1x128xi32>,
    %eq3A_689 = vector.broadcast %broadcast_in_dim3A_676 : vector<1x128xi32> to vector<128x128xi32>
    %eq3A_690 = arith.cmpi eq, %iota3A_33, %eq3A_689 : vector<128x128xi32>
    %jit3A_691 = arith.constant 0x7F800000 : f32
    %broadcast_in_dim3A_692 = vector.broadcast %jit3A_691 : f32 to vector<128x128xf32>
    %select_n3A_693 = arith.select %eq3A_690, %broadcast_in_dim3A_692, %select_n3A_668 : vector<128x128xi1>, vector<128x128xf32>
    %reduce_min3A_694 = arith.constant dense<0x7F800000> : vector<128xf32>
    %reduce_min3A_695 = vector.multi_reduction <minimumf>, %select_n3A_693, %reduce_min3A_694 [0] : vector<128x128xf32> to vector<128xf32>
    %broadcast_in_dim3A_696 = vector.shape_cast %reduce_min3A_695 : vector<128xf32> to vector<1x128xf32>
    %broadcast_in_dim3A_697 = vector.shape_cast %broadcast_in_dim3A_696 : vector<1x128xf32> to vector<1x128xf32>
    %broadcast_in_dim3A_698 = vector.broadcast %broadcast_in_dim3A_697 : vector<1x128xf32> to vector<64x128xf32>
    %select_n3A_699 = arith.select %eq3A_634, %broadcast_in_dim3A_698, %select_n3A_615 : vector<64x128xi1>, vector<64x128xf32>
    %broadcast_in_dim3A_700 = vector.shape_cast %broadcast_in_dim3A_624 : vector<1x128xf32> to vector<1x128xf32>
    %broadcast_in_dim3A_701 = vector.broadcast %broadcast_in_dim3A_700 : vector<1x128xf32> to vector<64x128xf32>
    %select_n3A_702 = arith.select %eq3A_634, %broadcast_in_dim3A_701, %select_n3A_618 : vector<64x128xi1>, vector<64x128xf32>
    %broadcast_in_dim3A_703 = vector.shape_cast %broadcast_in_dim3A_676 : vector<1x128xi32> to vector<1x128xi32>
    %broadcast_in_dim3A_704 = vector.broadcast %broadcast_in_dim3A_703 : vector<1x128xi32> to vector<64x128xi32>
    %select_n3A_705 = arith.select %eq3A_634, %broadcast_in_dim3A_704, %select_n3A_621 : vector<64x128xi1>, vector<64x128xi32>
    %reduce_min3A_706 = arith.constant dense<0x7F800000> : vector<128xf32>
    %reduce_min3A_707 = vector.multi_reduction <minimumf>, %select_n3A_699, %reduce_min3A_706 [0] : vector<64x128xf32> to vector<128xf32>
    %broadcast_in_dim3A_708 = vector.shape_cast %reduce_min3A_707 : vector<128xf32> to vector<1x128xf32>
    %eq3A_709 = vector.broadcast %broadcast_in_dim3A_708 : vector<1x128xf32> to vector<64x128xf32>
    %eq3A_710 = arith.cmpf oeq, %select_n3A_699, %eq3A_709 : vector<64x128xf32>
    %jit3A_711 = arith.constant 64 : i32
    %broadcast_in_dim3A_712 = vector.broadcast %jit3A_711 : i32 to vector<64x128xi32>
    %select_n3A_713 = arith.select %eq3A_710, %iota3A_32, %broadcast_in_dim3A_712 : vector<64x128xi1>, vector<64x128xi32>
    %reduce_min3A_714 = arith.constant dense<2147483647> : vector<128xi32>
    %reduce_min3A_715 = vector.multi_reduction <minsi>, %select_n3A_713, %reduce_min3A_714 [0] : vector<64x128xi32> to vector<128xi32>
    %broadcast_in_dim3A_716 = vector.shape_cast %reduce_min3A_715 : vector<128xi32> to vector<1x128xi32>
    %eq3A_717 = vector.broadcast %broadcast_in_dim3A_716 : vector<1x128xi32> to vector<64x128xi32>
    %eq3A_718 = arith.cmpi eq, %iota3A_32, %eq3A_717 : vector<64x128xi32>
    %broadcast_in_dim3A_719 = vector.shape_cast %broadcast_in_dim3A_716 : vector<1x128xi32> to vector<1x1x128xi32>
    %eq3A_720 = vector.broadcast %iota3A_34 : vector<64x1x1xi32> to vector<64x1x128xi32>
    %eq3A_721 = vector.broadcast %broadcast_in_dim3A_719 : vector<1x1x128xi32> to vector<64x1x128xi32>
    %eq3A_722 = arith.cmpi eq, %eq3A_720, %eq3A_721 : vector<64x1x128xi32>
    %jit3A_723 = arith.constant 0x7F800000 : f32
    %broadcast_in_dim3A_724 = vector.shape_cast %eq3A_722 : vector<64x1x128xi1> to vector<64x1x128xi1>
    %broadcast_in_dim3A_725 = vector.broadcast %broadcast_in_dim3A_724 : vector<64x1x128xi1> to vector<64x128x128xi1>
    %broadcast_in_dim3A_726 = vector.broadcast %jit3A_723 : f32 to vector<64x128x128xf32>
    %select_n3A_727 = arith.select %broadcast_in_dim3A_725, %reshape3A, %broadcast_in_dim3A_726 : vector<64x128x128xi1>, vector<64x128x128xf32>
    %reduce_min3A_728 = arith.constant dense<0x7F800000> : vector<128x128xf32>
    %reduce_min3A_729 = vector.multi_reduction <minimumf>, %select_n3A_727, %reduce_min3A_728 [0] : vector<64x128x128xf32> to vector<128x128xf32>
    %jit3A_730 = arith.constant 0x7F800000 : f32
    %broadcast_in_dim3A_731 = vector.broadcast %jit3A_730 : f32 to vector<64x128xf32>
    %select_n3A_732 = arith.select %eq3A_718, %select_n3A_702, %broadcast_in_dim3A_731 : vector<64x128xi1>, vector<64x128xf32>
    %reduce_min3A_733 = arith.constant dense<0x7F800000> : vector<128xf32>
    %reduce_min3A_734 = vector.multi_reduction <minimumf>, %select_n3A_732, %reduce_min3A_733 [0] : vector<64x128xf32> to vector<128xf32>
    %broadcast_in_dim3A_735 = vector.shape_cast %reduce_min3A_734 : vector<128xf32> to vector<1x128xf32>
    %jit3A_736 = arith.constant -1 : i32
    %broadcast_in_dim3A_737 = vector.broadcast %jit3A_736 : i32 to vector<64x128xi32>
    %select_n3A_738 = arith.select %eq3A_718, %select_n3A_705, %broadcast_in_dim3A_737 : vector<64x128xi1>, vector<64x128xi32>
    %reduce_max3A_739 = arith.constant dense<-2147483648> : vector<128xi32>
    %reduce_max3A_740 = vector.multi_reduction <maxsi>, %select_n3A_738, %reduce_max3A_739 [0] : vector<64x128xi32> to vector<128xi32>
    %broadcast_in_dim3A_741 = vector.shape_cast %reduce_max3A_740 : vector<128xi32> to vector<1x128xi32>
    %lt3A_742 = vector.broadcast %broadcast_in_dim3A_735 : vector<1x128xf32> to vector<128x128xf32>
    %lt3A_743 = arith.cmpf olt, %reduce_min3A_729, %lt3A_742 : vector<128x128xf32>
    %eq3A_744 = vector.broadcast %broadcast_in_dim3A_735 : vector<1x128xf32> to vector<128x128xf32>
    %eq3A_745 = arith.cmpf oeq, %reduce_min3A_729, %eq3A_744 : vector<128x128xf32>
    %le3A_746 = vector.broadcast %broadcast_in_dim3A_741 : vector<1x128xi32> to vector<128x128xi32>
    %le3A_747 = arith.cmpi sle, %iota3A_33, %le3A_746 : vector<128x128xi32>
    %and3A_748 = arith.andi %eq3A_745, %le3A_747 : vector<128x128xi1>
    %or3A_749 = arith.ori %lt3A_743, %and3A_748 : vector<128x128xi1>
    %jit3A_750 = arith.constant 0x7F800000 : f32
    %broadcast_in_dim3A_751 = vector.broadcast %jit3A_750 : f32 to vector<128x128xf32>
    %select_n3A_752 = arith.select %or3A_749, %broadcast_in_dim3A_751, %reduce_min3A_729 : vector<128x128xi1>, vector<128x128xf32>
    %eq3A_753 = vector.broadcast %broadcast_in_dim3A_708 : vector<1x128xf32> to vector<128x128xf32>
    %eq3A_754 = arith.cmpf oeq, %select_n3A_752, %eq3A_753 : vector<128x128xf32>
    %jit3A_755 = arith.constant 128 : i32
    %broadcast_in_dim3A_756 = vector.broadcast %jit3A_755 : i32 to vector<128x128xi32>
    %select_n3A_757 = arith.select %eq3A_754, %iota3A_33, %broadcast_in_dim3A_756 : vector<128x128xi1>, vector<128x128xi32>
    %reduce_min3A_758 = arith.constant dense<2147483647> : vector<128xi32>
    %reduce_min3A_759 = vector.multi_reduction <minsi>, %select_n3A_757, %reduce_min3A_758 [0] : vector<128x128xi32> to vector<128xi32>
    %broadcast_in_dim3A_760 = vector.shape_cast %reduce_min3A_759 : vector<128xi32> to vector<1x128xi32>
    %mul3A_761 = arith.constant 128 : i32
    %mul3A_762 = vector.broadcast %mul3A_761 : i32 to vector<1x128xi32>
    %mul3A_763 = arith.muli %broadcast_in_dim3A_716, %mul3A_762 : vector<1x128xi32>
    %add3A_764 = arith.addi %mul3A_763, %broadcast_in_dim3A_760 : vector<1x128xi32>
    %add3A_765 = vector.broadcast %mul3A_36 : i32 to vector<1x128xi32>
    %add3A_766 = arith.addi %add3A_764, %add3A_765 : vector<1x128xi32>
    %swap3A_767 = arith.constant 0 : index
    %swap3A_768 = arith.constant 8 : index
    %swap3A_769 = arith.constant 0 : index
    %swap3A_770 = vector.load %arg5[%swap3A_767, %swap3A_768, %swap3A_769] : memref<1x32x128xi32, #tpu.memory_space<vmem>>, vector<1x1x128xi32>
    %swap3A_771 = vector.shape_cast %swap3A_770 : vector<1x1x128xi32> to vector<1x128xi32>
    %swap3A_772 = vector.shape_cast %add3A_766 : vector<1x128xi32> to vector<1x1x128xi32>
    tpu.vector_store %arg5[%swap3A_767, %swap3A_768, %swap3A_769], %swap3A_772 {strides = array<i32>} : memref<1x32x128xi32, #tpu.memory_space<vmem>>, vector<1x1x128xi32>,
    %eq3A_773 = vector.broadcast %broadcast_in_dim3A_760 : vector<1x128xi32> to vector<128x128xi32>
    %eq3A_774 = arith.cmpi eq, %iota3A_33, %eq3A_773 : vector<128x128xi32>
    %jit3A_775 = arith.constant 0x7F800000 : f32
    %broadcast_in_dim3A_776 = vector.broadcast %jit3A_775 : f32 to vector<128x128xf32>
    %select_n3A_777 = arith.select %eq3A_774, %broadcast_in_dim3A_776, %select_n3A_752 : vector<128x128xi1>, vector<128x128xf32>
    %reduce_min3A_778 = arith.constant dense<0x7F800000> : vector<128xf32>
    %reduce_min3A_779 = vector.multi_reduction <minimumf>, %select_n3A_777, %reduce_min3A_778 [0] : vector<128x128xf32> to vector<128xf32>
    %broadcast_in_dim3A_780 = vector.shape_cast %reduce_min3A_779 : vector<128xf32> to vector<1x128xf32>
    %broadcast_in_dim3A_781 = vector.shape_cast %broadcast_in_dim3A_780 : vector<1x128xf32> to vector<1x128xf32>
    %broadcast_in_dim3A_782 = vector.broadcast %broadcast_in_dim3A_781 : vector<1x128xf32> to vector<64x128xf32>
    %select_n3A_783 = arith.select %eq3A_718, %broadcast_in_dim3A_782, %select_n3A_699 : vector<64x128xi1>, vector<64x128xf32>
    %broadcast_in_dim3A_784 = vector.shape_cast %broadcast_in_dim3A_708 : vector<1x128xf32> to vector<1x128xf32>
    %broadcast_in_dim3A_785 = vector.broadcast %broadcast_in_dim3A_784 : vector<1x128xf32> to vector<64x128xf32>
    %select_n3A_786 = arith.select %eq3A_718, %broadcast_in_dim3A_785, %select_n3A_702 : vector<64x128xi1>, vector<64x128xf32>
    %broadcast_in_dim3A_787 = vector.shape_cast %broadcast_in_dim3A_760 : vector<1x128xi32> to vector<1x128xi32>
    %broadcast_in_dim3A_788 = vector.broadcast %broadcast_in_dim3A_787 : vector<1x128xi32> to vector<64x128xi32>
    %select_n3A_789 = arith.select %eq3A_718, %broadcast_in_dim3A_788, %select_n3A_705 : vector<64x128xi1>, vector<64x128xi32>
    %reduce_min3A_790 = arith.constant dense<0x7F800000> : vector<128xf32>
    %reduce_min3A_791 = vector.multi_reduction <minimumf>, %select_n3A_783, %reduce_min3A_790 [0] : vector<64x128xf32> to vector<128xf32>
    %broadcast_in_dim3A_792 = vector.shape_cast %reduce_min3A_791 : vector<128xf32> to vector<1x128xf32>
    %eq3A_793 = vector.broadcast %broadcast_in_dim3A_792 : vector<1x128xf32> to vector<64x128xf32>
    %eq3A_794 = arith.cmpf oeq, %select_n3A_783, %eq3A_793 : vector<64x128xf32>
    %jit3A_795 = arith.constant 64 : i32
    %broadcast_in_dim3A_796 = vector.broadcast %jit3A_795 : i32 to vector<64x128xi32>
    %select_n3A_797 = arith.select %eq3A_794, %iota3A_32, %broadcast_in_dim3A_796 : vector<64x128xi1>, vector<64x128xi32>
    %reduce_min3A_798 = arith.constant dense<2147483647> : vector<128xi32>
    %reduce_min3A_799 = vector.multi_reduction <minsi>, %select_n3A_797, %reduce_min3A_798 [0] : vector<64x128xi32> to vector<128xi32>
    %broadcast_in_dim3A_800 = vector.shape_cast %reduce_min3A_799 : vector<128xi32> to vector<1x128xi32>
    %eq3A_801 = vector.broadcast %broadcast_in_dim3A_800 : vector<1x128xi32> to vector<64x128xi32>
    %eq3A_802 = arith.cmpi eq, %iota3A_32, %eq3A_801 : vector<64x128xi32>
    %broadcast_in_dim3A_803 = vector.shape_cast %broadcast_in_dim3A_800 : vector<1x128xi32> to vector<1x1x128xi32>
    %eq3A_804 = vector.broadcast %iota3A_34 : vector<64x1x1xi32> to vector<64x1x128xi32>
    %eq3A_805 = vector.broadcast %broadcast_in_dim3A_803 : vector<1x1x128xi32> to vector<64x1x128xi32>
    %eq3A_806 = arith.cmpi eq, %eq3A_804, %eq3A_805 : vector<64x1x128xi32>
    %jit3A_807 = arith.constant 0x7F800000 : f32
    %broadcast_in_dim3A_808 = vector.shape_cast %eq3A_806 : vector<64x1x128xi1> to vector<64x1x128xi1>
    %broadcast_in_dim3A_809 = vector.broadcast %broadcast_in_dim3A_808 : vector<64x1x128xi1> to vector<64x128x128xi1>
    %broadcast_in_dim3A_810 = vector.broadcast %jit3A_807 : f32 to vector<64x128x128xf32>
    %select_n3A_811 = arith.select %broadcast_in_dim3A_809, %reshape3A, %broadcast_in_dim3A_810 : vector<64x128x128xi1>, vector<64x128x128xf32>
    %reduce_min3A_812 = arith.constant dense<0x7F800000> : vector<128x128xf32>
    %reduce_min3A_813 = vector.multi_reduction <minimumf>, %select_n3A_811, %reduce_min3A_812 [0] : vector<64x128x128xf32> to vector<128x128xf32>
    %jit3A_814 = arith.constant 0x7F800000 : f32
    %broadcast_in_dim3A_815 = vector.broadcast %jit3A_814 : f32 to vector<64x128xf32>
    %select_n3A_816 = arith.select %eq3A_802, %select_n3A_786, %broadcast_in_dim3A_815 : vector<64x128xi1>, vector<64x128xf32>
    %reduce_min3A_817 = arith.constant dense<0x7F800000> : vector<128xf32>
    %reduce_min3A_818 = vector.multi_reduction <minimumf>, %select_n3A_816, %reduce_min3A_817 [0] : vector<64x128xf32> to vector<128xf32>
    %broadcast_in_dim3A_819 = vector.shape_cast %reduce_min3A_818 : vector<128xf32> to vector<1x128xf32>
    %jit3A_820 = arith.constant -1 : i32
    %broadcast_in_dim3A_821 = vector.broadcast %jit3A_820 : i32 to vector<64x128xi32>
    %select_n3A_822 = arith.select %eq3A_802, %select_n3A_789, %broadcast_in_dim3A_821 : vector<64x128xi1>, vector<64x128xi32>
    %reduce_max3A_823 = arith.constant dense<-2147483648> : vector<128xi32>
    %reduce_max3A_824 = vector.multi_reduction <maxsi>, %select_n3A_822, %reduce_max3A_823 [0] : vector<64x128xi32> to vector<128xi32>
    %broadcast_in_dim3A_825 = vector.shape_cast %reduce_max3A_824 : vector<128xi32> to vector<1x128xi32>
    %lt3A_826 = vector.broadcast %broadcast_in_dim3A_819 : vector<1x128xf32> to vector<128x128xf32>
    %lt3A_827 = arith.cmpf olt, %reduce_min3A_813, %lt3A_826 : vector<128x128xf32>
    %eq3A_828 = vector.broadcast %broadcast_in_dim3A_819 : vector<1x128xf32> to vector<128x128xf32>
    %eq3A_829 = arith.cmpf oeq, %reduce_min3A_813, %eq3A_828 : vector<128x128xf32>
    %le3A_830 = vector.broadcast %broadcast_in_dim3A_825 : vector<1x128xi32> to vector<128x128xi32>
    %le3A_831 = arith.cmpi sle, %iota3A_33, %le3A_830 : vector<128x128xi32>
    %and3A_832 = arith.andi %eq3A_829, %le3A_831 : vector<128x128xi1>
    %or3A_833 = arith.ori %lt3A_827, %and3A_832 : vector<128x128xi1>
    %jit3A_834 = arith.constant 0x7F800000 : f32
    %broadcast_in_dim3A_835 = vector.broadcast %jit3A_834 : f32 to vector<128x128xf32>
    %select_n3A_836 = arith.select %or3A_833, %broadcast_in_dim3A_835, %reduce_min3A_813 : vector<128x128xi1>, vector<128x128xf32>
    %eq3A_837 = vector.broadcast %broadcast_in_dim3A_792 : vector<1x128xf32> to vector<128x128xf32>
    %eq3A_838 = arith.cmpf oeq, %select_n3A_836, %eq3A_837 : vector<128x128xf32>
    %jit3A_839 = arith.constant 128 : i32
    %broadcast_in_dim3A_840 = vector.broadcast %jit3A_839 : i32 to vector<128x128xi32>
    %select_n3A_841 = arith.select %eq3A_838, %iota3A_33, %broadcast_in_dim3A_840 : vector<128x128xi1>, vector<128x128xi32>
    %reduce_min3A_842 = arith.constant dense<2147483647> : vector<128xi32>
    %reduce_min3A_843 = vector.multi_reduction <minsi>, %select_n3A_841, %reduce_min3A_842 [0] : vector<128x128xi32> to vector<128xi32>
    %broadcast_in_dim3A_844 = vector.shape_cast %reduce_min3A_843 : vector<128xi32> to vector<1x128xi32>
    %mul3A_845 = arith.constant 128 : i32
    %mul3A_846 = vector.broadcast %mul3A_845 : i32 to vector<1x128xi32>
    %mul3A_847 = arith.muli %broadcast_in_dim3A_800, %mul3A_846 : vector<1x128xi32>
    %add3A_848 = arith.addi %mul3A_847, %broadcast_in_dim3A_844 : vector<1x128xi32>
    %add3A_849 = vector.broadcast %mul3A_36 : i32 to vector<1x128xi32>
    %add3A_850 = arith.addi %add3A_848, %add3A_849 : vector<1x128xi32>
    %swap3A_851 = arith.constant 0 : index
    %swap3A_852 = arith.constant 9 : index
    %swap3A_853 = arith.constant 0 : index
    %swap3A_854 = vector.load %arg5[%swap3A_851, %swap3A_852, %swap3A_853] : memref<1x32x128xi32, #tpu.memory_space<vmem>>, vector<1x1x128xi32>
    %swap3A_855 = vector.shape_cast %swap3A_854 : vector<1x1x128xi32> to vector<1x128xi32>
    %swap3A_856 = vector.shape_cast %add3A_850 : vector<1x128xi32> to vector<1x1x128xi32>
    tpu.vector_store %arg5[%swap3A_851, %swap3A_852, %swap3A_853], %swap3A_856 {strides = array<i32>} : memref<1x32x128xi32, #tpu.memory_space<vmem>>, vector<1x1x128xi32>,
    %eq3A_857 = vector.broadcast %broadcast_in_dim3A_844 : vector<1x128xi32> to vector<128x128xi32>
    %eq3A_858 = arith.cmpi eq, %iota3A_33, %eq3A_857 : vector<128x128xi32>
    %jit3A_859 = arith.constant 0x7F800000 : f32
    %broadcast_in_dim3A_860 = vector.broadcast %jit3A_859 : f32 to vector<128x128xf32>
    %select_n3A_861 = arith.select %eq3A_858, %broadcast_in_dim3A_860, %select_n3A_836 : vector<128x128xi1>, vector<128x128xf32>
    %reduce_min3A_862 = arith.constant dense<0x7F800000> : vector<128xf32>
    %reduce_min3A_863 = vector.multi_reduction <minimumf>, %select_n3A_861, %reduce_min3A_862 [0] : vector<128x128xf32> to vector<128xf32>
    %broadcast_in_dim3A_864 = vector.shape_cast %reduce_min3A_863 : vector<128xf32> to vector<1x128xf32>
    %broadcast_in_dim3A_865 = vector.shape_cast %broadcast_in_dim3A_864 : vector<1x128xf32> to vector<1x128xf32>
    %broadcast_in_dim3A_866 = vector.broadcast %broadcast_in_dim3A_865 : vector<1x128xf32> to vector<64x128xf32>
    %select_n3A_867 = arith.select %eq3A_802, %broadcast_in_dim3A_866, %select_n3A_783 : vector<64x128xi1>, vector<64x128xf32>
    %broadcast_in_dim3A_868 = vector.shape_cast %broadcast_in_dim3A_792 : vector<1x128xf32> to vector<1x128xf32>
    %broadcast_in_dim3A_869 = vector.broadcast %broadcast_in_dim3A_868 : vector<1x128xf32> to vector<64x128xf32>
    %select_n3A_870 = arith.select %eq3A_802, %broadcast_in_dim3A_869, %select_n3A_786 : vector<64x128xi1>, vector<64x128xf32>
    %broadcast_in_dim3A_871 = vector.shape_cast %broadcast_in_dim3A_844 : vector<1x128xi32> to vector<1x128xi32>
    %broadcast_in_dim3A_872 = vector.broadcast %broadcast_in_dim3A_871 : vector<1x128xi32> to vector<64x128xi32>
    %select_n3A_873 = arith.select %eq3A_802, %broadcast_in_dim3A_872, %select_n3A_789 : vector<64x128xi1>, vector<64x128xi32>
    %reduce_min3A_874 = arith.constant dense<0x7F800000> : vector<128xf32>
    %reduce_min3A_875 = vector.multi_reduction <minimumf>, %select_n3A_867, %reduce_min3A_874 [0] : vector<64x128xf32> to vector<128xf32>
    %broadcast_in_dim3A_876 = vector.shape_cast %reduce_min3A_875 : vector<128xf32> to vector<1x128xf32>
    %eq3A_877 = vector.broadcast %broadcast_in_dim3A_876 : vector<1x128xf32> to vector<64x128xf32>
    %eq3A_878 = arith.cmpf oeq, %select_n3A_867, %eq3A_877 : vector<64x128xf32>
    %jit3A_879 = arith.constant 64 : i32
    %broadcast_in_dim3A_880 = vector.broadcast %jit3A_879 : i32 to vector<64x128xi32>
    %select_n3A_881 = arith.select %eq3A_878, %iota3A_32, %broadcast_in_dim3A_880 : vector<64x128xi1>, vector<64x128xi32>
    %reduce_min3A_882 = arith.constant dense<2147483647> : vector<128xi32>
    %reduce_min3A_883 = vector.multi_reduction <minsi>, %select_n3A_881, %reduce_min3A_882 [0] : vector<64x128xi32> to vector<128xi32>
    %broadcast_in_dim3A_884 = vector.shape_cast %reduce_min3A_883 : vector<128xi32> to vector<1x128xi32>
    %eq3A_885 = vector.broadcast %broadcast_in_dim3A_884 : vector<1x128xi32> to vector<64x128xi32>
    %eq3A_886 = arith.cmpi eq, %iota3A_32, %eq3A_885 : vector<64x128xi32>
    %broadcast_in_dim3A_887 = vector.shape_cast %broadcast_in_dim3A_884 : vector<1x128xi32> to vector<1x1x128xi32>
    %eq3A_888 = vector.broadcast %iota3A_34 : vector<64x1x1xi32> to vector<64x1x128xi32>
    %eq3A_889 = vector.broadcast %broadcast_in_dim3A_887 : vector<1x1x128xi32> to vector<64x1x128xi32>
    %eq3A_890 = arith.cmpi eq, %eq3A_888, %eq3A_889 : vector<64x1x128xi32>
    %jit3A_891 = arith.constant 0x7F800000 : f32
    %broadcast_in_dim3A_892 = vector.shape_cast %eq3A_890 : vector<64x1x128xi1> to vector<64x1x128xi1>
    %broadcast_in_dim3A_893 = vector.broadcast %broadcast_in_dim3A_892 : vector<64x1x128xi1> to vector<64x128x128xi1>
    %broadcast_in_dim3A_894 = vector.broadcast %jit3A_891 : f32 to vector<64x128x128xf32>
    %select_n3A_895 = arith.select %broadcast_in_dim3A_893, %reshape3A, %broadcast_in_dim3A_894 : vector<64x128x128xi1>, vector<64x128x128xf32>
    %reduce_min3A_896 = arith.constant dense<0x7F800000> : vector<128x128xf32>
    %reduce_min3A_897 = vector.multi_reduction <minimumf>, %select_n3A_895, %reduce_min3A_896 [0] : vector<64x128x128xf32> to vector<128x128xf32>
    %jit3A_898 = arith.constant 0x7F800000 : f32
    %broadcast_in_dim3A_899 = vector.broadcast %jit3A_898 : f32 to vector<64x128xf32>
    %select_n3A_900 = arith.select %eq3A_886, %select_n3A_870, %broadcast_in_dim3A_899 : vector<64x128xi1>, vector<64x128xf32>
    %reduce_min3A_901 = arith.constant dense<0x7F800000> : vector<128xf32>
    %reduce_min3A_902 = vector.multi_reduction <minimumf>, %select_n3A_900, %reduce_min3A_901 [0] : vector<64x128xf32> to vector<128xf32>
    %broadcast_in_dim3A_903 = vector.shape_cast %reduce_min3A_902 : vector<128xf32> to vector<1x128xf32>
    %jit3A_904 = arith.constant -1 : i32
    %broadcast_in_dim3A_905 = vector.broadcast %jit3A_904 : i32 to vector<64x128xi32>
    %select_n3A_906 = arith.select %eq3A_886, %select_n3A_873, %broadcast_in_dim3A_905 : vector<64x128xi1>, vector<64x128xi32>
    %reduce_max3A_907 = arith.constant dense<-2147483648> : vector<128xi32>
    %reduce_max3A_908 = vector.multi_reduction <maxsi>, %select_n3A_906, %reduce_max3A_907 [0] : vector<64x128xi32> to vector<128xi32>
    %broadcast_in_dim3A_909 = vector.shape_cast %reduce_max3A_908 : vector<128xi32> to vector<1x128xi32>
    %lt3A_910 = vector.broadcast %broadcast_in_dim3A_903 : vector<1x128xf32> to vector<128x128xf32>
    %lt3A_911 = arith.cmpf olt, %reduce_min3A_897, %lt3A_910 : vector<128x128xf32>
    %eq3A_912 = vector.broadcast %broadcast_in_dim3A_903 : vector<1x128xf32> to vector<128x128xf32>
    %eq3A_913 = arith.cmpf oeq, %reduce_min3A_897, %eq3A_912 : vector<128x128xf32>
    %le3A_914 = vector.broadcast %broadcast_in_dim3A_909 : vector<1x128xi32> to vector<128x128xi32>
    %le3A_915 = arith.cmpi sle, %iota3A_33, %le3A_914 : vector<128x128xi32>
    %and3A_916 = arith.andi %eq3A_913, %le3A_915 : vector<128x128xi1>
    %or3A_917 = arith.ori %lt3A_911, %and3A_916 : vector<128x128xi1>
    %jit3A_918 = arith.constant 0x7F800000 : f32
    %broadcast_in_dim3A_919 = vector.broadcast %jit3A_918 : f32 to vector<128x128xf32>
    %select_n3A_920 = arith.select %or3A_917, %broadcast_in_dim3A_919, %reduce_min3A_897 : vector<128x128xi1>, vector<128x128xf32>
    %eq3A_921 = vector.broadcast %broadcast_in_dim3A_876 : vector<1x128xf32> to vector<128x128xf32>
    %eq3A_922 = arith.cmpf oeq, %select_n3A_920, %eq3A_921 : vector<128x128xf32>
    %jit3A_923 = arith.constant 128 : i32
    %broadcast_in_dim3A_924 = vector.broadcast %jit3A_923 : i32 to vector<128x128xi32>
    %select_n3A_925 = arith.select %eq3A_922, %iota3A_33, %broadcast_in_dim3A_924 : vector<128x128xi1>, vector<128x128xi32>
    %reduce_min3A_926 = arith.constant dense<2147483647> : vector<128xi32>
    %reduce_min3A_927 = vector.multi_reduction <minsi>, %select_n3A_925, %reduce_min3A_926 [0] : vector<128x128xi32> to vector<128xi32>
    %broadcast_in_dim3A_928 = vector.shape_cast %reduce_min3A_927 : vector<128xi32> to vector<1x128xi32>
    %mul3A_929 = arith.constant 128 : i32
    %mul3A_930 = vector.broadcast %mul3A_929 : i32 to vector<1x128xi32>
    %mul3A_931 = arith.muli %broadcast_in_dim3A_884, %mul3A_930 : vector<1x128xi32>
    %add3A_932 = arith.addi %mul3A_931, %broadcast_in_dim3A_928 : vector<1x128xi32>
    %add3A_933 = vector.broadcast %mul3A_36 : i32 to vector<1x128xi32>
    %add3A_934 = arith.addi %add3A_932, %add3A_933 : vector<1x128xi32>
    %swap3A_935 = arith.constant 0 : index
    %swap3A_936 = arith.constant 10 : index
    %swap3A_937 = arith.constant 0 : index
    %swap3A_938 = vector.load %arg5[%swap3A_935, %swap3A_936, %swap3A_937] : memref<1x32x128xi32, #tpu.memory_space<vmem>>, vector<1x1x128xi32>
    %swap3A_939 = vector.shape_cast %swap3A_938 : vector<1x1x128xi32> to vector<1x128xi32>
    %swap3A_940 = vector.shape_cast %add3A_934 : vector<1x128xi32> to vector<1x1x128xi32>
    tpu.vector_store %arg5[%swap3A_935, %swap3A_936, %swap3A_937], %swap3A_940 {strides = array<i32>} : memref<1x32x128xi32, #tpu.memory_space<vmem>>, vector<1x1x128xi32>,
    %eq3A_941 = vector.broadcast %broadcast_in_dim3A_928 : vector<1x128xi32> to vector<128x128xi32>
    %eq3A_942 = arith.cmpi eq, %iota3A_33, %eq3A_941 : vector<128x128xi32>
    %jit3A_943 = arith.constant 0x7F800000 : f32
    %broadcast_in_dim3A_944 = vector.broadcast %jit3A_943 : f32 to vector<128x128xf32>
    %select_n3A_945 = arith.select %eq3A_942, %broadcast_in_dim3A_944, %select_n3A_920 : vector<128x128xi1>, vector<128x128xf32>
    %reduce_min3A_946 = arith.constant dense<0x7F800000> : vector<128xf32>
    %reduce_min3A_947 = vector.multi_reduction <minimumf>, %select_n3A_945, %reduce_min3A_946 [0] : vector<128x128xf32> to vector<128xf32>
    %broadcast_in_dim3A_948 = vector.shape_cast %reduce_min3A_947 : vector<128xf32> to vector<1x128xf32>
    %broadcast_in_dim3A_949 = vector.shape_cast %broadcast_in_dim3A_948 : vector<1x128xf32> to vector<1x128xf32>
    %broadcast_in_dim3A_950 = vector.broadcast %broadcast_in_dim3A_949 : vector<1x128xf32> to vector<64x128xf32>
    %select_n3A_951 = arith.select %eq3A_886, %broadcast_in_dim3A_950, %select_n3A_867 : vector<64x128xi1>, vector<64x128xf32>
    %broadcast_in_dim3A_952 = vector.shape_cast %broadcast_in_dim3A_876 : vector<1x128xf32> to vector<1x128xf32>
    %broadcast_in_dim3A_953 = vector.broadcast %broadcast_in_dim3A_952 : vector<1x128xf32> to vector<64x128xf32>
    %select_n3A_954 = arith.select %eq3A_886, %broadcast_in_dim3A_953, %select_n3A_870 : vector<64x128xi1>, vector<64x128xf32>
    %broadcast_in_dim3A_955 = vector.shape_cast %broadcast_in_dim3A_928 : vector<1x128xi32> to vector<1x128xi32>
    %broadcast_in_dim3A_956 = vector.broadcast %broadcast_in_dim3A_955 : vector<1x128xi32> to vector<64x128xi32>
    %select_n3A_957 = arith.select %eq3A_886, %broadcast_in_dim3A_956, %select_n3A_873 : vector<64x128xi1>, vector<64x128xi32>
    %reduce_min3A_958 = arith.constant dense<0x7F800000> : vector<128xf32>
    %reduce_min3A_959 = vector.multi_reduction <minimumf>, %select_n3A_951, %reduce_min3A_958 [0] : vector<64x128xf32> to vector<128xf32>
    %broadcast_in_dim3A_960 = vector.shape_cast %reduce_min3A_959 : vector<128xf32> to vector<1x128xf32>
    %eq3A_961 = vector.broadcast %broadcast_in_dim3A_960 : vector<1x128xf32> to vector<64x128xf32>
    %eq3A_962 = arith.cmpf oeq, %select_n3A_951, %eq3A_961 : vector<64x128xf32>
    %jit3A_963 = arith.constant 64 : i32
    %broadcast_in_dim3A_964 = vector.broadcast %jit3A_963 : i32 to vector<64x128xi32>
    %select_n3A_965 = arith.select %eq3A_962, %iota3A_32, %broadcast_in_dim3A_964 : vector<64x128xi1>, vector<64x128xi32>
    %reduce_min3A_966 = arith.constant dense<2147483647> : vector<128xi32>
    %reduce_min3A_967 = vector.multi_reduction <minsi>, %select_n3A_965, %reduce_min3A_966 [0] : vector<64x128xi32> to vector<128xi32>
    %broadcast_in_dim3A_968 = vector.shape_cast %reduce_min3A_967 : vector<128xi32> to vector<1x128xi32>
    %eq3A_969 = vector.broadcast %broadcast_in_dim3A_968 : vector<1x128xi32> to vector<64x128xi32>
    %eq3A_970 = arith.cmpi eq, %iota3A_32, %eq3A_969 : vector<64x128xi32>
    %broadcast_in_dim3A_971 = vector.shape_cast %broadcast_in_dim3A_968 : vector<1x128xi32> to vector<1x1x128xi32>
    %eq3A_972 = vector.broadcast %iota3A_34 : vector<64x1x1xi32> to vector<64x1x128xi32>
    %eq3A_973 = vector.broadcast %broadcast_in_dim3A_971 : vector<1x1x128xi32> to vector<64x1x128xi32>
    %eq3A_974 = arith.cmpi eq, %eq3A_972, %eq3A_973 : vector<64x1x128xi32>
    %jit3A_975 = arith.constant 0x7F800000 : f32
    %broadcast_in_dim3A_976 = vector.shape_cast %eq3A_974 : vector<64x1x128xi1> to vector<64x1x128xi1>
    %broadcast_in_dim3A_977 = vector.broadcast %broadcast_in_dim3A_976 : vector<64x1x128xi1> to vector<64x128x128xi1>
    %broadcast_in_dim3A_978 = vector.broadcast %jit3A_975 : f32 to vector<64x128x128xf32>
    %select_n3A_979 = arith.select %broadcast_in_dim3A_977, %reshape3A, %broadcast_in_dim3A_978 : vector<64x128x128xi1>, vector<64x128x128xf32>
    %reduce_min3A_980 = arith.constant dense<0x7F800000> : vector<128x128xf32>
    %reduce_min3A_981 = vector.multi_reduction <minimumf>, %select_n3A_979, %reduce_min3A_980 [0] : vector<64x128x128xf32> to vector<128x128xf32>
    %jit3A_982 = arith.constant 0x7F800000 : f32
    %broadcast_in_dim3A_983 = vector.broadcast %jit3A_982 : f32 to vector<64x128xf32>
    %select_n3A_984 = arith.select %eq3A_970, %select_n3A_954, %broadcast_in_dim3A_983 : vector<64x128xi1>, vector<64x128xf32>
    %reduce_min3A_985 = arith.constant dense<0x7F800000> : vector<128xf32>
    %reduce_min3A_986 = vector.multi_reduction <minimumf>, %select_n3A_984, %reduce_min3A_985 [0] : vector<64x128xf32> to vector<128xf32>
    %broadcast_in_dim3A_987 = vector.shape_cast %reduce_min3A_986 : vector<128xf32> to vector<1x128xf32>
    %jit3A_988 = arith.constant -1 : i32
    %broadcast_in_dim3A_989 = vector.broadcast %jit3A_988 : i32 to vector<64x128xi32>
    %select_n3A_990 = arith.select %eq3A_970, %select_n3A_957, %broadcast_in_dim3A_989 : vector<64x128xi1>, vector<64x128xi32>
    %reduce_max3A_991 = arith.constant dense<-2147483648> : vector<128xi32>
    %reduce_max3A_992 = vector.multi_reduction <maxsi>, %select_n3A_990, %reduce_max3A_991 [0] : vector<64x128xi32> to vector<128xi32>
    %broadcast_in_dim3A_993 = vector.shape_cast %reduce_max3A_992 : vector<128xi32> to vector<1x128xi32>
    %lt3A_994 = vector.broadcast %broadcast_in_dim3A_987 : vector<1x128xf32> to vector<128x128xf32>
    %lt3A_995 = arith.cmpf olt, %reduce_min3A_981, %lt3A_994 : vector<128x128xf32>
    %eq3A_996 = vector.broadcast %broadcast_in_dim3A_987 : vector<1x128xf32> to vector<128x128xf32>
    %eq3A_997 = arith.cmpf oeq, %reduce_min3A_981, %eq3A_996 : vector<128x128xf32>
    %le3A_998 = vector.broadcast %broadcast_in_dim3A_993 : vector<1x128xi32> to vector<128x128xi32>
    %le3A_999 = arith.cmpi sle, %iota3A_33, %le3A_998 : vector<128x128xi32>
    %and3A_1000 = arith.andi %eq3A_997, %le3A_999 : vector<128x128xi1>
    %or3A_1001 = arith.ori %lt3A_995, %and3A_1000 : vector<128x128xi1>
    %jit3A_1002 = arith.constant 0x7F800000 : f32
    %broadcast_in_dim3A_1003 = vector.broadcast %jit3A_1002 : f32 to vector<128x128xf32>
    %select_n3A_1004 = arith.select %or3A_1001, %broadcast_in_dim3A_1003, %reduce_min3A_981 : vector<128x128xi1>, vector<128x128xf32>
    %eq3A_1005 = vector.broadcast %broadcast_in_dim3A_960 : vector<1x128xf32> to vector<128x128xf32>
    %eq3A_1006 = arith.cmpf oeq, %select_n3A_1004, %eq3A_1005 : vector<128x128xf32>
    %jit3A_1007 = arith.constant 128 : i32
    %broadcast_in_dim3A_1008 = vector.broadcast %jit3A_1007 : i32 to vector<128x128xi32>
    %select_n3A_1009 = arith.select %eq3A_1006, %iota3A_33, %broadcast_in_dim3A_1008 : vector<128x128xi1>, vector<128x128xi32>
    %reduce_min3A_1010 = arith.constant dense<2147483647> : vector<128xi32>
    %reduce_min3A_1011 = vector.multi_reduction <minsi>, %select_n3A_1009, %reduce_min3A_1010 [0] : vector<128x128xi32> to vector<128xi32>
    %broadcast_in_dim3A_1012 = vector.shape_cast %reduce_min3A_1011 : vector<128xi32> to vector<1x128xi32>
    %mul3A_1013 = arith.constant 128 : i32
    %mul3A_1014 = vector.broadcast %mul3A_1013 : i32 to vector<1x128xi32>
    %mul3A_1015 = arith.muli %broadcast_in_dim3A_968, %mul3A_1014 : vector<1x128xi32>
    %add3A_1016 = arith.addi %mul3A_1015, %broadcast_in_dim3A_1012 : vector<1x128xi32>
    %add3A_1017 = vector.broadcast %mul3A_36 : i32 to vector<1x128xi32>
    %add3A_1018 = arith.addi %add3A_1016, %add3A_1017 : vector<1x128xi32>
    %swap3A_1019 = arith.constant 0 : index
    %swap3A_1020 = arith.constant 11 : index
    %swap3A_1021 = arith.constant 0 : index
    %swap3A_1022 = vector.load %arg5[%swap3A_1019, %swap3A_1020, %swap3A_1021] : memref<1x32x128xi32, #tpu.memory_space<vmem>>, vector<1x1x128xi32>
    %swap3A_1023 = vector.shape_cast %swap3A_1022 : vector<1x1x128xi32> to vector<1x128xi32>
    %swap3A_1024 = vector.shape_cast %add3A_1018 : vector<1x128xi32> to vector<1x1x128xi32>
    tpu.vector_store %arg5[%swap3A_1019, %swap3A_1020, %swap3A_1021], %swap3A_1024 {strides = array<i32>} : memref<1x32x128xi32, #tpu.memory_space<vmem>>, vector<1x1x128xi32>,
    %eq3A_1025 = vector.broadcast %broadcast_in_dim3A_1012 : vector<1x128xi32> to vector<128x128xi32>
    %eq3A_1026 = arith.cmpi eq, %iota3A_33, %eq3A_1025 : vector<128x128xi32>
    %jit3A_1027 = arith.constant 0x7F800000 : f32
    %broadcast_in_dim3A_1028 = vector.broadcast %jit3A_1027 : f32 to vector<128x128xf32>
    %select_n3A_1029 = arith.select %eq3A_1026, %broadcast_in_dim3A_1028, %select_n3A_1004 : vector<128x128xi1>, vector<128x128xf32>
    %reduce_min3A_1030 = arith.constant dense<0x7F800000> : vector<128xf32>
    %reduce_min3A_1031 = vector.multi_reduction <minimumf>, %select_n3A_1029, %reduce_min3A_1030 [0] : vector<128x128xf32> to vector<128xf32>
    %broadcast_in_dim3A_1032 = vector.shape_cast %reduce_min3A_1031 : vector<128xf32> to vector<1x128xf32>
    %broadcast_in_dim3A_1033 = vector.shape_cast %broadcast_in_dim3A_1032 : vector<1x128xf32> to vector<1x128xf32>
    %broadcast_in_dim3A_1034 = vector.broadcast %broadcast_in_dim3A_1033 : vector<1x128xf32> to vector<64x128xf32>
    %select_n3A_1035 = arith.select %eq3A_970, %broadcast_in_dim3A_1034, %select_n3A_951 : vector<64x128xi1>, vector<64x128xf32>
    %broadcast_in_dim3A_1036 = vector.shape_cast %broadcast_in_dim3A_960 : vector<1x128xf32> to vector<1x128xf32>
    %broadcast_in_dim3A_1037 = vector.broadcast %broadcast_in_dim3A_1036 : vector<1x128xf32> to vector<64x128xf32>
    %select_n3A_1038 = arith.select %eq3A_970, %broadcast_in_dim3A_1037, %select_n3A_954 : vector<64x128xi1>, vector<64x128xf32>
    %broadcast_in_dim3A_1039 = vector.shape_cast %broadcast_in_dim3A_1012 : vector<1x128xi32> to vector<1x128xi32>
    %broadcast_in_dim3A_1040 = vector.broadcast %broadcast_in_dim3A_1039 : vector<1x128xi32> to vector<64x128xi32>
    %select_n3A_1041 = arith.select %eq3A_970, %broadcast_in_dim3A_1040, %select_n3A_957 : vector<64x128xi1>, vector<64x128xi32>
    %reduce_min3A_1042 = arith.constant dense<0x7F800000> : vector<128xf32>
    %reduce_min3A_1043 = vector.multi_reduction <minimumf>, %select_n3A_1035, %reduce_min3A_1042 [0] : vector<64x128xf32> to vector<128xf32>
    %broadcast_in_dim3A_1044 = vector.shape_cast %reduce_min3A_1043 : vector<128xf32> to vector<1x128xf32>
    %eq3A_1045 = vector.broadcast %broadcast_in_dim3A_1044 : vector<1x128xf32> to vector<64x128xf32>
    %eq3A_1046 = arith.cmpf oeq, %select_n3A_1035, %eq3A_1045 : vector<64x128xf32>
    %jit3A_1047 = arith.constant 64 : i32
    %broadcast_in_dim3A_1048 = vector.broadcast %jit3A_1047 : i32 to vector<64x128xi32>
    %select_n3A_1049 = arith.select %eq3A_1046, %iota3A_32, %broadcast_in_dim3A_1048 : vector<64x128xi1>, vector<64x128xi32>
    %reduce_min3A_1050 = arith.constant dense<2147483647> : vector<128xi32>
    %reduce_min3A_1051 = vector.multi_reduction <minsi>, %select_n3A_1049, %reduce_min3A_1050 [0] : vector<64x128xi32> to vector<128xi32>
    %broadcast_in_dim3A_1052 = vector.shape_cast %reduce_min3A_1051 : vector<128xi32> to vector<1x128xi32>
    %eq3A_1053 = vector.broadcast %broadcast_in_dim3A_1052 : vector<1x128xi32> to vector<64x128xi32>
    %eq3A_1054 = arith.cmpi eq, %iota3A_32, %eq3A_1053 : vector<64x128xi32>
    %broadcast_in_dim3A_1055 = vector.shape_cast %broadcast_in_dim3A_1052 : vector<1x128xi32> to vector<1x1x128xi32>
    %eq3A_1056 = vector.broadcast %iota3A_34 : vector<64x1x1xi32> to vector<64x1x128xi32>
    %eq3A_1057 = vector.broadcast %broadcast_in_dim3A_1055 : vector<1x1x128xi32> to vector<64x1x128xi32>
    %eq3A_1058 = arith.cmpi eq, %eq3A_1056, %eq3A_1057 : vector<64x1x128xi32>
    %jit3A_1059 = arith.constant 0x7F800000 : f32
    %broadcast_in_dim3A_1060 = vector.shape_cast %eq3A_1058 : vector<64x1x128xi1> to vector<64x1x128xi1>
    %broadcast_in_dim3A_1061 = vector.broadcast %broadcast_in_dim3A_1060 : vector<64x1x128xi1> to vector<64x128x128xi1>
    %broadcast_in_dim3A_1062 = vector.broadcast %jit3A_1059 : f32 to vector<64x128x128xf32>
    %select_n3A_1063 = arith.select %broadcast_in_dim3A_1061, %reshape3A, %broadcast_in_dim3A_1062 : vector<64x128x128xi1>, vector<64x128x128xf32>
    %reduce_min3A_1064 = arith.constant dense<0x7F800000> : vector<128x128xf32>
    %reduce_min3A_1065 = vector.multi_reduction <minimumf>, %select_n3A_1063, %reduce_min3A_1064 [0] : vector<64x128x128xf32> to vector<128x128xf32>
    %jit3A_1066 = arith.constant 0x7F800000 : f32
    %broadcast_in_dim3A_1067 = vector.broadcast %jit3A_1066 : f32 to vector<64x128xf32>
    %select_n3A_1068 = arith.select %eq3A_1054, %select_n3A_1038, %broadcast_in_dim3A_1067 : vector<64x128xi1>, vector<64x128xf32>
    %reduce_min3A_1069 = arith.constant dense<0x7F800000> : vector<128xf32>
    %reduce_min3A_1070 = vector.multi_reduction <minimumf>, %select_n3A_1068, %reduce_min3A_1069 [0] : vector<64x128xf32> to vector<128xf32>
    %broadcast_in_dim3A_1071 = vector.shape_cast %reduce_min3A_1070 : vector<128xf32> to vector<1x128xf32>
    %jit3A_1072 = arith.constant -1 : i32
    %broadcast_in_dim3A_1073 = vector.broadcast %jit3A_1072 : i32 to vector<64x128xi32>
    %select_n3A_1074 = arith.select %eq3A_1054, %select_n3A_1041, %broadcast_in_dim3A_1073 : vector<64x128xi1>, vector<64x128xi32>
    %reduce_max3A_1075 = arith.constant dense<-2147483648> : vector<128xi32>
    %reduce_max3A_1076 = vector.multi_reduction <maxsi>, %select_n3A_1074, %reduce_max3A_1075 [0] : vector<64x128xi32> to vector<128xi32>
    %broadcast_in_dim3A_1077 = vector.shape_cast %reduce_max3A_1076 : vector<128xi32> to vector<1x128xi32>
    %lt3A_1078 = vector.broadcast %broadcast_in_dim3A_1071 : vector<1x128xf32> to vector<128x128xf32>
    %lt3A_1079 = arith.cmpf olt, %reduce_min3A_1065, %lt3A_1078 : vector<128x128xf32>
    %eq3A_1080 = vector.broadcast %broadcast_in_dim3A_1071 : vector<1x128xf32> to vector<128x128xf32>
    %eq3A_1081 = arith.cmpf oeq, %reduce_min3A_1065, %eq3A_1080 : vector<128x128xf32>
    %le3A_1082 = vector.broadcast %broadcast_in_dim3A_1077 : vector<1x128xi32> to vector<128x128xi32>
    %le3A_1083 = arith.cmpi sle, %iota3A_33, %le3A_1082 : vector<128x128xi32>
    %and3A_1084 = arith.andi %eq3A_1081, %le3A_1083 : vector<128x128xi1>
    %or3A_1085 = arith.ori %lt3A_1079, %and3A_1084 : vector<128x128xi1>
    %jit3A_1086 = arith.constant 0x7F800000 : f32
    %broadcast_in_dim3A_1087 = vector.broadcast %jit3A_1086 : f32 to vector<128x128xf32>
    %select_n3A_1088 = arith.select %or3A_1085, %broadcast_in_dim3A_1087, %reduce_min3A_1065 : vector<128x128xi1>, vector<128x128xf32>
    %eq3A_1089 = vector.broadcast %broadcast_in_dim3A_1044 : vector<1x128xf32> to vector<128x128xf32>
    %eq3A_1090 = arith.cmpf oeq, %select_n3A_1088, %eq3A_1089 : vector<128x128xf32>
    %jit3A_1091 = arith.constant 128 : i32
    %broadcast_in_dim3A_1092 = vector.broadcast %jit3A_1091 : i32 to vector<128x128xi32>
    %select_n3A_1093 = arith.select %eq3A_1090, %iota3A_33, %broadcast_in_dim3A_1092 : vector<128x128xi1>, vector<128x128xi32>
    %reduce_min3A_1094 = arith.constant dense<2147483647> : vector<128xi32>
    %reduce_min3A_1095 = vector.multi_reduction <minsi>, %select_n3A_1093, %reduce_min3A_1094 [0] : vector<128x128xi32> to vector<128xi32>
    %broadcast_in_dim3A_1096 = vector.shape_cast %reduce_min3A_1095 : vector<128xi32> to vector<1x128xi32>
    %mul3A_1097 = arith.constant 128 : i32
    %mul3A_1098 = vector.broadcast %mul3A_1097 : i32 to vector<1x128xi32>
    %mul3A_1099 = arith.muli %broadcast_in_dim3A_1052, %mul3A_1098 : vector<1x128xi32>
    %add3A_1100 = arith.addi %mul3A_1099, %broadcast_in_dim3A_1096 : vector<1x128xi32>
    %add3A_1101 = vector.broadcast %mul3A_36 : i32 to vector<1x128xi32>
    %add3A_1102 = arith.addi %add3A_1100, %add3A_1101 : vector<1x128xi32>
    %swap3A_1103 = arith.constant 0 : index
    %swap3A_1104 = arith.constant 12 : index
    %swap3A_1105 = arith.constant 0 : index
    %swap3A_1106 = vector.load %arg5[%swap3A_1103, %swap3A_1104, %swap3A_1105] : memref<1x32x128xi32, #tpu.memory_space<vmem>>, vector<1x1x128xi32>
    %swap3A_1107 = vector.shape_cast %swap3A_1106 : vector<1x1x128xi32> to vector<1x128xi32>
    %swap3A_1108 = vector.shape_cast %add3A_1102 : vector<1x128xi32> to vector<1x1x128xi32>
    tpu.vector_store %arg5[%swap3A_1103, %swap3A_1104, %swap3A_1105], %swap3A_1108 {strides = array<i32>} : memref<1x32x128xi32, #tpu.memory_space<vmem>>, vector<1x1x128xi32>,
    %eq3A_1109 = vector.broadcast %broadcast_in_dim3A_1096 : vector<1x128xi32> to vector<128x128xi32>
    %eq3A_1110 = arith.cmpi eq, %iota3A_33, %eq3A_1109 : vector<128x128xi32>
    %jit3A_1111 = arith.constant 0x7F800000 : f32
    %broadcast_in_dim3A_1112 = vector.broadcast %jit3A_1111 : f32 to vector<128x128xf32>
    %select_n3A_1113 = arith.select %eq3A_1110, %broadcast_in_dim3A_1112, %select_n3A_1088 : vector<128x128xi1>, vector<128x128xf32>
    %reduce_min3A_1114 = arith.constant dense<0x7F800000> : vector<128xf32>
    %reduce_min3A_1115 = vector.multi_reduction <minimumf>, %select_n3A_1113, %reduce_min3A_1114 [0] : vector<128x128xf32> to vector<128xf32>
    %broadcast_in_dim3A_1116 = vector.shape_cast %reduce_min3A_1115 : vector<128xf32> to vector<1x128xf32>
    %broadcast_in_dim3A_1117 = vector.shape_cast %broadcast_in_dim3A_1116 : vector<1x128xf32> to vector<1x128xf32>
    %broadcast_in_dim3A_1118 = vector.broadcast %broadcast_in_dim3A_1117 : vector<1x128xf32> to vector<64x128xf32>
    %select_n3A_1119 = arith.select %eq3A_1054, %broadcast_in_dim3A_1118, %select_n3A_1035 : vector<64x128xi1>, vector<64x128xf32>
    %broadcast_in_dim3A_1120 = vector.shape_cast %broadcast_in_dim3A_1044 : vector<1x128xf32> to vector<1x128xf32>
    %broadcast_in_dim3A_1121 = vector.broadcast %broadcast_in_dim3A_1120 : vector<1x128xf32> to vector<64x128xf32>
    %select_n3A_1122 = arith.select %eq3A_1054, %broadcast_in_dim3A_1121, %select_n3A_1038 : vector<64x128xi1>, vector<64x128xf32>
    %broadcast_in_dim3A_1123 = vector.shape_cast %broadcast_in_dim3A_1096 : vector<1x128xi32> to vector<1x128xi32>
    %broadcast_in_dim3A_1124 = vector.broadcast %broadcast_in_dim3A_1123 : vector<1x128xi32> to vector<64x128xi32>
    %select_n3A_1125 = arith.select %eq3A_1054, %broadcast_in_dim3A_1124, %select_n3A_1041 : vector<64x128xi1>, vector<64x128xi32>
    %reduce_min3A_1126 = arith.constant dense<0x7F800000> : vector<128xf32>
    %reduce_min3A_1127 = vector.multi_reduction <minimumf>, %select_n3A_1119, %reduce_min3A_1126 [0] : vector<64x128xf32> to vector<128xf32>
    %broadcast_in_dim3A_1128 = vector.shape_cast %reduce_min3A_1127 : vector<128xf32> to vector<1x128xf32>
    %eq3A_1129 = vector.broadcast %broadcast_in_dim3A_1128 : vector<1x128xf32> to vector<64x128xf32>
    %eq3A_1130 = arith.cmpf oeq, %select_n3A_1119, %eq3A_1129 : vector<64x128xf32>
    %jit3A_1131 = arith.constant 64 : i32
    %broadcast_in_dim3A_1132 = vector.broadcast %jit3A_1131 : i32 to vector<64x128xi32>
    %select_n3A_1133 = arith.select %eq3A_1130, %iota3A_32, %broadcast_in_dim3A_1132 : vector<64x128xi1>, vector<64x128xi32>
    %reduce_min3A_1134 = arith.constant dense<2147483647> : vector<128xi32>
    %reduce_min3A_1135 = vector.multi_reduction <minsi>, %select_n3A_1133, %reduce_min3A_1134 [0] : vector<64x128xi32> to vector<128xi32>
    %broadcast_in_dim3A_1136 = vector.shape_cast %reduce_min3A_1135 : vector<128xi32> to vector<1x128xi32>
    %eq3A_1137 = vector.broadcast %broadcast_in_dim3A_1136 : vector<1x128xi32> to vector<64x128xi32>
    %eq3A_1138 = arith.cmpi eq, %iota3A_32, %eq3A_1137 : vector<64x128xi32>
    %broadcast_in_dim3A_1139 = vector.shape_cast %broadcast_in_dim3A_1136 : vector<1x128xi32> to vector<1x1x128xi32>
    %eq3A_1140 = vector.broadcast %iota3A_34 : vector<64x1x1xi32> to vector<64x1x128xi32>
    %eq3A_1141 = vector.broadcast %broadcast_in_dim3A_1139 : vector<1x1x128xi32> to vector<64x1x128xi32>
    %eq3A_1142 = arith.cmpi eq, %eq3A_1140, %eq3A_1141 : vector<64x1x128xi32>
    %jit3A_1143 = arith.constant 0x7F800000 : f32
    %broadcast_in_dim3A_1144 = vector.shape_cast %eq3A_1142 : vector<64x1x128xi1> to vector<64x1x128xi1>
    %broadcast_in_dim3A_1145 = vector.broadcast %broadcast_in_dim3A_1144 : vector<64x1x128xi1> to vector<64x128x128xi1>
    %broadcast_in_dim3A_1146 = vector.broadcast %jit3A_1143 : f32 to vector<64x128x128xf32>
    %select_n3A_1147 = arith.select %broadcast_in_dim3A_1145, %reshape3A, %broadcast_in_dim3A_1146 : vector<64x128x128xi1>, vector<64x128x128xf32>
    %reduce_min3A_1148 = arith.constant dense<0x7F800000> : vector<128x128xf32>
    %reduce_min3A_1149 = vector.multi_reduction <minimumf>, %select_n3A_1147, %reduce_min3A_1148 [0] : vector<64x128x128xf32> to vector<128x128xf32>
    %jit3A_1150 = arith.constant 0x7F800000 : f32
    %broadcast_in_dim3A_1151 = vector.broadcast %jit3A_1150 : f32 to vector<64x128xf32>
    %select_n3A_1152 = arith.select %eq3A_1138, %select_n3A_1122, %broadcast_in_dim3A_1151 : vector<64x128xi1>, vector<64x128xf32>
    %reduce_min3A_1153 = arith.constant dense<0x7F800000> : vector<128xf32>
    %reduce_min3A_1154 = vector.multi_reduction <minimumf>, %select_n3A_1152, %reduce_min3A_1153 [0] : vector<64x128xf32> to vector<128xf32>
    %broadcast_in_dim3A_1155 = vector.shape_cast %reduce_min3A_1154 : vector<128xf32> to vector<1x128xf32>
    %jit3A_1156 = arith.constant -1 : i32
    %broadcast_in_dim3A_1157 = vector.broadcast %jit3A_1156 : i32 to vector<64x128xi32>
    %select_n3A_1158 = arith.select %eq3A_1138, %select_n3A_1125, %broadcast_in_dim3A_1157 : vector<64x128xi1>, vector<64x128xi32>
    %reduce_max3A_1159 = arith.constant dense<-2147483648> : vector<128xi32>
    %reduce_max3A_1160 = vector.multi_reduction <maxsi>, %select_n3A_1158, %reduce_max3A_1159 [0] : vector<64x128xi32> to vector<128xi32>
    %broadcast_in_dim3A_1161 = vector.shape_cast %reduce_max3A_1160 : vector<128xi32> to vector<1x128xi32>
    %lt3A_1162 = vector.broadcast %broadcast_in_dim3A_1155 : vector<1x128xf32> to vector<128x128xf32>
    %lt3A_1163 = arith.cmpf olt, %reduce_min3A_1149, %lt3A_1162 : vector<128x128xf32>
    %eq3A_1164 = vector.broadcast %broadcast_in_dim3A_1155 : vector<1x128xf32> to vector<128x128xf32>
    %eq3A_1165 = arith.cmpf oeq, %reduce_min3A_1149, %eq3A_1164 : vector<128x128xf32>
    %le3A_1166 = vector.broadcast %broadcast_in_dim3A_1161 : vector<1x128xi32> to vector<128x128xi32>
    %le3A_1167 = arith.cmpi sle, %iota3A_33, %le3A_1166 : vector<128x128xi32>
    %and3A_1168 = arith.andi %eq3A_1165, %le3A_1167 : vector<128x128xi1>
    %or3A_1169 = arith.ori %lt3A_1163, %and3A_1168 : vector<128x128xi1>
    %jit3A_1170 = arith.constant 0x7F800000 : f32
    %broadcast_in_dim3A_1171 = vector.broadcast %jit3A_1170 : f32 to vector<128x128xf32>
    %select_n3A_1172 = arith.select %or3A_1169, %broadcast_in_dim3A_1171, %reduce_min3A_1149 : vector<128x128xi1>, vector<128x128xf32>
    %eq3A_1173 = vector.broadcast %broadcast_in_dim3A_1128 : vector<1x128xf32> to vector<128x128xf32>
    %eq3A_1174 = arith.cmpf oeq, %select_n3A_1172, %eq3A_1173 : vector<128x128xf32>
    %jit3A_1175 = arith.constant 128 : i32
    %broadcast_in_dim3A_1176 = vector.broadcast %jit3A_1175 : i32 to vector<128x128xi32>
    %select_n3A_1177 = arith.select %eq3A_1174, %iota3A_33, %broadcast_in_dim3A_1176 : vector<128x128xi1>, vector<128x128xi32>
    %reduce_min3A_1178 = arith.constant dense<2147483647> : vector<128xi32>
    %reduce_min3A_1179 = vector.multi_reduction <minsi>, %select_n3A_1177, %reduce_min3A_1178 [0] : vector<128x128xi32> to vector<128xi32>
    %broadcast_in_dim3A_1180 = vector.shape_cast %reduce_min3A_1179 : vector<128xi32> to vector<1x128xi32>
    %mul3A_1181 = arith.constant 128 : i32
    %mul3A_1182 = vector.broadcast %mul3A_1181 : i32 to vector<1x128xi32>
    %mul3A_1183 = arith.muli %broadcast_in_dim3A_1136, %mul3A_1182 : vector<1x128xi32>
    %add3A_1184 = arith.addi %mul3A_1183, %broadcast_in_dim3A_1180 : vector<1x128xi32>
    %add3A_1185 = vector.broadcast %mul3A_36 : i32 to vector<1x128xi32>
    %add3A_1186 = arith.addi %add3A_1184, %add3A_1185 : vector<1x128xi32>
    %swap3A_1187 = arith.constant 0 : index
    %swap3A_1188 = arith.constant 13 : index
    %swap3A_1189 = arith.constant 0 : index
    %swap3A_1190 = vector.load %arg5[%swap3A_1187, %swap3A_1188, %swap3A_1189] : memref<1x32x128xi32, #tpu.memory_space<vmem>>, vector<1x1x128xi32>
    %swap3A_1191 = vector.shape_cast %swap3A_1190 : vector<1x1x128xi32> to vector<1x128xi32>
    %swap3A_1192 = vector.shape_cast %add3A_1186 : vector<1x128xi32> to vector<1x1x128xi32>
    tpu.vector_store %arg5[%swap3A_1187, %swap3A_1188, %swap3A_1189], %swap3A_1192 {strides = array<i32>} : memref<1x32x128xi32, #tpu.memory_space<vmem>>, vector<1x1x128xi32>,
    %eq3A_1193 = vector.broadcast %broadcast_in_dim3A_1180 : vector<1x128xi32> to vector<128x128xi32>
    %eq3A_1194 = arith.cmpi eq, %iota3A_33, %eq3A_1193 : vector<128x128xi32>
    %jit3A_1195 = arith.constant 0x7F800000 : f32
    %broadcast_in_dim3A_1196 = vector.broadcast %jit3A_1195 : f32 to vector<128x128xf32>
    %select_n3A_1197 = arith.select %eq3A_1194, %broadcast_in_dim3A_1196, %select_n3A_1172 : vector<128x128xi1>, vector<128x128xf32>
    %reduce_min3A_1198 = arith.constant dense<0x7F800000> : vector<128xf32>
    %reduce_min3A_1199 = vector.multi_reduction <minimumf>, %select_n3A_1197, %reduce_min3A_1198 [0] : vector<128x128xf32> to vector<128xf32>
    %broadcast_in_dim3A_1200 = vector.shape_cast %reduce_min3A_1199 : vector<128xf32> to vector<1x128xf32>
    %broadcast_in_dim3A_1201 = vector.shape_cast %broadcast_in_dim3A_1200 : vector<1x128xf32> to vector<1x128xf32>
    %broadcast_in_dim3A_1202 = vector.broadcast %broadcast_in_dim3A_1201 : vector<1x128xf32> to vector<64x128xf32>
    %select_n3A_1203 = arith.select %eq3A_1138, %broadcast_in_dim3A_1202, %select_n3A_1119 : vector<64x128xi1>, vector<64x128xf32>
    %broadcast_in_dim3A_1204 = vector.shape_cast %broadcast_in_dim3A_1128 : vector<1x128xf32> to vector<1x128xf32>
    %broadcast_in_dim3A_1205 = vector.broadcast %broadcast_in_dim3A_1204 : vector<1x128xf32> to vector<64x128xf32>
    %select_n3A_1206 = arith.select %eq3A_1138, %broadcast_in_dim3A_1205, %select_n3A_1122 : vector<64x128xi1>, vector<64x128xf32>
    %broadcast_in_dim3A_1207 = vector.shape_cast %broadcast_in_dim3A_1180 : vector<1x128xi32> to vector<1x128xi32>
    %broadcast_in_dim3A_1208 = vector.broadcast %broadcast_in_dim3A_1207 : vector<1x128xi32> to vector<64x128xi32>
    %select_n3A_1209 = arith.select %eq3A_1138, %broadcast_in_dim3A_1208, %select_n3A_1125 : vector<64x128xi1>, vector<64x128xi32>
    %reduce_min3A_1210 = arith.constant dense<0x7F800000> : vector<128xf32>
    %reduce_min3A_1211 = vector.multi_reduction <minimumf>, %select_n3A_1203, %reduce_min3A_1210 [0] : vector<64x128xf32> to vector<128xf32>
    %broadcast_in_dim3A_1212 = vector.shape_cast %reduce_min3A_1211 : vector<128xf32> to vector<1x128xf32>
    %eq3A_1213 = vector.broadcast %broadcast_in_dim3A_1212 : vector<1x128xf32> to vector<64x128xf32>
    %eq3A_1214 = arith.cmpf oeq, %select_n3A_1203, %eq3A_1213 : vector<64x128xf32>
    %jit3A_1215 = arith.constant 64 : i32
    %broadcast_in_dim3A_1216 = vector.broadcast %jit3A_1215 : i32 to vector<64x128xi32>
    %select_n3A_1217 = arith.select %eq3A_1214, %iota3A_32, %broadcast_in_dim3A_1216 : vector<64x128xi1>, vector<64x128xi32>
    %reduce_min3A_1218 = arith.constant dense<2147483647> : vector<128xi32>
    %reduce_min3A_1219 = vector.multi_reduction <minsi>, %select_n3A_1217, %reduce_min3A_1218 [0] : vector<64x128xi32> to vector<128xi32>
    %broadcast_in_dim3A_1220 = vector.shape_cast %reduce_min3A_1219 : vector<128xi32> to vector<1x128xi32>
    %eq3A_1221 = vector.broadcast %broadcast_in_dim3A_1220 : vector<1x128xi32> to vector<64x128xi32>
    %eq3A_1222 = arith.cmpi eq, %iota3A_32, %eq3A_1221 : vector<64x128xi32>
    %broadcast_in_dim3A_1223 = vector.shape_cast %broadcast_in_dim3A_1220 : vector<1x128xi32> to vector<1x1x128xi32>
    %eq3A_1224 = vector.broadcast %iota3A_34 : vector<64x1x1xi32> to vector<64x1x128xi32>
    %eq3A_1225 = vector.broadcast %broadcast_in_dim3A_1223 : vector<1x1x128xi32> to vector<64x1x128xi32>
    %eq3A_1226 = arith.cmpi eq, %eq3A_1224, %eq3A_1225 : vector<64x1x128xi32>
    %jit3A_1227 = arith.constant 0x7F800000 : f32
    %broadcast_in_dim3A_1228 = vector.shape_cast %eq3A_1226 : vector<64x1x128xi1> to vector<64x1x128xi1>
    %broadcast_in_dim3A_1229 = vector.broadcast %broadcast_in_dim3A_1228 : vector<64x1x128xi1> to vector<64x128x128xi1>
    %broadcast_in_dim3A_1230 = vector.broadcast %jit3A_1227 : f32 to vector<64x128x128xf32>
    %select_n3A_1231 = arith.select %broadcast_in_dim3A_1229, %reshape3A, %broadcast_in_dim3A_1230 : vector<64x128x128xi1>, vector<64x128x128xf32>
    %reduce_min3A_1232 = arith.constant dense<0x7F800000> : vector<128x128xf32>
    %reduce_min3A_1233 = vector.multi_reduction <minimumf>, %select_n3A_1231, %reduce_min3A_1232 [0] : vector<64x128x128xf32> to vector<128x128xf32>
    %jit3A_1234 = arith.constant 0x7F800000 : f32
    %broadcast_in_dim3A_1235 = vector.broadcast %jit3A_1234 : f32 to vector<64x128xf32>
    %select_n3A_1236 = arith.select %eq3A_1222, %select_n3A_1206, %broadcast_in_dim3A_1235 : vector<64x128xi1>, vector<64x128xf32>
    %reduce_min3A_1237 = arith.constant dense<0x7F800000> : vector<128xf32>
    %reduce_min3A_1238 = vector.multi_reduction <minimumf>, %select_n3A_1236, %reduce_min3A_1237 [0] : vector<64x128xf32> to vector<128xf32>
    %broadcast_in_dim3A_1239 = vector.shape_cast %reduce_min3A_1238 : vector<128xf32> to vector<1x128xf32>
    %jit3A_1240 = arith.constant -1 : i32
    %broadcast_in_dim3A_1241 = vector.broadcast %jit3A_1240 : i32 to vector<64x128xi32>
    %select_n3A_1242 = arith.select %eq3A_1222, %select_n3A_1209, %broadcast_in_dim3A_1241 : vector<64x128xi1>, vector<64x128xi32>
    %reduce_max3A_1243 = arith.constant dense<-2147483648> : vector<128xi32>
    %reduce_max3A_1244 = vector.multi_reduction <maxsi>, %select_n3A_1242, %reduce_max3A_1243 [0] : vector<64x128xi32> to vector<128xi32>
    %broadcast_in_dim3A_1245 = vector.shape_cast %reduce_max3A_1244 : vector<128xi32> to vector<1x128xi32>
    %lt3A_1246 = vector.broadcast %broadcast_in_dim3A_1239 : vector<1x128xf32> to vector<128x128xf32>
    %lt3A_1247 = arith.cmpf olt, %reduce_min3A_1233, %lt3A_1246 : vector<128x128xf32>
    %eq3A_1248 = vector.broadcast %broadcast_in_dim3A_1239 : vector<1x128xf32> to vector<128x128xf32>
    %eq3A_1249 = arith.cmpf oeq, %reduce_min3A_1233, %eq3A_1248 : vector<128x128xf32>
    %le3A_1250 = vector.broadcast %broadcast_in_dim3A_1245 : vector<1x128xi32> to vector<128x128xi32>
    %le3A_1251 = arith.cmpi sle, %iota3A_33, %le3A_1250 : vector<128x128xi32>
    %and3A_1252 = arith.andi %eq3A_1249, %le3A_1251 : vector<128x128xi1>
    %or3A_1253 = arith.ori %lt3A_1247, %and3A_1252 : vector<128x128xi1>
    %jit3A_1254 = arith.constant 0x7F800000 : f32
    %broadcast_in_dim3A_1255 = vector.broadcast %jit3A_1254 : f32 to vector<128x128xf32>
    %select_n3A_1256 = arith.select %or3A_1253, %broadcast_in_dim3A_1255, %reduce_min3A_1233 : vector<128x128xi1>, vector<128x128xf32>
    %eq3A_1257 = vector.broadcast %broadcast_in_dim3A_1212 : vector<1x128xf32> to vector<128x128xf32>
    %eq3A_1258 = arith.cmpf oeq, %select_n3A_1256, %eq3A_1257 : vector<128x128xf32>
    %jit3A_1259 = arith.constant 128 : i32
    %broadcast_in_dim3A_1260 = vector.broadcast %jit3A_1259 : i32 to vector<128x128xi32>
    %select_n3A_1261 = arith.select %eq3A_1258, %iota3A_33, %broadcast_in_dim3A_1260 : vector<128x128xi1>, vector<128x128xi32>
    %reduce_min3A_1262 = arith.constant dense<2147483647> : vector<128xi32>
    %reduce_min3A_1263 = vector.multi_reduction <minsi>, %select_n3A_1261, %reduce_min3A_1262 [0] : vector<128x128xi32> to vector<128xi32>
    %broadcast_in_dim3A_1264 = vector.shape_cast %reduce_min3A_1263 : vector<128xi32> to vector<1x128xi32>
    %mul3A_1265 = arith.constant 128 : i32
    %mul3A_1266 = vector.broadcast %mul3A_1265 : i32 to vector<1x128xi32>
    %mul3A_1267 = arith.muli %broadcast_in_dim3A_1220, %mul3A_1266 : vector<1x128xi32>
    %add3A_1268 = arith.addi %mul3A_1267, %broadcast_in_dim3A_1264 : vector<1x128xi32>
    %add3A_1269 = vector.broadcast %mul3A_36 : i32 to vector<1x128xi32>
    %add3A_1270 = arith.addi %add3A_1268, %add3A_1269 : vector<1x128xi32>
    %swap3A_1271 = arith.constant 0 : index
    %swap3A_1272 = arith.constant 14 : index
    %swap3A_1273 = arith.constant 0 : index
    %swap3A_1274 = vector.load %arg5[%swap3A_1271, %swap3A_1272, %swap3A_1273] : memref<1x32x128xi32, #tpu.memory_space<vmem>>, vector<1x1x128xi32>
    %swap3A_1275 = vector.shape_cast %swap3A_1274 : vector<1x1x128xi32> to vector<1x128xi32>
    %swap3A_1276 = vector.shape_cast %add3A_1270 : vector<1x128xi32> to vector<1x1x128xi32>
    tpu.vector_store %arg5[%swap3A_1271, %swap3A_1272, %swap3A_1273], %swap3A_1276 {strides = array<i32>} : memref<1x32x128xi32, #tpu.memory_space<vmem>>, vector<1x1x128xi32>,
    %eq3A_1277 = vector.broadcast %broadcast_in_dim3A_1264 : vector<1x128xi32> to vector<128x128xi32>
    %eq3A_1278 = arith.cmpi eq, %iota3A_33, %eq3A_1277 : vector<128x128xi32>
    %jit3A_1279 = arith.constant 0x7F800000 : f32
    %broadcast_in_dim3A_1280 = vector.broadcast %jit3A_1279 : f32 to vector<128x128xf32>
    %select_n3A_1281 = arith.select %eq3A_1278, %broadcast_in_dim3A_1280, %select_n3A_1256 : vector<128x128xi1>, vector<128x128xf32>
    %reduce_min3A_1282 = arith.constant dense<0x7F800000> : vector<128xf32>
    %reduce_min3A_1283 = vector.multi_reduction <minimumf>, %select_n3A_1281, %reduce_min3A_1282 [0] : vector<128x128xf32> to vector<128xf32>
    %broadcast_in_dim3A_1284 = vector.shape_cast %reduce_min3A_1283 : vector<128xf32> to vector<1x128xf32>
    %broadcast_in_dim3A_1285 = vector.shape_cast %broadcast_in_dim3A_1284 : vector<1x128xf32> to vector<1x128xf32>
    %broadcast_in_dim3A_1286 = vector.broadcast %broadcast_in_dim3A_1285 : vector<1x128xf32> to vector<64x128xf32>
    %select_n3A_1287 = arith.select %eq3A_1222, %broadcast_in_dim3A_1286, %select_n3A_1203 : vector<64x128xi1>, vector<64x128xf32>
    %broadcast_in_dim3A_1288 = vector.shape_cast %broadcast_in_dim3A_1212 : vector<1x128xf32> to vector<1x128xf32>
    %broadcast_in_dim3A_1289 = vector.broadcast %broadcast_in_dim3A_1288 : vector<1x128xf32> to vector<64x128xf32>
    %select_n3A_1290 = arith.select %eq3A_1222, %broadcast_in_dim3A_1289, %select_n3A_1206 : vector<64x128xi1>, vector<64x128xf32>
    %broadcast_in_dim3A_1291 = vector.shape_cast %broadcast_in_dim3A_1264 : vector<1x128xi32> to vector<1x128xi32>
    %broadcast_in_dim3A_1292 = vector.broadcast %broadcast_in_dim3A_1291 : vector<1x128xi32> to vector<64x128xi32>
    %select_n3A_1293 = arith.select %eq3A_1222, %broadcast_in_dim3A_1292, %select_n3A_1209 : vector<64x128xi1>, vector<64x128xi32>
    %reduce_min3A_1294 = arith.constant dense<0x7F800000> : vector<128xf32>
    %reduce_min3A_1295 = vector.multi_reduction <minimumf>, %select_n3A_1287, %reduce_min3A_1294 [0] : vector<64x128xf32> to vector<128xf32>
    %broadcast_in_dim3A_1296 = vector.shape_cast %reduce_min3A_1295 : vector<128xf32> to vector<1x128xf32>
    %eq3A_1297 = vector.broadcast %broadcast_in_dim3A_1296 : vector<1x128xf32> to vector<64x128xf32>
    %eq3A_1298 = arith.cmpf oeq, %select_n3A_1287, %eq3A_1297 : vector<64x128xf32>
    %jit3A_1299 = arith.constant 64 : i32
    %broadcast_in_dim3A_1300 = vector.broadcast %jit3A_1299 : i32 to vector<64x128xi32>
    %select_n3A_1301 = arith.select %eq3A_1298, %iota3A_32, %broadcast_in_dim3A_1300 : vector<64x128xi1>, vector<64x128xi32>
    %reduce_min3A_1302 = arith.constant dense<2147483647> : vector<128xi32>
    %reduce_min3A_1303 = vector.multi_reduction <minsi>, %select_n3A_1301, %reduce_min3A_1302 [0] : vector<64x128xi32> to vector<128xi32>
    %broadcast_in_dim3A_1304 = vector.shape_cast %reduce_min3A_1303 : vector<128xi32> to vector<1x128xi32>
    %eq3A_1305 = vector.broadcast %broadcast_in_dim3A_1304 : vector<1x128xi32> to vector<64x128xi32>
    %eq3A_1306 = arith.cmpi eq, %iota3A_32, %eq3A_1305 : vector<64x128xi32>
    %broadcast_in_dim3A_1307 = vector.shape_cast %broadcast_in_dim3A_1304 : vector<1x128xi32> to vector<1x1x128xi32>
    %eq3A_1308 = vector.broadcast %iota3A_34 : vector<64x1x1xi32> to vector<64x1x128xi32>
    %eq3A_1309 = vector.broadcast %broadcast_in_dim3A_1307 : vector<1x1x128xi32> to vector<64x1x128xi32>
    %eq3A_1310 = arith.cmpi eq, %eq3A_1308, %eq3A_1309 : vector<64x1x128xi32>
    %jit3A_1311 = arith.constant 0x7F800000 : f32
    %broadcast_in_dim3A_1312 = vector.shape_cast %eq3A_1310 : vector<64x1x128xi1> to vector<64x1x128xi1>
    %broadcast_in_dim3A_1313 = vector.broadcast %broadcast_in_dim3A_1312 : vector<64x1x128xi1> to vector<64x128x128xi1>
    %broadcast_in_dim3A_1314 = vector.broadcast %jit3A_1311 : f32 to vector<64x128x128xf32>
    %select_n3A_1315 = arith.select %broadcast_in_dim3A_1313, %reshape3A, %broadcast_in_dim3A_1314 : vector<64x128x128xi1>, vector<64x128x128xf32>
    %reduce_min3A_1316 = arith.constant dense<0x7F800000> : vector<128x128xf32>
    %reduce_min3A_1317 = vector.multi_reduction <minimumf>, %select_n3A_1315, %reduce_min3A_1316 [0] : vector<64x128x128xf32> to vector<128x128xf32>
    %jit3A_1318 = arith.constant 0x7F800000 : f32
    %broadcast_in_dim3A_1319 = vector.broadcast %jit3A_1318 : f32 to vector<64x128xf32>
    %select_n3A_1320 = arith.select %eq3A_1306, %select_n3A_1290, %broadcast_in_dim3A_1319 : vector<64x128xi1>, vector<64x128xf32>
    %reduce_min3A_1321 = arith.constant dense<0x7F800000> : vector<128xf32>
    %reduce_min3A_1322 = vector.multi_reduction <minimumf>, %select_n3A_1320, %reduce_min3A_1321 [0] : vector<64x128xf32> to vector<128xf32>
    %broadcast_in_dim3A_1323 = vector.shape_cast %reduce_min3A_1322 : vector<128xf32> to vector<1x128xf32>
    %jit3A_1324 = arith.constant -1 : i32
    %broadcast_in_dim3A_1325 = vector.broadcast %jit3A_1324 : i32 to vector<64x128xi32>
    %select_n3A_1326 = arith.select %eq3A_1306, %select_n3A_1293, %broadcast_in_dim3A_1325 : vector<64x128xi1>, vector<64x128xi32>
    %reduce_max3A_1327 = arith.constant dense<-2147483648> : vector<128xi32>
    %reduce_max3A_1328 = vector.multi_reduction <maxsi>, %select_n3A_1326, %reduce_max3A_1327 [0] : vector<64x128xi32> to vector<128xi32>
    %broadcast_in_dim3A_1329 = vector.shape_cast %reduce_max3A_1328 : vector<128xi32> to vector<1x128xi32>
    %lt3A_1330 = vector.broadcast %broadcast_in_dim3A_1323 : vector<1x128xf32> to vector<128x128xf32>
    %lt3A_1331 = arith.cmpf olt, %reduce_min3A_1317, %lt3A_1330 : vector<128x128xf32>
    %eq3A_1332 = vector.broadcast %broadcast_in_dim3A_1323 : vector<1x128xf32> to vector<128x128xf32>
    %eq3A_1333 = arith.cmpf oeq, %reduce_min3A_1317, %eq3A_1332 : vector<128x128xf32>
    %le3A_1334 = vector.broadcast %broadcast_in_dim3A_1329 : vector<1x128xi32> to vector<128x128xi32>
    %le3A_1335 = arith.cmpi sle, %iota3A_33, %le3A_1334 : vector<128x128xi32>
    %and3A_1336 = arith.andi %eq3A_1333, %le3A_1335 : vector<128x128xi1>
    %or3A_1337 = arith.ori %lt3A_1331, %and3A_1336 : vector<128x128xi1>
    %jit3A_1338 = arith.constant 0x7F800000 : f32
    %broadcast_in_dim3A_1339 = vector.broadcast %jit3A_1338 : f32 to vector<128x128xf32>
    %select_n3A_1340 = arith.select %or3A_1337, %broadcast_in_dim3A_1339, %reduce_min3A_1317 : vector<128x128xi1>, vector<128x128xf32>
    %eq3A_1341 = vector.broadcast %broadcast_in_dim3A_1296 : vector<1x128xf32> to vector<128x128xf32>
    %eq3A_1342 = arith.cmpf oeq, %select_n3A_1340, %eq3A_1341 : vector<128x128xf32>
    %jit3A_1343 = arith.constant 128 : i32
    %broadcast_in_dim3A_1344 = vector.broadcast %jit3A_1343 : i32 to vector<128x128xi32>
    %select_n3A_1345 = arith.select %eq3A_1342, %iota3A_33, %broadcast_in_dim3A_1344 : vector<128x128xi1>, vector<128x128xi32>
    %reduce_min3A_1346 = arith.constant dense<2147483647> : vector<128xi32>
    %reduce_min3A_1347 = vector.multi_reduction <minsi>, %select_n3A_1345, %reduce_min3A_1346 [0] : vector<128x128xi32> to vector<128xi32>
    %broadcast_in_dim3A_1348 = vector.shape_cast %reduce_min3A_1347 : vector<128xi32> to vector<1x128xi32>
    %mul3A_1349 = arith.constant 128 : i32
    %mul3A_1350 = vector.broadcast %mul3A_1349 : i32 to vector<1x128xi32>
    %mul3A_1351 = arith.muli %broadcast_in_dim3A_1304, %mul3A_1350 : vector<1x128xi32>
    %add3A_1352 = arith.addi %mul3A_1351, %broadcast_in_dim3A_1348 : vector<1x128xi32>
    %add3A_1353 = vector.broadcast %mul3A_36 : i32 to vector<1x128xi32>
    %add3A_1354 = arith.addi %add3A_1352, %add3A_1353 : vector<1x128xi32>
    %swap3A_1355 = arith.constant 0 : index
    %swap3A_1356 = arith.constant 15 : index
    %swap3A_1357 = arith.constant 0 : index
    %swap3A_1358 = vector.load %arg5[%swap3A_1355, %swap3A_1356, %swap3A_1357] : memref<1x32x128xi32, #tpu.memory_space<vmem>>, vector<1x1x128xi32>
    %swap3A_1359 = vector.shape_cast %swap3A_1358 : vector<1x1x128xi32> to vector<1x128xi32>
    %swap3A_1360 = vector.shape_cast %add3A_1354 : vector<1x128xi32> to vector<1x1x128xi32>
    tpu.vector_store %arg5[%swap3A_1355, %swap3A_1356, %swap3A_1357], %swap3A_1360 {strides = array<i32>} : memref<1x32x128xi32, #tpu.memory_space<vmem>>, vector<1x1x128xi32>,
    %eq3A_1361 = vector.broadcast %broadcast_in_dim3A_1348 : vector<1x128xi32> to vector<128x128xi32>
    %eq3A_1362 = arith.cmpi eq, %iota3A_33, %eq3A_1361 : vector<128x128xi32>
    %jit3A_1363 = arith.constant 0x7F800000 : f32
    %broadcast_in_dim3A_1364 = vector.broadcast %jit3A_1363 : f32 to vector<128x128xf32>
    %select_n3A_1365 = arith.select %eq3A_1362, %broadcast_in_dim3A_1364, %select_n3A_1340 : vector<128x128xi1>, vector<128x128xf32>
    %reduce_min3A_1366 = arith.constant dense<0x7F800000> : vector<128xf32>
    %reduce_min3A_1367 = vector.multi_reduction <minimumf>, %select_n3A_1365, %reduce_min3A_1366 [0] : vector<128x128xf32> to vector<128xf32>
    %broadcast_in_dim3A_1368 = vector.shape_cast %reduce_min3A_1367 : vector<128xf32> to vector<1x128xf32>
    %broadcast_in_dim3A_1369 = vector.shape_cast %broadcast_in_dim3A_1368 : vector<1x128xf32> to vector<1x128xf32>
    %broadcast_in_dim3A_1370 = vector.broadcast %broadcast_in_dim3A_1369 : vector<1x128xf32> to vector<64x128xf32>
    %select_n3A_1371 = arith.select %eq3A_1306, %broadcast_in_dim3A_1370, %select_n3A_1287 : vector<64x128xi1>, vector<64x128xf32>
    %broadcast_in_dim3A_1372 = vector.shape_cast %broadcast_in_dim3A_1296 : vector<1x128xf32> to vector<1x128xf32>
    %broadcast_in_dim3A_1373 = vector.broadcast %broadcast_in_dim3A_1372 : vector<1x128xf32> to vector<64x128xf32>
    %select_n3A_1374 = arith.select %eq3A_1306, %broadcast_in_dim3A_1373, %select_n3A_1290 : vector<64x128xi1>, vector<64x128xf32>
    %broadcast_in_dim3A_1375 = vector.shape_cast %broadcast_in_dim3A_1348 : vector<1x128xi32> to vector<1x128xi32>
    %broadcast_in_dim3A_1376 = vector.broadcast %broadcast_in_dim3A_1375 : vector<1x128xi32> to vector<64x128xi32>
    %select_n3A_1377 = arith.select %eq3A_1306, %broadcast_in_dim3A_1376, %select_n3A_1293 : vector<64x128xi1>, vector<64x128xi32>
    %reduce_min3A_1378 = arith.constant dense<0x7F800000> : vector<128xf32>
    %reduce_min3A_1379 = vector.multi_reduction <minimumf>, %select_n3A_1371, %reduce_min3A_1378 [0] : vector<64x128xf32> to vector<128xf32>
    %broadcast_in_dim3A_1380 = vector.shape_cast %reduce_min3A_1379 : vector<128xf32> to vector<1x128xf32>
    %eq3A_1381 = vector.broadcast %broadcast_in_dim3A_1380 : vector<1x128xf32> to vector<64x128xf32>
    %eq3A_1382 = arith.cmpf oeq, %select_n3A_1371, %eq3A_1381 : vector<64x128xf32>
    %jit3A_1383 = arith.constant 64 : i32
    %broadcast_in_dim3A_1384 = vector.broadcast %jit3A_1383 : i32 to vector<64x128xi32>
    %select_n3A_1385 = arith.select %eq3A_1382, %iota3A_32, %broadcast_in_dim3A_1384 : vector<64x128xi1>, vector<64x128xi32>
    %reduce_min3A_1386 = arith.constant dense<2147483647> : vector<128xi32>
    %reduce_min3A_1387 = vector.multi_reduction <minsi>, %select_n3A_1385, %reduce_min3A_1386 [0] : vector<64x128xi32> to vector<128xi32>
    %broadcast_in_dim3A_1388 = vector.shape_cast %reduce_min3A_1387 : vector<128xi32> to vector<1x128xi32>
    %eq3A_1389 = vector.broadcast %broadcast_in_dim3A_1388 : vector<1x128xi32> to vector<64x128xi32>
    %eq3A_1390 = arith.cmpi eq, %iota3A_32, %eq3A_1389 : vector<64x128xi32>
    %broadcast_in_dim3A_1391 = vector.shape_cast %broadcast_in_dim3A_1388 : vector<1x128xi32> to vector<1x1x128xi32>
    %eq3A_1392 = vector.broadcast %iota3A_34 : vector<64x1x1xi32> to vector<64x1x128xi32>
    %eq3A_1393 = vector.broadcast %broadcast_in_dim3A_1391 : vector<1x1x128xi32> to vector<64x1x128xi32>
    %eq3A_1394 = arith.cmpi eq, %eq3A_1392, %eq3A_1393 : vector<64x1x128xi32>
    %jit3A_1395 = arith.constant 0x7F800000 : f32
    %broadcast_in_dim3A_1396 = vector.shape_cast %eq3A_1394 : vector<64x1x128xi1> to vector<64x1x128xi1>
    %broadcast_in_dim3A_1397 = vector.broadcast %broadcast_in_dim3A_1396 : vector<64x1x128xi1> to vector<64x128x128xi1>
    %broadcast_in_dim3A_1398 = vector.broadcast %jit3A_1395 : f32 to vector<64x128x128xf32>
    %select_n3A_1399 = arith.select %broadcast_in_dim3A_1397, %reshape3A, %broadcast_in_dim3A_1398 : vector<64x128x128xi1>, vector<64x128x128xf32>
    %reduce_min3A_1400 = arith.constant dense<0x7F800000> : vector<128x128xf32>
    %reduce_min3A_1401 = vector.multi_reduction <minimumf>, %select_n3A_1399, %reduce_min3A_1400 [0] : vector<64x128x128xf32> to vector<128x128xf32>
    %jit3A_1402 = arith.constant 0x7F800000 : f32
    %broadcast_in_dim3A_1403 = vector.broadcast %jit3A_1402 : f32 to vector<64x128xf32>
    %select_n3A_1404 = arith.select %eq3A_1390, %select_n3A_1374, %broadcast_in_dim3A_1403 : vector<64x128xi1>, vector<64x128xf32>
    %reduce_min3A_1405 = arith.constant dense<0x7F800000> : vector<128xf32>
    %reduce_min3A_1406 = vector.multi_reduction <minimumf>, %select_n3A_1404, %reduce_min3A_1405 [0] : vector<64x128xf32> to vector<128xf32>
    %broadcast_in_dim3A_1407 = vector.shape_cast %reduce_min3A_1406 : vector<128xf32> to vector<1x128xf32>
    %jit3A_1408 = arith.constant -1 : i32
    %broadcast_in_dim3A_1409 = vector.broadcast %jit3A_1408 : i32 to vector<64x128xi32>
    %select_n3A_1410 = arith.select %eq3A_1390, %select_n3A_1377, %broadcast_in_dim3A_1409 : vector<64x128xi1>, vector<64x128xi32>
    %reduce_max3A_1411 = arith.constant dense<-2147483648> : vector<128xi32>
    %reduce_max3A_1412 = vector.multi_reduction <maxsi>, %select_n3A_1410, %reduce_max3A_1411 [0] : vector<64x128xi32> to vector<128xi32>
    %broadcast_in_dim3A_1413 = vector.shape_cast %reduce_max3A_1412 : vector<128xi32> to vector<1x128xi32>
    %lt3A_1414 = vector.broadcast %broadcast_in_dim3A_1407 : vector<1x128xf32> to vector<128x128xf32>
    %lt3A_1415 = arith.cmpf olt, %reduce_min3A_1401, %lt3A_1414 : vector<128x128xf32>
    %eq3A_1416 = vector.broadcast %broadcast_in_dim3A_1407 : vector<1x128xf32> to vector<128x128xf32>
    %eq3A_1417 = arith.cmpf oeq, %reduce_min3A_1401, %eq3A_1416 : vector<128x128xf32>
    %le3A_1418 = vector.broadcast %broadcast_in_dim3A_1413 : vector<1x128xi32> to vector<128x128xi32>
    %le3A_1419 = arith.cmpi sle, %iota3A_33, %le3A_1418 : vector<128x128xi32>
    %and3A_1420 = arith.andi %eq3A_1417, %le3A_1419 : vector<128x128xi1>
    %or3A_1421 = arith.ori %lt3A_1415, %and3A_1420 : vector<128x128xi1>
    %jit3A_1422 = arith.constant 0x7F800000 : f32
    %broadcast_in_dim3A_1423 = vector.broadcast %jit3A_1422 : f32 to vector<128x128xf32>
    %select_n3A_1424 = arith.select %or3A_1421, %broadcast_in_dim3A_1423, %reduce_min3A_1401 : vector<128x128xi1>, vector<128x128xf32>
    %eq3A_1425 = vector.broadcast %broadcast_in_dim3A_1380 : vector<1x128xf32> to vector<128x128xf32>
    %eq3A_1426 = arith.cmpf oeq, %select_n3A_1424, %eq3A_1425 : vector<128x128xf32>
    %jit3A_1427 = arith.constant 128 : i32
    %broadcast_in_dim3A_1428 = vector.broadcast %jit3A_1427 : i32 to vector<128x128xi32>
    %select_n3A_1429 = arith.select %eq3A_1426, %iota3A_33, %broadcast_in_dim3A_1428 : vector<128x128xi1>, vector<128x128xi32>
    %reduce_min3A_1430 = arith.constant dense<2147483647> : vector<128xi32>
    %reduce_min3A_1431 = vector.multi_reduction <minsi>, %select_n3A_1429, %reduce_min3A_1430 [0] : vector<128x128xi32> to vector<128xi32>
    %broadcast_in_dim3A_1432 = vector.shape_cast %reduce_min3A_1431 : vector<128xi32> to vector<1x128xi32>
    %mul3A_1433 = arith.constant 128 : i32
    %mul3A_1434 = vector.broadcast %mul3A_1433 : i32 to vector<1x128xi32>
    %mul3A_1435 = arith.muli %broadcast_in_dim3A_1388, %mul3A_1434 : vector<1x128xi32>
    %add3A_1436 = arith.addi %mul3A_1435, %broadcast_in_dim3A_1432 : vector<1x128xi32>
    %add3A_1437 = vector.broadcast %mul3A_36 : i32 to vector<1x128xi32>
    %add3A_1438 = arith.addi %add3A_1436, %add3A_1437 : vector<1x128xi32>
    %swap3A_1439 = arith.constant 0 : index
    %swap3A_1440 = arith.constant 16 : index
    %swap3A_1441 = arith.constant 0 : index
    %swap3A_1442 = vector.load %arg5[%swap3A_1439, %swap3A_1440, %swap3A_1441] : memref<1x32x128xi32, #tpu.memory_space<vmem>>, vector<1x1x128xi32>
    %swap3A_1443 = vector.shape_cast %swap3A_1442 : vector<1x1x128xi32> to vector<1x128xi32>
    %swap3A_1444 = vector.shape_cast %add3A_1438 : vector<1x128xi32> to vector<1x1x128xi32>
    tpu.vector_store %arg5[%swap3A_1439, %swap3A_1440, %swap3A_1441], %swap3A_1444 {strides = array<i32>} : memref<1x32x128xi32, #tpu.memory_space<vmem>>, vector<1x1x128xi32>,
    %eq3A_1445 = vector.broadcast %broadcast_in_dim3A_1432 : vector<1x128xi32> to vector<128x128xi32>
    %eq3A_1446 = arith.cmpi eq, %iota3A_33, %eq3A_1445 : vector<128x128xi32>
    %jit3A_1447 = arith.constant 0x7F800000 : f32
    %broadcast_in_dim3A_1448 = vector.broadcast %jit3A_1447 : f32 to vector<128x128xf32>
    %select_n3A_1449 = arith.select %eq3A_1446, %broadcast_in_dim3A_1448, %select_n3A_1424 : vector<128x128xi1>, vector<128x128xf32>
    %reduce_min3A_1450 = arith.constant dense<0x7F800000> : vector<128xf32>
    %reduce_min3A_1451 = vector.multi_reduction <minimumf>, %select_n3A_1449, %reduce_min3A_1450 [0] : vector<128x128xf32> to vector<128xf32>
    %broadcast_in_dim3A_1452 = vector.shape_cast %reduce_min3A_1451 : vector<128xf32> to vector<1x128xf32>
    %broadcast_in_dim3A_1453 = vector.shape_cast %broadcast_in_dim3A_1452 : vector<1x128xf32> to vector<1x128xf32>
    %broadcast_in_dim3A_1454 = vector.broadcast %broadcast_in_dim3A_1453 : vector<1x128xf32> to vector<64x128xf32>
    %select_n3A_1455 = arith.select %eq3A_1390, %broadcast_in_dim3A_1454, %select_n3A_1371 : vector<64x128xi1>, vector<64x128xf32>
    %broadcast_in_dim3A_1456 = vector.shape_cast %broadcast_in_dim3A_1380 : vector<1x128xf32> to vector<1x128xf32>
    %broadcast_in_dim3A_1457 = vector.broadcast %broadcast_in_dim3A_1456 : vector<1x128xf32> to vector<64x128xf32>
    %select_n3A_1458 = arith.select %eq3A_1390, %broadcast_in_dim3A_1457, %select_n3A_1374 : vector<64x128xi1>, vector<64x128xf32>
    %broadcast_in_dim3A_1459 = vector.shape_cast %broadcast_in_dim3A_1432 : vector<1x128xi32> to vector<1x128xi32>
    %broadcast_in_dim3A_1460 = vector.broadcast %broadcast_in_dim3A_1459 : vector<1x128xi32> to vector<64x128xi32>
    %select_n3A_1461 = arith.select %eq3A_1390, %broadcast_in_dim3A_1460, %select_n3A_1377 : vector<64x128xi1>, vector<64x128xi32>
    %reduce_min3A_1462 = arith.constant dense<0x7F800000> : vector<128xf32>
    %reduce_min3A_1463 = vector.multi_reduction <minimumf>, %select_n3A_1455, %reduce_min3A_1462 [0] : vector<64x128xf32> to vector<128xf32>
    %broadcast_in_dim3A_1464 = vector.shape_cast %reduce_min3A_1463 : vector<128xf32> to vector<1x128xf32>
    %eq3A_1465 = vector.broadcast %broadcast_in_dim3A_1464 : vector<1x128xf32> to vector<64x128xf32>
    %eq3A_1466 = arith.cmpf oeq, %select_n3A_1455, %eq3A_1465 : vector<64x128xf32>
    %jit3A_1467 = arith.constant 64 : i32
    %broadcast_in_dim3A_1468 = vector.broadcast %jit3A_1467 : i32 to vector<64x128xi32>
    %select_n3A_1469 = arith.select %eq3A_1466, %iota3A_32, %broadcast_in_dim3A_1468 : vector<64x128xi1>, vector<64x128xi32>
    %reduce_min3A_1470 = arith.constant dense<2147483647> : vector<128xi32>
    %reduce_min3A_1471 = vector.multi_reduction <minsi>, %select_n3A_1469, %reduce_min3A_1470 [0] : vector<64x128xi32> to vector<128xi32>
    %broadcast_in_dim3A_1472 = vector.shape_cast %reduce_min3A_1471 : vector<128xi32> to vector<1x128xi32>
    %eq3A_1473 = vector.broadcast %broadcast_in_dim3A_1472 : vector<1x128xi32> to vector<64x128xi32>
    %eq3A_1474 = arith.cmpi eq, %iota3A_32, %eq3A_1473 : vector<64x128xi32>
    %broadcast_in_dim3A_1475 = vector.shape_cast %broadcast_in_dim3A_1472 : vector<1x128xi32> to vector<1x1x128xi32>
    %eq3A_1476 = vector.broadcast %iota3A_34 : vector<64x1x1xi32> to vector<64x1x128xi32>
    %eq3A_1477 = vector.broadcast %broadcast_in_dim3A_1475 : vector<1x1x128xi32> to vector<64x1x128xi32>
    %eq3A_1478 = arith.cmpi eq, %eq3A_1476, %eq3A_1477 : vector<64x1x128xi32>
    %jit3A_1479 = arith.constant 0x7F800000 : f32
    %broadcast_in_dim3A_1480 = vector.shape_cast %eq3A_1478 : vector<64x1x128xi1> to vector<64x1x128xi1>
    %broadcast_in_dim3A_1481 = vector.broadcast %broadcast_in_dim3A_1480 : vector<64x1x128xi1> to vector<64x128x128xi1>
    %broadcast_in_dim3A_1482 = vector.broadcast %jit3A_1479 : f32 to vector<64x128x128xf32>
    %select_n3A_1483 = arith.select %broadcast_in_dim3A_1481, %reshape3A, %broadcast_in_dim3A_1482 : vector<64x128x128xi1>, vector<64x128x128xf32>
    %reduce_min3A_1484 = arith.constant dense<0x7F800000> : vector<128x128xf32>
    %reduce_min3A_1485 = vector.multi_reduction <minimumf>, %select_n3A_1483, %reduce_min3A_1484 [0] : vector<64x128x128xf32> to vector<128x128xf32>
    %jit3A_1486 = arith.constant 0x7F800000 : f32
    %broadcast_in_dim3A_1487 = vector.broadcast %jit3A_1486 : f32 to vector<64x128xf32>
    %select_n3A_1488 = arith.select %eq3A_1474, %select_n3A_1458, %broadcast_in_dim3A_1487 : vector<64x128xi1>, vector<64x128xf32>
    %reduce_min3A_1489 = arith.constant dense<0x7F800000> : vector<128xf32>
    %reduce_min3A_1490 = vector.multi_reduction <minimumf>, %select_n3A_1488, %reduce_min3A_1489 [0] : vector<64x128xf32> to vector<128xf32>
    %broadcast_in_dim3A_1491 = vector.shape_cast %reduce_min3A_1490 : vector<128xf32> to vector<1x128xf32>
    %jit3A_1492 = arith.constant -1 : i32
    %broadcast_in_dim3A_1493 = vector.broadcast %jit3A_1492 : i32 to vector<64x128xi32>
    %select_n3A_1494 = arith.select %eq3A_1474, %select_n3A_1461, %broadcast_in_dim3A_1493 : vector<64x128xi1>, vector<64x128xi32>
    %reduce_max3A_1495 = arith.constant dense<-2147483648> : vector<128xi32>
    %reduce_max3A_1496 = vector.multi_reduction <maxsi>, %select_n3A_1494, %reduce_max3A_1495 [0] : vector<64x128xi32> to vector<128xi32>
    %broadcast_in_dim3A_1497 = vector.shape_cast %reduce_max3A_1496 : vector<128xi32> to vector<1x128xi32>
    %lt3A_1498 = vector.broadcast %broadcast_in_dim3A_1491 : vector<1x128xf32> to vector<128x128xf32>
    %lt3A_1499 = arith.cmpf olt, %reduce_min3A_1485, %lt3A_1498 : vector<128x128xf32>
    %eq3A_1500 = vector.broadcast %broadcast_in_dim3A_1491 : vector<1x128xf32> to vector<128x128xf32>
    %eq3A_1501 = arith.cmpf oeq, %reduce_min3A_1485, %eq3A_1500 : vector<128x128xf32>
    %le3A_1502 = vector.broadcast %broadcast_in_dim3A_1497 : vector<1x128xi32> to vector<128x128xi32>
    %le3A_1503 = arith.cmpi sle, %iota3A_33, %le3A_1502 : vector<128x128xi32>
    %and3A_1504 = arith.andi %eq3A_1501, %le3A_1503 : vector<128x128xi1>
    %or3A_1505 = arith.ori %lt3A_1499, %and3A_1504 : vector<128x128xi1>
    %jit3A_1506 = arith.constant 0x7F800000 : f32
    %broadcast_in_dim3A_1507 = vector.broadcast %jit3A_1506 : f32 to vector<128x128xf32>
    %select_n3A_1508 = arith.select %or3A_1505, %broadcast_in_dim3A_1507, %reduce_min3A_1485 : vector<128x128xi1>, vector<128x128xf32>
    %eq3A_1509 = vector.broadcast %broadcast_in_dim3A_1464 : vector<1x128xf32> to vector<128x128xf32>
    %eq3A_1510 = arith.cmpf oeq, %select_n3A_1508, %eq3A_1509 : vector<128x128xf32>
    %jit3A_1511 = arith.constant 128 : i32
    %broadcast_in_dim3A_1512 = vector.broadcast %jit3A_1511 : i32 to vector<128x128xi32>
    %select_n3A_1513 = arith.select %eq3A_1510, %iota3A_33, %broadcast_in_dim3A_1512 : vector<128x128xi1>, vector<128x128xi32>
    %reduce_min3A_1514 = arith.constant dense<2147483647> : vector<128xi32>
    %reduce_min3A_1515 = vector.multi_reduction <minsi>, %select_n3A_1513, %reduce_min3A_1514 [0] : vector<128x128xi32> to vector<128xi32>
    %broadcast_in_dim3A_1516 = vector.shape_cast %reduce_min3A_1515 : vector<128xi32> to vector<1x128xi32>
    %mul3A_1517 = arith.constant 128 : i32
    %mul3A_1518 = vector.broadcast %mul3A_1517 : i32 to vector<1x128xi32>
    %mul3A_1519 = arith.muli %broadcast_in_dim3A_1472, %mul3A_1518 : vector<1x128xi32>
    %add3A_1520 = arith.addi %mul3A_1519, %broadcast_in_dim3A_1516 : vector<1x128xi32>
    %add3A_1521 = vector.broadcast %mul3A_36 : i32 to vector<1x128xi32>
    %add3A_1522 = arith.addi %add3A_1520, %add3A_1521 : vector<1x128xi32>
    %swap3A_1523 = arith.constant 0 : index
    %swap3A_1524 = arith.constant 17 : index
    %swap3A_1525 = arith.constant 0 : index
    %swap3A_1526 = vector.load %arg5[%swap3A_1523, %swap3A_1524, %swap3A_1525] : memref<1x32x128xi32, #tpu.memory_space<vmem>>, vector<1x1x128xi32>
    %swap3A_1527 = vector.shape_cast %swap3A_1526 : vector<1x1x128xi32> to vector<1x128xi32>
    %swap3A_1528 = vector.shape_cast %add3A_1522 : vector<1x128xi32> to vector<1x1x128xi32>
    tpu.vector_store %arg5[%swap3A_1523, %swap3A_1524, %swap3A_1525], %swap3A_1528 {strides = array<i32>} : memref<1x32x128xi32, #tpu.memory_space<vmem>>, vector<1x1x128xi32>,
    %eq3A_1529 = vector.broadcast %broadcast_in_dim3A_1516 : vector<1x128xi32> to vector<128x128xi32>
    %eq3A_1530 = arith.cmpi eq, %iota3A_33, %eq3A_1529 : vector<128x128xi32>
    %jit3A_1531 = arith.constant 0x7F800000 : f32
    %broadcast_in_dim3A_1532 = vector.broadcast %jit3A_1531 : f32 to vector<128x128xf32>
    %select_n3A_1533 = arith.select %eq3A_1530, %broadcast_in_dim3A_1532, %select_n3A_1508 : vector<128x128xi1>, vector<128x128xf32>
    %reduce_min3A_1534 = arith.constant dense<0x7F800000> : vector<128xf32>
    %reduce_min3A_1535 = vector.multi_reduction <minimumf>, %select_n3A_1533, %reduce_min3A_1534 [0] : vector<128x128xf32> to vector<128xf32>
    %broadcast_in_dim3A_1536 = vector.shape_cast %reduce_min3A_1535 : vector<128xf32> to vector<1x128xf32>
    %broadcast_in_dim3A_1537 = vector.shape_cast %broadcast_in_dim3A_1536 : vector<1x128xf32> to vector<1x128xf32>
    %broadcast_in_dim3A_1538 = vector.broadcast %broadcast_in_dim3A_1537 : vector<1x128xf32> to vector<64x128xf32>
    %select_n3A_1539 = arith.select %eq3A_1474, %broadcast_in_dim3A_1538, %select_n3A_1455 : vector<64x128xi1>, vector<64x128xf32>
    %broadcast_in_dim3A_1540 = vector.shape_cast %broadcast_in_dim3A_1464 : vector<1x128xf32> to vector<1x128xf32>
    %broadcast_in_dim3A_1541 = vector.broadcast %broadcast_in_dim3A_1540 : vector<1x128xf32> to vector<64x128xf32>
    %select_n3A_1542 = arith.select %eq3A_1474, %broadcast_in_dim3A_1541, %select_n3A_1458 : vector<64x128xi1>, vector<64x128xf32>
    %broadcast_in_dim3A_1543 = vector.shape_cast %broadcast_in_dim3A_1516 : vector<1x128xi32> to vector<1x128xi32>
    %broadcast_in_dim3A_1544 = vector.broadcast %broadcast_in_dim3A_1543 : vector<1x128xi32> to vector<64x128xi32>
    %select_n3A_1545 = arith.select %eq3A_1474, %broadcast_in_dim3A_1544, %select_n3A_1461 : vector<64x128xi1>, vector<64x128xi32>
    %reduce_min3A_1546 = arith.constant dense<0x7F800000> : vector<128xf32>
    %reduce_min3A_1547 = vector.multi_reduction <minimumf>, %select_n3A_1539, %reduce_min3A_1546 [0] : vector<64x128xf32> to vector<128xf32>
    %broadcast_in_dim3A_1548 = vector.shape_cast %reduce_min3A_1547 : vector<128xf32> to vector<1x128xf32>
    %eq3A_1549 = vector.broadcast %broadcast_in_dim3A_1548 : vector<1x128xf32> to vector<64x128xf32>
    %eq3A_1550 = arith.cmpf oeq, %select_n3A_1539, %eq3A_1549 : vector<64x128xf32>
    %jit3A_1551 = arith.constant 64 : i32
    %broadcast_in_dim3A_1552 = vector.broadcast %jit3A_1551 : i32 to vector<64x128xi32>
    %select_n3A_1553 = arith.select %eq3A_1550, %iota3A_32, %broadcast_in_dim3A_1552 : vector<64x128xi1>, vector<64x128xi32>
    %reduce_min3A_1554 = arith.constant dense<2147483647> : vector<128xi32>
    %reduce_min3A_1555 = vector.multi_reduction <minsi>, %select_n3A_1553, %reduce_min3A_1554 [0] : vector<64x128xi32> to vector<128xi32>
    %broadcast_in_dim3A_1556 = vector.shape_cast %reduce_min3A_1555 : vector<128xi32> to vector<1x128xi32>
    %eq3A_1557 = vector.broadcast %broadcast_in_dim3A_1556 : vector<1x128xi32> to vector<64x128xi32>
    %eq3A_1558 = arith.cmpi eq, %iota3A_32, %eq3A_1557 : vector<64x128xi32>
    %broadcast_in_dim3A_1559 = vector.shape_cast %broadcast_in_dim3A_1556 : vector<1x128xi32> to vector<1x1x128xi32>
    %eq3A_1560 = vector.broadcast %iota3A_34 : vector<64x1x1xi32> to vector<64x1x128xi32>
    %eq3A_1561 = vector.broadcast %broadcast_in_dim3A_1559 : vector<1x1x128xi32> to vector<64x1x128xi32>
    %eq3A_1562 = arith.cmpi eq, %eq3A_1560, %eq3A_1561 : vector<64x1x128xi32>
    %jit3A_1563 = arith.constant 0x7F800000 : f32
    %broadcast_in_dim3A_1564 = vector.shape_cast %eq3A_1562 : vector<64x1x128xi1> to vector<64x1x128xi1>
    %broadcast_in_dim3A_1565 = vector.broadcast %broadcast_in_dim3A_1564 : vector<64x1x128xi1> to vector<64x128x128xi1>
    %broadcast_in_dim3A_1566 = vector.broadcast %jit3A_1563 : f32 to vector<64x128x128xf32>
    %select_n3A_1567 = arith.select %broadcast_in_dim3A_1565, %reshape3A, %broadcast_in_dim3A_1566 : vector<64x128x128xi1>, vector<64x128x128xf32>
    %reduce_min3A_1568 = arith.constant dense<0x7F800000> : vector<128x128xf32>
    %reduce_min3A_1569 = vector.multi_reduction <minimumf>, %select_n3A_1567, %reduce_min3A_1568 [0] : vector<64x128x128xf32> to vector<128x128xf32>
    %jit3A_1570 = arith.constant 0x7F800000 : f32
    %broadcast_in_dim3A_1571 = vector.broadcast %jit3A_1570 : f32 to vector<64x128xf32>
    %select_n3A_1572 = arith.select %eq3A_1558, %select_n3A_1542, %broadcast_in_dim3A_1571 : vector<64x128xi1>, vector<64x128xf32>
    %reduce_min3A_1573 = arith.constant dense<0x7F800000> : vector<128xf32>
    %reduce_min3A_1574 = vector.multi_reduction <minimumf>, %select_n3A_1572, %reduce_min3A_1573 [0] : vector<64x128xf32> to vector<128xf32>
    %broadcast_in_dim3A_1575 = vector.shape_cast %reduce_min3A_1574 : vector<128xf32> to vector<1x128xf32>
    %jit3A_1576 = arith.constant -1 : i32
    %broadcast_in_dim3A_1577 = vector.broadcast %jit3A_1576 : i32 to vector<64x128xi32>
    %select_n3A_1578 = arith.select %eq3A_1558, %select_n3A_1545, %broadcast_in_dim3A_1577 : vector<64x128xi1>, vector<64x128xi32>
    %reduce_max3A_1579 = arith.constant dense<-2147483648> : vector<128xi32>
    %reduce_max3A_1580 = vector.multi_reduction <maxsi>, %select_n3A_1578, %reduce_max3A_1579 [0] : vector<64x128xi32> to vector<128xi32>
    %broadcast_in_dim3A_1581 = vector.shape_cast %reduce_max3A_1580 : vector<128xi32> to vector<1x128xi32>
    %lt3A_1582 = vector.broadcast %broadcast_in_dim3A_1575 : vector<1x128xf32> to vector<128x128xf32>
    %lt3A_1583 = arith.cmpf olt, %reduce_min3A_1569, %lt3A_1582 : vector<128x128xf32>
    %eq3A_1584 = vector.broadcast %broadcast_in_dim3A_1575 : vector<1x128xf32> to vector<128x128xf32>
    %eq3A_1585 = arith.cmpf oeq, %reduce_min3A_1569, %eq3A_1584 : vector<128x128xf32>
    %le3A_1586 = vector.broadcast %broadcast_in_dim3A_1581 : vector<1x128xi32> to vector<128x128xi32>
    %le3A_1587 = arith.cmpi sle, %iota3A_33, %le3A_1586 : vector<128x128xi32>
    %and3A_1588 = arith.andi %eq3A_1585, %le3A_1587 : vector<128x128xi1>
    %or3A_1589 = arith.ori %lt3A_1583, %and3A_1588 : vector<128x128xi1>
    %jit3A_1590 = arith.constant 0x7F800000 : f32
    %broadcast_in_dim3A_1591 = vector.broadcast %jit3A_1590 : f32 to vector<128x128xf32>
    %select_n3A_1592 = arith.select %or3A_1589, %broadcast_in_dim3A_1591, %reduce_min3A_1569 : vector<128x128xi1>, vector<128x128xf32>
    %eq3A_1593 = vector.broadcast %broadcast_in_dim3A_1548 : vector<1x128xf32> to vector<128x128xf32>
    %eq3A_1594 = arith.cmpf oeq, %select_n3A_1592, %eq3A_1593 : vector<128x128xf32>
    %jit3A_1595 = arith.constant 128 : i32
    %broadcast_in_dim3A_1596 = vector.broadcast %jit3A_1595 : i32 to vector<128x128xi32>
    %select_n3A_1597 = arith.select %eq3A_1594, %iota3A_33, %broadcast_in_dim3A_1596 : vector<128x128xi1>, vector<128x128xi32>
    %reduce_min3A_1598 = arith.constant dense<2147483647> : vector<128xi32>
    %reduce_min3A_1599 = vector.multi_reduction <minsi>, %select_n3A_1597, %reduce_min3A_1598 [0] : vector<128x128xi32> to vector<128xi32>
    %broadcast_in_dim3A_1600 = vector.shape_cast %reduce_min3A_1599 : vector<128xi32> to vector<1x128xi32>
    %mul3A_1601 = arith.constant 128 : i32
    %mul3A_1602 = vector.broadcast %mul3A_1601 : i32 to vector<1x128xi32>
    %mul3A_1603 = arith.muli %broadcast_in_dim3A_1556, %mul3A_1602 : vector<1x128xi32>
    %add3A_1604 = arith.addi %mul3A_1603, %broadcast_in_dim3A_1600 : vector<1x128xi32>
    %add3A_1605 = vector.broadcast %mul3A_36 : i32 to vector<1x128xi32>
    %add3A_1606 = arith.addi %add3A_1604, %add3A_1605 : vector<1x128xi32>
    %swap3A_1607 = arith.constant 0 : index
    %swap3A_1608 = arith.constant 18 : index
    %swap3A_1609 = arith.constant 0 : index
    %swap3A_1610 = vector.load %arg5[%swap3A_1607, %swap3A_1608, %swap3A_1609] : memref<1x32x128xi32, #tpu.memory_space<vmem>>, vector<1x1x128xi32>
    %swap3A_1611 = vector.shape_cast %swap3A_1610 : vector<1x1x128xi32> to vector<1x128xi32>
    %swap3A_1612 = vector.shape_cast %add3A_1606 : vector<1x128xi32> to vector<1x1x128xi32>
    tpu.vector_store %arg5[%swap3A_1607, %swap3A_1608, %swap3A_1609], %swap3A_1612 {strides = array<i32>} : memref<1x32x128xi32, #tpu.memory_space<vmem>>, vector<1x1x128xi32>,
    %eq3A_1613 = vector.broadcast %broadcast_in_dim3A_1600 : vector<1x128xi32> to vector<128x128xi32>
    %eq3A_1614 = arith.cmpi eq, %iota3A_33, %eq3A_1613 : vector<128x128xi32>
    %jit3A_1615 = arith.constant 0x7F800000 : f32
    %broadcast_in_dim3A_1616 = vector.broadcast %jit3A_1615 : f32 to vector<128x128xf32>
    %select_n3A_1617 = arith.select %eq3A_1614, %broadcast_in_dim3A_1616, %select_n3A_1592 : vector<128x128xi1>, vector<128x128xf32>
    %reduce_min3A_1618 = arith.constant dense<0x7F800000> : vector<128xf32>
    %reduce_min3A_1619 = vector.multi_reduction <minimumf>, %select_n3A_1617, %reduce_min3A_1618 [0] : vector<128x128xf32> to vector<128xf32>
    %broadcast_in_dim3A_1620 = vector.shape_cast %reduce_min3A_1619 : vector<128xf32> to vector<1x128xf32>
    %broadcast_in_dim3A_1621 = vector.shape_cast %broadcast_in_dim3A_1620 : vector<1x128xf32> to vector<1x128xf32>
    %broadcast_in_dim3A_1622 = vector.broadcast %broadcast_in_dim3A_1621 : vector<1x128xf32> to vector<64x128xf32>
    %select_n3A_1623 = arith.select %eq3A_1558, %broadcast_in_dim3A_1622, %select_n3A_1539 : vector<64x128xi1>, vector<64x128xf32>
    %broadcast_in_dim3A_1624 = vector.shape_cast %broadcast_in_dim3A_1548 : vector<1x128xf32> to vector<1x128xf32>
    %broadcast_in_dim3A_1625 = vector.broadcast %broadcast_in_dim3A_1624 : vector<1x128xf32> to vector<64x128xf32>
    %select_n3A_1626 = arith.select %eq3A_1558, %broadcast_in_dim3A_1625, %select_n3A_1542 : vector<64x128xi1>, vector<64x128xf32>
    %broadcast_in_dim3A_1627 = vector.shape_cast %broadcast_in_dim3A_1600 : vector<1x128xi32> to vector<1x128xi32>
    %broadcast_in_dim3A_1628 = vector.broadcast %broadcast_in_dim3A_1627 : vector<1x128xi32> to vector<64x128xi32>
    %select_n3A_1629 = arith.select %eq3A_1558, %broadcast_in_dim3A_1628, %select_n3A_1545 : vector<64x128xi1>, vector<64x128xi32>
    %reduce_min3A_1630 = arith.constant dense<0x7F800000> : vector<128xf32>
    %reduce_min3A_1631 = vector.multi_reduction <minimumf>, %select_n3A_1623, %reduce_min3A_1630 [0] : vector<64x128xf32> to vector<128xf32>
    %broadcast_in_dim3A_1632 = vector.shape_cast %reduce_min3A_1631 : vector<128xf32> to vector<1x128xf32>
    %eq3A_1633 = vector.broadcast %broadcast_in_dim3A_1632 : vector<1x128xf32> to vector<64x128xf32>
    %eq3A_1634 = arith.cmpf oeq, %select_n3A_1623, %eq3A_1633 : vector<64x128xf32>
    %jit3A_1635 = arith.constant 64 : i32
    %broadcast_in_dim3A_1636 = vector.broadcast %jit3A_1635 : i32 to vector<64x128xi32>
    %select_n3A_1637 = arith.select %eq3A_1634, %iota3A_32, %broadcast_in_dim3A_1636 : vector<64x128xi1>, vector<64x128xi32>
    %reduce_min3A_1638 = arith.constant dense<2147483647> : vector<128xi32>
    %reduce_min3A_1639 = vector.multi_reduction <minsi>, %select_n3A_1637, %reduce_min3A_1638 [0] : vector<64x128xi32> to vector<128xi32>
    %broadcast_in_dim3A_1640 = vector.shape_cast %reduce_min3A_1639 : vector<128xi32> to vector<1x128xi32>
    %eq3A_1641 = vector.broadcast %broadcast_in_dim3A_1640 : vector<1x128xi32> to vector<64x128xi32>
    %eq3A_1642 = arith.cmpi eq, %iota3A_32, %eq3A_1641 : vector<64x128xi32>
    %broadcast_in_dim3A_1643 = vector.shape_cast %broadcast_in_dim3A_1640 : vector<1x128xi32> to vector<1x1x128xi32>
    %eq3A_1644 = vector.broadcast %iota3A_34 : vector<64x1x1xi32> to vector<64x1x128xi32>
    %eq3A_1645 = vector.broadcast %broadcast_in_dim3A_1643 : vector<1x1x128xi32> to vector<64x1x128xi32>
    %eq3A_1646 = arith.cmpi eq, %eq3A_1644, %eq3A_1645 : vector<64x1x128xi32>
    %jit3A_1647 = arith.constant 0x7F800000 : f32
    %broadcast_in_dim3A_1648 = vector.shape_cast %eq3A_1646 : vector<64x1x128xi1> to vector<64x1x128xi1>
    %broadcast_in_dim3A_1649 = vector.broadcast %broadcast_in_dim3A_1648 : vector<64x1x128xi1> to vector<64x128x128xi1>
    %broadcast_in_dim3A_1650 = vector.broadcast %jit3A_1647 : f32 to vector<64x128x128xf32>
    %select_n3A_1651 = arith.select %broadcast_in_dim3A_1649, %reshape3A, %broadcast_in_dim3A_1650 : vector<64x128x128xi1>, vector<64x128x128xf32>
    %reduce_min3A_1652 = arith.constant dense<0x7F800000> : vector<128x128xf32>
    %reduce_min3A_1653 = vector.multi_reduction <minimumf>, %select_n3A_1651, %reduce_min3A_1652 [0] : vector<64x128x128xf32> to vector<128x128xf32>
    %jit3A_1654 = arith.constant 0x7F800000 : f32
    %broadcast_in_dim3A_1655 = vector.broadcast %jit3A_1654 : f32 to vector<64x128xf32>
    %select_n3A_1656 = arith.select %eq3A_1642, %select_n3A_1626, %broadcast_in_dim3A_1655 : vector<64x128xi1>, vector<64x128xf32>
    %reduce_min3A_1657 = arith.constant dense<0x7F800000> : vector<128xf32>
    %reduce_min3A_1658 = vector.multi_reduction <minimumf>, %select_n3A_1656, %reduce_min3A_1657 [0] : vector<64x128xf32> to vector<128xf32>
    %broadcast_in_dim3A_1659 = vector.shape_cast %reduce_min3A_1658 : vector<128xf32> to vector<1x128xf32>
    %jit3A_1660 = arith.constant -1 : i32
    %broadcast_in_dim3A_1661 = vector.broadcast %jit3A_1660 : i32 to vector<64x128xi32>
    %select_n3A_1662 = arith.select %eq3A_1642, %select_n3A_1629, %broadcast_in_dim3A_1661 : vector<64x128xi1>, vector<64x128xi32>
    %reduce_max3A_1663 = arith.constant dense<-2147483648> : vector<128xi32>
    %reduce_max3A_1664 = vector.multi_reduction <maxsi>, %select_n3A_1662, %reduce_max3A_1663 [0] : vector<64x128xi32> to vector<128xi32>
    %broadcast_in_dim3A_1665 = vector.shape_cast %reduce_max3A_1664 : vector<128xi32> to vector<1x128xi32>
    %lt3A_1666 = vector.broadcast %broadcast_in_dim3A_1659 : vector<1x128xf32> to vector<128x128xf32>
    %lt3A_1667 = arith.cmpf olt, %reduce_min3A_1653, %lt3A_1666 : vector<128x128xf32>
    %eq3A_1668 = vector.broadcast %broadcast_in_dim3A_1659 : vector<1x128xf32> to vector<128x128xf32>
    %eq3A_1669 = arith.cmpf oeq, %reduce_min3A_1653, %eq3A_1668 : vector<128x128xf32>
    %le3A_1670 = vector.broadcast %broadcast_in_dim3A_1665 : vector<1x128xi32> to vector<128x128xi32>
    %le3A_1671 = arith.cmpi sle, %iota3A_33, %le3A_1670 : vector<128x128xi32>
    %and3A_1672 = arith.andi %eq3A_1669, %le3A_1671 : vector<128x128xi1>
    %or3A_1673 = arith.ori %lt3A_1667, %and3A_1672 : vector<128x128xi1>
    %jit3A_1674 = arith.constant 0x7F800000 : f32
    %broadcast_in_dim3A_1675 = vector.broadcast %jit3A_1674 : f32 to vector<128x128xf32>
    %select_n3A_1676 = arith.select %or3A_1673, %broadcast_in_dim3A_1675, %reduce_min3A_1653 : vector<128x128xi1>, vector<128x128xf32>
    %eq3A_1677 = vector.broadcast %broadcast_in_dim3A_1632 : vector<1x128xf32> to vector<128x128xf32>
    %eq3A_1678 = arith.cmpf oeq, %select_n3A_1676, %eq3A_1677 : vector<128x128xf32>
    %jit3A_1679 = arith.constant 128 : i32
    %broadcast_in_dim3A_1680 = vector.broadcast %jit3A_1679 : i32 to vector<128x128xi32>
    %select_n3A_1681 = arith.select %eq3A_1678, %iota3A_33, %broadcast_in_dim3A_1680 : vector<128x128xi1>, vector<128x128xi32>
    %reduce_min3A_1682 = arith.constant dense<2147483647> : vector<128xi32>
    %reduce_min3A_1683 = vector.multi_reduction <minsi>, %select_n3A_1681, %reduce_min3A_1682 [0] : vector<128x128xi32> to vector<128xi32>
    %broadcast_in_dim3A_1684 = vector.shape_cast %reduce_min3A_1683 : vector<128xi32> to vector<1x128xi32>
    %mul3A_1685 = arith.constant 128 : i32
    %mul3A_1686 = vector.broadcast %mul3A_1685 : i32 to vector<1x128xi32>
    %mul3A_1687 = arith.muli %broadcast_in_dim3A_1640, %mul3A_1686 : vector<1x128xi32>
    %add3A_1688 = arith.addi %mul3A_1687, %broadcast_in_dim3A_1684 : vector<1x128xi32>
    %add3A_1689 = vector.broadcast %mul3A_36 : i32 to vector<1x128xi32>
    %add3A_1690 = arith.addi %add3A_1688, %add3A_1689 : vector<1x128xi32>
    %swap3A_1691 = arith.constant 0 : index
    %swap3A_1692 = arith.constant 19 : index
    %swap3A_1693 = arith.constant 0 : index
    %swap3A_1694 = vector.load %arg5[%swap3A_1691, %swap3A_1692, %swap3A_1693] : memref<1x32x128xi32, #tpu.memory_space<vmem>>, vector<1x1x128xi32>
    %swap3A_1695 = vector.shape_cast %swap3A_1694 : vector<1x1x128xi32> to vector<1x128xi32>
    %swap3A_1696 = vector.shape_cast %add3A_1690 : vector<1x128xi32> to vector<1x1x128xi32>
    tpu.vector_store %arg5[%swap3A_1691, %swap3A_1692, %swap3A_1693], %swap3A_1696 {strides = array<i32>} : memref<1x32x128xi32, #tpu.memory_space<vmem>>, vector<1x1x128xi32>,
    %eq3A_1697 = vector.broadcast %broadcast_in_dim3A_1684 : vector<1x128xi32> to vector<128x128xi32>
    %eq3A_1698 = arith.cmpi eq, %iota3A_33, %eq3A_1697 : vector<128x128xi32>
    %jit3A_1699 = arith.constant 0x7F800000 : f32
    %broadcast_in_dim3A_1700 = vector.broadcast %jit3A_1699 : f32 to vector<128x128xf32>
    %select_n3A_1701 = arith.select %eq3A_1698, %broadcast_in_dim3A_1700, %select_n3A_1676 : vector<128x128xi1>, vector<128x128xf32>
    %reduce_min3A_1702 = arith.constant dense<0x7F800000> : vector<128xf32>
    %reduce_min3A_1703 = vector.multi_reduction <minimumf>, %select_n3A_1701, %reduce_min3A_1702 [0] : vector<128x128xf32> to vector<128xf32>
    %broadcast_in_dim3A_1704 = vector.shape_cast %reduce_min3A_1703 : vector<128xf32> to vector<1x128xf32>
    %broadcast_in_dim3A_1705 = vector.shape_cast %broadcast_in_dim3A_1704 : vector<1x128xf32> to vector<1x128xf32>
    %broadcast_in_dim3A_1706 = vector.broadcast %broadcast_in_dim3A_1705 : vector<1x128xf32> to vector<64x128xf32>
    %select_n3A_1707 = arith.select %eq3A_1642, %broadcast_in_dim3A_1706, %select_n3A_1623 : vector<64x128xi1>, vector<64x128xf32>
    %broadcast_in_dim3A_1708 = vector.shape_cast %broadcast_in_dim3A_1632 : vector<1x128xf32> to vector<1x128xf32>
    %broadcast_in_dim3A_1709 = vector.broadcast %broadcast_in_dim3A_1708 : vector<1x128xf32> to vector<64x128xf32>
    %select_n3A_1710 = arith.select %eq3A_1642, %broadcast_in_dim3A_1709, %select_n3A_1626 : vector<64x128xi1>, vector<64x128xf32>
    %broadcast_in_dim3A_1711 = vector.shape_cast %broadcast_in_dim3A_1684 : vector<1x128xi32> to vector<1x128xi32>
    %broadcast_in_dim3A_1712 = vector.broadcast %broadcast_in_dim3A_1711 : vector<1x128xi32> to vector<64x128xi32>
    %select_n3A_1713 = arith.select %eq3A_1642, %broadcast_in_dim3A_1712, %select_n3A_1629 : vector<64x128xi1>, vector<64x128xi32>
    %reduce_min3A_1714 = arith.constant dense<0x7F800000> : vector<128xf32>
    %reduce_min3A_1715 = vector.multi_reduction <minimumf>, %select_n3A_1707, %reduce_min3A_1714 [0] : vector<64x128xf32> to vector<128xf32>
    %broadcast_in_dim3A_1716 = vector.shape_cast %reduce_min3A_1715 : vector<128xf32> to vector<1x128xf32>
    %eq3A_1717 = vector.broadcast %broadcast_in_dim3A_1716 : vector<1x128xf32> to vector<64x128xf32>
    %eq3A_1718 = arith.cmpf oeq, %select_n3A_1707, %eq3A_1717 : vector<64x128xf32>
    %jit3A_1719 = arith.constant 64 : i32
    %broadcast_in_dim3A_1720 = vector.broadcast %jit3A_1719 : i32 to vector<64x128xi32>
    %select_n3A_1721 = arith.select %eq3A_1718, %iota3A_32, %broadcast_in_dim3A_1720 : vector<64x128xi1>, vector<64x128xi32>
    %reduce_min3A_1722 = arith.constant dense<2147483647> : vector<128xi32>
    %reduce_min3A_1723 = vector.multi_reduction <minsi>, %select_n3A_1721, %reduce_min3A_1722 [0] : vector<64x128xi32> to vector<128xi32>
    %broadcast_in_dim3A_1724 = vector.shape_cast %reduce_min3A_1723 : vector<128xi32> to vector<1x128xi32>
    %eq3A_1725 = vector.broadcast %broadcast_in_dim3A_1724 : vector<1x128xi32> to vector<64x128xi32>
    %eq3A_1726 = arith.cmpi eq, %iota3A_32, %eq3A_1725 : vector<64x128xi32>
    %broadcast_in_dim3A_1727 = vector.shape_cast %broadcast_in_dim3A_1724 : vector<1x128xi32> to vector<1x1x128xi32>
    %eq3A_1728 = vector.broadcast %iota3A_34 : vector<64x1x1xi32> to vector<64x1x128xi32>
    %eq3A_1729 = vector.broadcast %broadcast_in_dim3A_1727 : vector<1x1x128xi32> to vector<64x1x128xi32>
    %eq3A_1730 = arith.cmpi eq, %eq3A_1728, %eq3A_1729 : vector<64x1x128xi32>
    %jit3A_1731 = arith.constant 0x7F800000 : f32
    %broadcast_in_dim3A_1732 = vector.shape_cast %eq3A_1730 : vector<64x1x128xi1> to vector<64x1x128xi1>
    %broadcast_in_dim3A_1733 = vector.broadcast %broadcast_in_dim3A_1732 : vector<64x1x128xi1> to vector<64x128x128xi1>
    %broadcast_in_dim3A_1734 = vector.broadcast %jit3A_1731 : f32 to vector<64x128x128xf32>
    %select_n3A_1735 = arith.select %broadcast_in_dim3A_1733, %reshape3A, %broadcast_in_dim3A_1734 : vector<64x128x128xi1>, vector<64x128x128xf32>
    %reduce_min3A_1736 = arith.constant dense<0x7F800000> : vector<128x128xf32>
    %reduce_min3A_1737 = vector.multi_reduction <minimumf>, %select_n3A_1735, %reduce_min3A_1736 [0] : vector<64x128x128xf32> to vector<128x128xf32>
    %jit3A_1738 = arith.constant 0x7F800000 : f32
    %broadcast_in_dim3A_1739 = vector.broadcast %jit3A_1738 : f32 to vector<64x128xf32>
    %select_n3A_1740 = arith.select %eq3A_1726, %select_n3A_1710, %broadcast_in_dim3A_1739 : vector<64x128xi1>, vector<64x128xf32>
    %reduce_min3A_1741 = arith.constant dense<0x7F800000> : vector<128xf32>
    %reduce_min3A_1742 = vector.multi_reduction <minimumf>, %select_n3A_1740, %reduce_min3A_1741 [0] : vector<64x128xf32> to vector<128xf32>
    %broadcast_in_dim3A_1743 = vector.shape_cast %reduce_min3A_1742 : vector<128xf32> to vector<1x128xf32>
    %jit3A_1744 = arith.constant -1 : i32
    %broadcast_in_dim3A_1745 = vector.broadcast %jit3A_1744 : i32 to vector<64x128xi32>
    %select_n3A_1746 = arith.select %eq3A_1726, %select_n3A_1713, %broadcast_in_dim3A_1745 : vector<64x128xi1>, vector<64x128xi32>
    %reduce_max3A_1747 = arith.constant dense<-2147483648> : vector<128xi32>
    %reduce_max3A_1748 = vector.multi_reduction <maxsi>, %select_n3A_1746, %reduce_max3A_1747 [0] : vector<64x128xi32> to vector<128xi32>
    %broadcast_in_dim3A_1749 = vector.shape_cast %reduce_max3A_1748 : vector<128xi32> to vector<1x128xi32>
    %lt3A_1750 = vector.broadcast %broadcast_in_dim3A_1743 : vector<1x128xf32> to vector<128x128xf32>
    %lt3A_1751 = arith.cmpf olt, %reduce_min3A_1737, %lt3A_1750 : vector<128x128xf32>
    %eq3A_1752 = vector.broadcast %broadcast_in_dim3A_1743 : vector<1x128xf32> to vector<128x128xf32>
    %eq3A_1753 = arith.cmpf oeq, %reduce_min3A_1737, %eq3A_1752 : vector<128x128xf32>
    %le3A_1754 = vector.broadcast %broadcast_in_dim3A_1749 : vector<1x128xi32> to vector<128x128xi32>
    %le3A_1755 = arith.cmpi sle, %iota3A_33, %le3A_1754 : vector<128x128xi32>
    %and3A_1756 = arith.andi %eq3A_1753, %le3A_1755 : vector<128x128xi1>
    %or3A_1757 = arith.ori %lt3A_1751, %and3A_1756 : vector<128x128xi1>
    %jit3A_1758 = arith.constant 0x7F800000 : f32
    %broadcast_in_dim3A_1759 = vector.broadcast %jit3A_1758 : f32 to vector<128x128xf32>
    %select_n3A_1760 = arith.select %or3A_1757, %broadcast_in_dim3A_1759, %reduce_min3A_1737 : vector<128x128xi1>, vector<128x128xf32>
    %eq3A_1761 = vector.broadcast %broadcast_in_dim3A_1716 : vector<1x128xf32> to vector<128x128xf32>
    %eq3A_1762 = arith.cmpf oeq, %select_n3A_1760, %eq3A_1761 : vector<128x128xf32>
    %jit3A_1763 = arith.constant 128 : i32
    %broadcast_in_dim3A_1764 = vector.broadcast %jit3A_1763 : i32 to vector<128x128xi32>
    %select_n3A_1765 = arith.select %eq3A_1762, %iota3A_33, %broadcast_in_dim3A_1764 : vector<128x128xi1>, vector<128x128xi32>
    %reduce_min3A_1766 = arith.constant dense<2147483647> : vector<128xi32>
    %reduce_min3A_1767 = vector.multi_reduction <minsi>, %select_n3A_1765, %reduce_min3A_1766 [0] : vector<128x128xi32> to vector<128xi32>
    %broadcast_in_dim3A_1768 = vector.shape_cast %reduce_min3A_1767 : vector<128xi32> to vector<1x128xi32>
    %mul3A_1769 = arith.constant 128 : i32
    %mul3A_1770 = vector.broadcast %mul3A_1769 : i32 to vector<1x128xi32>
    %mul3A_1771 = arith.muli %broadcast_in_dim3A_1724, %mul3A_1770 : vector<1x128xi32>
    %add3A_1772 = arith.addi %mul3A_1771, %broadcast_in_dim3A_1768 : vector<1x128xi32>
    %add3A_1773 = vector.broadcast %mul3A_36 : i32 to vector<1x128xi32>
    %add3A_1774 = arith.addi %add3A_1772, %add3A_1773 : vector<1x128xi32>
    %swap3A_1775 = arith.constant 0 : index
    %swap3A_1776 = arith.constant 20 : index
    %swap3A_1777 = arith.constant 0 : index
    %swap3A_1778 = vector.load %arg5[%swap3A_1775, %swap3A_1776, %swap3A_1777] : memref<1x32x128xi32, #tpu.memory_space<vmem>>, vector<1x1x128xi32>
    %swap3A_1779 = vector.shape_cast %swap3A_1778 : vector<1x1x128xi32> to vector<1x128xi32>
    %swap3A_1780 = vector.shape_cast %add3A_1774 : vector<1x128xi32> to vector<1x1x128xi32>
    tpu.vector_store %arg5[%swap3A_1775, %swap3A_1776, %swap3A_1777], %swap3A_1780 {strides = array<i32>} : memref<1x32x128xi32, #tpu.memory_space<vmem>>, vector<1x1x128xi32>,
    %eq3A_1781 = vector.broadcast %broadcast_in_dim3A_1768 : vector<1x128xi32> to vector<128x128xi32>
    %eq3A_1782 = arith.cmpi eq, %iota3A_33, %eq3A_1781 : vector<128x128xi32>
    %jit3A_1783 = arith.constant 0x7F800000 : f32
    %broadcast_in_dim3A_1784 = vector.broadcast %jit3A_1783 : f32 to vector<128x128xf32>
    %select_n3A_1785 = arith.select %eq3A_1782, %broadcast_in_dim3A_1784, %select_n3A_1760 : vector<128x128xi1>, vector<128x128xf32>
    %reduce_min3A_1786 = arith.constant dense<0x7F800000> : vector<128xf32>
    %reduce_min3A_1787 = vector.multi_reduction <minimumf>, %select_n3A_1785, %reduce_min3A_1786 [0] : vector<128x128xf32> to vector<128xf32>
    %broadcast_in_dim3A_1788 = vector.shape_cast %reduce_min3A_1787 : vector<128xf32> to vector<1x128xf32>
    %broadcast_in_dim3A_1789 = vector.shape_cast %broadcast_in_dim3A_1788 : vector<1x128xf32> to vector<1x128xf32>
    %broadcast_in_dim3A_1790 = vector.broadcast %broadcast_in_dim3A_1789 : vector<1x128xf32> to vector<64x128xf32>
    %select_n3A_1791 = arith.select %eq3A_1726, %broadcast_in_dim3A_1790, %select_n3A_1707 : vector<64x128xi1>, vector<64x128xf32>
    %broadcast_in_dim3A_1792 = vector.shape_cast %broadcast_in_dim3A_1716 : vector<1x128xf32> to vector<1x128xf32>
    %broadcast_in_dim3A_1793 = vector.broadcast %broadcast_in_dim3A_1792 : vector<1x128xf32> to vector<64x128xf32>
    %select_n3A_1794 = arith.select %eq3A_1726, %broadcast_in_dim3A_1793, %select_n3A_1710 : vector<64x128xi1>, vector<64x128xf32>
    %broadcast_in_dim3A_1795 = vector.shape_cast %broadcast_in_dim3A_1768 : vector<1x128xi32> to vector<1x128xi32>
    %broadcast_in_dim3A_1796 = vector.broadcast %broadcast_in_dim3A_1795 : vector<1x128xi32> to vector<64x128xi32>
    %select_n3A_1797 = arith.select %eq3A_1726, %broadcast_in_dim3A_1796, %select_n3A_1713 : vector<64x128xi1>, vector<64x128xi32>
    %reduce_min3A_1798 = arith.constant dense<0x7F800000> : vector<128xf32>
    %reduce_min3A_1799 = vector.multi_reduction <minimumf>, %select_n3A_1791, %reduce_min3A_1798 [0] : vector<64x128xf32> to vector<128xf32>
    %broadcast_in_dim3A_1800 = vector.shape_cast %reduce_min3A_1799 : vector<128xf32> to vector<1x128xf32>
    %eq3A_1801 = vector.broadcast %broadcast_in_dim3A_1800 : vector<1x128xf32> to vector<64x128xf32>
    %eq3A_1802 = arith.cmpf oeq, %select_n3A_1791, %eq3A_1801 : vector<64x128xf32>
    %jit3A_1803 = arith.constant 64 : i32
    %broadcast_in_dim3A_1804 = vector.broadcast %jit3A_1803 : i32 to vector<64x128xi32>
    %select_n3A_1805 = arith.select %eq3A_1802, %iota3A_32, %broadcast_in_dim3A_1804 : vector<64x128xi1>, vector<64x128xi32>
    %reduce_min3A_1806 = arith.constant dense<2147483647> : vector<128xi32>
    %reduce_min3A_1807 = vector.multi_reduction <minsi>, %select_n3A_1805, %reduce_min3A_1806 [0] : vector<64x128xi32> to vector<128xi32>
    %broadcast_in_dim3A_1808 = vector.shape_cast %reduce_min3A_1807 : vector<128xi32> to vector<1x128xi32>
    %eq3A_1809 = vector.broadcast %broadcast_in_dim3A_1808 : vector<1x128xi32> to vector<64x128xi32>
    %eq3A_1810 = arith.cmpi eq, %iota3A_32, %eq3A_1809 : vector<64x128xi32>
    %broadcast_in_dim3A_1811 = vector.shape_cast %broadcast_in_dim3A_1808 : vector<1x128xi32> to vector<1x1x128xi32>
    %eq3A_1812 = vector.broadcast %iota3A_34 : vector<64x1x1xi32> to vector<64x1x128xi32>
    %eq3A_1813 = vector.broadcast %broadcast_in_dim3A_1811 : vector<1x1x128xi32> to vector<64x1x128xi32>
    %eq3A_1814 = arith.cmpi eq, %eq3A_1812, %eq3A_1813 : vector<64x1x128xi32>
    %jit3A_1815 = arith.constant 0x7F800000 : f32
    %broadcast_in_dim3A_1816 = vector.shape_cast %eq3A_1814 : vector<64x1x128xi1> to vector<64x1x128xi1>
    %broadcast_in_dim3A_1817 = vector.broadcast %broadcast_in_dim3A_1816 : vector<64x1x128xi1> to vector<64x128x128xi1>
    %broadcast_in_dim3A_1818 = vector.broadcast %jit3A_1815 : f32 to vector<64x128x128xf32>
    %select_n3A_1819 = arith.select %broadcast_in_dim3A_1817, %reshape3A, %broadcast_in_dim3A_1818 : vector<64x128x128xi1>, vector<64x128x128xf32>
    %reduce_min3A_1820 = arith.constant dense<0x7F800000> : vector<128x128xf32>
    %reduce_min3A_1821 = vector.multi_reduction <minimumf>, %select_n3A_1819, %reduce_min3A_1820 [0] : vector<64x128x128xf32> to vector<128x128xf32>
    %jit3A_1822 = arith.constant 0x7F800000 : f32
    %broadcast_in_dim3A_1823 = vector.broadcast %jit3A_1822 : f32 to vector<64x128xf32>
    %select_n3A_1824 = arith.select %eq3A_1810, %select_n3A_1794, %broadcast_in_dim3A_1823 : vector<64x128xi1>, vector<64x128xf32>
    %reduce_min3A_1825 = arith.constant dense<0x7F800000> : vector<128xf32>
    %reduce_min3A_1826 = vector.multi_reduction <minimumf>, %select_n3A_1824, %reduce_min3A_1825 [0] : vector<64x128xf32> to vector<128xf32>
    %broadcast_in_dim3A_1827 = vector.shape_cast %reduce_min3A_1826 : vector<128xf32> to vector<1x128xf32>
    %jit3A_1828 = arith.constant -1 : i32
    %broadcast_in_dim3A_1829 = vector.broadcast %jit3A_1828 : i32 to vector<64x128xi32>
    %select_n3A_1830 = arith.select %eq3A_1810, %select_n3A_1797, %broadcast_in_dim3A_1829 : vector<64x128xi1>, vector<64x128xi32>
    %reduce_max3A_1831 = arith.constant dense<-2147483648> : vector<128xi32>
    %reduce_max3A_1832 = vector.multi_reduction <maxsi>, %select_n3A_1830, %reduce_max3A_1831 [0] : vector<64x128xi32> to vector<128xi32>
    %broadcast_in_dim3A_1833 = vector.shape_cast %reduce_max3A_1832 : vector<128xi32> to vector<1x128xi32>
    %lt3A_1834 = vector.broadcast %broadcast_in_dim3A_1827 : vector<1x128xf32> to vector<128x128xf32>
    %lt3A_1835 = arith.cmpf olt, %reduce_min3A_1821, %lt3A_1834 : vector<128x128xf32>
    %eq3A_1836 = vector.broadcast %broadcast_in_dim3A_1827 : vector<1x128xf32> to vector<128x128xf32>
    %eq3A_1837 = arith.cmpf oeq, %reduce_min3A_1821, %eq3A_1836 : vector<128x128xf32>
    %le3A_1838 = vector.broadcast %broadcast_in_dim3A_1833 : vector<1x128xi32> to vector<128x128xi32>
    %le3A_1839 = arith.cmpi sle, %iota3A_33, %le3A_1838 : vector<128x128xi32>
    %and3A_1840 = arith.andi %eq3A_1837, %le3A_1839 : vector<128x128xi1>
    %or3A_1841 = arith.ori %lt3A_1835, %and3A_1840 : vector<128x128xi1>
    %jit3A_1842 = arith.constant 0x7F800000 : f32
    %broadcast_in_dim3A_1843 = vector.broadcast %jit3A_1842 : f32 to vector<128x128xf32>
    %select_n3A_1844 = arith.select %or3A_1841, %broadcast_in_dim3A_1843, %reduce_min3A_1821 : vector<128x128xi1>, vector<128x128xf32>
    %eq3A_1845 = vector.broadcast %broadcast_in_dim3A_1800 : vector<1x128xf32> to vector<128x128xf32>
    %eq3A_1846 = arith.cmpf oeq, %select_n3A_1844, %eq3A_1845 : vector<128x128xf32>
    %jit3A_1847 = arith.constant 128 : i32
    %broadcast_in_dim3A_1848 = vector.broadcast %jit3A_1847 : i32 to vector<128x128xi32>
    %select_n3A_1849 = arith.select %eq3A_1846, %iota3A_33, %broadcast_in_dim3A_1848 : vector<128x128xi1>, vector<128x128xi32>
    %reduce_min3A_1850 = arith.constant dense<2147483647> : vector<128xi32>
    %reduce_min3A_1851 = vector.multi_reduction <minsi>, %select_n3A_1849, %reduce_min3A_1850 [0] : vector<128x128xi32> to vector<128xi32>
    %broadcast_in_dim3A_1852 = vector.shape_cast %reduce_min3A_1851 : vector<128xi32> to vector<1x128xi32>
    %mul3A_1853 = arith.constant 128 : i32
    %mul3A_1854 = vector.broadcast %mul3A_1853 : i32 to vector<1x128xi32>
    %mul3A_1855 = arith.muli %broadcast_in_dim3A_1808, %mul3A_1854 : vector<1x128xi32>
    %add3A_1856 = arith.addi %mul3A_1855, %broadcast_in_dim3A_1852 : vector<1x128xi32>
    %add3A_1857 = vector.broadcast %mul3A_36 : i32 to vector<1x128xi32>
    %add3A_1858 = arith.addi %add3A_1856, %add3A_1857 : vector<1x128xi32>
    %swap3A_1859 = arith.constant 0 : index
    %swap3A_1860 = arith.constant 21 : index
    %swap3A_1861 = arith.constant 0 : index
    %swap3A_1862 = vector.load %arg5[%swap3A_1859, %swap3A_1860, %swap3A_1861] : memref<1x32x128xi32, #tpu.memory_space<vmem>>, vector<1x1x128xi32>
    %swap3A_1863 = vector.shape_cast %swap3A_1862 : vector<1x1x128xi32> to vector<1x128xi32>
    %swap3A_1864 = vector.shape_cast %add3A_1858 : vector<1x128xi32> to vector<1x1x128xi32>
    tpu.vector_store %arg5[%swap3A_1859, %swap3A_1860, %swap3A_1861], %swap3A_1864 {strides = array<i32>} : memref<1x32x128xi32, #tpu.memory_space<vmem>>, vector<1x1x128xi32>,
    %eq3A_1865 = vector.broadcast %broadcast_in_dim3A_1852 : vector<1x128xi32> to vector<128x128xi32>
    %eq3A_1866 = arith.cmpi eq, %iota3A_33, %eq3A_1865 : vector<128x128xi32>
    %jit3A_1867 = arith.constant 0x7F800000 : f32
    %broadcast_in_dim3A_1868 = vector.broadcast %jit3A_1867 : f32 to vector<128x128xf32>
    %select_n3A_1869 = arith.select %eq3A_1866, %broadcast_in_dim3A_1868, %select_n3A_1844 : vector<128x128xi1>, vector<128x128xf32>
    %reduce_min3A_1870 = arith.constant dense<0x7F800000> : vector<128xf32>
    %reduce_min3A_1871 = vector.multi_reduction <minimumf>, %select_n3A_1869, %reduce_min3A_1870 [0] : vector<128x128xf32> to vector<128xf32>
    %broadcast_in_dim3A_1872 = vector.shape_cast %reduce_min3A_1871 : vector<128xf32> to vector<1x128xf32>
    %broadcast_in_dim3A_1873 = vector.shape_cast %broadcast_in_dim3A_1872 : vector<1x128xf32> to vector<1x128xf32>
    %broadcast_in_dim3A_1874 = vector.broadcast %broadcast_in_dim3A_1873 : vector<1x128xf32> to vector<64x128xf32>
    %select_n3A_1875 = arith.select %eq3A_1810, %broadcast_in_dim3A_1874, %select_n3A_1791 : vector<64x128xi1>, vector<64x128xf32>
    %broadcast_in_dim3A_1876 = vector.shape_cast %broadcast_in_dim3A_1800 : vector<1x128xf32> to vector<1x128xf32>
    %broadcast_in_dim3A_1877 = vector.broadcast %broadcast_in_dim3A_1876 : vector<1x128xf32> to vector<64x128xf32>
    %select_n3A_1878 = arith.select %eq3A_1810, %broadcast_in_dim3A_1877, %select_n3A_1794 : vector<64x128xi1>, vector<64x128xf32>
    %broadcast_in_dim3A_1879 = vector.shape_cast %broadcast_in_dim3A_1852 : vector<1x128xi32> to vector<1x128xi32>
    %broadcast_in_dim3A_1880 = vector.broadcast %broadcast_in_dim3A_1879 : vector<1x128xi32> to vector<64x128xi32>
    %select_n3A_1881 = arith.select %eq3A_1810, %broadcast_in_dim3A_1880, %select_n3A_1797 : vector<64x128xi1>, vector<64x128xi32>
    %reduce_min3A_1882 = arith.constant dense<0x7F800000> : vector<128xf32>
    %reduce_min3A_1883 = vector.multi_reduction <minimumf>, %select_n3A_1875, %reduce_min3A_1882 [0] : vector<64x128xf32> to vector<128xf32>
    %broadcast_in_dim3A_1884 = vector.shape_cast %reduce_min3A_1883 : vector<128xf32> to vector<1x128xf32>
    %eq3A_1885 = vector.broadcast %broadcast_in_dim3A_1884 : vector<1x128xf32> to vector<64x128xf32>
    %eq3A_1886 = arith.cmpf oeq, %select_n3A_1875, %eq3A_1885 : vector<64x128xf32>
    %jit3A_1887 = arith.constant 64 : i32
    %broadcast_in_dim3A_1888 = vector.broadcast %jit3A_1887 : i32 to vector<64x128xi32>
    %select_n3A_1889 = arith.select %eq3A_1886, %iota3A_32, %broadcast_in_dim3A_1888 : vector<64x128xi1>, vector<64x128xi32>
    %reduce_min3A_1890 = arith.constant dense<2147483647> : vector<128xi32>
    %reduce_min3A_1891 = vector.multi_reduction <minsi>, %select_n3A_1889, %reduce_min3A_1890 [0] : vector<64x128xi32> to vector<128xi32>
    %broadcast_in_dim3A_1892 = vector.shape_cast %reduce_min3A_1891 : vector<128xi32> to vector<1x128xi32>
    %eq3A_1893 = vector.broadcast %broadcast_in_dim3A_1892 : vector<1x128xi32> to vector<64x128xi32>
    %eq3A_1894 = arith.cmpi eq, %iota3A_32, %eq3A_1893 : vector<64x128xi32>
    %broadcast_in_dim3A_1895 = vector.shape_cast %broadcast_in_dim3A_1892 : vector<1x128xi32> to vector<1x1x128xi32>
    %eq3A_1896 = vector.broadcast %iota3A_34 : vector<64x1x1xi32> to vector<64x1x128xi32>
    %eq3A_1897 = vector.broadcast %broadcast_in_dim3A_1895 : vector<1x1x128xi32> to vector<64x1x128xi32>
    %eq3A_1898 = arith.cmpi eq, %eq3A_1896, %eq3A_1897 : vector<64x1x128xi32>
    %jit3A_1899 = arith.constant 0x7F800000 : f32
    %broadcast_in_dim3A_1900 = vector.shape_cast %eq3A_1898 : vector<64x1x128xi1> to vector<64x1x128xi1>
    %broadcast_in_dim3A_1901 = vector.broadcast %broadcast_in_dim3A_1900 : vector<64x1x128xi1> to vector<64x128x128xi1>
    %broadcast_in_dim3A_1902 = vector.broadcast %jit3A_1899 : f32 to vector<64x128x128xf32>
    %select_n3A_1903 = arith.select %broadcast_in_dim3A_1901, %reshape3A, %broadcast_in_dim3A_1902 : vector<64x128x128xi1>, vector<64x128x128xf32>
    %reduce_min3A_1904 = arith.constant dense<0x7F800000> : vector<128x128xf32>
    %reduce_min3A_1905 = vector.multi_reduction <minimumf>, %select_n3A_1903, %reduce_min3A_1904 [0] : vector<64x128x128xf32> to vector<128x128xf32>
    %jit3A_1906 = arith.constant 0x7F800000 : f32
    %broadcast_in_dim3A_1907 = vector.broadcast %jit3A_1906 : f32 to vector<64x128xf32>
    %select_n3A_1908 = arith.select %eq3A_1894, %select_n3A_1878, %broadcast_in_dim3A_1907 : vector<64x128xi1>, vector<64x128xf32>
    %reduce_min3A_1909 = arith.constant dense<0x7F800000> : vector<128xf32>
    %reduce_min3A_1910 = vector.multi_reduction <minimumf>, %select_n3A_1908, %reduce_min3A_1909 [0] : vector<64x128xf32> to vector<128xf32>
    %broadcast_in_dim3A_1911 = vector.shape_cast %reduce_min3A_1910 : vector<128xf32> to vector<1x128xf32>
    %jit3A_1912 = arith.constant -1 : i32
    %broadcast_in_dim3A_1913 = vector.broadcast %jit3A_1912 : i32 to vector<64x128xi32>
    %select_n3A_1914 = arith.select %eq3A_1894, %select_n3A_1881, %broadcast_in_dim3A_1913 : vector<64x128xi1>, vector<64x128xi32>
    %reduce_max3A_1915 = arith.constant dense<-2147483648> : vector<128xi32>
    %reduce_max3A_1916 = vector.multi_reduction <maxsi>, %select_n3A_1914, %reduce_max3A_1915 [0] : vector<64x128xi32> to vector<128xi32>
    %broadcast_in_dim3A_1917 = vector.shape_cast %reduce_max3A_1916 : vector<128xi32> to vector<1x128xi32>
    %lt3A_1918 = vector.broadcast %broadcast_in_dim3A_1911 : vector<1x128xf32> to vector<128x128xf32>
    %lt3A_1919 = arith.cmpf olt, %reduce_min3A_1905, %lt3A_1918 : vector<128x128xf32>
    %eq3A_1920 = vector.broadcast %broadcast_in_dim3A_1911 : vector<1x128xf32> to vector<128x128xf32>
    %eq3A_1921 = arith.cmpf oeq, %reduce_min3A_1905, %eq3A_1920 : vector<128x128xf32>
    %le3A_1922 = vector.broadcast %broadcast_in_dim3A_1917 : vector<1x128xi32> to vector<128x128xi32>
    %le3A_1923 = arith.cmpi sle, %iota3A_33, %le3A_1922 : vector<128x128xi32>
    %and3A_1924 = arith.andi %eq3A_1921, %le3A_1923 : vector<128x128xi1>
    %or3A_1925 = arith.ori %lt3A_1919, %and3A_1924 : vector<128x128xi1>
    %jit3A_1926 = arith.constant 0x7F800000 : f32
    %broadcast_in_dim3A_1927 = vector.broadcast %jit3A_1926 : f32 to vector<128x128xf32>
    %select_n3A_1928 = arith.select %or3A_1925, %broadcast_in_dim3A_1927, %reduce_min3A_1905 : vector<128x128xi1>, vector<128x128xf32>
    %eq3A_1929 = vector.broadcast %broadcast_in_dim3A_1884 : vector<1x128xf32> to vector<128x128xf32>
    %eq3A_1930 = arith.cmpf oeq, %select_n3A_1928, %eq3A_1929 : vector<128x128xf32>
    %jit3A_1931 = arith.constant 128 : i32
    %broadcast_in_dim3A_1932 = vector.broadcast %jit3A_1931 : i32 to vector<128x128xi32>
    %select_n3A_1933 = arith.select %eq3A_1930, %iota3A_33, %broadcast_in_dim3A_1932 : vector<128x128xi1>, vector<128x128xi32>
    %reduce_min3A_1934 = arith.constant dense<2147483647> : vector<128xi32>
    %reduce_min3A_1935 = vector.multi_reduction <minsi>, %select_n3A_1933, %reduce_min3A_1934 [0] : vector<128x128xi32> to vector<128xi32>
    %broadcast_in_dim3A_1936 = vector.shape_cast %reduce_min3A_1935 : vector<128xi32> to vector<1x128xi32>
    %mul3A_1937 = arith.constant 128 : i32
    %mul3A_1938 = vector.broadcast %mul3A_1937 : i32 to vector<1x128xi32>
    %mul3A_1939 = arith.muli %broadcast_in_dim3A_1892, %mul3A_1938 : vector<1x128xi32>
    %add3A_1940 = arith.addi %mul3A_1939, %broadcast_in_dim3A_1936 : vector<1x128xi32>
    %add3A_1941 = vector.broadcast %mul3A_36 : i32 to vector<1x128xi32>
    %add3A_1942 = arith.addi %add3A_1940, %add3A_1941 : vector<1x128xi32>
    %swap3A_1943 = arith.constant 0 : index
    %swap3A_1944 = arith.constant 22 : index
    %swap3A_1945 = arith.constant 0 : index
    %swap3A_1946 = vector.load %arg5[%swap3A_1943, %swap3A_1944, %swap3A_1945] : memref<1x32x128xi32, #tpu.memory_space<vmem>>, vector<1x1x128xi32>
    %swap3A_1947 = vector.shape_cast %swap3A_1946 : vector<1x1x128xi32> to vector<1x128xi32>
    %swap3A_1948 = vector.shape_cast %add3A_1942 : vector<1x128xi32> to vector<1x1x128xi32>
    tpu.vector_store %arg5[%swap3A_1943, %swap3A_1944, %swap3A_1945], %swap3A_1948 {strides = array<i32>} : memref<1x32x128xi32, #tpu.memory_space<vmem>>, vector<1x1x128xi32>,
    %eq3A_1949 = vector.broadcast %broadcast_in_dim3A_1936 : vector<1x128xi32> to vector<128x128xi32>
    %eq3A_1950 = arith.cmpi eq, %iota3A_33, %eq3A_1949 : vector<128x128xi32>
    %jit3A_1951 = arith.constant 0x7F800000 : f32
    %broadcast_in_dim3A_1952 = vector.broadcast %jit3A_1951 : f32 to vector<128x128xf32>
    %select_n3A_1953 = arith.select %eq3A_1950, %broadcast_in_dim3A_1952, %select_n3A_1928 : vector<128x128xi1>, vector<128x128xf32>
    %reduce_min3A_1954 = arith.constant dense<0x7F800000> : vector<128xf32>
    %reduce_min3A_1955 = vector.multi_reduction <minimumf>, %select_n3A_1953, %reduce_min3A_1954 [0] : vector<128x128xf32> to vector<128xf32>
    %broadcast_in_dim3A_1956 = vector.shape_cast %reduce_min3A_1955 : vector<128xf32> to vector<1x128xf32>
    %broadcast_in_dim3A_1957 = vector.shape_cast %broadcast_in_dim3A_1956 : vector<1x128xf32> to vector<1x128xf32>
    %broadcast_in_dim3A_1958 = vector.broadcast %broadcast_in_dim3A_1957 : vector<1x128xf32> to vector<64x128xf32>
    %select_n3A_1959 = arith.select %eq3A_1894, %broadcast_in_dim3A_1958, %select_n3A_1875 : vector<64x128xi1>, vector<64x128xf32>
    %broadcast_in_dim3A_1960 = vector.shape_cast %broadcast_in_dim3A_1884 : vector<1x128xf32> to vector<1x128xf32>
    %broadcast_in_dim3A_1961 = vector.broadcast %broadcast_in_dim3A_1960 : vector<1x128xf32> to vector<64x128xf32>
    %select_n3A_1962 = arith.select %eq3A_1894, %broadcast_in_dim3A_1961, %select_n3A_1878 : vector<64x128xi1>, vector<64x128xf32>
    %broadcast_in_dim3A_1963 = vector.shape_cast %broadcast_in_dim3A_1936 : vector<1x128xi32> to vector<1x128xi32>
    %broadcast_in_dim3A_1964 = vector.broadcast %broadcast_in_dim3A_1963 : vector<1x128xi32> to vector<64x128xi32>
    %select_n3A_1965 = arith.select %eq3A_1894, %broadcast_in_dim3A_1964, %select_n3A_1881 : vector<64x128xi1>, vector<64x128xi32>
    %reduce_min3A_1966 = arith.constant dense<0x7F800000> : vector<128xf32>
    %reduce_min3A_1967 = vector.multi_reduction <minimumf>, %select_n3A_1959, %reduce_min3A_1966 [0] : vector<64x128xf32> to vector<128xf32>
    %broadcast_in_dim3A_1968 = vector.shape_cast %reduce_min3A_1967 : vector<128xf32> to vector<1x128xf32>
    %eq3A_1969 = vector.broadcast %broadcast_in_dim3A_1968 : vector<1x128xf32> to vector<64x128xf32>
    %eq3A_1970 = arith.cmpf oeq, %select_n3A_1959, %eq3A_1969 : vector<64x128xf32>
    %jit3A_1971 = arith.constant 64 : i32
    %broadcast_in_dim3A_1972 = vector.broadcast %jit3A_1971 : i32 to vector<64x128xi32>
    %select_n3A_1973 = arith.select %eq3A_1970, %iota3A_32, %broadcast_in_dim3A_1972 : vector<64x128xi1>, vector<64x128xi32>
    %reduce_min3A_1974 = arith.constant dense<2147483647> : vector<128xi32>
    %reduce_min3A_1975 = vector.multi_reduction <minsi>, %select_n3A_1973, %reduce_min3A_1974 [0] : vector<64x128xi32> to vector<128xi32>
    %broadcast_in_dim3A_1976 = vector.shape_cast %reduce_min3A_1975 : vector<128xi32> to vector<1x128xi32>
    %eq3A_1977 = vector.broadcast %broadcast_in_dim3A_1976 : vector<1x128xi32> to vector<64x128xi32>
    %eq3A_1978 = arith.cmpi eq, %iota3A_32, %eq3A_1977 : vector<64x128xi32>
    %broadcast_in_dim3A_1979 = vector.shape_cast %broadcast_in_dim3A_1976 : vector<1x128xi32> to vector<1x1x128xi32>
    %eq3A_1980 = vector.broadcast %iota3A_34 : vector<64x1x1xi32> to vector<64x1x128xi32>
    %eq3A_1981 = vector.broadcast %broadcast_in_dim3A_1979 : vector<1x1x128xi32> to vector<64x1x128xi32>
    %eq3A_1982 = arith.cmpi eq, %eq3A_1980, %eq3A_1981 : vector<64x1x128xi32>
    %jit3A_1983 = arith.constant 0x7F800000 : f32
    %broadcast_in_dim3A_1984 = vector.shape_cast %eq3A_1982 : vector<64x1x128xi1> to vector<64x1x128xi1>
    %broadcast_in_dim3A_1985 = vector.broadcast %broadcast_in_dim3A_1984 : vector<64x1x128xi1> to vector<64x128x128xi1>
    %broadcast_in_dim3A_1986 = vector.broadcast %jit3A_1983 : f32 to vector<64x128x128xf32>
    %select_n3A_1987 = arith.select %broadcast_in_dim3A_1985, %reshape3A, %broadcast_in_dim3A_1986 : vector<64x128x128xi1>, vector<64x128x128xf32>
    %reduce_min3A_1988 = arith.constant dense<0x7F800000> : vector<128x128xf32>
    %reduce_min3A_1989 = vector.multi_reduction <minimumf>, %select_n3A_1987, %reduce_min3A_1988 [0] : vector<64x128x128xf32> to vector<128x128xf32>
    %jit3A_1990 = arith.constant 0x7F800000 : f32
    %broadcast_in_dim3A_1991 = vector.broadcast %jit3A_1990 : f32 to vector<64x128xf32>
    %select_n3A_1992 = arith.select %eq3A_1978, %select_n3A_1962, %broadcast_in_dim3A_1991 : vector<64x128xi1>, vector<64x128xf32>
    %reduce_min3A_1993 = arith.constant dense<0x7F800000> : vector<128xf32>
    %reduce_min3A_1994 = vector.multi_reduction <minimumf>, %select_n3A_1992, %reduce_min3A_1993 [0] : vector<64x128xf32> to vector<128xf32>
    %broadcast_in_dim3A_1995 = vector.shape_cast %reduce_min3A_1994 : vector<128xf32> to vector<1x128xf32>
    %jit3A_1996 = arith.constant -1 : i32
    %broadcast_in_dim3A_1997 = vector.broadcast %jit3A_1996 : i32 to vector<64x128xi32>
    %select_n3A_1998 = arith.select %eq3A_1978, %select_n3A_1965, %broadcast_in_dim3A_1997 : vector<64x128xi1>, vector<64x128xi32>
    %reduce_max3A_1999 = arith.constant dense<-2147483648> : vector<128xi32>
    %reduce_max3A_2000 = vector.multi_reduction <maxsi>, %select_n3A_1998, %reduce_max3A_1999 [0] : vector<64x128xi32> to vector<128xi32>
    %broadcast_in_dim3A_2001 = vector.shape_cast %reduce_max3A_2000 : vector<128xi32> to vector<1x128xi32>
    %lt3A_2002 = vector.broadcast %broadcast_in_dim3A_1995 : vector<1x128xf32> to vector<128x128xf32>
    %lt3A_2003 = arith.cmpf olt, %reduce_min3A_1989, %lt3A_2002 : vector<128x128xf32>
    %eq3A_2004 = vector.broadcast %broadcast_in_dim3A_1995 : vector<1x128xf32> to vector<128x128xf32>
    %eq3A_2005 = arith.cmpf oeq, %reduce_min3A_1989, %eq3A_2004 : vector<128x128xf32>
    %le3A_2006 = vector.broadcast %broadcast_in_dim3A_2001 : vector<1x128xi32> to vector<128x128xi32>
    %le3A_2007 = arith.cmpi sle, %iota3A_33, %le3A_2006 : vector<128x128xi32>
    %and3A_2008 = arith.andi %eq3A_2005, %le3A_2007 : vector<128x128xi1>
    %or3A_2009 = arith.ori %lt3A_2003, %and3A_2008 : vector<128x128xi1>
    %jit3A_2010 = arith.constant 0x7F800000 : f32
    %broadcast_in_dim3A_2011 = vector.broadcast %jit3A_2010 : f32 to vector<128x128xf32>
    %select_n3A_2012 = arith.select %or3A_2009, %broadcast_in_dim3A_2011, %reduce_min3A_1989 : vector<128x128xi1>, vector<128x128xf32>
    %eq3A_2013 = vector.broadcast %broadcast_in_dim3A_1968 : vector<1x128xf32> to vector<128x128xf32>
    %eq3A_2014 = arith.cmpf oeq, %select_n3A_2012, %eq3A_2013 : vector<128x128xf32>
    %jit3A_2015 = arith.constant 128 : i32
    %broadcast_in_dim3A_2016 = vector.broadcast %jit3A_2015 : i32 to vector<128x128xi32>
    %select_n3A_2017 = arith.select %eq3A_2014, %iota3A_33, %broadcast_in_dim3A_2016 : vector<128x128xi1>, vector<128x128xi32>
    %reduce_min3A_2018 = arith.constant dense<2147483647> : vector<128xi32>
    %reduce_min3A_2019 = vector.multi_reduction <minsi>, %select_n3A_2017, %reduce_min3A_2018 [0] : vector<128x128xi32> to vector<128xi32>
    %broadcast_in_dim3A_2020 = vector.shape_cast %reduce_min3A_2019 : vector<128xi32> to vector<1x128xi32>
    %mul3A_2021 = arith.constant 128 : i32
    %mul3A_2022 = vector.broadcast %mul3A_2021 : i32 to vector<1x128xi32>
    %mul3A_2023 = arith.muli %broadcast_in_dim3A_1976, %mul3A_2022 : vector<1x128xi32>
    %add3A_2024 = arith.addi %mul3A_2023, %broadcast_in_dim3A_2020 : vector<1x128xi32>
    %add3A_2025 = vector.broadcast %mul3A_36 : i32 to vector<1x128xi32>
    %add3A_2026 = arith.addi %add3A_2024, %add3A_2025 : vector<1x128xi32>
    %swap3A_2027 = arith.constant 0 : index
    %swap3A_2028 = arith.constant 23 : index
    %swap3A_2029 = arith.constant 0 : index
    %swap3A_2030 = vector.load %arg5[%swap3A_2027, %swap3A_2028, %swap3A_2029] : memref<1x32x128xi32, #tpu.memory_space<vmem>>, vector<1x1x128xi32>
    %swap3A_2031 = vector.shape_cast %swap3A_2030 : vector<1x1x128xi32> to vector<1x128xi32>
    %swap3A_2032 = vector.shape_cast %add3A_2026 : vector<1x128xi32> to vector<1x1x128xi32>
    tpu.vector_store %arg5[%swap3A_2027, %swap3A_2028, %swap3A_2029], %swap3A_2032 {strides = array<i32>} : memref<1x32x128xi32, #tpu.memory_space<vmem>>, vector<1x1x128xi32>,
    %eq3A_2033 = vector.broadcast %broadcast_in_dim3A_2020 : vector<1x128xi32> to vector<128x128xi32>
    %eq3A_2034 = arith.cmpi eq, %iota3A_33, %eq3A_2033 : vector<128x128xi32>
    %jit3A_2035 = arith.constant 0x7F800000 : f32
    %broadcast_in_dim3A_2036 = vector.broadcast %jit3A_2035 : f32 to vector<128x128xf32>
    %select_n3A_2037 = arith.select %eq3A_2034, %broadcast_in_dim3A_2036, %select_n3A_2012 : vector<128x128xi1>, vector<128x128xf32>
    %reduce_min3A_2038 = arith.constant dense<0x7F800000> : vector<128xf32>
    %reduce_min3A_2039 = vector.multi_reduction <minimumf>, %select_n3A_2037, %reduce_min3A_2038 [0] : vector<128x128xf32> to vector<128xf32>
    %broadcast_in_dim3A_2040 = vector.shape_cast %reduce_min3A_2039 : vector<128xf32> to vector<1x128xf32>
    %broadcast_in_dim3A_2041 = vector.shape_cast %broadcast_in_dim3A_2040 : vector<1x128xf32> to vector<1x128xf32>
    %broadcast_in_dim3A_2042 = vector.broadcast %broadcast_in_dim3A_2041 : vector<1x128xf32> to vector<64x128xf32>
    %select_n3A_2043 = arith.select %eq3A_1978, %broadcast_in_dim3A_2042, %select_n3A_1959 : vector<64x128xi1>, vector<64x128xf32>
    %broadcast_in_dim3A_2044 = vector.shape_cast %broadcast_in_dim3A_1968 : vector<1x128xf32> to vector<1x128xf32>
    %broadcast_in_dim3A_2045 = vector.broadcast %broadcast_in_dim3A_2044 : vector<1x128xf32> to vector<64x128xf32>
    %select_n3A_2046 = arith.select %eq3A_1978, %broadcast_in_dim3A_2045, %select_n3A_1962 : vector<64x128xi1>, vector<64x128xf32>
    %broadcast_in_dim3A_2047 = vector.shape_cast %broadcast_in_dim3A_2020 : vector<1x128xi32> to vector<1x128xi32>
    %broadcast_in_dim3A_2048 = vector.broadcast %broadcast_in_dim3A_2047 : vector<1x128xi32> to vector<64x128xi32>
    %select_n3A_2049 = arith.select %eq3A_1978, %broadcast_in_dim3A_2048, %select_n3A_1965 : vector<64x128xi1>, vector<64x128xi32>
    %reduce_min3A_2050 = arith.constant dense<0x7F800000> : vector<128xf32>
    %reduce_min3A_2051 = vector.multi_reduction <minimumf>, %select_n3A_2043, %reduce_min3A_2050 [0] : vector<64x128xf32> to vector<128xf32>
    %broadcast_in_dim3A_2052 = vector.shape_cast %reduce_min3A_2051 : vector<128xf32> to vector<1x128xf32>
    %eq3A_2053 = vector.broadcast %broadcast_in_dim3A_2052 : vector<1x128xf32> to vector<64x128xf32>
    %eq3A_2054 = arith.cmpf oeq, %select_n3A_2043, %eq3A_2053 : vector<64x128xf32>
    %jit3A_2055 = arith.constant 64 : i32
    %broadcast_in_dim3A_2056 = vector.broadcast %jit3A_2055 : i32 to vector<64x128xi32>
    %select_n3A_2057 = arith.select %eq3A_2054, %iota3A_32, %broadcast_in_dim3A_2056 : vector<64x128xi1>, vector<64x128xi32>
    %reduce_min3A_2058 = arith.constant dense<2147483647> : vector<128xi32>
    %reduce_min3A_2059 = vector.multi_reduction <minsi>, %select_n3A_2057, %reduce_min3A_2058 [0] : vector<64x128xi32> to vector<128xi32>
    %broadcast_in_dim3A_2060 = vector.shape_cast %reduce_min3A_2059 : vector<128xi32> to vector<1x128xi32>
    %eq3A_2061 = vector.broadcast %broadcast_in_dim3A_2060 : vector<1x128xi32> to vector<64x128xi32>
    %eq3A_2062 = arith.cmpi eq, %iota3A_32, %eq3A_2061 : vector<64x128xi32>
    %broadcast_in_dim3A_2063 = vector.shape_cast %broadcast_in_dim3A_2060 : vector<1x128xi32> to vector<1x1x128xi32>
    %eq3A_2064 = vector.broadcast %iota3A_34 : vector<64x1x1xi32> to vector<64x1x128xi32>
    %eq3A_2065 = vector.broadcast %broadcast_in_dim3A_2063 : vector<1x1x128xi32> to vector<64x1x128xi32>
    %eq3A_2066 = arith.cmpi eq, %eq3A_2064, %eq3A_2065 : vector<64x1x128xi32>
    %jit3A_2067 = arith.constant 0x7F800000 : f32
    %broadcast_in_dim3A_2068 = vector.shape_cast %eq3A_2066 : vector<64x1x128xi1> to vector<64x1x128xi1>
    %broadcast_in_dim3A_2069 = vector.broadcast %broadcast_in_dim3A_2068 : vector<64x1x128xi1> to vector<64x128x128xi1>
    %broadcast_in_dim3A_2070 = vector.broadcast %jit3A_2067 : f32 to vector<64x128x128xf32>
    %select_n3A_2071 = arith.select %broadcast_in_dim3A_2069, %reshape3A, %broadcast_in_dim3A_2070 : vector<64x128x128xi1>, vector<64x128x128xf32>
    %reduce_min3A_2072 = arith.constant dense<0x7F800000> : vector<128x128xf32>
    %reduce_min3A_2073 = vector.multi_reduction <minimumf>, %select_n3A_2071, %reduce_min3A_2072 [0] : vector<64x128x128xf32> to vector<128x128xf32>
    %jit3A_2074 = arith.constant 0x7F800000 : f32
    %broadcast_in_dim3A_2075 = vector.broadcast %jit3A_2074 : f32 to vector<64x128xf32>
    %select_n3A_2076 = arith.select %eq3A_2062, %select_n3A_2046, %broadcast_in_dim3A_2075 : vector<64x128xi1>, vector<64x128xf32>
    %reduce_min3A_2077 = arith.constant dense<0x7F800000> : vector<128xf32>
    %reduce_min3A_2078 = vector.multi_reduction <minimumf>, %select_n3A_2076, %reduce_min3A_2077 [0] : vector<64x128xf32> to vector<128xf32>
    %broadcast_in_dim3A_2079 = vector.shape_cast %reduce_min3A_2078 : vector<128xf32> to vector<1x128xf32>
    %jit3A_2080 = arith.constant -1 : i32
    %broadcast_in_dim3A_2081 = vector.broadcast %jit3A_2080 : i32 to vector<64x128xi32>
    %select_n3A_2082 = arith.select %eq3A_2062, %select_n3A_2049, %broadcast_in_dim3A_2081 : vector<64x128xi1>, vector<64x128xi32>
    %reduce_max3A_2083 = arith.constant dense<-2147483648> : vector<128xi32>
    %reduce_max3A_2084 = vector.multi_reduction <maxsi>, %select_n3A_2082, %reduce_max3A_2083 [0] : vector<64x128xi32> to vector<128xi32>
    %broadcast_in_dim3A_2085 = vector.shape_cast %reduce_max3A_2084 : vector<128xi32> to vector<1x128xi32>
    %lt3A_2086 = vector.broadcast %broadcast_in_dim3A_2079 : vector<1x128xf32> to vector<128x128xf32>
    %lt3A_2087 = arith.cmpf olt, %reduce_min3A_2073, %lt3A_2086 : vector<128x128xf32>
    %eq3A_2088 = vector.broadcast %broadcast_in_dim3A_2079 : vector<1x128xf32> to vector<128x128xf32>
    %eq3A_2089 = arith.cmpf oeq, %reduce_min3A_2073, %eq3A_2088 : vector<128x128xf32>
    %le3A_2090 = vector.broadcast %broadcast_in_dim3A_2085 : vector<1x128xi32> to vector<128x128xi32>
    %le3A_2091 = arith.cmpi sle, %iota3A_33, %le3A_2090 : vector<128x128xi32>
    %and3A_2092 = arith.andi %eq3A_2089, %le3A_2091 : vector<128x128xi1>
    %or3A_2093 = arith.ori %lt3A_2087, %and3A_2092 : vector<128x128xi1>
    %jit3A_2094 = arith.constant 0x7F800000 : f32
    %broadcast_in_dim3A_2095 = vector.broadcast %jit3A_2094 : f32 to vector<128x128xf32>
    %select_n3A_2096 = arith.select %or3A_2093, %broadcast_in_dim3A_2095, %reduce_min3A_2073 : vector<128x128xi1>, vector<128x128xf32>
    %eq3A_2097 = vector.broadcast %broadcast_in_dim3A_2052 : vector<1x128xf32> to vector<128x128xf32>
    %eq3A_2098 = arith.cmpf oeq, %select_n3A_2096, %eq3A_2097 : vector<128x128xf32>
    %jit3A_2099 = arith.constant 128 : i32
    %broadcast_in_dim3A_2100 = vector.broadcast %jit3A_2099 : i32 to vector<128x128xi32>
    %select_n3A_2101 = arith.select %eq3A_2098, %iota3A_33, %broadcast_in_dim3A_2100 : vector<128x128xi1>, vector<128x128xi32>
    %reduce_min3A_2102 = arith.constant dense<2147483647> : vector<128xi32>
    %reduce_min3A_2103 = vector.multi_reduction <minsi>, %select_n3A_2101, %reduce_min3A_2102 [0] : vector<128x128xi32> to vector<128xi32>
    %broadcast_in_dim3A_2104 = vector.shape_cast %reduce_min3A_2103 : vector<128xi32> to vector<1x128xi32>
    %mul3A_2105 = arith.constant 128 : i32
    %mul3A_2106 = vector.broadcast %mul3A_2105 : i32 to vector<1x128xi32>
    %mul3A_2107 = arith.muli %broadcast_in_dim3A_2060, %mul3A_2106 : vector<1x128xi32>
    %add3A_2108 = arith.addi %mul3A_2107, %broadcast_in_dim3A_2104 : vector<1x128xi32>
    %add3A_2109 = vector.broadcast %mul3A_36 : i32 to vector<1x128xi32>
    %add3A_2110 = arith.addi %add3A_2108, %add3A_2109 : vector<1x128xi32>
    %swap3A_2111 = arith.constant 0 : index
    %swap3A_2112 = arith.constant 24 : index
    %swap3A_2113 = arith.constant 0 : index
    %swap3A_2114 = vector.load %arg5[%swap3A_2111, %swap3A_2112, %swap3A_2113] : memref<1x32x128xi32, #tpu.memory_space<vmem>>, vector<1x1x128xi32>
    %swap3A_2115 = vector.shape_cast %swap3A_2114 : vector<1x1x128xi32> to vector<1x128xi32>
    %swap3A_2116 = vector.shape_cast %add3A_2110 : vector<1x128xi32> to vector<1x1x128xi32>
    tpu.vector_store %arg5[%swap3A_2111, %swap3A_2112, %swap3A_2113], %swap3A_2116 {strides = array<i32>} : memref<1x32x128xi32, #tpu.memory_space<vmem>>, vector<1x1x128xi32>,
    %eq3A_2117 = vector.broadcast %broadcast_in_dim3A_2104 : vector<1x128xi32> to vector<128x128xi32>
    %eq3A_2118 = arith.cmpi eq, %iota3A_33, %eq3A_2117 : vector<128x128xi32>
    %jit3A_2119 = arith.constant 0x7F800000 : f32
    %broadcast_in_dim3A_2120 = vector.broadcast %jit3A_2119 : f32 to vector<128x128xf32>
    %select_n3A_2121 = arith.select %eq3A_2118, %broadcast_in_dim3A_2120, %select_n3A_2096 : vector<128x128xi1>, vector<128x128xf32>
    %reduce_min3A_2122 = arith.constant dense<0x7F800000> : vector<128xf32>
    %reduce_min3A_2123 = vector.multi_reduction <minimumf>, %select_n3A_2121, %reduce_min3A_2122 [0] : vector<128x128xf32> to vector<128xf32>
    %broadcast_in_dim3A_2124 = vector.shape_cast %reduce_min3A_2123 : vector<128xf32> to vector<1x128xf32>
    %broadcast_in_dim3A_2125 = vector.shape_cast %broadcast_in_dim3A_2124 : vector<1x128xf32> to vector<1x128xf32>
    %broadcast_in_dim3A_2126 = vector.broadcast %broadcast_in_dim3A_2125 : vector<1x128xf32> to vector<64x128xf32>
    %select_n3A_2127 = arith.select %eq3A_2062, %broadcast_in_dim3A_2126, %select_n3A_2043 : vector<64x128xi1>, vector<64x128xf32>
    %broadcast_in_dim3A_2128 = vector.shape_cast %broadcast_in_dim3A_2052 : vector<1x128xf32> to vector<1x128xf32>
    %broadcast_in_dim3A_2129 = vector.broadcast %broadcast_in_dim3A_2128 : vector<1x128xf32> to vector<64x128xf32>
    %select_n3A_2130 = arith.select %eq3A_2062, %broadcast_in_dim3A_2129, %select_n3A_2046 : vector<64x128xi1>, vector<64x128xf32>
    %broadcast_in_dim3A_2131 = vector.shape_cast %broadcast_in_dim3A_2104 : vector<1x128xi32> to vector<1x128xi32>
    %broadcast_in_dim3A_2132 = vector.broadcast %broadcast_in_dim3A_2131 : vector<1x128xi32> to vector<64x128xi32>
    %select_n3A_2133 = arith.select %eq3A_2062, %broadcast_in_dim3A_2132, %select_n3A_2049 : vector<64x128xi1>, vector<64x128xi32>
    %reduce_min3A_2134 = arith.constant dense<0x7F800000> : vector<128xf32>
    %reduce_min3A_2135 = vector.multi_reduction <minimumf>, %select_n3A_2127, %reduce_min3A_2134 [0] : vector<64x128xf32> to vector<128xf32>
    %broadcast_in_dim3A_2136 = vector.shape_cast %reduce_min3A_2135 : vector<128xf32> to vector<1x128xf32>
    %eq3A_2137 = vector.broadcast %broadcast_in_dim3A_2136 : vector<1x128xf32> to vector<64x128xf32>
    %eq3A_2138 = arith.cmpf oeq, %select_n3A_2127, %eq3A_2137 : vector<64x128xf32>
    %jit3A_2139 = arith.constant 64 : i32
    %broadcast_in_dim3A_2140 = vector.broadcast %jit3A_2139 : i32 to vector<64x128xi32>
    %select_n3A_2141 = arith.select %eq3A_2138, %iota3A_32, %broadcast_in_dim3A_2140 : vector<64x128xi1>, vector<64x128xi32>
    %reduce_min3A_2142 = arith.constant dense<2147483647> : vector<128xi32>
    %reduce_min3A_2143 = vector.multi_reduction <minsi>, %select_n3A_2141, %reduce_min3A_2142 [0] : vector<64x128xi32> to vector<128xi32>
    %broadcast_in_dim3A_2144 = vector.shape_cast %reduce_min3A_2143 : vector<128xi32> to vector<1x128xi32>
    %eq3A_2145 = vector.broadcast %broadcast_in_dim3A_2144 : vector<1x128xi32> to vector<64x128xi32>
    %eq3A_2146 = arith.cmpi eq, %iota3A_32, %eq3A_2145 : vector<64x128xi32>
    %broadcast_in_dim3A_2147 = vector.shape_cast %broadcast_in_dim3A_2144 : vector<1x128xi32> to vector<1x1x128xi32>
    %eq3A_2148 = vector.broadcast %iota3A_34 : vector<64x1x1xi32> to vector<64x1x128xi32>
    %eq3A_2149 = vector.broadcast %broadcast_in_dim3A_2147 : vector<1x1x128xi32> to vector<64x1x128xi32>
    %eq3A_2150 = arith.cmpi eq, %eq3A_2148, %eq3A_2149 : vector<64x1x128xi32>
    %jit3A_2151 = arith.constant 0x7F800000 : f32
    %broadcast_in_dim3A_2152 = vector.shape_cast %eq3A_2150 : vector<64x1x128xi1> to vector<64x1x128xi1>
    %broadcast_in_dim3A_2153 = vector.broadcast %broadcast_in_dim3A_2152 : vector<64x1x128xi1> to vector<64x128x128xi1>
    %broadcast_in_dim3A_2154 = vector.broadcast %jit3A_2151 : f32 to vector<64x128x128xf32>
    %select_n3A_2155 = arith.select %broadcast_in_dim3A_2153, %reshape3A, %broadcast_in_dim3A_2154 : vector<64x128x128xi1>, vector<64x128x128xf32>
    %reduce_min3A_2156 = arith.constant dense<0x7F800000> : vector<128x128xf32>
    %reduce_min3A_2157 = vector.multi_reduction <minimumf>, %select_n3A_2155, %reduce_min3A_2156 [0] : vector<64x128x128xf32> to vector<128x128xf32>
    %jit3A_2158 = arith.constant 0x7F800000 : f32
    %broadcast_in_dim3A_2159 = vector.broadcast %jit3A_2158 : f32 to vector<64x128xf32>
    %select_n3A_2160 = arith.select %eq3A_2146, %select_n3A_2130, %broadcast_in_dim3A_2159 : vector<64x128xi1>, vector<64x128xf32>
    %reduce_min3A_2161 = arith.constant dense<0x7F800000> : vector<128xf32>
    %reduce_min3A_2162 = vector.multi_reduction <minimumf>, %select_n3A_2160, %reduce_min3A_2161 [0] : vector<64x128xf32> to vector<128xf32>
    %broadcast_in_dim3A_2163 = vector.shape_cast %reduce_min3A_2162 : vector<128xf32> to vector<1x128xf32>
    %jit3A_2164 = arith.constant -1 : i32
    %broadcast_in_dim3A_2165 = vector.broadcast %jit3A_2164 : i32 to vector<64x128xi32>
    %select_n3A_2166 = arith.select %eq3A_2146, %select_n3A_2133, %broadcast_in_dim3A_2165 : vector<64x128xi1>, vector<64x128xi32>
    %reduce_max3A_2167 = arith.constant dense<-2147483648> : vector<128xi32>
    %reduce_max3A_2168 = vector.multi_reduction <maxsi>, %select_n3A_2166, %reduce_max3A_2167 [0] : vector<64x128xi32> to vector<128xi32>
    %broadcast_in_dim3A_2169 = vector.shape_cast %reduce_max3A_2168 : vector<128xi32> to vector<1x128xi32>
    %lt3A_2170 = vector.broadcast %broadcast_in_dim3A_2163 : vector<1x128xf32> to vector<128x128xf32>
    %lt3A_2171 = arith.cmpf olt, %reduce_min3A_2157, %lt3A_2170 : vector<128x128xf32>
    %eq3A_2172 = vector.broadcast %broadcast_in_dim3A_2163 : vector<1x128xf32> to vector<128x128xf32>
    %eq3A_2173 = arith.cmpf oeq, %reduce_min3A_2157, %eq3A_2172 : vector<128x128xf32>
    %le3A_2174 = vector.broadcast %broadcast_in_dim3A_2169 : vector<1x128xi32> to vector<128x128xi32>
    %le3A_2175 = arith.cmpi sle, %iota3A_33, %le3A_2174 : vector<128x128xi32>
    %and3A_2176 = arith.andi %eq3A_2173, %le3A_2175 : vector<128x128xi1>
    %or3A_2177 = arith.ori %lt3A_2171, %and3A_2176 : vector<128x128xi1>
    %jit3A_2178 = arith.constant 0x7F800000 : f32
    %broadcast_in_dim3A_2179 = vector.broadcast %jit3A_2178 : f32 to vector<128x128xf32>
    %select_n3A_2180 = arith.select %or3A_2177, %broadcast_in_dim3A_2179, %reduce_min3A_2157 : vector<128x128xi1>, vector<128x128xf32>
    %eq3A_2181 = vector.broadcast %broadcast_in_dim3A_2136 : vector<1x128xf32> to vector<128x128xf32>
    %eq3A_2182 = arith.cmpf oeq, %select_n3A_2180, %eq3A_2181 : vector<128x128xf32>
    %jit3A_2183 = arith.constant 128 : i32
    %broadcast_in_dim3A_2184 = vector.broadcast %jit3A_2183 : i32 to vector<128x128xi32>
    %select_n3A_2185 = arith.select %eq3A_2182, %iota3A_33, %broadcast_in_dim3A_2184 : vector<128x128xi1>, vector<128x128xi32>
    %reduce_min3A_2186 = arith.constant dense<2147483647> : vector<128xi32>
    %reduce_min3A_2187 = vector.multi_reduction <minsi>, %select_n3A_2185, %reduce_min3A_2186 [0] : vector<128x128xi32> to vector<128xi32>
    %broadcast_in_dim3A_2188 = vector.shape_cast %reduce_min3A_2187 : vector<128xi32> to vector<1x128xi32>
    %mul3A_2189 = arith.constant 128 : i32
    %mul3A_2190 = vector.broadcast %mul3A_2189 : i32 to vector<1x128xi32>
    %mul3A_2191 = arith.muli %broadcast_in_dim3A_2144, %mul3A_2190 : vector<1x128xi32>
    %add3A_2192 = arith.addi %mul3A_2191, %broadcast_in_dim3A_2188 : vector<1x128xi32>
    %add3A_2193 = vector.broadcast %mul3A_36 : i32 to vector<1x128xi32>
    %add3A_2194 = arith.addi %add3A_2192, %add3A_2193 : vector<1x128xi32>
    %swap3A_2195 = arith.constant 0 : index
    %swap3A_2196 = arith.constant 25 : index
    %swap3A_2197 = arith.constant 0 : index
    %swap3A_2198 = vector.load %arg5[%swap3A_2195, %swap3A_2196, %swap3A_2197] : memref<1x32x128xi32, #tpu.memory_space<vmem>>, vector<1x1x128xi32>
    %swap3A_2199 = vector.shape_cast %swap3A_2198 : vector<1x1x128xi32> to vector<1x128xi32>
    %swap3A_2200 = vector.shape_cast %add3A_2194 : vector<1x128xi32> to vector<1x1x128xi32>
    tpu.vector_store %arg5[%swap3A_2195, %swap3A_2196, %swap3A_2197], %swap3A_2200 {strides = array<i32>} : memref<1x32x128xi32, #tpu.memory_space<vmem>>, vector<1x1x128xi32>,
    %eq3A_2201 = vector.broadcast %broadcast_in_dim3A_2188 : vector<1x128xi32> to vector<128x128xi32>
    %eq3A_2202 = arith.cmpi eq, %iota3A_33, %eq3A_2201 : vector<128x128xi32>
    %jit3A_2203 = arith.constant 0x7F800000 : f32
    %broadcast_in_dim3A_2204 = vector.broadcast %jit3A_2203 : f32 to vector<128x128xf32>
    %select_n3A_2205 = arith.select %eq3A_2202, %broadcast_in_dim3A_2204, %select_n3A_2180 : vector<128x128xi1>, vector<128x128xf32>
    %reduce_min3A_2206 = arith.constant dense<0x7F800000> : vector<128xf32>
    %reduce_min3A_2207 = vector.multi_reduction <minimumf>, %select_n3A_2205, %reduce_min3A_2206 [0] : vector<128x128xf32> to vector<128xf32>
    %broadcast_in_dim3A_2208 = vector.shape_cast %reduce_min3A_2207 : vector<128xf32> to vector<1x128xf32>
    %broadcast_in_dim3A_2209 = vector.shape_cast %broadcast_in_dim3A_2208 : vector<1x128xf32> to vector<1x128xf32>
    %broadcast_in_dim3A_2210 = vector.broadcast %broadcast_in_dim3A_2209 : vector<1x128xf32> to vector<64x128xf32>
    %select_n3A_2211 = arith.select %eq3A_2146, %broadcast_in_dim3A_2210, %select_n3A_2127 : vector<64x128xi1>, vector<64x128xf32>
    %broadcast_in_dim3A_2212 = vector.shape_cast %broadcast_in_dim3A_2136 : vector<1x128xf32> to vector<1x128xf32>
    %broadcast_in_dim3A_2213 = vector.broadcast %broadcast_in_dim3A_2212 : vector<1x128xf32> to vector<64x128xf32>
    %select_n3A_2214 = arith.select %eq3A_2146, %broadcast_in_dim3A_2213, %select_n3A_2130 : vector<64x128xi1>, vector<64x128xf32>
    %broadcast_in_dim3A_2215 = vector.shape_cast %broadcast_in_dim3A_2188 : vector<1x128xi32> to vector<1x128xi32>
    %broadcast_in_dim3A_2216 = vector.broadcast %broadcast_in_dim3A_2215 : vector<1x128xi32> to vector<64x128xi32>
    %select_n3A_2217 = arith.select %eq3A_2146, %broadcast_in_dim3A_2216, %select_n3A_2133 : vector<64x128xi1>, vector<64x128xi32>
    %reduce_min3A_2218 = arith.constant dense<0x7F800000> : vector<128xf32>
    %reduce_min3A_2219 = vector.multi_reduction <minimumf>, %select_n3A_2211, %reduce_min3A_2218 [0] : vector<64x128xf32> to vector<128xf32>
    %broadcast_in_dim3A_2220 = vector.shape_cast %reduce_min3A_2219 : vector<128xf32> to vector<1x128xf32>
    %eq3A_2221 = vector.broadcast %broadcast_in_dim3A_2220 : vector<1x128xf32> to vector<64x128xf32>
    %eq3A_2222 = arith.cmpf oeq, %select_n3A_2211, %eq3A_2221 : vector<64x128xf32>
    %jit3A_2223 = arith.constant 64 : i32
    %broadcast_in_dim3A_2224 = vector.broadcast %jit3A_2223 : i32 to vector<64x128xi32>
    %select_n3A_2225 = arith.select %eq3A_2222, %iota3A_32, %broadcast_in_dim3A_2224 : vector<64x128xi1>, vector<64x128xi32>
    %reduce_min3A_2226 = arith.constant dense<2147483647> : vector<128xi32>
    %reduce_min3A_2227 = vector.multi_reduction <minsi>, %select_n3A_2225, %reduce_min3A_2226 [0] : vector<64x128xi32> to vector<128xi32>
    %broadcast_in_dim3A_2228 = vector.shape_cast %reduce_min3A_2227 : vector<128xi32> to vector<1x128xi32>
    %eq3A_2229 = vector.broadcast %broadcast_in_dim3A_2228 : vector<1x128xi32> to vector<64x128xi32>
    %eq3A_2230 = arith.cmpi eq, %iota3A_32, %eq3A_2229 : vector<64x128xi32>
    %broadcast_in_dim3A_2231 = vector.shape_cast %broadcast_in_dim3A_2228 : vector<1x128xi32> to vector<1x1x128xi32>
    %eq3A_2232 = vector.broadcast %iota3A_34 : vector<64x1x1xi32> to vector<64x1x128xi32>
    %eq3A_2233 = vector.broadcast %broadcast_in_dim3A_2231 : vector<1x1x128xi32> to vector<64x1x128xi32>
    %eq3A_2234 = arith.cmpi eq, %eq3A_2232, %eq3A_2233 : vector<64x1x128xi32>
    %jit3A_2235 = arith.constant 0x7F800000 : f32
    %broadcast_in_dim3A_2236 = vector.shape_cast %eq3A_2234 : vector<64x1x128xi1> to vector<64x1x128xi1>
    %broadcast_in_dim3A_2237 = vector.broadcast %broadcast_in_dim3A_2236 : vector<64x1x128xi1> to vector<64x128x128xi1>
    %broadcast_in_dim3A_2238 = vector.broadcast %jit3A_2235 : f32 to vector<64x128x128xf32>
    %select_n3A_2239 = arith.select %broadcast_in_dim3A_2237, %reshape3A, %broadcast_in_dim3A_2238 : vector<64x128x128xi1>, vector<64x128x128xf32>
    %reduce_min3A_2240 = arith.constant dense<0x7F800000> : vector<128x128xf32>
    %reduce_min3A_2241 = vector.multi_reduction <minimumf>, %select_n3A_2239, %reduce_min3A_2240 [0] : vector<64x128x128xf32> to vector<128x128xf32>
    %jit3A_2242 = arith.constant 0x7F800000 : f32
    %broadcast_in_dim3A_2243 = vector.broadcast %jit3A_2242 : f32 to vector<64x128xf32>
    %select_n3A_2244 = arith.select %eq3A_2230, %select_n3A_2214, %broadcast_in_dim3A_2243 : vector<64x128xi1>, vector<64x128xf32>
    %reduce_min3A_2245 = arith.constant dense<0x7F800000> : vector<128xf32>
    %reduce_min3A_2246 = vector.multi_reduction <minimumf>, %select_n3A_2244, %reduce_min3A_2245 [0] : vector<64x128xf32> to vector<128xf32>
    %broadcast_in_dim3A_2247 = vector.shape_cast %reduce_min3A_2246 : vector<128xf32> to vector<1x128xf32>
    %jit3A_2248 = arith.constant -1 : i32
    %broadcast_in_dim3A_2249 = vector.broadcast %jit3A_2248 : i32 to vector<64x128xi32>
    %select_n3A_2250 = arith.select %eq3A_2230, %select_n3A_2217, %broadcast_in_dim3A_2249 : vector<64x128xi1>, vector<64x128xi32>
    %reduce_max3A_2251 = arith.constant dense<-2147483648> : vector<128xi32>
    %reduce_max3A_2252 = vector.multi_reduction <maxsi>, %select_n3A_2250, %reduce_max3A_2251 [0] : vector<64x128xi32> to vector<128xi32>
    %broadcast_in_dim3A_2253 = vector.shape_cast %reduce_max3A_2252 : vector<128xi32> to vector<1x128xi32>
    %lt3A_2254 = vector.broadcast %broadcast_in_dim3A_2247 : vector<1x128xf32> to vector<128x128xf32>
    %lt3A_2255 = arith.cmpf olt, %reduce_min3A_2241, %lt3A_2254 : vector<128x128xf32>
    %eq3A_2256 = vector.broadcast %broadcast_in_dim3A_2247 : vector<1x128xf32> to vector<128x128xf32>
    %eq3A_2257 = arith.cmpf oeq, %reduce_min3A_2241, %eq3A_2256 : vector<128x128xf32>
    %le3A_2258 = vector.broadcast %broadcast_in_dim3A_2253 : vector<1x128xi32> to vector<128x128xi32>
    %le3A_2259 = arith.cmpi sle, %iota3A_33, %le3A_2258 : vector<128x128xi32>
    %and3A_2260 = arith.andi %eq3A_2257, %le3A_2259 : vector<128x128xi1>
    %or3A_2261 = arith.ori %lt3A_2255, %and3A_2260 : vector<128x128xi1>
    %jit3A_2262 = arith.constant 0x7F800000 : f32
    %broadcast_in_dim3A_2263 = vector.broadcast %jit3A_2262 : f32 to vector<128x128xf32>
    %select_n3A_2264 = arith.select %or3A_2261, %broadcast_in_dim3A_2263, %reduce_min3A_2241 : vector<128x128xi1>, vector<128x128xf32>
    %eq3A_2265 = vector.broadcast %broadcast_in_dim3A_2220 : vector<1x128xf32> to vector<128x128xf32>
    %eq3A_2266 = arith.cmpf oeq, %select_n3A_2264, %eq3A_2265 : vector<128x128xf32>
    %jit3A_2267 = arith.constant 128 : i32
    %broadcast_in_dim3A_2268 = vector.broadcast %jit3A_2267 : i32 to vector<128x128xi32>
    %select_n3A_2269 = arith.select %eq3A_2266, %iota3A_33, %broadcast_in_dim3A_2268 : vector<128x128xi1>, vector<128x128xi32>
    %reduce_min3A_2270 = arith.constant dense<2147483647> : vector<128xi32>
    %reduce_min3A_2271 = vector.multi_reduction <minsi>, %select_n3A_2269, %reduce_min3A_2270 [0] : vector<128x128xi32> to vector<128xi32>
    %broadcast_in_dim3A_2272 = vector.shape_cast %reduce_min3A_2271 : vector<128xi32> to vector<1x128xi32>
    %mul3A_2273 = arith.constant 128 : i32
    %mul3A_2274 = vector.broadcast %mul3A_2273 : i32 to vector<1x128xi32>
    %mul3A_2275 = arith.muli %broadcast_in_dim3A_2228, %mul3A_2274 : vector<1x128xi32>
    %add3A_2276 = arith.addi %mul3A_2275, %broadcast_in_dim3A_2272 : vector<1x128xi32>
    %add3A_2277 = vector.broadcast %mul3A_36 : i32 to vector<1x128xi32>
    %add3A_2278 = arith.addi %add3A_2276, %add3A_2277 : vector<1x128xi32>
    %swap3A_2279 = arith.constant 0 : index
    %swap3A_2280 = arith.constant 26 : index
    %swap3A_2281 = arith.constant 0 : index
    %swap3A_2282 = vector.load %arg5[%swap3A_2279, %swap3A_2280, %swap3A_2281] : memref<1x32x128xi32, #tpu.memory_space<vmem>>, vector<1x1x128xi32>
    %swap3A_2283 = vector.shape_cast %swap3A_2282 : vector<1x1x128xi32> to vector<1x128xi32>
    %swap3A_2284 = vector.shape_cast %add3A_2278 : vector<1x128xi32> to vector<1x1x128xi32>
    tpu.vector_store %arg5[%swap3A_2279, %swap3A_2280, %swap3A_2281], %swap3A_2284 {strides = array<i32>} : memref<1x32x128xi32, #tpu.memory_space<vmem>>, vector<1x1x128xi32>,
    %eq3A_2285 = vector.broadcast %broadcast_in_dim3A_2272 : vector<1x128xi32> to vector<128x128xi32>
    %eq3A_2286 = arith.cmpi eq, %iota3A_33, %eq3A_2285 : vector<128x128xi32>
    %jit3A_2287 = arith.constant 0x7F800000 : f32
    %broadcast_in_dim3A_2288 = vector.broadcast %jit3A_2287 : f32 to vector<128x128xf32>
    %select_n3A_2289 = arith.select %eq3A_2286, %broadcast_in_dim3A_2288, %select_n3A_2264 : vector<128x128xi1>, vector<128x128xf32>
    %reduce_min3A_2290 = arith.constant dense<0x7F800000> : vector<128xf32>
    %reduce_min3A_2291 = vector.multi_reduction <minimumf>, %select_n3A_2289, %reduce_min3A_2290 [0] : vector<128x128xf32> to vector<128xf32>
    %broadcast_in_dim3A_2292 = vector.shape_cast %reduce_min3A_2291 : vector<128xf32> to vector<1x128xf32>
    %broadcast_in_dim3A_2293 = vector.shape_cast %broadcast_in_dim3A_2292 : vector<1x128xf32> to vector<1x128xf32>
    %broadcast_in_dim3A_2294 = vector.broadcast %broadcast_in_dim3A_2293 : vector<1x128xf32> to vector<64x128xf32>
    %select_n3A_2295 = arith.select %eq3A_2230, %broadcast_in_dim3A_2294, %select_n3A_2211 : vector<64x128xi1>, vector<64x128xf32>
    %broadcast_in_dim3A_2296 = vector.shape_cast %broadcast_in_dim3A_2220 : vector<1x128xf32> to vector<1x128xf32>
    %broadcast_in_dim3A_2297 = vector.broadcast %broadcast_in_dim3A_2296 : vector<1x128xf32> to vector<64x128xf32>
    %select_n3A_2298 = arith.select %eq3A_2230, %broadcast_in_dim3A_2297, %select_n3A_2214 : vector<64x128xi1>, vector<64x128xf32>
    %broadcast_in_dim3A_2299 = vector.shape_cast %broadcast_in_dim3A_2272 : vector<1x128xi32> to vector<1x128xi32>
    %broadcast_in_dim3A_2300 = vector.broadcast %broadcast_in_dim3A_2299 : vector<1x128xi32> to vector<64x128xi32>
    %select_n3A_2301 = arith.select %eq3A_2230, %broadcast_in_dim3A_2300, %select_n3A_2217 : vector<64x128xi1>, vector<64x128xi32>
    %reduce_min3A_2302 = arith.constant dense<0x7F800000> : vector<128xf32>
    %reduce_min3A_2303 = vector.multi_reduction <minimumf>, %select_n3A_2295, %reduce_min3A_2302 [0] : vector<64x128xf32> to vector<128xf32>
    %broadcast_in_dim3A_2304 = vector.shape_cast %reduce_min3A_2303 : vector<128xf32> to vector<1x128xf32>
    %eq3A_2305 = vector.broadcast %broadcast_in_dim3A_2304 : vector<1x128xf32> to vector<64x128xf32>
    %eq3A_2306 = arith.cmpf oeq, %select_n3A_2295, %eq3A_2305 : vector<64x128xf32>
    %jit3A_2307 = arith.constant 64 : i32
    %broadcast_in_dim3A_2308 = vector.broadcast %jit3A_2307 : i32 to vector<64x128xi32>
    %select_n3A_2309 = arith.select %eq3A_2306, %iota3A_32, %broadcast_in_dim3A_2308 : vector<64x128xi1>, vector<64x128xi32>
    %reduce_min3A_2310 = arith.constant dense<2147483647> : vector<128xi32>
    %reduce_min3A_2311 = vector.multi_reduction <minsi>, %select_n3A_2309, %reduce_min3A_2310 [0] : vector<64x128xi32> to vector<128xi32>
    %broadcast_in_dim3A_2312 = vector.shape_cast %reduce_min3A_2311 : vector<128xi32> to vector<1x128xi32>
    %eq3A_2313 = vector.broadcast %broadcast_in_dim3A_2312 : vector<1x128xi32> to vector<64x128xi32>
    %eq3A_2314 = arith.cmpi eq, %iota3A_32, %eq3A_2313 : vector<64x128xi32>
    %broadcast_in_dim3A_2315 = vector.shape_cast %broadcast_in_dim3A_2312 : vector<1x128xi32> to vector<1x1x128xi32>
    %eq3A_2316 = vector.broadcast %iota3A_34 : vector<64x1x1xi32> to vector<64x1x128xi32>
    %eq3A_2317 = vector.broadcast %broadcast_in_dim3A_2315 : vector<1x1x128xi32> to vector<64x1x128xi32>
    %eq3A_2318 = arith.cmpi eq, %eq3A_2316, %eq3A_2317 : vector<64x1x128xi32>
    %jit3A_2319 = arith.constant 0x7F800000 : f32
    %broadcast_in_dim3A_2320 = vector.shape_cast %eq3A_2318 : vector<64x1x128xi1> to vector<64x1x128xi1>
    %broadcast_in_dim3A_2321 = vector.broadcast %broadcast_in_dim3A_2320 : vector<64x1x128xi1> to vector<64x128x128xi1>
    %broadcast_in_dim3A_2322 = vector.broadcast %jit3A_2319 : f32 to vector<64x128x128xf32>
    %select_n3A_2323 = arith.select %broadcast_in_dim3A_2321, %reshape3A, %broadcast_in_dim3A_2322 : vector<64x128x128xi1>, vector<64x128x128xf32>
    %reduce_min3A_2324 = arith.constant dense<0x7F800000> : vector<128x128xf32>
    %reduce_min3A_2325 = vector.multi_reduction <minimumf>, %select_n3A_2323, %reduce_min3A_2324 [0] : vector<64x128x128xf32> to vector<128x128xf32>
    %jit3A_2326 = arith.constant 0x7F800000 : f32
    %broadcast_in_dim3A_2327 = vector.broadcast %jit3A_2326 : f32 to vector<64x128xf32>
    %select_n3A_2328 = arith.select %eq3A_2314, %select_n3A_2298, %broadcast_in_dim3A_2327 : vector<64x128xi1>, vector<64x128xf32>
    %reduce_min3A_2329 = arith.constant dense<0x7F800000> : vector<128xf32>
    %reduce_min3A_2330 = vector.multi_reduction <minimumf>, %select_n3A_2328, %reduce_min3A_2329 [0] : vector<64x128xf32> to vector<128xf32>
    %broadcast_in_dim3A_2331 = vector.shape_cast %reduce_min3A_2330 : vector<128xf32> to vector<1x128xf32>
    %jit3A_2332 = arith.constant -1 : i32
    %broadcast_in_dim3A_2333 = vector.broadcast %jit3A_2332 : i32 to vector<64x128xi32>
    %select_n3A_2334 = arith.select %eq3A_2314, %select_n3A_2301, %broadcast_in_dim3A_2333 : vector<64x128xi1>, vector<64x128xi32>
    %reduce_max3A_2335 = arith.constant dense<-2147483648> : vector<128xi32>
    %reduce_max3A_2336 = vector.multi_reduction <maxsi>, %select_n3A_2334, %reduce_max3A_2335 [0] : vector<64x128xi32> to vector<128xi32>
    %broadcast_in_dim3A_2337 = vector.shape_cast %reduce_max3A_2336 : vector<128xi32> to vector<1x128xi32>
    %lt3A_2338 = vector.broadcast %broadcast_in_dim3A_2331 : vector<1x128xf32> to vector<128x128xf32>
    %lt3A_2339 = arith.cmpf olt, %reduce_min3A_2325, %lt3A_2338 : vector<128x128xf32>
    %eq3A_2340 = vector.broadcast %broadcast_in_dim3A_2331 : vector<1x128xf32> to vector<128x128xf32>
    %eq3A_2341 = arith.cmpf oeq, %reduce_min3A_2325, %eq3A_2340 : vector<128x128xf32>
    %le3A_2342 = vector.broadcast %broadcast_in_dim3A_2337 : vector<1x128xi32> to vector<128x128xi32>
    %le3A_2343 = arith.cmpi sle, %iota3A_33, %le3A_2342 : vector<128x128xi32>
    %and3A_2344 = arith.andi %eq3A_2341, %le3A_2343 : vector<128x128xi1>
    %or3A_2345 = arith.ori %lt3A_2339, %and3A_2344 : vector<128x128xi1>
    %jit3A_2346 = arith.constant 0x7F800000 : f32
    %broadcast_in_dim3A_2347 = vector.broadcast %jit3A_2346 : f32 to vector<128x128xf32>
    %select_n3A_2348 = arith.select %or3A_2345, %broadcast_in_dim3A_2347, %reduce_min3A_2325 : vector<128x128xi1>, vector<128x128xf32>
    %eq3A_2349 = vector.broadcast %broadcast_in_dim3A_2304 : vector<1x128xf32> to vector<128x128xf32>
    %eq3A_2350 = arith.cmpf oeq, %select_n3A_2348, %eq3A_2349 : vector<128x128xf32>
    %jit3A_2351 = arith.constant 128 : i32
    %broadcast_in_dim3A_2352 = vector.broadcast %jit3A_2351 : i32 to vector<128x128xi32>
    %select_n3A_2353 = arith.select %eq3A_2350, %iota3A_33, %broadcast_in_dim3A_2352 : vector<128x128xi1>, vector<128x128xi32>
    %reduce_min3A_2354 = arith.constant dense<2147483647> : vector<128xi32>
    %reduce_min3A_2355 = vector.multi_reduction <minsi>, %select_n3A_2353, %reduce_min3A_2354 [0] : vector<128x128xi32> to vector<128xi32>
    %broadcast_in_dim3A_2356 = vector.shape_cast %reduce_min3A_2355 : vector<128xi32> to vector<1x128xi32>
    %mul3A_2357 = arith.constant 128 : i32
    %mul3A_2358 = vector.broadcast %mul3A_2357 : i32 to vector<1x128xi32>
    %mul3A_2359 = arith.muli %broadcast_in_dim3A_2312, %mul3A_2358 : vector<1x128xi32>
    %add3A_2360 = arith.addi %mul3A_2359, %broadcast_in_dim3A_2356 : vector<1x128xi32>
    %add3A_2361 = vector.broadcast %mul3A_36 : i32 to vector<1x128xi32>
    %add3A_2362 = arith.addi %add3A_2360, %add3A_2361 : vector<1x128xi32>
    %swap3A_2363 = arith.constant 0 : index
    %swap3A_2364 = arith.constant 27 : index
    %swap3A_2365 = arith.constant 0 : index
    %swap3A_2366 = vector.load %arg5[%swap3A_2363, %swap3A_2364, %swap3A_2365] : memref<1x32x128xi32, #tpu.memory_space<vmem>>, vector<1x1x128xi32>
    %swap3A_2367 = vector.shape_cast %swap3A_2366 : vector<1x1x128xi32> to vector<1x128xi32>
    %swap3A_2368 = vector.shape_cast %add3A_2362 : vector<1x128xi32> to vector<1x1x128xi32>
    tpu.vector_store %arg5[%swap3A_2363, %swap3A_2364, %swap3A_2365], %swap3A_2368 {strides = array<i32>} : memref<1x32x128xi32, #tpu.memory_space<vmem>>, vector<1x1x128xi32>,
    %eq3A_2369 = vector.broadcast %broadcast_in_dim3A_2356 : vector<1x128xi32> to vector<128x128xi32>
    %eq3A_2370 = arith.cmpi eq, %iota3A_33, %eq3A_2369 : vector<128x128xi32>
    %jit3A_2371 = arith.constant 0x7F800000 : f32
    %broadcast_in_dim3A_2372 = vector.broadcast %jit3A_2371 : f32 to vector<128x128xf32>
    %select_n3A_2373 = arith.select %eq3A_2370, %broadcast_in_dim3A_2372, %select_n3A_2348 : vector<128x128xi1>, vector<128x128xf32>
    %reduce_min3A_2374 = arith.constant dense<0x7F800000> : vector<128xf32>
    %reduce_min3A_2375 = vector.multi_reduction <minimumf>, %select_n3A_2373, %reduce_min3A_2374 [0] : vector<128x128xf32> to vector<128xf32>
    %broadcast_in_dim3A_2376 = vector.shape_cast %reduce_min3A_2375 : vector<128xf32> to vector<1x128xf32>
    %broadcast_in_dim3A_2377 = vector.shape_cast %broadcast_in_dim3A_2376 : vector<1x128xf32> to vector<1x128xf32>
    %broadcast_in_dim3A_2378 = vector.broadcast %broadcast_in_dim3A_2377 : vector<1x128xf32> to vector<64x128xf32>
    %select_n3A_2379 = arith.select %eq3A_2314, %broadcast_in_dim3A_2378, %select_n3A_2295 : vector<64x128xi1>, vector<64x128xf32>
    %broadcast_in_dim3A_2380 = vector.shape_cast %broadcast_in_dim3A_2304 : vector<1x128xf32> to vector<1x128xf32>
    %broadcast_in_dim3A_2381 = vector.broadcast %broadcast_in_dim3A_2380 : vector<1x128xf32> to vector<64x128xf32>
    %select_n3A_2382 = arith.select %eq3A_2314, %broadcast_in_dim3A_2381, %select_n3A_2298 : vector<64x128xi1>, vector<64x128xf32>
    %broadcast_in_dim3A_2383 = vector.shape_cast %broadcast_in_dim3A_2356 : vector<1x128xi32> to vector<1x128xi32>
    %broadcast_in_dim3A_2384 = vector.broadcast %broadcast_in_dim3A_2383 : vector<1x128xi32> to vector<64x128xi32>
    %select_n3A_2385 = arith.select %eq3A_2314, %broadcast_in_dim3A_2384, %select_n3A_2301 : vector<64x128xi1>, vector<64x128xi32>
    %reduce_min3A_2386 = arith.constant dense<0x7F800000> : vector<128xf32>
    %reduce_min3A_2387 = vector.multi_reduction <minimumf>, %select_n3A_2379, %reduce_min3A_2386 [0] : vector<64x128xf32> to vector<128xf32>
    %broadcast_in_dim3A_2388 = vector.shape_cast %reduce_min3A_2387 : vector<128xf32> to vector<1x128xf32>
    %eq3A_2389 = vector.broadcast %broadcast_in_dim3A_2388 : vector<1x128xf32> to vector<64x128xf32>
    %eq3A_2390 = arith.cmpf oeq, %select_n3A_2379, %eq3A_2389 : vector<64x128xf32>
    %jit3A_2391 = arith.constant 64 : i32
    %broadcast_in_dim3A_2392 = vector.broadcast %jit3A_2391 : i32 to vector<64x128xi32>
    %select_n3A_2393 = arith.select %eq3A_2390, %iota3A_32, %broadcast_in_dim3A_2392 : vector<64x128xi1>, vector<64x128xi32>
    %reduce_min3A_2394 = arith.constant dense<2147483647> : vector<128xi32>
    %reduce_min3A_2395 = vector.multi_reduction <minsi>, %select_n3A_2393, %reduce_min3A_2394 [0] : vector<64x128xi32> to vector<128xi32>
    %broadcast_in_dim3A_2396 = vector.shape_cast %reduce_min3A_2395 : vector<128xi32> to vector<1x128xi32>
    %eq3A_2397 = vector.broadcast %broadcast_in_dim3A_2396 : vector<1x128xi32> to vector<64x128xi32>
    %eq3A_2398 = arith.cmpi eq, %iota3A_32, %eq3A_2397 : vector<64x128xi32>
    %broadcast_in_dim3A_2399 = vector.shape_cast %broadcast_in_dim3A_2396 : vector<1x128xi32> to vector<1x1x128xi32>
    %eq3A_2400 = vector.broadcast %iota3A_34 : vector<64x1x1xi32> to vector<64x1x128xi32>
    %eq3A_2401 = vector.broadcast %broadcast_in_dim3A_2399 : vector<1x1x128xi32> to vector<64x1x128xi32>
    %eq3A_2402 = arith.cmpi eq, %eq3A_2400, %eq3A_2401 : vector<64x1x128xi32>
    %jit3A_2403 = arith.constant 0x7F800000 : f32
    %broadcast_in_dim3A_2404 = vector.shape_cast %eq3A_2402 : vector<64x1x128xi1> to vector<64x1x128xi1>
    %broadcast_in_dim3A_2405 = vector.broadcast %broadcast_in_dim3A_2404 : vector<64x1x128xi1> to vector<64x128x128xi1>
    %broadcast_in_dim3A_2406 = vector.broadcast %jit3A_2403 : f32 to vector<64x128x128xf32>
    %select_n3A_2407 = arith.select %broadcast_in_dim3A_2405, %reshape3A, %broadcast_in_dim3A_2406 : vector<64x128x128xi1>, vector<64x128x128xf32>
    %reduce_min3A_2408 = arith.constant dense<0x7F800000> : vector<128x128xf32>
    %reduce_min3A_2409 = vector.multi_reduction <minimumf>, %select_n3A_2407, %reduce_min3A_2408 [0] : vector<64x128x128xf32> to vector<128x128xf32>
    %jit3A_2410 = arith.constant 0x7F800000 : f32
    %broadcast_in_dim3A_2411 = vector.broadcast %jit3A_2410 : f32 to vector<64x128xf32>
    %select_n3A_2412 = arith.select %eq3A_2398, %select_n3A_2382, %broadcast_in_dim3A_2411 : vector<64x128xi1>, vector<64x128xf32>
    %reduce_min3A_2413 = arith.constant dense<0x7F800000> : vector<128xf32>
    %reduce_min3A_2414 = vector.multi_reduction <minimumf>, %select_n3A_2412, %reduce_min3A_2413 [0] : vector<64x128xf32> to vector<128xf32>
    %broadcast_in_dim3A_2415 = vector.shape_cast %reduce_min3A_2414 : vector<128xf32> to vector<1x128xf32>
    %jit3A_2416 = arith.constant -1 : i32
    %broadcast_in_dim3A_2417 = vector.broadcast %jit3A_2416 : i32 to vector<64x128xi32>
    %select_n3A_2418 = arith.select %eq3A_2398, %select_n3A_2385, %broadcast_in_dim3A_2417 : vector<64x128xi1>, vector<64x128xi32>
    %reduce_max3A_2419 = arith.constant dense<-2147483648> : vector<128xi32>
    %reduce_max3A_2420 = vector.multi_reduction <maxsi>, %select_n3A_2418, %reduce_max3A_2419 [0] : vector<64x128xi32> to vector<128xi32>
    %broadcast_in_dim3A_2421 = vector.shape_cast %reduce_max3A_2420 : vector<128xi32> to vector<1x128xi32>
    %lt3A_2422 = vector.broadcast %broadcast_in_dim3A_2415 : vector<1x128xf32> to vector<128x128xf32>
    %lt3A_2423 = arith.cmpf olt, %reduce_min3A_2409, %lt3A_2422 : vector<128x128xf32>
    %eq3A_2424 = vector.broadcast %broadcast_in_dim3A_2415 : vector<1x128xf32> to vector<128x128xf32>
    %eq3A_2425 = arith.cmpf oeq, %reduce_min3A_2409, %eq3A_2424 : vector<128x128xf32>
    %le3A_2426 = vector.broadcast %broadcast_in_dim3A_2421 : vector<1x128xi32> to vector<128x128xi32>
    %le3A_2427 = arith.cmpi sle, %iota3A_33, %le3A_2426 : vector<128x128xi32>
    %and3A_2428 = arith.andi %eq3A_2425, %le3A_2427 : vector<128x128xi1>
    %or3A_2429 = arith.ori %lt3A_2423, %and3A_2428 : vector<128x128xi1>
    %jit3A_2430 = arith.constant 0x7F800000 : f32
    %broadcast_in_dim3A_2431 = vector.broadcast %jit3A_2430 : f32 to vector<128x128xf32>
    %select_n3A_2432 = arith.select %or3A_2429, %broadcast_in_dim3A_2431, %reduce_min3A_2409 : vector<128x128xi1>, vector<128x128xf32>
    %eq3A_2433 = vector.broadcast %broadcast_in_dim3A_2388 : vector<1x128xf32> to vector<128x128xf32>
    %eq3A_2434 = arith.cmpf oeq, %select_n3A_2432, %eq3A_2433 : vector<128x128xf32>
    %jit3A_2435 = arith.constant 128 : i32
    %broadcast_in_dim3A_2436 = vector.broadcast %jit3A_2435 : i32 to vector<128x128xi32>
    %select_n3A_2437 = arith.select %eq3A_2434, %iota3A_33, %broadcast_in_dim3A_2436 : vector<128x128xi1>, vector<128x128xi32>
    %reduce_min3A_2438 = arith.constant dense<2147483647> : vector<128xi32>
    %reduce_min3A_2439 = vector.multi_reduction <minsi>, %select_n3A_2437, %reduce_min3A_2438 [0] : vector<128x128xi32> to vector<128xi32>
    %broadcast_in_dim3A_2440 = vector.shape_cast %reduce_min3A_2439 : vector<128xi32> to vector<1x128xi32>
    %mul3A_2441 = arith.constant 128 : i32
    %mul3A_2442 = vector.broadcast %mul3A_2441 : i32 to vector<1x128xi32>
    %mul3A_2443 = arith.muli %broadcast_in_dim3A_2396, %mul3A_2442 : vector<1x128xi32>
    %add3A_2444 = arith.addi %mul3A_2443, %broadcast_in_dim3A_2440 : vector<1x128xi32>
    %add3A_2445 = vector.broadcast %mul3A_36 : i32 to vector<1x128xi32>
    %add3A_2446 = arith.addi %add3A_2444, %add3A_2445 : vector<1x128xi32>
    %swap3A_2447 = arith.constant 0 : index
    %swap3A_2448 = arith.constant 28 : index
    %swap3A_2449 = arith.constant 0 : index
    %swap3A_2450 = vector.load %arg5[%swap3A_2447, %swap3A_2448, %swap3A_2449] : memref<1x32x128xi32, #tpu.memory_space<vmem>>, vector<1x1x128xi32>
    %swap3A_2451 = vector.shape_cast %swap3A_2450 : vector<1x1x128xi32> to vector<1x128xi32>
    %swap3A_2452 = vector.shape_cast %add3A_2446 : vector<1x128xi32> to vector<1x1x128xi32>
    tpu.vector_store %arg5[%swap3A_2447, %swap3A_2448, %swap3A_2449], %swap3A_2452 {strides = array<i32>} : memref<1x32x128xi32, #tpu.memory_space<vmem>>, vector<1x1x128xi32>,
    %eq3A_2453 = vector.broadcast %broadcast_in_dim3A_2440 : vector<1x128xi32> to vector<128x128xi32>
    %eq3A_2454 = arith.cmpi eq, %iota3A_33, %eq3A_2453 : vector<128x128xi32>
    %jit3A_2455 = arith.constant 0x7F800000 : f32
    %broadcast_in_dim3A_2456 = vector.broadcast %jit3A_2455 : f32 to vector<128x128xf32>
    %select_n3A_2457 = arith.select %eq3A_2454, %broadcast_in_dim3A_2456, %select_n3A_2432 : vector<128x128xi1>, vector<128x128xf32>
    %reduce_min3A_2458 = arith.constant dense<0x7F800000> : vector<128xf32>
    %reduce_min3A_2459 = vector.multi_reduction <minimumf>, %select_n3A_2457, %reduce_min3A_2458 [0] : vector<128x128xf32> to vector<128xf32>
    %broadcast_in_dim3A_2460 = vector.shape_cast %reduce_min3A_2459 : vector<128xf32> to vector<1x128xf32>
    %broadcast_in_dim3A_2461 = vector.shape_cast %broadcast_in_dim3A_2460 : vector<1x128xf32> to vector<1x128xf32>
    %broadcast_in_dim3A_2462 = vector.broadcast %broadcast_in_dim3A_2461 : vector<1x128xf32> to vector<64x128xf32>
    %select_n3A_2463 = arith.select %eq3A_2398, %broadcast_in_dim3A_2462, %select_n3A_2379 : vector<64x128xi1>, vector<64x128xf32>
    %broadcast_in_dim3A_2464 = vector.shape_cast %broadcast_in_dim3A_2388 : vector<1x128xf32> to vector<1x128xf32>
    %broadcast_in_dim3A_2465 = vector.broadcast %broadcast_in_dim3A_2464 : vector<1x128xf32> to vector<64x128xf32>
    %select_n3A_2466 = arith.select %eq3A_2398, %broadcast_in_dim3A_2465, %select_n3A_2382 : vector<64x128xi1>, vector<64x128xf32>
    %broadcast_in_dim3A_2467 = vector.shape_cast %broadcast_in_dim3A_2440 : vector<1x128xi32> to vector<1x128xi32>
    %broadcast_in_dim3A_2468 = vector.broadcast %broadcast_in_dim3A_2467 : vector<1x128xi32> to vector<64x128xi32>
    %select_n3A_2469 = arith.select %eq3A_2398, %broadcast_in_dim3A_2468, %select_n3A_2385 : vector<64x128xi1>, vector<64x128xi32>
    %reduce_min3A_2470 = arith.constant dense<0x7F800000> : vector<128xf32>
    %reduce_min3A_2471 = vector.multi_reduction <minimumf>, %select_n3A_2463, %reduce_min3A_2470 [0] : vector<64x128xf32> to vector<128xf32>
    %broadcast_in_dim3A_2472 = vector.shape_cast %reduce_min3A_2471 : vector<128xf32> to vector<1x128xf32>
    %eq3A_2473 = vector.broadcast %broadcast_in_dim3A_2472 : vector<1x128xf32> to vector<64x128xf32>
    %eq3A_2474 = arith.cmpf oeq, %select_n3A_2463, %eq3A_2473 : vector<64x128xf32>
    %jit3A_2475 = arith.constant 64 : i32
    %broadcast_in_dim3A_2476 = vector.broadcast %jit3A_2475 : i32 to vector<64x128xi32>
    %select_n3A_2477 = arith.select %eq3A_2474, %iota3A_32, %broadcast_in_dim3A_2476 : vector<64x128xi1>, vector<64x128xi32>
    %reduce_min3A_2478 = arith.constant dense<2147483647> : vector<128xi32>
    %reduce_min3A_2479 = vector.multi_reduction <minsi>, %select_n3A_2477, %reduce_min3A_2478 [0] : vector<64x128xi32> to vector<128xi32>
    %broadcast_in_dim3A_2480 = vector.shape_cast %reduce_min3A_2479 : vector<128xi32> to vector<1x128xi32>
    %eq3A_2481 = vector.broadcast %broadcast_in_dim3A_2480 : vector<1x128xi32> to vector<64x128xi32>
    %eq3A_2482 = arith.cmpi eq, %iota3A_32, %eq3A_2481 : vector<64x128xi32>
    %broadcast_in_dim3A_2483 = vector.shape_cast %broadcast_in_dim3A_2480 : vector<1x128xi32> to vector<1x1x128xi32>
    %eq3A_2484 = vector.broadcast %iota3A_34 : vector<64x1x1xi32> to vector<64x1x128xi32>
    %eq3A_2485 = vector.broadcast %broadcast_in_dim3A_2483 : vector<1x1x128xi32> to vector<64x1x128xi32>
    %eq3A_2486 = arith.cmpi eq, %eq3A_2484, %eq3A_2485 : vector<64x1x128xi32>
    %jit3A_2487 = arith.constant 0x7F800000 : f32
    %broadcast_in_dim3A_2488 = vector.shape_cast %eq3A_2486 : vector<64x1x128xi1> to vector<64x1x128xi1>
    %broadcast_in_dim3A_2489 = vector.broadcast %broadcast_in_dim3A_2488 : vector<64x1x128xi1> to vector<64x128x128xi1>
    %broadcast_in_dim3A_2490 = vector.broadcast %jit3A_2487 : f32 to vector<64x128x128xf32>
    %select_n3A_2491 = arith.select %broadcast_in_dim3A_2489, %reshape3A, %broadcast_in_dim3A_2490 : vector<64x128x128xi1>, vector<64x128x128xf32>
    %reduce_min3A_2492 = arith.constant dense<0x7F800000> : vector<128x128xf32>
    %reduce_min3A_2493 = vector.multi_reduction <minimumf>, %select_n3A_2491, %reduce_min3A_2492 [0] : vector<64x128x128xf32> to vector<128x128xf32>
    %jit3A_2494 = arith.constant 0x7F800000 : f32
    %broadcast_in_dim3A_2495 = vector.broadcast %jit3A_2494 : f32 to vector<64x128xf32>
    %select_n3A_2496 = arith.select %eq3A_2482, %select_n3A_2466, %broadcast_in_dim3A_2495 : vector<64x128xi1>, vector<64x128xf32>
    %reduce_min3A_2497 = arith.constant dense<0x7F800000> : vector<128xf32>
    %reduce_min3A_2498 = vector.multi_reduction <minimumf>, %select_n3A_2496, %reduce_min3A_2497 [0] : vector<64x128xf32> to vector<128xf32>
    %broadcast_in_dim3A_2499 = vector.shape_cast %reduce_min3A_2498 : vector<128xf32> to vector<1x128xf32>
    %jit3A_2500 = arith.constant -1 : i32
    %broadcast_in_dim3A_2501 = vector.broadcast %jit3A_2500 : i32 to vector<64x128xi32>
    %select_n3A_2502 = arith.select %eq3A_2482, %select_n3A_2469, %broadcast_in_dim3A_2501 : vector<64x128xi1>, vector<64x128xi32>
    %reduce_max3A_2503 = arith.constant dense<-2147483648> : vector<128xi32>
    %reduce_max3A_2504 = vector.multi_reduction <maxsi>, %select_n3A_2502, %reduce_max3A_2503 [0] : vector<64x128xi32> to vector<128xi32>
    %broadcast_in_dim3A_2505 = vector.shape_cast %reduce_max3A_2504 : vector<128xi32> to vector<1x128xi32>
    %lt3A_2506 = vector.broadcast %broadcast_in_dim3A_2499 : vector<1x128xf32> to vector<128x128xf32>
    %lt3A_2507 = arith.cmpf olt, %reduce_min3A_2493, %lt3A_2506 : vector<128x128xf32>
    %eq3A_2508 = vector.broadcast %broadcast_in_dim3A_2499 : vector<1x128xf32> to vector<128x128xf32>
    %eq3A_2509 = arith.cmpf oeq, %reduce_min3A_2493, %eq3A_2508 : vector<128x128xf32>
    %le3A_2510 = vector.broadcast %broadcast_in_dim3A_2505 : vector<1x128xi32> to vector<128x128xi32>
    %le3A_2511 = arith.cmpi sle, %iota3A_33, %le3A_2510 : vector<128x128xi32>
    %and3A_2512 = arith.andi %eq3A_2509, %le3A_2511 : vector<128x128xi1>
    %or3A_2513 = arith.ori %lt3A_2507, %and3A_2512 : vector<128x128xi1>
    %jit3A_2514 = arith.constant 0x7F800000 : f32
    %broadcast_in_dim3A_2515 = vector.broadcast %jit3A_2514 : f32 to vector<128x128xf32>
    %select_n3A_2516 = arith.select %or3A_2513, %broadcast_in_dim3A_2515, %reduce_min3A_2493 : vector<128x128xi1>, vector<128x128xf32>
    %eq3A_2517 = vector.broadcast %broadcast_in_dim3A_2472 : vector<1x128xf32> to vector<128x128xf32>
    %eq3A_2518 = arith.cmpf oeq, %select_n3A_2516, %eq3A_2517 : vector<128x128xf32>
    %jit3A_2519 = arith.constant 128 : i32
    %broadcast_in_dim3A_2520 = vector.broadcast %jit3A_2519 : i32 to vector<128x128xi32>
    %select_n3A_2521 = arith.select %eq3A_2518, %iota3A_33, %broadcast_in_dim3A_2520 : vector<128x128xi1>, vector<128x128xi32>
    %reduce_min3A_2522 = arith.constant dense<2147483647> : vector<128xi32>
    %reduce_min3A_2523 = vector.multi_reduction <minsi>, %select_n3A_2521, %reduce_min3A_2522 [0] : vector<128x128xi32> to vector<128xi32>
    %broadcast_in_dim3A_2524 = vector.shape_cast %reduce_min3A_2523 : vector<128xi32> to vector<1x128xi32>
    %mul3A_2525 = arith.constant 128 : i32
    %mul3A_2526 = vector.broadcast %mul3A_2525 : i32 to vector<1x128xi32>
    %mul3A_2527 = arith.muli %broadcast_in_dim3A_2480, %mul3A_2526 : vector<1x128xi32>
    %add3A_2528 = arith.addi %mul3A_2527, %broadcast_in_dim3A_2524 : vector<1x128xi32>
    %add3A_2529 = vector.broadcast %mul3A_36 : i32 to vector<1x128xi32>
    %add3A_2530 = arith.addi %add3A_2528, %add3A_2529 : vector<1x128xi32>
    %swap3A_2531 = arith.constant 0 : index
    %swap3A_2532 = arith.constant 29 : index
    %swap3A_2533 = arith.constant 0 : index
    %swap3A_2534 = vector.load %arg5[%swap3A_2531, %swap3A_2532, %swap3A_2533] : memref<1x32x128xi32, #tpu.memory_space<vmem>>, vector<1x1x128xi32>
    %swap3A_2535 = vector.shape_cast %swap3A_2534 : vector<1x1x128xi32> to vector<1x128xi32>
    %swap3A_2536 = vector.shape_cast %add3A_2530 : vector<1x128xi32> to vector<1x1x128xi32>
    tpu.vector_store %arg5[%swap3A_2531, %swap3A_2532, %swap3A_2533], %swap3A_2536 {strides = array<i32>} : memref<1x32x128xi32, #tpu.memory_space<vmem>>, vector<1x1x128xi32>,
    %eq3A_2537 = vector.broadcast %broadcast_in_dim3A_2524 : vector<1x128xi32> to vector<128x128xi32>
    %eq3A_2538 = arith.cmpi eq, %iota3A_33, %eq3A_2537 : vector<128x128xi32>
    %jit3A_2539 = arith.constant 0x7F800000 : f32
    %broadcast_in_dim3A_2540 = vector.broadcast %jit3A_2539 : f32 to vector<128x128xf32>
    %select_n3A_2541 = arith.select %eq3A_2538, %broadcast_in_dim3A_2540, %select_n3A_2516 : vector<128x128xi1>, vector<128x128xf32>
    %reduce_min3A_2542 = arith.constant dense<0x7F800000> : vector<128xf32>
    %reduce_min3A_2543 = vector.multi_reduction <minimumf>, %select_n3A_2541, %reduce_min3A_2542 [0] : vector<128x128xf32> to vector<128xf32>
    %broadcast_in_dim3A_2544 = vector.shape_cast %reduce_min3A_2543 : vector<128xf32> to vector<1x128xf32>
    %broadcast_in_dim3A_2545 = vector.shape_cast %broadcast_in_dim3A_2544 : vector<1x128xf32> to vector<1x128xf32>
    %broadcast_in_dim3A_2546 = vector.broadcast %broadcast_in_dim3A_2545 : vector<1x128xf32> to vector<64x128xf32>
    %select_n3A_2547 = arith.select %eq3A_2482, %broadcast_in_dim3A_2546, %select_n3A_2463 : vector<64x128xi1>, vector<64x128xf32>
    %broadcast_in_dim3A_2548 = vector.shape_cast %broadcast_in_dim3A_2472 : vector<1x128xf32> to vector<1x128xf32>
    %broadcast_in_dim3A_2549 = vector.broadcast %broadcast_in_dim3A_2548 : vector<1x128xf32> to vector<64x128xf32>
    %select_n3A_2550 = arith.select %eq3A_2482, %broadcast_in_dim3A_2549, %select_n3A_2466 : vector<64x128xi1>, vector<64x128xf32>
    %broadcast_in_dim3A_2551 = vector.shape_cast %broadcast_in_dim3A_2524 : vector<1x128xi32> to vector<1x128xi32>
    %broadcast_in_dim3A_2552 = vector.broadcast %broadcast_in_dim3A_2551 : vector<1x128xi32> to vector<64x128xi32>
    %select_n3A_2553 = arith.select %eq3A_2482, %broadcast_in_dim3A_2552, %select_n3A_2469 : vector<64x128xi1>, vector<64x128xi32>
    %reduce_min3A_2554 = arith.constant dense<0x7F800000> : vector<128xf32>
    %reduce_min3A_2555 = vector.multi_reduction <minimumf>, %select_n3A_2547, %reduce_min3A_2554 [0] : vector<64x128xf32> to vector<128xf32>
    %broadcast_in_dim3A_2556 = vector.shape_cast %reduce_min3A_2555 : vector<128xf32> to vector<1x128xf32>
    %eq3A_2557 = vector.broadcast %broadcast_in_dim3A_2556 : vector<1x128xf32> to vector<64x128xf32>
    %eq3A_2558 = arith.cmpf oeq, %select_n3A_2547, %eq3A_2557 : vector<64x128xf32>
    %jit3A_2559 = arith.constant 64 : i32
    %broadcast_in_dim3A_2560 = vector.broadcast %jit3A_2559 : i32 to vector<64x128xi32>
    %select_n3A_2561 = arith.select %eq3A_2558, %iota3A_32, %broadcast_in_dim3A_2560 : vector<64x128xi1>, vector<64x128xi32>
    %reduce_min3A_2562 = arith.constant dense<2147483647> : vector<128xi32>
    %reduce_min3A_2563 = vector.multi_reduction <minsi>, %select_n3A_2561, %reduce_min3A_2562 [0] : vector<64x128xi32> to vector<128xi32>
    %broadcast_in_dim3A_2564 = vector.shape_cast %reduce_min3A_2563 : vector<128xi32> to vector<1x128xi32>
    %eq3A_2565 = vector.broadcast %broadcast_in_dim3A_2564 : vector<1x128xi32> to vector<64x128xi32>
    %eq3A_2566 = arith.cmpi eq, %iota3A_32, %eq3A_2565 : vector<64x128xi32>
    %broadcast_in_dim3A_2567 = vector.shape_cast %broadcast_in_dim3A_2564 : vector<1x128xi32> to vector<1x1x128xi32>
    %eq3A_2568 = vector.broadcast %iota3A_34 : vector<64x1x1xi32> to vector<64x1x128xi32>
    %eq3A_2569 = vector.broadcast %broadcast_in_dim3A_2567 : vector<1x1x128xi32> to vector<64x1x128xi32>
    %eq3A_2570 = arith.cmpi eq, %eq3A_2568, %eq3A_2569 : vector<64x1x128xi32>
    %jit3A_2571 = arith.constant 0x7F800000 : f32
    %broadcast_in_dim3A_2572 = vector.shape_cast %eq3A_2570 : vector<64x1x128xi1> to vector<64x1x128xi1>
    %broadcast_in_dim3A_2573 = vector.broadcast %broadcast_in_dim3A_2572 : vector<64x1x128xi1> to vector<64x128x128xi1>
    %broadcast_in_dim3A_2574 = vector.broadcast %jit3A_2571 : f32 to vector<64x128x128xf32>
    %select_n3A_2575 = arith.select %broadcast_in_dim3A_2573, %reshape3A, %broadcast_in_dim3A_2574 : vector<64x128x128xi1>, vector<64x128x128xf32>
    %reduce_min3A_2576 = arith.constant dense<0x7F800000> : vector<128x128xf32>
    %reduce_min3A_2577 = vector.multi_reduction <minimumf>, %select_n3A_2575, %reduce_min3A_2576 [0] : vector<64x128x128xf32> to vector<128x128xf32>
    %jit3A_2578 = arith.constant 0x7F800000 : f32
    %broadcast_in_dim3A_2579 = vector.broadcast %jit3A_2578 : f32 to vector<64x128xf32>
    %select_n3A_2580 = arith.select %eq3A_2566, %select_n3A_2550, %broadcast_in_dim3A_2579 : vector<64x128xi1>, vector<64x128xf32>
    %reduce_min3A_2581 = arith.constant dense<0x7F800000> : vector<128xf32>
    %reduce_min3A_2582 = vector.multi_reduction <minimumf>, %select_n3A_2580, %reduce_min3A_2581 [0] : vector<64x128xf32> to vector<128xf32>
    %broadcast_in_dim3A_2583 = vector.shape_cast %reduce_min3A_2582 : vector<128xf32> to vector<1x128xf32>
    %jit3A_2584 = arith.constant -1 : i32
    %broadcast_in_dim3A_2585 = vector.broadcast %jit3A_2584 : i32 to vector<64x128xi32>
    %select_n3A_2586 = arith.select %eq3A_2566, %select_n3A_2553, %broadcast_in_dim3A_2585 : vector<64x128xi1>, vector<64x128xi32>
    %reduce_max3A_2587 = arith.constant dense<-2147483648> : vector<128xi32>
    %reduce_max3A_2588 = vector.multi_reduction <maxsi>, %select_n3A_2586, %reduce_max3A_2587 [0] : vector<64x128xi32> to vector<128xi32>
    %broadcast_in_dim3A_2589 = vector.shape_cast %reduce_max3A_2588 : vector<128xi32> to vector<1x128xi32>
    %lt3A_2590 = vector.broadcast %broadcast_in_dim3A_2583 : vector<1x128xf32> to vector<128x128xf32>
    %lt3A_2591 = arith.cmpf olt, %reduce_min3A_2577, %lt3A_2590 : vector<128x128xf32>
    %eq3A_2592 = vector.broadcast %broadcast_in_dim3A_2583 : vector<1x128xf32> to vector<128x128xf32>
    %eq3A_2593 = arith.cmpf oeq, %reduce_min3A_2577, %eq3A_2592 : vector<128x128xf32>
    %le3A_2594 = vector.broadcast %broadcast_in_dim3A_2589 : vector<1x128xi32> to vector<128x128xi32>
    %le3A_2595 = arith.cmpi sle, %iota3A_33, %le3A_2594 : vector<128x128xi32>
    %and3A_2596 = arith.andi %eq3A_2593, %le3A_2595 : vector<128x128xi1>
    %or3A_2597 = arith.ori %lt3A_2591, %and3A_2596 : vector<128x128xi1>
    %jit3A_2598 = arith.constant 0x7F800000 : f32
    %broadcast_in_dim3A_2599 = vector.broadcast %jit3A_2598 : f32 to vector<128x128xf32>
    %select_n3A_2600 = arith.select %or3A_2597, %broadcast_in_dim3A_2599, %reduce_min3A_2577 : vector<128x128xi1>, vector<128x128xf32>
    %eq3A_2601 = vector.broadcast %broadcast_in_dim3A_2556 : vector<1x128xf32> to vector<128x128xf32>
    %eq3A_2602 = arith.cmpf oeq, %select_n3A_2600, %eq3A_2601 : vector<128x128xf32>
    %jit3A_2603 = arith.constant 128 : i32
    %broadcast_in_dim3A_2604 = vector.broadcast %jit3A_2603 : i32 to vector<128x128xi32>
    %select_n3A_2605 = arith.select %eq3A_2602, %iota3A_33, %broadcast_in_dim3A_2604 : vector<128x128xi1>, vector<128x128xi32>
    %reduce_min3A_2606 = arith.constant dense<2147483647> : vector<128xi32>
    %reduce_min3A_2607 = vector.multi_reduction <minsi>, %select_n3A_2605, %reduce_min3A_2606 [0] : vector<128x128xi32> to vector<128xi32>
    %broadcast_in_dim3A_2608 = vector.shape_cast %reduce_min3A_2607 : vector<128xi32> to vector<1x128xi32>
    %mul3A_2609 = arith.constant 128 : i32
    %mul3A_2610 = vector.broadcast %mul3A_2609 : i32 to vector<1x128xi32>
    %mul3A_2611 = arith.muli %broadcast_in_dim3A_2564, %mul3A_2610 : vector<1x128xi32>
    %add3A_2612 = arith.addi %mul3A_2611, %broadcast_in_dim3A_2608 : vector<1x128xi32>
    %add3A_2613 = vector.broadcast %mul3A_36 : i32 to vector<1x128xi32>
    %add3A_2614 = arith.addi %add3A_2612, %add3A_2613 : vector<1x128xi32>
    %swap3A_2615 = arith.constant 0 : index
    %swap3A_2616 = arith.constant 30 : index
    %swap3A_2617 = arith.constant 0 : index
    %swap3A_2618 = vector.load %arg5[%swap3A_2615, %swap3A_2616, %swap3A_2617] : memref<1x32x128xi32, #tpu.memory_space<vmem>>, vector<1x1x128xi32>
    %swap3A_2619 = vector.shape_cast %swap3A_2618 : vector<1x1x128xi32> to vector<1x128xi32>
    %swap3A_2620 = vector.shape_cast %add3A_2614 : vector<1x128xi32> to vector<1x1x128xi32>
    tpu.vector_store %arg5[%swap3A_2615, %swap3A_2616, %swap3A_2617], %swap3A_2620 {strides = array<i32>} : memref<1x32x128xi32, #tpu.memory_space<vmem>>, vector<1x1x128xi32>,
    %eq3A_2621 = vector.broadcast %broadcast_in_dim3A_2608 : vector<1x128xi32> to vector<128x128xi32>
    %eq3A_2622 = arith.cmpi eq, %iota3A_33, %eq3A_2621 : vector<128x128xi32>
    %jit3A_2623 = arith.constant 0x7F800000 : f32
    %broadcast_in_dim3A_2624 = vector.broadcast %jit3A_2623 : f32 to vector<128x128xf32>
    %select_n3A_2625 = arith.select %eq3A_2622, %broadcast_in_dim3A_2624, %select_n3A_2600 : vector<128x128xi1>, vector<128x128xf32>
    %reduce_min3A_2626 = arith.constant dense<0x7F800000> : vector<128xf32>
    %reduce_min3A_2627 = vector.multi_reduction <minimumf>, %select_n3A_2625, %reduce_min3A_2626 [0] : vector<128x128xf32> to vector<128xf32>
    %broadcast_in_dim3A_2628 = vector.shape_cast %reduce_min3A_2627 : vector<128xf32> to vector<1x128xf32>
    %broadcast_in_dim3A_2629 = vector.shape_cast %broadcast_in_dim3A_2628 : vector<1x128xf32> to vector<1x128xf32>
    %broadcast_in_dim3A_2630 = vector.broadcast %broadcast_in_dim3A_2629 : vector<1x128xf32> to vector<64x128xf32>
    %select_n3A_2631 = arith.select %eq3A_2566, %broadcast_in_dim3A_2630, %select_n3A_2547 : vector<64x128xi1>, vector<64x128xf32>
    %broadcast_in_dim3A_2632 = vector.shape_cast %broadcast_in_dim3A_2556 : vector<1x128xf32> to vector<1x128xf32>
    %broadcast_in_dim3A_2633 = vector.broadcast %broadcast_in_dim3A_2632 : vector<1x128xf32> to vector<64x128xf32>
    %select_n3A_2634 = arith.select %eq3A_2566, %broadcast_in_dim3A_2633, %select_n3A_2550 : vector<64x128xi1>, vector<64x128xf32>
    %broadcast_in_dim3A_2635 = vector.shape_cast %broadcast_in_dim3A_2608 : vector<1x128xi32> to vector<1x128xi32>
    %broadcast_in_dim3A_2636 = vector.broadcast %broadcast_in_dim3A_2635 : vector<1x128xi32> to vector<64x128xi32>
    %select_n3A_2637 = arith.select %eq3A_2566, %broadcast_in_dim3A_2636, %select_n3A_2553 : vector<64x128xi1>, vector<64x128xi32>
    %reduce_min3A_2638 = arith.constant dense<0x7F800000> : vector<128xf32>
    %reduce_min3A_2639 = vector.multi_reduction <minimumf>, %select_n3A_2631, %reduce_min3A_2638 [0] : vector<64x128xf32> to vector<128xf32>
    %broadcast_in_dim3A_2640 = vector.shape_cast %reduce_min3A_2639 : vector<128xf32> to vector<1x128xf32>
    %eq3A_2641 = vector.broadcast %broadcast_in_dim3A_2640 : vector<1x128xf32> to vector<64x128xf32>
    %eq3A_2642 = arith.cmpf oeq, %select_n3A_2631, %eq3A_2641 : vector<64x128xf32>
    %jit3A_2643 = arith.constant 64 : i32
    %broadcast_in_dim3A_2644 = vector.broadcast %jit3A_2643 : i32 to vector<64x128xi32>
    %select_n3A_2645 = arith.select %eq3A_2642, %iota3A_32, %broadcast_in_dim3A_2644 : vector<64x128xi1>, vector<64x128xi32>
    %reduce_min3A_2646 = arith.constant dense<2147483647> : vector<128xi32>
    %reduce_min3A_2647 = vector.multi_reduction <minsi>, %select_n3A_2645, %reduce_min3A_2646 [0] : vector<64x128xi32> to vector<128xi32>
    %broadcast_in_dim3A_2648 = vector.shape_cast %reduce_min3A_2647 : vector<128xi32> to vector<1x128xi32>
    %eq3A_2649 = vector.broadcast %broadcast_in_dim3A_2648 : vector<1x128xi32> to vector<64x128xi32>
    %eq3A_2650 = arith.cmpi eq, %iota3A_32, %eq3A_2649 : vector<64x128xi32>
    %broadcast_in_dim3A_2651 = vector.shape_cast %broadcast_in_dim3A_2648 : vector<1x128xi32> to vector<1x1x128xi32>
    %eq3A_2652 = vector.broadcast %iota3A_34 : vector<64x1x1xi32> to vector<64x1x128xi32>
    %eq3A_2653 = vector.broadcast %broadcast_in_dim3A_2651 : vector<1x1x128xi32> to vector<64x1x128xi32>
    %eq3A_2654 = arith.cmpi eq, %eq3A_2652, %eq3A_2653 : vector<64x1x128xi32>
    %jit3A_2655 = arith.constant 0x7F800000 : f32
    %broadcast_in_dim3A_2656 = vector.shape_cast %eq3A_2654 : vector<64x1x128xi1> to vector<64x1x128xi1>
    %broadcast_in_dim3A_2657 = vector.broadcast %broadcast_in_dim3A_2656 : vector<64x1x128xi1> to vector<64x128x128xi1>
    %broadcast_in_dim3A_2658 = vector.broadcast %jit3A_2655 : f32 to vector<64x128x128xf32>
    %select_n3A_2659 = arith.select %broadcast_in_dim3A_2657, %reshape3A, %broadcast_in_dim3A_2658 : vector<64x128x128xi1>, vector<64x128x128xf32>
    %reduce_min3A_2660 = arith.constant dense<0x7F800000> : vector<128x128xf32>
    %reduce_min3A_2661 = vector.multi_reduction <minimumf>, %select_n3A_2659, %reduce_min3A_2660 [0] : vector<64x128x128xf32> to vector<128x128xf32>
    %jit3A_2662 = arith.constant 0x7F800000 : f32
    %broadcast_in_dim3A_2663 = vector.broadcast %jit3A_2662 : f32 to vector<64x128xf32>
    %select_n3A_2664 = arith.select %eq3A_2650, %select_n3A_2634, %broadcast_in_dim3A_2663 : vector<64x128xi1>, vector<64x128xf32>
    %reduce_min3A_2665 = arith.constant dense<0x7F800000> : vector<128xf32>
    %reduce_min3A_2666 = vector.multi_reduction <minimumf>, %select_n3A_2664, %reduce_min3A_2665 [0] : vector<64x128xf32> to vector<128xf32>
    %broadcast_in_dim3A_2667 = vector.shape_cast %reduce_min3A_2666 : vector<128xf32> to vector<1x128xf32>
    %jit3A_2668 = arith.constant -1 : i32
    %broadcast_in_dim3A_2669 = vector.broadcast %jit3A_2668 : i32 to vector<64x128xi32>
    %select_n3A_2670 = arith.select %eq3A_2650, %select_n3A_2637, %broadcast_in_dim3A_2669 : vector<64x128xi1>, vector<64x128xi32>
    %reduce_max3A_2671 = arith.constant dense<-2147483648> : vector<128xi32>
    %reduce_max3A_2672 = vector.multi_reduction <maxsi>, %select_n3A_2670, %reduce_max3A_2671 [0] : vector<64x128xi32> to vector<128xi32>
    %broadcast_in_dim3A_2673 = vector.shape_cast %reduce_max3A_2672 : vector<128xi32> to vector<1x128xi32>
    %lt3A_2674 = vector.broadcast %broadcast_in_dim3A_2667 : vector<1x128xf32> to vector<128x128xf32>
    %lt3A_2675 = arith.cmpf olt, %reduce_min3A_2661, %lt3A_2674 : vector<128x128xf32>
    %eq3A_2676 = vector.broadcast %broadcast_in_dim3A_2667 : vector<1x128xf32> to vector<128x128xf32>
    %eq3A_2677 = arith.cmpf oeq, %reduce_min3A_2661, %eq3A_2676 : vector<128x128xf32>
    %le3A_2678 = vector.broadcast %broadcast_in_dim3A_2673 : vector<1x128xi32> to vector<128x128xi32>
    %le3A_2679 = arith.cmpi sle, %iota3A_33, %le3A_2678 : vector<128x128xi32>
    %and3A_2680 = arith.andi %eq3A_2677, %le3A_2679 : vector<128x128xi1>
    %or3A_2681 = arith.ori %lt3A_2675, %and3A_2680 : vector<128x128xi1>
    %jit3A_2682 = arith.constant 0x7F800000 : f32
    %broadcast_in_dim3A_2683 = vector.broadcast %jit3A_2682 : f32 to vector<128x128xf32>
    %select_n3A_2684 = arith.select %or3A_2681, %broadcast_in_dim3A_2683, %reduce_min3A_2661 : vector<128x128xi1>, vector<128x128xf32>
    %eq3A_2685 = vector.broadcast %broadcast_in_dim3A_2640 : vector<1x128xf32> to vector<128x128xf32>
    %eq3A_2686 = arith.cmpf oeq, %select_n3A_2684, %eq3A_2685 : vector<128x128xf32>
    %jit3A_2687 = arith.constant 128 : i32
    %broadcast_in_dim3A_2688 = vector.broadcast %jit3A_2687 : i32 to vector<128x128xi32>
    %select_n3A_2689 = arith.select %eq3A_2686, %iota3A_33, %broadcast_in_dim3A_2688 : vector<128x128xi1>, vector<128x128xi32>
    %reduce_min3A_2690 = arith.constant dense<2147483647> : vector<128xi32>
    %reduce_min3A_2691 = vector.multi_reduction <minsi>, %select_n3A_2689, %reduce_min3A_2690 [0] : vector<128x128xi32> to vector<128xi32>
    %broadcast_in_dim3A_2692 = vector.shape_cast %reduce_min3A_2691 : vector<128xi32> to vector<1x128xi32>
    %mul3A_2693 = arith.constant 128 : i32
    %mul3A_2694 = vector.broadcast %mul3A_2693 : i32 to vector<1x128xi32>
    %mul3A_2695 = arith.muli %broadcast_in_dim3A_2648, %mul3A_2694 : vector<1x128xi32>
    %add3A_2696 = arith.addi %mul3A_2695, %broadcast_in_dim3A_2692 : vector<1x128xi32>
    %add3A_2697 = vector.broadcast %mul3A_36 : i32 to vector<1x128xi32>
    %add3A_2698 = arith.addi %add3A_2696, %add3A_2697 : vector<1x128xi32>
    %swap3A_2699 = arith.constant 0 : index
    %swap3A_2700 = arith.constant 31 : index
    %swap3A_2701 = arith.constant 0 : index
    %swap3A_2702 = vector.load %arg5[%swap3A_2699, %swap3A_2700, %swap3A_2701] : memref<1x32x128xi32, #tpu.memory_space<vmem>>, vector<1x1x128xi32>
    %swap3A_2703 = vector.shape_cast %swap3A_2702 : vector<1x1x128xi32> to vector<1x128xi32>
    %swap3A_2704 = vector.shape_cast %add3A_2698 : vector<1x128xi32> to vector<1x1x128xi32>
    tpu.vector_store %arg5[%swap3A_2699, %swap3A_2700, %swap3A_2701], %swap3A_2704 {strides = array<i32>} : memref<1x32x128xi32, #tpu.memory_space<vmem>>, vector<1x1x128xi32>,
    return
  }
  func.func @transform_0(%arg0: i32, %arg1: i32) -> (i32, i32, i32) {
    %c0_i32 = arith.constant 0 : i32
    %c0_i32_0 = arith.constant 0 : i32
    %c0_i32_1 = arith.constant 0 : i32
    return %arg0, %c0_i32, %c0_i32_0 : i32, i32, i32
  }
  func.func @transform_1(%arg0: i32, %arg1: i32) -> (i32, i32, i32) {
    %mul3A = arith.constant 8 : i32
    %mul3A_0 = arith.muli %arg0, %mul3A : i32
    %add3A = arith.addi %mul3A_0, %arg1 : i32
    %c0_i32 = arith.constant 0 : i32
    %c0_i32_1 = arith.constant 0 : i32
    %c0_i32_2 = arith.constant 0 : i32
    return %add3A, %c0_i32, %c0_i32_1 : i32, i32, i32
  }
  func.func @transform_2(%arg0: i32, %arg1: i32) -> (i32, i32, i32) {
    %mul3A = arith.constant 8 : i32
    %mul3A_0 = arith.muli %arg0, %mul3A : i32
    %add3A = arith.addi %mul3A_0, %arg1 : i32
    %c0_i32 = arith.constant 0 : i32
    %c0_i32_1 = arith.constant 0 : i32
    %c0_i32_2 = arith.constant 0 : i32
    return %add3A, %c0_i32, %c0_i32_1 : i32, i32, i32
  }
  func.func @transform_3(%arg0: i32, %arg1: i32) -> (i32, i32, i32) {
    %mul3A = arith.constant 8 : i32
    %mul3A_0 = arith.muli %arg0, %mul3A : i32
    %add3A = arith.addi %mul3A_0, %arg1 : i32
    %c0_i32 = arith.constant 0 : i32
    %c0_i32_1 = arith.constant 0 : i32
    %c0_i32_2 = arith.constant 0 : i32
    return %add3A, %c0_i32, %c0_i32_1 : i32, i32, i32
  }
}

</mosaic_0001>

<sc_bundles>
// kernel: kernel.4.cloned.1.call-start
scs
__scs_entry_jumppad:
0x0: {  	(pc) =	sbr.rel $0x88, $3  }
0x1: {  	(tag) =	ssettag $0x0;
	lr =	simm.s32 $0x1  }
0x2: {  	[smem:$0x3F9E] =	sst lr;
	_ =	strace $0xD0000000  }
0x3: {  	_ = 	snop  }
0x4: {  	_ = 	snop  }
0x5: {  	_ = 	snop  }
0x6: {  	_ = 	snop  }
0x7: {  	_ = 	snop  }
__scs_overlays_trampoline_lowered:
0x8: {  	[smem:$0x3FAD] =	sst s0  }
0x9: {  	[smem:$0x3FAE] =	sst s1  }
0xa: {  	[smem:$0x3FAF] =	sst s2  }
0xb: {  	[smem:$0x3FB0] =	sst s3  }
0xc: {  	[smem:$0x3FB1] =	sst s4  }
0xd: {  	[smem:$0x3FB2] =	sst s5  }
0xe: {  	[smem:$0x3FB3] =	sst s6  }
0xf: {  	[smem:$0x3FB4] =	sst s7  }
0x10: {  	[smem:$0x3FB5] =	sst s8  }
0x11: {  	[smem:$0x3FB6] =	sst s9;
	s0 =	simm.s32 @!p0 $0x0  }
0x12: {  	s1 =	sld [smem:$0x3F9C];
	s0 =	simm.s32 @p0 $0x1  }
0x13: {  	[smem:$0x3FB7] =	sst s0;
	s0 =	simm.s32 @!p1 $0x0  }
0x14: {  	s2 =	sld [smem:$0x3F9B];
	s0 =	simm.s32 @p1 $0x1  }
0x15: {  	[smem:$0x3FB8] =	sst s0;
	s0 =	simm.s32 @!p2 $0x0  }
0x16: {  	s3 =	sld [smem:$0x3FDB];
	s0 =	simm.s32 @p2 $0x1  }
0x17: {  	s4 =	simm.s32 $0x1BF5;
	[smem:$0x3FBA] =	sst s0  }
0x18: {  	s0 =	sld [smem:$0x3F9D];
	_ =	swait.ge [sflag:s4], $0x0  }
0x19: {  	s7 =	sld [smem:$0x3F9E]  }
0x1a: {  	s8 =	sadd.s32 $0xFFFFE003, lr  }
0x1b: {  	s9 =	sadd.s32 $0xFFFFFEF7, lr;
	s5 =	simm.s32 $0xFFFFFFFF;
	p2 =	slt.u32 s8, $0xFFFFF086  }
0x1c: {  	p1 =	slt.u32 s9, $0xF7A;
	s5 =	simm.s32 @!p2 $0x0  }
0x1d: {  	s5 =	simm.s32 @p1 $0x1;
	p0 =	seq.s32 s7, s2  }
0x1e: {  	s7 =	smul.u32 @!p0 $0xF7A, s2;
	p2 =	seq.s32 @!p0 s5, $0x0  }
0x1f: {  	s9 =	smul.u32 $0xF7A, s1;
	s8 =	simm.s32 @!p0 $0x1BF5;
	p2 =	por !p2, p0  }
0x20: {  	[sflag:s8] =	ssyncset.s32 @!p0 $0xFFFFF086;
	s6 =	sadd.s32 @!p0 s3, s7;
	s7 =	simm.s32 @!p0 $0x108  }
0x21: {  	s3 =	sadd.s32 s3, s9;
	s6 =	sadd.s32 @!p0 $0x88, s6;
	s7 =	simm.s32 @p2 $0x1082  }
0x22: {  	[simem:s7], [sflag:s8] =	dma.local @!p0 [hbm:s6], $0xF7A  }
0x23: {  	s9 =	sor.u32 $0xD0000000, s2;
	s6 =	simm.s32 $0x108;
	_ =	swait.ge @!p0 [sflag:s8], $0x0  }
0x24: {  	s3 =	sadd.s32 $0x88, s3;
	s6 =	simm.s32 @!p1 $0x1082;
	[sflag:s4] =	ssyncset.s32 $0xFFFFF086  }
0x25: {  	[simem:s6], [sflag:s4] =	dma.local [hbm:s3], $0xF7A  }
0x26: {  	[smem:$0x3F9E] =	sst s1;
	(tag) =	ssettag s2;
	_ =	strace s9  }
0x27: {  	s1 =	sld [smem:$0x3FAE]  }
0x28: {  	s2 =	sld [smem:$0x3FAF]  }
0x29: {  	s4 =	sld [smem:$0x3FB1]  }
0x2a: {  	p0 =	seq.s32 s5, $0x0;
	s5 =	sld [smem:$0x3FB2]  }
0x2b: {  	s6 =	sld [smem:$0x3FB3]  }
0x2c: {  	s7 =	sld [smem:$0x3FB4]  }
0x2d: {  	s3 =	simm.s32 $0x108;
	s8 =	sld [smem:$0x3FB5]  }
0x2e: {  	s3 =	simm.s32 @!p0 $0x1082;
	s9 =	sld [smem:$0x3FB6]  }
0x2f: {  	lr =	sadd.s32 s0, s3;
	s0 =	sld [smem:$0x3FAD]  }
0x30: {  	s3 =	sld [smem:$0x3FB0]  }
0x31: {  	[smem:$0x3FB9] =	sst s10  }
0x32: {  	s10 =	sld [smem:$0x3FB7];
	_ =	sdelay $0x3  }
0x33: {  	p0 =	seq.s32 s10, $0x1;
	s10 =	sld [smem:$0x3FB9];
	_ =	sdelay $0x3  }
0x34: {  	[smem:$0x3FB9] =	sst s10  }
0x35: {  	s10 =	sld [smem:$0x3FB8];
	_ =	sdelay $0x3  }
0x36: {  	p1 =	seq.s32 s10, $0x1;
	s10 =	sld [smem:$0x3FB9];
	_ =	sdelay $0x3  }
0x37: {  	[smem:$0x3FB9] =	sst s10  }
0x38: {  	s10 =	sld [smem:$0x3FBA]  }
0x39: {  	_ = 	snop;
	(pc) =	sbr.ind lr, $3  }
0x3a: {  	_ = 	snop  }
0x3b: {  	_ = 	snop  }
0x3c: {  	p2 =	seq.s32 s10, $0x1;
	s10 =	sld [smem:$0x3FB9]  }
0x3d: {  	_ =	shalt  }
0x3e: {  	_ =	shalt  }
0x3f: {  	_ =	shalt  }
0x40: {  	_ =	shalt  }
0x41: {  	_ =	shalt  }
0x42: {  	_ =	shalt  }
0x43: {  	_ =	shalt  }
0x44: {  	_ =	shalt  }
0x45: {  	_ =	shalt  }
0x46: {  	_ =	shalt  }
0x47: {  	_ =	shalt  }
0x48: {  	_ =	shalt  }
0x49: {  	_ =	shalt  }
0x4a: {  	_ =	shalt  }
0x4b: {  	_ =	shalt  }
0x4c: {  	_ =	shalt  }
0x4d: {  	_ =	shalt  }
0x4e: {  	_ =	shalt  }
0x4f: {  	_ =	shalt  }
0x50: {  	_ =	shalt  }
0x51: {  	_ =	shalt  }
0x52: {  	_ =	shalt  }
0x53: {  	_ =	shalt  }
0x54: {  	_ =	shalt  }
0x55: {  	_ =	shalt  }
0x56: {  	_ =	shalt  }
0x57: {  	_ =	shalt  }
0x58: {  	_ =	shalt  }
0x59: {  	_ =	shalt  }
0x5a: {  	_ =	shalt  }
0x5b: {  	_ =	shalt  }
0x5c: {  	_ =	shalt  }
0x5d: {  	_ =	shalt  }
0x5e: {  	_ =	shalt  }
0x5f: {  	_ =	shalt  }
0x60: {  	_ =	shalt  }
0x61: {  	_ =	shalt  }
0x62: {  	_ =	shalt  }
0x63: {  	_ =	shalt  }
0x64: {  	_ =	shalt  }
0x65: {  	_ =	shalt  }
0x66: {  	_ =	shalt  }
0x67: {  	_ =	shalt  }
0x68: {  	_ =	shalt  }
0x69: {  	_ =	shalt  }
0x6a: {  	_ =	shalt  }
0x6b: {  	_ =	shalt  }
0x6c: {  	_ =	shalt  }
0x6d: {  	_ =	shalt  }
0x6e: {  	_ =	shalt  }
0x6f: {  	_ =	shalt  }
0x70: {  	_ =	shalt  }
0x71: {  	_ =	shalt  }
0x72: {  	_ =	shalt  }
0x73: {  	_ =	shalt  }
0x74: {  	_ =	shalt  }
0x75: {  	_ =	shalt  }
0x76: {  	_ =	shalt  }
0x77: {  	_ =	shalt  }
0x78: {  	_ =	shalt  }
0x79: {  	_ =	shalt  }
0x7a: {  	_ =	shalt  }
0x7b: {  	_ =	shalt  }
0x7c: {  	_ =	shalt  }
0x7d: {  	_ =	shalt  }
0x7e: {  	_ =	shalt  }
0x7f: {  	_ =	shalt  }
0x80: {  	_ =	shalt  }
0x81: {  	_ =	shalt  }
0x82: {  	_ =	shalt  }
0x83: {  	_ =	shalt  }
0x84: {  	_ =	shalt  }
0x85: {  	_ =	shalt  }
0x86: {  	_ =	shalt  }
0x87: {  	_ =	shalt  }
.Lfunc_end0:
.L_simem_size_0:
called_computation_lowered:
.L_overlay_start_0:
0x88: {  	s2 =	sld [smem:$0x3FD9]  }
0x89: {  	s3 =	sld [smem:$0x3FFE];
	_ =	sdelay $0x1  }
0x8a: {  	s1 =	srdreg.scid  }
0x8b: {  	s0 =	sand.u32 $0x1, s1  }
0x8c: {  	s14 =	sshll.u32 s0, $0xA;
	s2 =	sadd.s32 s3, s2  }
0x8d: {  	s2 =	sadd.s32 s2, s14  }
0x8e: {  	[smem:$0x3FC5] =	sst s2  }
0x8f: {  	_ = 	snop  }
0x90: {  	s2 =	sld [smem:$0x3FD0];
	_ =	sdelay $0x2  }
0x91: {  	s4 =	simm.s32 $0xA;
	s5 =	simm.s32 $0x10;
	s15 =	sld [smem:$0x3FC8]  }
0x92: {  	[smem:s5], [sflag:s4] =	dma.local [hbm:s2], $0x1  }
0x93: {  	_ =	swait.eq [sflag:s4], $0x1  }
0x94: {  	[sflag:s4] =	ssyncset.done $0x0  }
0x95: {  	[sflag:s4] =	ssyncadd.s32 $0xFFFFFFFF  }
0x96: {  	s16 =	sld [smem:$0x11];
	(tm) =	ssettm $0x1  }
0x97: {  	s17 =	sld [smem:$0x3FFB];
	_ =	sdelay $0x3  }
0x98: {  	_ =	strace s17  }
0x99: {  	s4 =	sld [smem:$0x3FFC];
	_ =	sdelay $0x3  }
0x9a: {  	_ =	strace s4  }
0x9b: {  	s4 =	sld [smem:$0x3FFD];
	_ =	sdelay $0x3  }
0x9c: {  	_ =	strace s4  }
0x9d: {  	_ =	strace $0x8FFFFFFF  }
0x9e: {  	s18 =	sld [smem:$0x3FDB];
	_ =	sdelay $0x1  }
0x9f: {  	s19 =	simm.s32 $_scs_section_size  }
0xa0: {  	s6 =	simm.s32 $_size__tile_overlayer_lowered;
	s7 =	simm.s32 $_tile_overlayer_lowered  }
0xa1: {  	s22 =	simm.s32 $0x1BFF;
	s21 =	sshll.u32 s7, $0x1;
	s4 =	sadd.s32 s19, s18  }
0xa2: {  	s8 =	simm.s32 $0x0;
	s20 =	sshll.u32 s6, $0x1;
	s6 =	sadd.s32 s21, s4  }
0xa3: {  	[timem:s8], [sflag:s22] =	dma.local [hbm:s6], s20  }
0xa4: {  	_ =	swait.ge [sflag:s22], s20  }
0xa5: {  	s5 =	ssub.s32 $0x0, s20;
	[sflag:s22] =	ssyncset.done $0x0  }
0xa6: {  	[sflag:s22] =	ssyncadd.s32 s5;
	_ =	sdelay $0x1  }
0xa7: {  	s23 =	simm.s32 $0x1B8B  }
0xa8: {  	_ =	swait.ge [sflag:s23], $0x1  }
0xa9: {  	[sflag:s23] =	ssyncset.done $0x0  }
0xaa: {  	s25 =	simm.s32 $0x1B8E;
	s24 =	sld [smem:$0x3FFE];
	[sflag:s23] =	ssyncadd.s32 $0xFFFFFFFF  }
0xab: {  	s26 =	simm.s32 $execute0_lowered;
	[smem:$0x3FD2] =	sst s25  }
0xac: {  	s6 =	sshll.u32 s26, $0x1;
	_ =	strace $0x80000046;
	[dreg:$0x1] =	wrdreg $0xFFFFFFFF  }
0xad: {  	s28 =	simm.s32 $_size_execute0_lowered;
	s4 =	sadd.s32 s4, s6;
	[dreg:$0x0] =	wrdreg $0x0  }
0xae: {  	s6 =	sshll.u32 s28, $0x1;
	[dreg:$0x2] =	wrdreg s4  }
0xaf: {  	[dreg:$0x3] =	wrdreg s6  }
0xb0: {  	[dreg:$0x4] =	wrdreg $0xC0  }
0xb1: {  	_ =	task [dreg:s8], $0x5FFFF  }
0xb2: {  	[dreg:$0x1] =	wrdreg $0xFFFFFFFF  }
0xb3: {  	[dreg:$0x0] =	wrdreg $0x60  }
0xb4: {  	[dreg:$0x2] =	wrdreg s15  }
0xb5: {  	[dreg:$0x3] =	wrdreg s24  }
0xb6: {  	[dreg:$0x4] =	wrdreg s16  }
0xb7: {  	[dreg:$0x5] =	wrdreg $0x9  }
0xb8: {  	_ =	task.clear_ibuf [dreg:s8], $0x6FFFF;
	_ =	strace $0x90000046  }
0xb9: {  	s29 =	simm.s32 $0x9;
	_ =	strace $0x80000048  }
0xba: {  	_ =	swait.ge [sflag:s29], $0x1  }
0xbb: {  	[sflag:s29] =	ssyncadd.s32 $0xFFFFFFFF  }
0xbc: {  	_ =	strace $0x90000048  }
0xbd: {  	_ =	sfence  }
0xbe: {  	s30 =	sld [smem:$0x0];
	_ =	sdelay $0x2  }
0xbf: {  	s31 =	sshll.u32 s1, $0xD;
	s1 =	sshrl.u32 s1, $0x2  }
0xc0: {  	s3 =	sand.u32 $0x4000, s31;
	s1 =	sadd.s32 s1, s30  }
0xc1: {  	s0 =	sor.u32 s3, s0;
	s1 =	sshll.u32 s1, $0x11  }
0xc2: {  	s0 =	sor.u32 s1, s0  }
0xc3: {  	s0 =	sadd.s32 $0x8F2B, s0  }
0xc4: {  	[sflag:s0] =	ssyncadd.remote.s32 $0x1  }
0xc5: {  	_ =	sfence.sel $0xFFFF  }
0xc6: {  	[dreg:$0x0] =	wrdreg $0xFFFFFFFF;
	(pc) =	sbr.abs _section_cstart, $3  }
0xc7: {  	[dreg:$0x1] =	wrdreg $0xFFFFFFFF  }
0xc8: {  	_ =	task.clear_ibuf [dreg:s8], $0x2FFFF;
	_ =	strace $0x9FFFFFFF  }
0xc9: {  	(tm) =	ssettm $0x7FFFFFFF  }
tec
execute0_lowered:
.L_overlay_start_1:
0x0: {  	(tag) =	ssettag $0x1  }
0x1: {  	s1 =	rddreg [dreg:$0x0]  }
0x2: {  	s0 =	rddreg [dreg:$0x1]  }
0x3: {  	s3 =	rddreg [dreg:$0x2]  }
0x4: {  	s2 =	srdreg.scid;
	s5 =	stileid.u32;
	s4 =	simm.s32 $0x0  }
0x5: {  	s11 =	simm.s32 $0x6;
	s19 =	simm.s32 $0x8180;
	s21 =	simm.s32 $0x2  }
0x6: {  	s23 =	simm.s32 $0x3;
	s2 =	sand.u32 $0x1, s2;
	s5 =	sshll.u32 s5, $0x1  }
0x7: {  	[smem:$0x7FF] =	sst s4;
	s6 =	sor.u32 s2, s5;
	s2 =	ssub.s32 $0x2, s2  }
0x8: {  	_ =	strace $0x80000047;
	s5 =	sshll.u32 s6, $0x5;
	s8 =	sshrl.u32 s2, $0x1  }
0x9: {  	s7 =	sadd.s32 s5, s0;
	s5 =	sadd.s32 $0x1C00, s0;
	s0 =	sadd.s32 $0x1C10, s0  }
0xa: {  	s30 =	sshll.u32 s6, $0xB;
	s7 =	sadd.s32 $0x800, s7;
	[dreg:$0x7] =	wrdreg s0  }
0xb: {  	s2 =	ssub.s32 s2, s8;
	s31 =	sadd.s32 s5, s30;
	[dreg:$0x4] =	wrdreg s7  }
0xc: {  	s24 =	simm.s32 $0x5;
	s2 =	smax.u32 s2, $0x1;
	[dreg:$0x5] =	wrdreg s31  }
0xd: {  	s7 =	sshll.u32 s6, $0x7;
	[dreg:$0x6] =	wrdreg s2;
	s2 =	simm.s32 $0x0  }
.LBB2_1:
0xe: {  	[dreg:$0x8] =	wrdreg s2  }
0xf: {  	s0 =	rddreg [dreg:$0x4]  }
0x10: {  	[tilespmem:s4], [sflag:$0x6] =	stream.linear.gather [hbm4b:s0+s4], $0x100, $0x38;
	[tilespmem:$0x14200] =	vst v63  }
0x11: {  	_ =	swait.ge [sflag:s11], $0x100  }
0x12: {  	s20 =	simm.s32 $0x80;
	[sflag:s11] =	ssyncset.done $0x0  }
0x13: {  	s22 =	simm.s32 $0x100;
	s25 =	simm.s32 $0x1;
	[sflag:s11] =	ssyncadd.s32 $0xFFFFFF00  }
0x14: {  	[tilespmem:s22], [sflag:$0x1] =	stream.indirect.gather [hbm4b:s1+s20], $0x80, s4, s20, $0xb8;
	[tilespmem:$0x14200] =	vst v63  }
0x15: {  	_ =	swait.ge [sflag:s25], $0x4000  }
0x16: {  	[sflag:s25] =	ssyncset.done $0x0  }
0x17: {  	s6 =	simm.s32 $0x4100;
	[sflag:s25] =	ssyncadd.s32 $0xFFFFC000  }
0x18: {  	[tilespmem:s6], [sflag:$0x1] =	stream.indirect.gather [hbm4b:s1+s20], $0x80, s20, s20, $0xb8;
	[tilespmem:$0x14200] =	vst v63  }
0x19: {  	_ =	swait.ge [sflag:s25], $0x4000  }
0x1a: {  	[sflag:s25] =	ssyncset.done $0x0  }
0x1b: {  	s28 =	simm.s32 $0x8100;
	s26 =	rddreg [dreg:$0x5];
	[sflag:s25] =	ssyncadd.s32 $0xFFFFC000  }
0x1c: {  	[tilespmem:s28], [sflag:$0x6] =	stream.linear.gather [hbm4b:s26+s4], $0x80, $0x38;
	[tilespmem:$0x14200] =	vst v63  }
0x1d: {  	_ =	swait.ge [sflag:s11], $0x80  }
0x1e: {  	s30 =	simm.s32 $0x40;
	[sflag:s11] =	ssyncset.done $0x0  }
0x1f: {  	s31 =	simm.s32 $0x8200;
	s29 =	simm.s32 $0x0;
	[sflag:s11] =	ssyncadd.s32 $0xFFFFFF80  }
0x20: {  	[tilespmem:s31], [sflag:$0x2] =	stream.indirect.gather [hbm4b:s1+s30], $0x80, s28, s30, $0xb8;
	[tilespmem:$0x14200] =	vst v63  }
.LBB2_2:
0x21: {  	s0 =	sshll.u32 s29, $0x1  }
0x22: {  	s17 =	sshll.u32 s29, $0x5;
	s31 =	sor.u32 s7, s0  }
0x23: {  	s0 =	sand.u32 $0x60, s17;
	s2 =	sshll.u32 s31, $0x4  }
0x24: {  	s0 =	sadd.s32 s0, s5;
	s2 =	sand.u32 $0xFFFFF80, s2  }
0x25: {  	s0 =	sadd.s32 s2, s0  }
0x26: {  	s0 =	sadd.s32 $0x10, s0  }
0x27: {  	[tilespmem:s19], [sflag:$0x6] =	stream.linear.gather [hbm4b:s0+s4], $0x80, $0x38;
	[tilespmem:$0x14200] =	vst v63  }
0x28: {  	_ =	swait.ge [sflag:s11], $0x80  }
0x29: {  	s18 =	simm.s32 $0x40;
	s22 =	sshll.u32 s29, $0x9;
	[sflag:s11] =	ssyncset.done $0x0  }
0x2a: {  	s20 =	simm.s32 $0xA200;
	s0 =	sand.u32 $0x3FFFFE00, s22;
	[sflag:s11] =	ssyncadd.s32 $0xFFFFFF80  }
0x2b: {  	[tilespmem:s20], [sflag:$0x3] =	stream.indirect.gather [hbm4b:s1+s18], $0x80, s19, s18, $0xb8;
	[tilespmem:$0x14200] =	vst v63  }
0x2c: {  	s0 =	sor.u32 $0x100, s0;
	_ =	swait.ge [sflag:s21], $0x2000  }
0x2d: {  	p0 =	seq.s32 s29, $0x0;
	v0 =	vmov s0;
	[sflag:s21] =	ssyncset.done $0x0  }
0x2e: {  	s0 =	simm.s32 @!p0 $0x4;
	[sflag:s21] =	ssyncadd.s32 $0xFFFFE000  }
0x2f: {  	_ =	swait.ge @!p0 [sflag:s0], $0x4000  }
0x30: {  	s25 =	simm.s32 $0x0;
	[sflag:s0] =	ssyncset.done @!p0 $0x0  }
0x31: {  	s10 =	sand.u32 $0x80, s25;
	[sflag:s0] =	ssyncadd.s32 @!p0 $0xFFFFC000  }
0x32: {  	s18 =	simm.s32 $0x8280;
	v1 =	vld.idx.msk [tilespmem:v0+s10+$0x0 ss:$0x1], $0xffff  }
0x33: {  	v2 =	vld [tilespmem:s18+$0x0];
	_ =	sdelay $0x2  }
0x34: {  	s6 =	simm.s32 $0x80;
	s26 =	sand.u32 $0x3800, s25  }
0x35: {  	s6 =	sand.u32 $0x380, s6;
	s0 =	sor.u32 $0xC200, s26  }
0x36: {  	s30 =	sadd.s32 s6, s0;
	v2 =	vsub.f32 v2, v1  }
0x37: {  	[tilespmem:s30+$0x400] =	vst v1  }
0x38: {  	[tilespmem:s30+$0x0] =	vst v2  }
0x39: {  	v2 =	vld.idx.msk [tilespmem:v0+s10+$0x10 ss:$0x1], $0xffff  }
0x3a: {  	v3 =	vld [tilespmem:s18+$0x10];
	_ =	sdelay $0x1  }
0x3b: {  	v4 =	vld [tilespmem:s18+$0xFFFFFF80];
	_ =	sdelay $0x2  }
0x3c: {  	v3 =	vsub.f32 v3, v2  }
0x3d: {  	s2 =	sand.u32 $0x300, s25;
	[tilespmem:s30+$0x410] =	vst v2  }
0x3e: {  	s0 =	sadd.s32 s2, s0;
	v2 =	vsub.f32 v4, v1;
	[tilespmem:s30+$0x10] =	vst v3  }
0x3f: {  	[tilespmem:s0+$0x400] =	vst v1;
	v3 =	vld.idx.msk [tilespmem:v0+s10+$0x20 ss:$0x1], $0xffff  }
0x40: {  	[tilespmem:s0+$0x0] =	vst v2;
	v2 =	vld [tilespmem:s18+$0x20]  }
0x41: {  	v1 =	vld.idx.msk [tilespmem:v0+s10+$0x10 ss:$0x1], $0xffff  }
0x42: {  	v4 =	vld [tilespmem:s18+$0xFFFFFF90];
	_ =	sdelay $0x2  }
0x43: {  	v2 =	vsub.f32 v2, v3  }
0x44: {  	[tilespmem:s30+$0x420] =	vst v3  }
0x45: {  	[tilespmem:s30+$0x20] =	vst v2;
	v2 =	vsub.f32 v4, v1  }
0x46: {  	[tilespmem:s0+$0x410] =	vst v1;
	v3 =	vld.idx.msk [tilespmem:v0+s10+$0x30 ss:$0x1], $0xffff  }
0x47: {  	v1 =	vld [tilespmem:s18+$0x30];
	[tilespmem:s0+$0x10] =	vst v2  }
0x48: {  	s8 =	simm.s32 $0x8;
	v2 =	vld.idx.msk [tilespmem:v0+s10+$0x20 ss:$0x1], $0xffff  }
0x49: {  	s13 =	sand.u32 $0x80, s8;
	v4 =	vld [tilespmem:s18+$0xFFFFFFA0]  }
0x4a: {  	v5 =	vld.idx.msk [tilespmem:v0+s13+$0x0 ss:$0x1], $0xffff;
	s2 =	simm.s32 $0x8380  }
0x4b: {  	v6 =	vld [tilespmem:s2+$0x0]  }
0x4c: {  	v1 =	vsub.f32 v1, v3  }
0x4d: {  	s9 =	simm.s32 $0x200;
	v7 =	vld [tilespmem:s2+$0xFFFFFF80];
	[tilespmem:s30+$0x430] =	vst v3  }
0x4e: {  	s8 =	simm.s32 $0x180;
	s6 =	sand.u32 $0x3800, s9;
	[tilespmem:s30+$0x30] =	vst v1;
	v1 =	vsub.f32 v4, v2  }
0x4f: {  	s8 =	sand.u32 $0x380, s8;
	s6 =	sor.u32 $0xC200, s6;
	[tilespmem:s0+$0x420] =	vst v2;
	v3 =	vld.idx.msk [tilespmem:v0+s10+$0x40 ss:$0x1], $0xffff  }
0x50: {  	s9 =	simm.s32 $0x100;
	s15 =	sadd.s32 s8, s6;
	v2 =	vld [tilespmem:s18+$0x40];
	[tilespmem:s0+$0x20] =	vst v1;
	v1 =	vsub.f32 v6, v5  }
0x51: {  	s12 =	sand.u32 $0x300, s9;
	[tilespmem:s15+$0x400] =	vst v5;
	v4 =	vld.idx.msk [tilespmem:v0+s10+$0x30 ss:$0x1], $0xffff  }
0x52: {  	s12 =	sadd.s32 s12, s6;
	v6 =	vsub.f32 v7, v5;
	v7 =	vld [tilespmem:s18+$0xFFFFFFB0];
	[tilespmem:s15+$0x0] =	vst v1  }
0x53: {  	[tilespmem:s12+$0x400] =	vst v5;
	v1 =	vld.idx.msk [tilespmem:v0+s13+$0x10 ss:$0x1], $0xffff  }
0x54: {  	[tilespmem:s12+$0x0] =	vst v6;
	v5 =	vld [tilespmem:s2+$0x10]  }
0x55: {  	v6 =	vld.idx.msk [tilespmem:v0+s13+$0x10 ss:$0x1], $0xffff;
	v2 =	vsub.f32 v2, v3  }
0x56: {  	[tilespmem:s30+$0x440] =	vst v3;
	v3 =	vld [tilespmem:s2+$0xFFFFFF90]  }
0x57: {  	[tilespmem:s30+$0x40] =	vst v2;
	v2 =	vsub.f32 v7, v4  }
0x58: {  	[tilespmem:s0+$0x430] =	vst v4;
	v7 =	vld.idx.msk [tilespmem:v0+s10+$0x50 ss:$0x1], $0xffff  }
0x59: {  	v4 =	vld [tilespmem:s18+$0x50];
	[tilespmem:s0+$0x30] =	vst v2;
	v2 =	vsub.f32 v5, v1  }
0x5a: {  	[tilespmem:s15+$0x410] =	vst v1;
	v5 =	vld.idx.msk [tilespmem:v0+s10+$0x40 ss:$0x1], $0xffff  }
0x5b: {  	v1 =	vld [tilespmem:s18+$0xFFFFFFC0];
	v3 =	vsub.f32 v3, v6;
	[tilespmem:s15+$0x10] =	vst v2  }
0x5c: {  	v2 =	vld.idx.msk [tilespmem:v0+s13+$0x20 ss:$0x1], $0xffff  }
0x5d: {  	[tilespmem:s12+$0x10] =	vst v3;
	v3 =	vld [tilespmem:s2+$0x20]  }
0x5e: {  	[tilespmem:s12+$0x410] =	vst v6;
	v4 =	vsub.f32 v4, v7  }
0x5f: {  	v6 =	vld.idx.msk [tilespmem:v0+s13+$0x20 ss:$0x1], $0xffff;
	[tilespmem:s30+$0x450] =	vst v7  }
0x60: {  	v7 =	vld [tilespmem:s2+$0xFFFFFFA0];
	[tilespmem:s30+$0x50] =	vst v4;
	v1 =	vsub.f32 v1, v5  }
0x61: {  	[tilespmem:s0+$0x440] =	vst v5;
	v4 =	vld.idx.msk [tilespmem:v0+s10+$0x60 ss:$0x1], $0xffff  }
0x62: {  	v5 =	vld [tilespmem:s18+$0x60];
	[tilespmem:s0+$0x40] =	vst v1;
	v1 =	vsub.f32 v3, v2  }
0x63: {  	[tilespmem:s15+$0x420] =	vst v2;
	v3 =	vld.idx.msk [tilespmem:v0+s10+$0x50 ss:$0x1], $0xffff  }
0x64: {  	v2 =	vld [tilespmem:s18+$0xFFFFFFD0];
	[tilespmem:s15+$0x20] =	vst v1  }
0x65: {  	v7 =	vsub.f32 v7, v6;
	v1 =	vld.idx.msk [tilespmem:v0+s13+$0x30 ss:$0x1], $0xffff  }
0x66: {  	s26 =	simm.s32 $0x8480;
	[tilespmem:s12+$0x420] =	vst v6;
	v6 =	vld [tilespmem:s2+$0x30]  }
0x67: {  	s14 =	simm.s32 $0x10;
	v9 =	vld [tilespmem:s26+$0x0];
	[tilespmem:s12+$0x20] =	vst v7;
	v5 =	vsub.f32 v5, v4  }
0x68: {  	s6 =	sand.u32 $0x80, s14;
	v7 =	vld.idx.msk [tilespmem:v0+s13+$0x30 ss:$0x1], $0xffff;
	[tilespmem:s30+$0x460] =	vst v4  }
0x69: {  	v4 =	vld.idx.msk [tilespmem:v0+s6+$0x0 ss:$0x1], $0xffff;
	[tilespmem:s30+$0x60] =	vst v5  }
0x6a: {  	[tilespmem:s0+$0x450] =	vst v3;
	v2 =	vsub.f32 v2, v3;
	v3 =	vld [tilespmem:s26+$0xFFFFFF80]  }
0x6b: {  	v5 =	vld.idx.msk [tilespmem:v0+s10+$0x70 ss:$0x1], $0xffff;
	v6 =	vsub.f32 v6, v1  }
0x6c: {  	s14 =	simm.s32 $0x400;
	v8 =	vld [tilespmem:s18+$0x70];
	[tilespmem:s15+$0x430] =	vst v1  }
0x6d: {  	s17 =	simm.s32 $0x280;
	s16 =	sand.u32 $0x3800, s14;
	v1 =	vld [tilespmem:s2+$0xFFFFFFB0];
	[tilespmem:s15+$0x30] =	vst v6  }
0x6e: {  	s28 =	simm.s32 $0x200;
	s22 =	sand.u32 $0x380, s17;
	s20 =	sor.u32 $0xC200, s16;
	[tilespmem:s0+$0x50] =	vst v2;
	v2 =	vld.idx.msk [tilespmem:v0+s13+$0x40 ss:$0x1], $0xffff  }
0x6f: {  	s25 =	sand.u32 $0x300, s28;
	s8 =	sadd.s32 s22, s20;
	[tilespmem:s12+$0x430] =	vst v7;
	v6 =	vld [tilespmem:s2+$0x40]  }
0x70: {  	s9 =	sadd.s32 s25, s20;
	v9 =	vsub.f32 v9, v4;
	[tilespmem:s8+$0x400] =	vst v4  }
0x71: {  	v10 =	vld.idx.msk [tilespmem:v0+s10+$0x60 ss:$0x1], $0xffff;
	[tilespmem:s9+$0x400] =	vst v4;
	v3 =	vsub.f32 v3, v4  }
0x72: {  	v11 =	vld [tilespmem:s18+$0xFFFFFFE0];
	[tilespmem:s8+$0x0] =	vst v9;
	v8 =	vsub.f32 v8, v5  }
0x73: {  	v4 =	vld [tilespmem:s26+$0x10];
	[tilespmem:s9+$0x0] =	vst v3  }
0x74: {  	v3 =	vld.idx.msk [tilespmem:v0+s6+$0x10 ss:$0x1], $0xffff;
	[tilespmem:s30+$0x70] =	vst v8;
	v6 =	vsub.f32 v6, v2  }
0x75: {  	v1 =	vsub.f32 v1, v7;
	v7 =	vld.idx.msk [tilespmem:v0+s6+$0x10 ss:$0x1], $0xffff;
	[tilespmem:s15+$0x440] =	vst v2  }
0x76: {  	v2 =	vld [tilespmem:s26+$0xFFFFFF90];
	[tilespmem:s15+$0x40] =	vst v6  }
0x77: {  	[tilespmem:s0+$0x460] =	vst v10;
	v8 =	vld.idx.msk [tilespmem:v0+s13+$0x50 ss:$0x1], $0xffff  }
0x78: {  	[tilespmem:s12+$0x30] =	vst v1;
	v6 =	vsub.f32 v11, v10;
	v9 =	vld [tilespmem:s2+$0x50]  }
0x79: {  	v1 =	vsub.f32 v4, v3;
	v4 =	vld.idx.msk [tilespmem:v0+s13+$0x40 ss:$0x1], $0xffff;
	[tilespmem:s8+$0x410] =	vst v3  }
0x7a: {  	v3 =	vld [tilespmem:s2+$0xFFFFFFC0];
	[tilespmem:s0+$0x60] =	vst v6  }
0x7b: {  	[tilespmem:s8+$0x10] =	vst v1;
	v2 =	vsub.f32 v2, v7;
	v1 =	vld.idx.msk [tilespmem:v0+s10+$0x70 ss:$0x1], $0xffff  }
0x7c: {  	[tilespmem:s9+$0x410] =	vst v7;
	v6 =	vld.idx.msk [tilespmem:v0+s6+$0x20 ss:$0x1], $0xffff  }
0x7d: {  	v7 =	vld [tilespmem:s26+$0x20];
	[tilespmem:s9+$0x10] =	vst v2;
	v2 =	vsub.f32 v9, v8  }
0x7e: {  	v9 =	vld.idx.msk [tilespmem:v0+s6+$0x20 ss:$0x1], $0xffff;
	[tilespmem:s15+$0x450] =	vst v8  }
0x7f: {  	v3 =	vsub.f32 v3, v4;
	v8 =	vld [tilespmem:s26+$0xFFFFFFA0];
	[tilespmem:s15+$0x50] =	vst v2  }
0x80: {  	[tilespmem:s12+$0x440] =	vst v4;
	v2 =	vld.idx.msk [tilespmem:v0+s13+$0x60 ss:$0x1], $0xffff  }
0x81: {  	[tilespmem:s12+$0x40] =	vst v3;
	v10 =	vld [tilespmem:s2+$0x60]  }
0x82: {  	[tilespmem:s30+$0x470] =	vst v5;
	v3 =	vsub.f32 v7, v6;
	v4 =	vld.idx.msk [tilespmem:v0+s13+$0x50 ss:$0x1], $0xffff  }
0x83: {  	[tilespmem:s8+$0x420] =	vst v6;
	v5 =	vld [tilespmem:s2+$0xFFFFFFD0]  }
0x84: {  	[tilespmem:s8+$0x20] =	vst v3;
	v3 =	vld [tilespmem:s18+$0xFFFFFFF0];
	v6 =	vsub.f32 v8, v9  }
0x85: {  	s20 =	simm.s32 $0x18;
	[tilespmem:s9+$0x420] =	vst v9;
	v7 =	vld.idx.msk [tilespmem:v0+s6+$0x30 ss:$0x1], $0xffff  }
0x86: {  	s30 =	sshllo.u32 s29, $0x1;
	s10 =	simm.s32 $0x4;
	s18 =	simm.s32 $0x8480;
	v8 =	vld [tilespmem:s26+$0x30];
	[tilespmem:s9+$0x20] =	vst v6;
	v6 =	vsub.f32 v10, v2  }
.LBB2_3:
0x87: {  	s22 =	sand.u32 $0x80, s20;
	v9 =	vld.idx.msk [tilespmem:v0+s6+$0x30 ss:$0x1], $0xffff;
	[tilespmem:s15+$0x460] =	vst v2  }
0x88: {  	v2 =	vld.idx.msk [tilespmem:v0+s22+$0x0 ss:$0x1], $0xffff;
	v5 =	vsub.f32 v5, v4;
	[tilespmem:s15+$0x60] =	vst v6  }
0x89: {  	s10 =	sadd.s32 $0x2, s10;
	[tilespmem:s12+$0x450] =	vst v4;
	v6 =	vld.idx.msk [tilespmem:v0+s13+$0x70 ss:$0x1], $0xffff;
	v3 =	vsub.f32 v3, v1  }
0x8a: {  	s26 =	sadd.s32 $0x100, s26;
	p1 =	slt.u32 s10, $0x3E;
	[tilespmem:s12+$0x50] =	vst v5;
	v4 =	vld [tilespmem:s2+$0x70]  }
0x8b: {  	v5 =	vld [tilespmem:s26+$0x0];
	v8 =	vsub.f32 v8, v7;
	[tilespmem:s0+$0x70] =	vst v3  }
0x8c: {  	s14 =	sadd.s32 $0x200, s14;
	s28 =	sadd.s32 $0x100, s28;
	v3 =	vld [tilespmem:s26+$0xFFFFFF80];
	[tilespmem:s8+$0x430] =	vst v7  }
0x8d: {  	s25 =	sand.u32 $0x3800, s14;
	s16 =	sand.u32 $0x300, s28;
	s17 =	sadd.s32 $0x80, s28;
	v7 =	vld [tilespmem:s18+$0xFFFFFFB0];
	[tilespmem:s8+$0x30] =	vst v8  }
0x8e: {  	s25 =	sor.u32 $0xC200, s25;
	s17 =	sand.u32 $0x380, s17;
	[tilespmem:s9+$0x430] =	vst v9;
	v8 =	vld.idx.msk [tilespmem:v0+s6+$0x40 ss:$0x1], $0xffff  }
0x8f: {  	s16 =	sadd.s32 s16, s25;
	s25 =	sadd.s32 s17, s25;
	v10 =	vld [tilespmem:s18+$0x40];
	v4 =	vsub.f32 v4, v6;
	[tilespmem:s0+$0x470] =	vst v1;
	s0 =	smov.u32 s12  }
0x90: {  	s12 =	smov.u32 s9;
	s9 =	smov.u32 s16;
	v1 =	vsub.f32 v5, v2;
	[tilespmem:s25+$0x400] =	vst v2;
	v5 =	vld.idx.msk [tilespmem:v0+s13+$0x60 ss:$0x1], $0xffff  }
0x91: {  	v3 =	vsub.f32 v3, v2;
	v11 =	vld [tilespmem:s2+$0xFFFFFFE0];
	[tilespmem:s15+$0x70] =	vst v4  }
0x92: {  	[tilespmem:s25+$0x0] =	vst v1;
	v1 =	vsub.f32 v7, v9  }
0x93: {  	[tilespmem:s9+$0x0] =	vst v3;
	v3 =	vld.idx.msk [tilespmem:v0+s22+$0x10 ss:$0x1], $0xffff  }
0x94: {  	[tilespmem:s9+$0x400] =	vst v2;
	v2 =	vld [tilespmem:s26+$0x10];
	v4 =	vsub.f32 v10, v8  }
0x95: {  	v7 =	vld.idx.msk [tilespmem:v0+s22+$0x10 ss:$0x1], $0xffff;
	[tilespmem:s8+$0x440] =	vst v8  }
0x96: {  	v8 =	vld [tilespmem:s26+$0xFFFFFF90];
	[tilespmem:s8+$0x40] =	vst v4;
	v4 =	vsub.f32 v11, v5  }
0x97: {  	[tilespmem:s12+$0x30] =	vst v1;
	v9 =	vld.idx.msk [tilespmem:v0+s6+$0x50 ss:$0x1], $0xffff  }
0x98: {  	v10 =	vld [tilespmem:s18+$0x50];
	[tilespmem:s0+$0x60] =	vst v4  }
0x99: {  	v1 =	vsub.f32 v2, v3;
	v2 =	vld.idx.msk [tilespmem:v0+s6+$0x40 ss:$0x1], $0xffff;
	[tilespmem:s0+$0x460] =	vst v5  }
0x9a: {  	[tilespmem:s25+$0x410] =	vst v3;
	v3 =	vld [tilespmem:s18+$0xFFFFFFC0]  }
0x9b: {  	v4 =	vsub.f32 v8, v7;
	[tilespmem:s25+$0x10] =	vst v1;
	v1 =	vld.idx.msk [tilespmem:v0+s13+$0x70 ss:$0x1], $0xffff;
	s13 =	smov.u32 s6;
	s6 =	smov.u32 s22  }
0x9c: {  	[tilespmem:s9+$0x410] =	vst v7;
	v5 =	vld.idx.msk [tilespmem:v0+s6+$0x20 ss:$0x1], $0xffff  }
0x9d: {  	[tilespmem:s9+$0x10] =	vst v4;
	v4 =	vld [tilespmem:s26+$0x20];
	v7 =	vsub.f32 v10, v9  }
0x9e: {  	v8 =	vld.idx.msk [tilespmem:v0+s6+$0x20 ss:$0x1], $0xffff;
	[tilespmem:s8+$0x450] =	vst v9  }
0x9f: {  	v9 =	vld [tilespmem:s26+$0xFFFFFFA0];
	v3 =	vsub.f32 v3, v2;
	[tilespmem:s8+$0x50] =	vst v7  }
0xa0: {  	[tilespmem:s12+$0x440] =	vst v2;
	v2 =	vld.idx.msk [tilespmem:v0+s13+$0x60 ss:$0x1], $0xffff  }
0xa1: {  	[tilespmem:s12+$0x40] =	vst v3;
	v10 =	vld [tilespmem:s18+$0x60]  }
.Ltmp0:
0xa2: {  	v3 =	vsub.f32 v4, v5;
	v4 =	vld.idx.msk [tilespmem:v0+s13+$0x50 ss:$0x1], $0xffff;
	[tilespmem:s15+$0x470] =	vst v6;
	s15 =	smov.u32 s8;
	s8 =	smov.u32 s25;
	(pc) =	sbr.rel @p1 .LBB2_3-.Ltmp0, $4  }
0xa3: {  	[tilespmem:s8+$0x420] =	vst v5;
	v5 =	vld [tilespmem:s18+$0xFFFFFFD0]  }
0xa4: {  	v6 =	vsub.f32 v9, v8;
	[tilespmem:s8+$0x20] =	vst v3;
	v3 =	vld [tilespmem:s2+$0xFFFFFFF0];
	s2 =	smov.u32 s18;
	s18 =	smov.u32 s26  }
0xa5: {  	[tilespmem:s9+$0x420] =	vst v8;
	v7 =	vld.idx.msk [tilespmem:v0+s6+$0x30 ss:$0x1], $0xffff  }
0xa6: {  	s20 =	sadd.s32 $0x8, s20;
	[tilespmem:s9+$0x20] =	vst v6;
	v8 =	vld [tilespmem:s26+$0x30];
	v6 =	vsub.f32 v10, v2  }
0xa7: {  	_ =	sdelay $0x3  }
0xa8: {  	v9 =	vld.idx.msk [tilespmem:v0+s6+$0x30 ss:$0x1], $0xffff  }
0xa9: {  	v10 =	vld [tilespmem:s18+$0xFFFFFFB0];
	_ =	sdelay $0x2  }
0xaa: {  	v8 =	vsub.f32 v8, v7  }
0xab: {  	[tilespmem:s8+$0x430] =	vst v7  }
0xac: {  	v42 =	vsub.f32 v10, v9;
	[tilespmem:s8+$0x30] =	vst v8  }
0xad: {  	[tilespmem:s9+$0x430] =	vst v9;
	v8 =	vld.idx.msk [tilespmem:v0+s6+$0x40 ss:$0x1], $0xffff  }
0xae: {  	v43 =	vld [tilespmem:s18+$0x40];
	[tilespmem:s9+$0x30] =	vst v42  }
0xaf: {  	v7 =	vld.idx.msk [tilespmem:v0+s6+$0x40 ss:$0x1], $0xffff  }
0xb0: {  	v44 =	vld [tilespmem:s18+$0xFFFFFFC0];
	_ =	sdelay $0x2  }
0xb1: {  	v9 =	vsub.f32 v43, v8  }
0xb2: {  	[tilespmem:s8+$0x440] =	vst v8  }
0xb3: {  	v45 =	vsub.f32 v44, v7;
	[tilespmem:s8+$0x40] =	vst v9  }
0xb4: {  	[tilespmem:s9+$0x440] =	vst v7;
	v9 =	vld.idx.msk [tilespmem:v0+s6+$0x50 ss:$0x1], $0xffff  }
0xb5: {  	v46 =	vld [tilespmem:s18+$0x50];
	[tilespmem:s9+$0x40] =	vst v45  }
0xb6: {  	v8 =	vld.idx.msk [tilespmem:v0+s6+$0x50 ss:$0x1], $0xffff  }
0xb7: {  	v47 =	vld [tilespmem:s18+$0xFFFFFFD0]  }
0xb8: {  	v5 =	vsub.f32 v5, v4  }
0xb9: {  	[tilespmem:s12+$0x450] =	vst v4  }
0xba: {  	[tilespmem:s12+$0x50] =	vst v5;
	v48 =	vsub.f32 v46, v9  }
0xbb: {  	v5 =	vld.idx.msk [tilespmem:v0+s13+$0x60 ss:$0x1], $0xffff;
	[tilespmem:s8+$0x450] =	vst v9  }
0xbc: {  	v49 =	vld [tilespmem:s2+$0xFFFFFFE0];
	v50 =	vsub.f32 v47, v8;
	[tilespmem:s8+$0x50] =	vst v48  }
0xbd: {  	[tilespmem:s9+$0x450] =	vst v8;
	v9 =	vld.idx.msk [tilespmem:v0+s6+$0x60 ss:$0x1], $0xffff  }
0xbe: {  	v51 =	vld [tilespmem:s18+$0x60];
	[tilespmem:s9+$0x50] =	vst v50  }
0xbf: {  	[tilespmem:s15+$0x460] =	vst v2;
	v4 =	vld.idx.msk [tilespmem:v0+s6+$0x60 ss:$0x1], $0xffff  }
0xc0: {  	[tilespmem:s0+$0x470] =	vst v1;
	v52 =	vld [tilespmem:s18+$0xFFFFFFE0]  }
0xc1: {  	[tilespmem:s15+$0x60] =	vst v6;
	v53 =	vsub.f32 v49, v5  }
0xc2: {  	v6 =	vld.idx.msk [tilespmem:v0+s13+$0x70 ss:$0x1], $0xffff;
	[tilespmem:s12+$0x460] =	vst v5  }
0xc3: {  	v54 =	vld [tilespmem:s2+$0x70];
	[tilespmem:s12+$0x60] =	vst v53;
	v55 =	vsub.f32 v51, v9  }
0xc4: {  	v56 =	vld.idx.msk [tilespmem:v0+s13+$0x70 ss:$0x1], $0xffff;
	[tilespmem:s8+$0x460] =	vst v9  }
0xc5: {  	v58 =	vld [tilespmem:s2+$0xFFFFFFF0];
	v57 =	vsub.f32 v52, v4;
	[tilespmem:s8+$0x60] =	vst v55  }
0xc6: {  	v3 =	vsub.f32 v3, v1;
	[tilespmem:s9+$0x460] =	vst v4;
	v5 =	vld.idx.msk [tilespmem:v0+s6+$0x70 ss:$0x1], $0xffff  }
0xc7: {  	[tilespmem:s9+$0x60] =	vst v57;
	v59 =	vld [tilespmem:s18+$0x70]  }
0xc8: {  	[tilespmem:s0+$0x70] =	vst v3;
	v2 =	vsub.f32 v54, v6;
	v60 =	vld.idx.msk [tilespmem:v0+s6+$0x70 ss:$0x1], $0xffff  }
0xc9: {  	[tilespmem:s15+$0x470] =	vst v6;
	v61 =	vld [tilespmem:s18+$0xFFFFFFF0]  }
0xca: {  	[tilespmem:s15+$0x70] =	vst v2;
	v62 =	vsub.f32 v58, v56  }
0xcb: {  	[tilespmem:s12+$0x470] =	vst v56  }
0xcc: {  	p1 =	sne.s32 s29, $0x3F;
	[tilespmem:s12+$0x70] =	vst v62  }
.Ltmp1:
0xcd: {  	v63 =	vsub.f32 v59, v5;
	[tilespmem:s8+$0x470] =	vst v5;
	(pc) =	sbr.rel @p1 .LBB2_6-.Ltmp1, $4  }
0xce: {  	v1 =	vsub.f32 v61, v60;
	[tilespmem:s9+$0x470] =	vst v60  }
0xcf: {  	s28 =	sshll.u32 s31, $0xB;
	[tilespmem:s8+$0x70] =	vst v63  }
0xd0: {  	s31 =	simm.s32 $0xC200;
	s0 =	sadd.s32 s3, s28;
	[tilespmem:s9+$0x70] =	vst v1  }
0xd1: {  	[hbm4b:s0+s4] =	stream.linear.scatter [tilespmem:s31], [sflag:$0x4], $0x4000, $0x38;
	[tilespmem:$0x14200] =	vst v63  }
.Ltmp2:
0xd2: {  	(pc) =	sbr.rel .LBB2_7-.Ltmp2, $4  }
0xd3: {  	_ = 	snop  }
0xd4: {  	_ =	swait.ge [sflag:s23], $0x2000  }
0xd5: {  	[sflag:s23] =	ssyncset.done $0x0  }
0xd6: {  	[sflag:s23] =	ssyncadd.s32 $0xFFFFE000  }
.LBB2_6:
0xd7: {  	s0 =	sadd.s32 s7, s30  }
0xd8: {  	s2 =	rddreg [dreg:$0x7];
	s0 =	sshll.u32 s0, $0x4  }
0xd9: {  	s28 =	simm.s32 $0x8100;
	s0 =	sadd.s32 s2, s0  }
0xda: {  	[tilespmem:s28], [sflag:$0x6] =	stream.linear.gather [hbm4b:s0+s4], $0x80, $0x38;
	[tilespmem:$0x14200] =	vst v63  }
0xdb: {  	_ =	swait.ge [sflag:s11], $0x80  }
0xdc: {  	s31 =	simm.s32 $0x40;
	[sflag:s11] =	ssyncset.done $0x0  }
.Ltmp3:
0xdd: {  	s6 =	simm.s32 $0x8200;
	[sflag:s11] =	ssyncadd.s32 $0xFFFFFF80;
	(pc) =	sbr.rel @p0 .LBB2_8-.Ltmp3, $4  }
0xde: {  	[tilespmem:s6], [sflag:$0x2] =	stream.indirect.gather [hbm4b:s1+s31], $0x80, s28, s31, $0xb8;
	[tilespmem:$0x14200] =	vst v63  }
0xdf: {  	_ =	swait.ge [sflag:s23], $0x2000  }
0xe0: {  	[sflag:s23] =	ssyncset.done $0x0  }
0xe1: {  	[sflag:s23] =	ssyncadd.s32 $0xFFFFE000  }
.LBB2_7:
0xe2: {  	_ =	swait.ge [sflag:s24], $0x4000  }
0xe3: {  	[sflag:s24] =	ssyncset.done $0x0  }
0xe4: {  	[sflag:s24] =	ssyncadd.s32 $0xFFFFC000  }
.LBB2_8:
0xe5: {  	s0 =	sshll.u32 s30, $0x8  }
0xe6: {  	s0 =	sand.u32 $0x3FFFFF00, s0  }
0xe7: {  	s0 =	sadd.s32 $0x100, s0  }
0xe8: {  	v0 =	vmov s0;
	_ =	sdelay $0x2  }
0xe9: {  	s13 =	simm.s32 $0x0;
	s18 =	simm.s32 $0xA280  }
0xea: {  	s10 =	sand.u32 $0x80, s13;
	v2 =	vld [tilespmem:s18+$0x0]  }
0xeb: {  	v1 =	vld.idx.msk [tilespmem:v0+s10+$0x0 ss:$0x1], $0xffff;
	_ =	sdelay $0x2  }
0xec: {  	s6 =	simm.s32 $0x80;
	s2 =	sand.u32 $0x3800, s13  }
0xed: {  	s6 =	sand.u32 $0x380, s6;
	s2 =	sor.u32 $0x10200, s2  }
0xee: {  	s28 =	sadd.s32 s6, s2;
	v2 =	vsub.f32 v2, v1  }
0xef: {  	[tilespmem:s28+$0x400] =	vst v1  }
0xf0: {  	[tilespmem:s28+$0x0] =	vst v2  }
0xf1: {  	v2 =	vld.idx.msk [tilespmem:v0+s10+$0x10 ss:$0x1], $0xffff  }
0xf2: {  	v3 =	vld [tilespmem:s18+$0x10];
	_ =	sdelay $0x1  }
0xf3: {  	v4 =	vld [tilespmem:s18+$0xFFFFFF80];
	_ =	sdelay $0x2  }
0xf4: {  	v3 =	vsub.f32 v3, v2  }
0xf5: {  	s0 =	sand.u32 $0x300, s13;
	[tilespmem:s28+$0x410] =	vst v2  }
0xf6: {  	s0 =	sadd.s32 s0, s2;
	v2 =	vsub.f32 v4, v1;
	[tilespmem:s28+$0x10] =	vst v3  }
0xf7: {  	[tilespmem:s0+$0x400] =	vst v1;
	v3 =	vld.idx.msk [tilespmem:v0+s10+$0x20 ss:$0x1], $0xffff  }
0xf8: {  	[tilespmem:s0+$0x0] =	vst v2;
	v2 =	vld [tilespmem:s18+$0x20]  }
0xf9: {  	v1 =	vld.idx.msk [tilespmem:v0+s10+$0x10 ss:$0x1], $0xffff  }
0xfa: {  	v4 =	vld [tilespmem:s18+$0xFFFFFF90];
	_ =	sdelay $0x2  }
0xfb: {  	v2 =	vsub.f32 v2, v3  }
0xfc: {  	[tilespmem:s28+$0x420] =	vst v3  }
0xfd: {  	[tilespmem:s28+$0x20] =	vst v2;
	v2 =	vsub.f32 v4, v1  }
0xfe: {  	[tilespmem:s0+$0x410] =	vst v1;
	v3 =	vld.idx.msk [tilespmem:v0+s10+$0x30 ss:$0x1], $0xffff  }
0xff: {  	v1 =	vld [tilespmem:s18+$0x30];
	[tilespmem:s0+$0x10] =	vst v2  }
0x100: {  	v2 =	vld.idx.msk [tilespmem:v0+s10+$0x20 ss:$0x1], $0xffff  }
0x101: {  	s14 =	simm.s32 $0x8;
	s2 =	simm.s32 $0xA380;
	v4 =	vld [tilespmem:s18+$0xFFFFFFA0]  }
0x102: {  	s13 =	sand.u32 $0x80, s14;
	v6 =	vld [tilespmem:s2+$0x0]  }
0x103: {  	v5 =	vld.idx.msk [tilespmem:v0+s13+$0x0 ss:$0x1], $0xffff  }
0x104: {  	v1 =	vsub.f32 v1, v3  }
0x105: {  	s15 =	simm.s32 $0x200;
	v7 =	vld [tilespmem:s2+$0xFFFFFF80];
	[tilespmem:s28+$0x430] =	vst v3  }
0x106: {  	s8 =	simm.s32 $0x180;
	s6 =	sand.u32 $0x3800, s15;
	[tilespmem:s28+$0x30] =	vst v1;
	v1 =	vsub.f32 v4, v2  }
0x107: {  	s8 =	sand.u32 $0x380, s8;
	s6 =	sor.u32 $0x10200, s6;
	[tilespmem:s0+$0x420] =	vst v2;
	v3 =	vld.idx.msk [tilespmem:v0+s10+$0x40 ss:$0x1], $0xffff  }
0x108: {  	s9 =	simm.s32 $0x100;
	s15 =	sadd.s32 s8, s6;
	v2 =	vld [tilespmem:s18+$0x40];
	[tilespmem:s0+$0x20] =	vst v1;
	v1 =	vsub.f32 v6, v5  }
0x109: {  	s16 =	sand.u32 $0x300, s9;
	[tilespmem:s15+$0x400] =	vst v5;
	v4 =	vld.idx.msk [tilespmem:v0+s10+$0x30 ss:$0x1], $0xffff  }
0x10a: {  	s12 =	sadd.s32 s16, s6;
	v6 =	vsub.f32 v7, v5;
	v7 =	vld [tilespmem:s18+$0xFFFFFFB0];
	[tilespmem:s15+$0x0] =	vst v1  }
0x10b: {  	[tilespmem:s12+$0x400] =	vst v5;
	v1 =	vld.idx.msk [tilespmem:v0+s13+$0x10 ss:$0x1], $0xffff  }
0x10c: {  	[tilespmem:s12+$0x0] =	vst v6;
	v5 =	vld [tilespmem:s2+$0x10]  }
0x10d: {  	v6 =	vld.idx.msk [tilespmem:v0+s13+$0x10 ss:$0x1], $0xffff;
	v2 =	vsub.f32 v2, v3  }
0x10e: {  	[tilespmem:s28+$0x440] =	vst v3;
	v3 =	vld [tilespmem:s2+$0xFFFFFF90]  }
0x10f: {  	[tilespmem:s28+$0x40] =	vst v2;
	v2 =	vsub.f32 v7, v4  }
0x110: {  	[tilespmem:s0+$0x430] =	vst v4;
	v7 =	vld.idx.msk [tilespmem:v0+s10+$0x50 ss:$0x1], $0xffff  }
0x111: {  	v4 =	vld [tilespmem:s18+$0x50];
	[tilespmem:s0+$0x30] =	vst v2;
	v2 =	vsub.f32 v5, v1  }
0x112: {  	[tilespmem:s15+$0x410] =	vst v1;
	v5 =	vld.idx.msk [tilespmem:v0+s10+$0x40 ss:$0x1], $0xffff  }
0x113: {  	v1 =	vld [tilespmem:s18+$0xFFFFFFC0];
	v3 =	vsub.f32 v3, v6;
	[tilespmem:s15+$0x10] =	vst v2  }
0x114: {  	v2 =	vld.idx.msk [tilespmem:v0+s13+$0x20 ss:$0x1], $0xffff  }
0x115: {  	[tilespmem:s12+$0x10] =	vst v3;
	v3 =	vld [tilespmem:s2+$0x20]  }
0x116: {  	[tilespmem:s12+$0x410] =	vst v6;
	v4 =	vsub.f32 v4, v7  }
0x117: {  	v6 =	vld.idx.msk [tilespmem:v0+s13+$0x20 ss:$0x1], $0xffff;
	[tilespmem:s28+$0x450] =	vst v7  }
0x118: {  	v7 =	vld [tilespmem:s2+$0xFFFFFFA0];
	[tilespmem:s28+$0x50] =	vst v4;
	v1 =	vsub.f32 v1, v5  }
0x119: {  	[tilespmem:s0+$0x440] =	vst v5;
	v4 =	vld.idx.msk [tilespmem:v0+s10+$0x60 ss:$0x1], $0xffff  }
0x11a: {  	v5 =	vld [tilespmem:s18+$0x60];
	[tilespmem:s0+$0x40] =	vst v1;
	v1 =	vsub.f32 v3, v2  }
0x11b: {  	[tilespmem:s15+$0x420] =	vst v2;
	v3 =	vld.idx.msk [tilespmem:v0+s10+$0x50 ss:$0x1], $0xffff  }
0x11c: {  	v2 =	vld [tilespmem:s18+$0xFFFFFFD0];
	[tilespmem:s15+$0x20] =	vst v1  }
0x11d: {  	v7 =	vsub.f32 v7, v6;
	v1 =	vld.idx.msk [tilespmem:v0+s13+$0x30 ss:$0x1], $0xffff  }
0x11e: {  	s9 =	simm.s32 $0xA480;
	[tilespmem:s12+$0x420] =	vst v6;
	v6 =	vld [tilespmem:s2+$0x30]  }
0x11f: {  	s17 =	simm.s32 $0x10;
	v9 =	vld [tilespmem:s9+$0x0];
	[tilespmem:s12+$0x20] =	vst v7;
	v5 =	vsub.f32 v5, v4  }
0x120: {  	s6 =	sand.u32 $0x80, s17;
	v7 =	vld.idx.msk [tilespmem:v0+s13+$0x30 ss:$0x1], $0xffff;
	[tilespmem:s28+$0x460] =	vst v4  }
0x121: {  	v4 =	vld.idx.msk [tilespmem:v0+s6+$0x0 ss:$0x1], $0xffff;
	[tilespmem:s28+$0x60] =	vst v5  }
0x122: {  	[tilespmem:s0+$0x450] =	vst v3;
	v2 =	vsub.f32 v2, v3;
	v3 =	vld [tilespmem:s9+$0xFFFFFF80]  }
0x123: {  	v5 =	vld.idx.msk [tilespmem:v0+s10+$0x70 ss:$0x1], $0xffff;
	v6 =	vsub.f32 v6, v1  }
0x124: {  	s14 =	simm.s32 $0x400;
	v8 =	vld [tilespmem:s18+$0x70];
	[tilespmem:s15+$0x430] =	vst v1  }
0x125: {  	s20 =	sand.u32 $0x3800, s14;
	s16 =	simm.s32 $0x280;
	v1 =	vld [tilespmem:s2+$0xFFFFFFB0];
	[tilespmem:s15+$0x30] =	vst v6  }
0x126: {  	s26 =	simm.s32 $0x200;
	s17 =	sor.u32 $0x10200, s20;
	s22 =	sand.u32 $0x380, s16;
	[tilespmem:s0+$0x50] =	vst v2;
	v2 =	vld.idx.msk [tilespmem:v0+s13+$0x40 ss:$0x1], $0xffff  }
0x127: {  	s25 =	sand.u32 $0x300, s26;
	s8 =	sadd.s32 s22, s17;
	[tilespmem:s12+$0x430] =	vst v7;
	v6 =	vld [tilespmem:s2+$0x40]  }
0x128: {  	s31 =	sadd.s32 s25, s17;
	v9 =	vsub.f32 v9, v4;
	[tilespmem:s8+$0x400] =	vst v4  }
0x129: {  	v10 =	vld.idx.msk [tilespmem:v0+s10+$0x60 ss:$0x1], $0xffff;
	[tilespmem:s31+$0x400] =	vst v4;
	v3 =	vsub.f32 v3, v4  }
0x12a: {  	v11 =	vld [tilespmem:s18+$0xFFFFFFE0];
	[tilespmem:s8+$0x0] =	vst v9;
	v8 =	vsub.f32 v8, v5  }
0x12b: {  	v4 =	vld [tilespmem:s9+$0x10];
	[tilespmem:s31+$0x0] =	vst v3  }
0x12c: {  	v3 =	vld.idx.msk [tilespmem:v0+s6+$0x10 ss:$0x1], $0xffff;
	[tilespmem:s28+$0x70] =	vst v8;
	v6 =	vsub.f32 v6, v2  }
0x12d: {  	v1 =	vsub.f32 v1, v7;
	v7 =	vld.idx.msk [tilespmem:v0+s6+$0x10 ss:$0x1], $0xffff;
	[tilespmem:s15+$0x440] =	vst v2  }
0x12e: {  	v2 =	vld [tilespmem:s9+$0xFFFFFF90];
	[tilespmem:s15+$0x40] =	vst v6  }
0x12f: {  	[tilespmem:s0+$0x460] =	vst v10;
	v8 =	vld.idx.msk [tilespmem:v0+s13+$0x50 ss:$0x1], $0xffff  }
0x130: {  	[tilespmem:s12+$0x30] =	vst v1;
	v6 =	vsub.f32 v11, v10;
	v9 =	vld [tilespmem:s2+$0x50]  }
0x131: {  	v1 =	vsub.f32 v4, v3;
	v4 =	vld.idx.msk [tilespmem:v0+s13+$0x40 ss:$0x1], $0xffff;
	[tilespmem:s8+$0x410] =	vst v3  }
0x132: {  	v3 =	vld [tilespmem:s2+$0xFFFFFFC0];
	[tilespmem:s0+$0x60] =	vst v6  }
0x133: {  	[tilespmem:s8+$0x10] =	vst v1;
	v2 =	vsub.f32 v2, v7;
	v1 =	vld.idx.msk [tilespmem:v0+s10+$0x70 ss:$0x1], $0xffff  }
0x134: {  	[tilespmem:s31+$0x410] =	vst v7;
	v6 =	vld.idx.msk [tilespmem:v0+s6+$0x20 ss:$0x1], $0xffff  }
0x135: {  	v7 =	vld [tilespmem:s9+$0x20];
	[tilespmem:s31+$0x10] =	vst v2;
	v2 =	vsub.f32 v9, v8  }
0x136: {  	v9 =	vld.idx.msk [tilespmem:v0+s6+$0x20 ss:$0x1], $0xffff;
	[tilespmem:s15+$0x450] =	vst v8  }
0x137: {  	v3 =	vsub.f32 v3, v4;
	v8 =	vld [tilespmem:s9+$0xFFFFFFA0];
	[tilespmem:s15+$0x50] =	vst v2  }
0x138: {  	[tilespmem:s12+$0x440] =	vst v4;
	v2 =	vld.idx.msk [tilespmem:v0+s13+$0x60 ss:$0x1], $0xffff  }
0x139: {  	[tilespmem:s12+$0x40] =	vst v3;
	v10 =	vld [tilespmem:s2+$0x60]  }
0x13a: {  	[tilespmem:s28+$0x470] =	vst v5;
	v3 =	vsub.f32 v7, v6;
	v4 =	vld.idx.msk [tilespmem:v0+s13+$0x50 ss:$0x1], $0xffff  }
0x13b: {  	[tilespmem:s8+$0x420] =	vst v6;
	v5 =	vld [tilespmem:s2+$0xFFFFFFD0]  }
0x13c: {  	[tilespmem:s8+$0x20] =	vst v3;
	v3 =	vld [tilespmem:s18+$0xFFFFFFF0];
	v6 =	vsub.f32 v8, v9  }
0x13d: {  	[tilespmem:s31+$0x420] =	vst v9;
	v7 =	vld.idx.msk [tilespmem:v0+s6+$0x30 ss:$0x1], $0xffff  }
0x13e: {  	s20 =	simm.s32 $0x18;
	s10 =	simm.s32 $0x4;
	s18 =	simm.s32 $0xA480;
	v8 =	vld [tilespmem:s9+$0x30];
	[tilespmem:s31+$0x20] =	vst v6;
	v6 =	vsub.f32 v10, v2  }
.LBB2_9:
0x13f: {  	s22 =	sand.u32 $0x80, s20;
	v9 =	vld.idx.msk [tilespmem:v0+s6+$0x30 ss:$0x1], $0xffff;
	[tilespmem:s15+$0x460] =	vst v2  }
0x140: {  	v2 =	vld.idx.msk [tilespmem:v0+s22+$0x0 ss:$0x1], $0xffff;
	v5 =	vsub.f32 v5, v4;
	[tilespmem:s15+$0x60] =	vst v6  }
0x141: {  	s10 =	sadd.s32 $0x2, s10;
	[tilespmem:s12+$0x450] =	vst v4;
	v6 =	vld.idx.msk [tilespmem:v0+s13+$0x70 ss:$0x1], $0xffff;
	v3 =	vsub.f32 v3, v1  }
0x142: {  	s9 =	sadd.s32 $0x100, s9;
	p0 =	slt.u32 s10, $0x3E;
	[tilespmem:s12+$0x50] =	vst v5;
	v4 =	vld [tilespmem:s2+$0x70]  }
0x143: {  	v5 =	vld [tilespmem:s9+$0x0];
	v8 =	vsub.f32 v8, v7;
	[tilespmem:s0+$0x70] =	vst v3  }
0x144: {  	s14 =	sadd.s32 $0x200, s14;
	s26 =	sadd.s32 $0x100, s26;
	v3 =	vld [tilespmem:s9+$0xFFFFFF80];
	[tilespmem:s8+$0x430] =	vst v7  }
0x145: {  	s16 =	sand.u32 $0x3800, s14;
	s17 =	sand.u32 $0x300, s26;
	s25 =	sadd.s32 $0x80, s26;
	v7 =	vld [tilespmem:s18+$0xFFFFFFB0];
	[tilespmem:s8+$0x30] =	vst v8  }
0x146: {  	s16 =	sor.u32 $0x10200, s16;
	s25 =	sand.u32 $0x380, s25;
	[tilespmem:s31+$0x430] =	vst v9;
	v8 =	vld.idx.msk [tilespmem:v0+s6+$0x40 ss:$0x1], $0xffff  }
0x147: {  	s17 =	sadd.s32 s17, s16;
	s25 =	sadd.s32 s25, s16;
	v10 =	vld [tilespmem:s18+$0x40];
	v4 =	vsub.f32 v4, v6;
	[tilespmem:s0+$0x470] =	vst v1;
	s0 =	smov.u32 s12  }
0x148: {  	s12 =	smov.u32 s31;
	s31 =	smov.u32 s17;
	v1 =	vsub.f32 v5, v2;
	[tilespmem:s25+$0x400] =	vst v2;
	v5 =	vld.idx.msk [tilespmem:v0+s13+$0x60 ss:$0x1], $0xffff  }
0x149: {  	v3 =	vsub.f32 v3, v2;
	v11 =	vld [tilespmem:s2+$0xFFFFFFE0];
	[tilespmem:s15+$0x70] =	vst v4  }
0x14a: {  	[tilespmem:s25+$0x0] =	vst v1;
	v1 =	vsub.f32 v7, v9  }
0x14b: {  	[tilespmem:s31+$0x0] =	vst v3;
	v3 =	vld.idx.msk [tilespmem:v0+s22+$0x10 ss:$0x1], $0xffff  }
0x14c: {  	[tilespmem:s31+$0x400] =	vst v2;
	v2 =	vld [tilespmem:s9+$0x10];
	v4 =	vsub.f32 v10, v8  }
0x14d: {  	v7 =	vld.idx.msk [tilespmem:v0+s22+$0x10 ss:$0x1], $0xffff;
	[tilespmem:s8+$0x440] =	vst v8  }
0x14e: {  	v8 =	vld [tilespmem:s9+$0xFFFFFF90];
	[tilespmem:s8+$0x40] =	vst v4;
	v4 =	vsub.f32 v11, v5  }
0x14f: {  	[tilespmem:s12+$0x30] =	vst v1;
	v9 =	vld.idx.msk [tilespmem:v0+s6+$0x50 ss:$0x1], $0xffff  }
0x150: {  	v10 =	vld [tilespmem:s18+$0x50];
	[tilespmem:s0+$0x60] =	vst v4  }
0x151: {  	v1 =	vsub.f32 v2, v3;
	v2 =	vld.idx.msk [tilespmem:v0+s6+$0x40 ss:$0x1], $0xffff;
	[tilespmem:s0+$0x460] =	vst v5  }
0x152: {  	[tilespmem:s25+$0x410] =	vst v3;
	v3 =	vld [tilespmem:s18+$0xFFFFFFC0]  }
0x153: {  	v4 =	vsub.f32 v8, v7;
	[tilespmem:s25+$0x10] =	vst v1;
	v1 =	vld.idx.msk [tilespmem:v0+s13+$0x70 ss:$0x1], $0xffff;
	s13 =	smov.u32 s6;
	s6 =	smov.u32 s22  }
0x154: {  	[tilespmem:s31+$0x410] =	vst v7;
	v5 =	vld.idx.msk [tilespmem:v0+s6+$0x20 ss:$0x1], $0xffff  }
0x155: {  	[tilespmem:s31+$0x10] =	vst v4;
	v4 =	vld [tilespmem:s9+$0x20];
	v7 =	vsub.f32 v10, v9  }
0x156: {  	v8 =	vld.idx.msk [tilespmem:v0+s6+$0x20 ss:$0x1], $0xffff;
	[tilespmem:s8+$0x450] =	vst v9  }
0x157: {  	v9 =	vld [tilespmem:s9+$0xFFFFFFA0];
	v3 =	vsub.f32 v3, v2;
	[tilespmem:s8+$0x50] =	vst v7  }
0x158: {  	[tilespmem:s12+$0x440] =	vst v2;
	v2 =	vld.idx.msk [tilespmem:v0+s13+$0x60 ss:$0x1], $0xffff  }
0x159: {  	[tilespmem:s12+$0x40] =	vst v3;
	v10 =	vld [tilespmem:s18+$0x60]  }
.Ltmp4:
0x15a: {  	v3 =	vsub.f32 v4, v5;
	v4 =	vld.idx.msk [tilespmem:v0+s13+$0x50 ss:$0x1], $0xffff;
	[tilespmem:s15+$0x470] =	vst v6;
	s15 =	smov.u32 s8;
	s8 =	smov.u32 s25;
	(pc) =	sbr.rel @p0 .LBB2_9-.Ltmp4, $4  }
0x15b: {  	[tilespmem:s8+$0x420] =	vst v5;
	v5 =	vld [tilespmem:s18+$0xFFFFFFD0]  }
0x15c: {  	v6 =	vsub.f32 v9, v8;
	[tilespmem:s8+$0x20] =	vst v3;
	v3 =	vld [tilespmem:s2+$0xFFFFFFF0];
	s2 =	smov.u32 s18;
	s18 =	smov.u32 s9  }
0x15d: {  	[tilespmem:s31+$0x420] =	vst v8;
	v7 =	vld.idx.msk [tilespmem:v0+s6+$0x30 ss:$0x1], $0xffff  }
0x15e: {  	s20 =	sadd.s32 $0x8, s20;
	[tilespmem:s31+$0x20] =	vst v6;
	v8 =	vld [tilespmem:s9+$0x30];
	v6 =	vsub.f32 v10, v2  }
0x15f: {  	_ =	sdelay $0x3  }
0x160: {  	v9 =	vld.idx.msk [tilespmem:v0+s6+$0x30 ss:$0x1], $0xffff  }
0x161: {  	v10 =	vld [tilespmem:s18+$0xFFFFFFB0];
	_ =	sdelay $0x2  }
0x162: {  	v8 =	vsub.f32 v8, v7  }
0x163: {  	[tilespmem:s8+$0x430] =	vst v7  }
0x164: {  	v42 =	vsub.f32 v10, v9;
	[tilespmem:s8+$0x30] =	vst v8  }
0x165: {  	[tilespmem:s31+$0x430] =	vst v9;
	v8 =	vld.idx.msk [tilespmem:v0+s6+$0x40 ss:$0x1], $0xffff  }
0x166: {  	v43 =	vld [tilespmem:s18+$0x40];
	[tilespmem:s31+$0x30] =	vst v42  }
0x167: {  	v7 =	vld.idx.msk [tilespmem:v0+s6+$0x40 ss:$0x1], $0xffff  }
0x168: {  	v44 =	vld [tilespmem:s18+$0xFFFFFFC0];
	_ =	sdelay $0x2  }
0x169: {  	v9 =	vsub.f32 v43, v8  }
0x16a: {  	[tilespmem:s8+$0x440] =	vst v8  }
0x16b: {  	v45 =	vsub.f32 v44, v7;
	[tilespmem:s8+$0x40] =	vst v9  }
0x16c: {  	[tilespmem:s31+$0x440] =	vst v7;
	v9 =	vld.idx.msk [tilespmem:v0+s6+$0x50 ss:$0x1], $0xffff  }
0x16d: {  	v46 =	vld [tilespmem:s18+$0x50];
	[tilespmem:s31+$0x40] =	vst v45  }
0x16e: {  	v8 =	vld.idx.msk [tilespmem:v0+s6+$0x50 ss:$0x1], $0xffff  }
0x16f: {  	v47 =	vld [tilespmem:s18+$0xFFFFFFD0]  }
0x170: {  	v5 =	vsub.f32 v5, v4  }
0x171: {  	[tilespmem:s12+$0x450] =	vst v4  }
0x172: {  	[tilespmem:s12+$0x50] =	vst v5;
	v48 =	vsub.f32 v46, v9  }
0x173: {  	v5 =	vld.idx.msk [tilespmem:v0+s13+$0x60 ss:$0x1], $0xffff;
	[tilespmem:s8+$0x450] =	vst v9  }
0x174: {  	v49 =	vld [tilespmem:s2+$0xFFFFFFE0];
	v50 =	vsub.f32 v47, v8;
	[tilespmem:s8+$0x50] =	vst v48  }
0x175: {  	[tilespmem:s31+$0x450] =	vst v8;
	v9 =	vld.idx.msk [tilespmem:v0+s6+$0x60 ss:$0x1], $0xffff  }
0x176: {  	v51 =	vld [tilespmem:s18+$0x60];
	[tilespmem:s31+$0x50] =	vst v50  }
0x177: {  	[tilespmem:s15+$0x460] =	vst v2;
	v4 =	vld.idx.msk [tilespmem:v0+s6+$0x60 ss:$0x1], $0xffff  }
0x178: {  	[tilespmem:s0+$0x470] =	vst v1;
	v52 =	vld [tilespmem:s18+$0xFFFFFFE0]  }
0x179: {  	[tilespmem:s15+$0x60] =	vst v6;
	v53 =	vsub.f32 v49, v5  }
0x17a: {  	v6 =	vld.idx.msk [tilespmem:v0+s13+$0x70 ss:$0x1], $0xffff;
	[tilespmem:s12+$0x460] =	vst v5  }
0x17b: {  	v54 =	vld [tilespmem:s2+$0x70];
	[tilespmem:s12+$0x60] =	vst v53;
	v55 =	vsub.f32 v51, v9  }
0x17c: {  	v56 =	vld.idx.msk [tilespmem:v0+s13+$0x70 ss:$0x1], $0xffff;
	[tilespmem:s8+$0x460] =	vst v9  }
0x17d: {  	v58 =	vld [tilespmem:s2+$0xFFFFFFF0];
	v57 =	vsub.f32 v52, v4;
	[tilespmem:s8+$0x60] =	vst v55  }
0x17e: {  	v3 =	vsub.f32 v3, v1;
	[tilespmem:s31+$0x460] =	vst v4;
	v5 =	vld.idx.msk [tilespmem:v0+s6+$0x70 ss:$0x1], $0xffff  }
0x17f: {  	[tilespmem:s31+$0x60] =	vst v57;
	v59 =	vld [tilespmem:s18+$0x70]  }
0x180: {  	[tilespmem:s0+$0x70] =	vst v3;
	v2 =	vsub.f32 v54, v6;
	v60 =	vld.idx.msk [tilespmem:v0+s6+$0x70 ss:$0x1], $0xffff  }
0x181: {  	[tilespmem:s15+$0x470] =	vst v6;
	v61 =	vld [tilespmem:s18+$0xFFFFFFF0]  }
0x182: {  	[tilespmem:s15+$0x70] =	vst v2;
	v62 =	vsub.f32 v58, v56  }
0x183: {  	s29 =	sadd.s32 $0x1, s29;
	[tilespmem:s12+$0x470] =	vst v56  }
0x184: {  	p0 =	sne.s32 s29, $0x40;
	[tilespmem:s12+$0x70] =	vst v62  }
.Ltmp5:
0x185: {  	s30 =	sadd.s32 s7, s30;
	v63 =	vsub.f32 v59, v5;
	[tilespmem:s8+$0x470] =	vst v5;
	(pc) =	sbr.rel @p0 .LBB2_2-.Ltmp5, $4  }
0x186: {  	s0 =	sshll.u32 s30, $0xB;
	v1 =	vsub.f32 v61, v60;
	[tilespmem:s31+$0x470] =	vst v60  }
0x187: {  	s0 =	sand.u32 $0x1FFFF800, s0;
	[tilespmem:s8+$0x70] =	vst v63  }
0x188: {  	s0 =	sadd.s32 s3, s0;
	[tilespmem:s31+$0x70] =	vst v1;
	s31 =	simm.s32 $0x10200  }
0x189: {  	[hbm4b:s0+s4] =	stream.linear.scatter [tilespmem:s31], [sflag:$0x5], $0x4000, $0x38;
	[tilespmem:$0x14200] =	vst v63  }
0x18a: {  	s0 =	simm.s32 $0x4  }
0x18b: {  	_ =	swait.ge [sflag:s0], $0x4000  }
0x18c: {  	[sflag:s0] =	ssyncset.done $0x0  }
0x18d: {  	[sflag:s0] =	ssyncadd.s32 $0xFFFFC000  }
0x18e: {  	_ =	swait.ge [sflag:s24], $0x4000  }
0x18f: {  	s2 =	rddreg [dreg:$0x8]  }
0x190: {  	s31 =	rddreg [dreg:$0x6];
	s2 =	sadd.s32 $0x1, s2  }
0x191: {  	p0 =	sne.s32 s2, s31  }
.Ltmp6:
0x192: {  	_ = 	snop;
	(pc) =	sbr.rel @p0 .LBB2_1-.Ltmp6, $3  }
0x193: {  	_ =	sdelay $0x1  }
0x194: {  	[sflag:s24] =	ssyncset.done $0x0  }
0x195: {  	[sflag:s24] =	ssyncadd.s32 $0xFFFFC000  }
0x196: {  	_ =	sfence.sel $0x180000  }
0x197: {  	[bflag:$0x0] =	sbarrier.arrive $0xFFFF  }
0x198: {  	_ =	strace $0x90000047  }
0x199: {  	s0 =	stileid.u32;
	[bflag:$0x2] =	sbarrier.arrive $0xFFFF  }
0x19a: {  	p0 =	sne.s32 s0, $0x0;
	s0 =	rddreg [dreg:$0x3]  }
0x19b: {  	s0 =	sadd.s32 @!p0 $0x100000, s0  }
0x19c: {  	[sflag:s0] =	ssyncadd.tile.s32 @!p0 $0x1;
	_ =	shalt  }
.Lfunc_end2:
_tile_overlayer_lowered:
.L_overlay_start_2:
0x19d: {  	(tag) =	ssettag $0x2  }
0x19e: {  	s0 =	rddreg [dreg:$0x0];
	s2 =	stileid.u32  }
0x19f: {  	s1 =	rddreg [dreg:$0x1];
	p0 =	sne.s32 s2, $0x0  }
0x1a0: {  	s3 =	rddreg [dreg:$0x2];
	[bflag:$0x3] =	sbarrier.arrive $0xFFFF;
	s2 =	simm.s32 @!p0 $0x1C06  }
0x1a1: {  	[timem:s3], [sflag:s2] =	dma.local @!p0 [hbm:s0], s1  }
0x1a2: {  	s0 =	simm.s32 @!p0 $0x6  }
0x1a3: {  	_ =	swait.ge @!p0 [sflag:s0], s1  }
0x1a4: {  	s1 =	ssub.s32 @!p0 $0x0, s1;
	[sflag:s0] =	ssyncset.done @!p0 $0x0  }
0x1a5: {  	[sflag:s0] =	ssyncadd.s32 @!p0 s1  }
0x1a6: {  	[bflag:$0x3] =	sbarrier.arrive $0xFFFF  }
0x1a7: {  	_ =	shalt  }

</sc_bundles>
